<compile_context>
chip_gen: v7x
topology: tpu7x:2x2x1
jax: 0.10.2.dev20260603
libtpu: 0.0.44.dev20260713+nightly
codegen_flags: <defaults>
</compile_context>

<pallas_src>
import jax
import jax.numpy as jnp
from jax import lax
from jax.experimental import pallas as pl
from jax.experimental.pallas import tpu as pltpu
from jax.experimental.pallas import tpu_sc as plsc

_V = 1_000_000
_E = 64
_B = 16384
_H = 200
_PW = 16

_NC = 2
_NS = 16
_NW = _NC * _NS
_RPT = _B // _NW
_GR = 16
_NG = _RPT // _GR
_CPG = (_GR * _H) // 128
_CROWS_PT = (_B * _H) // 128 // _NW


_FOLD = 128 // _PW


def _proj_body(t_ref, w_ref, m_ref, o_ref):
    blk = t_ref.shape[1]
    r = jax.lax.dot_general(t_ref[...], w_ref[...],
                            (((0,), (0,)), ((), ())),
                            preferred_element_type=jnp.float32)
    r4 = r.reshape(blk // _FOLD, _FOLD, 128)
    o_ref[...] = jnp.sum(r4 * m_ref[...], axis=1)


def _project(table_t, wrep, mask):
    blk = 32768
    oblk = blk // _FOLD
    return pl.pallas_call(
        _proj_body,
        grid=(-(-_V // blk),),
        in_specs=[
            pl.BlockSpec((_E, blk), lambda i: (0, i)),
            pl.BlockSpec((_E, 128), lambda i: (0, 0)),
            pl.BlockSpec((_FOLD, 128), lambda i: (0, 0)),
        ],
        out_specs=pl.BlockSpec((oblk, 128), lambda i: (i, 0)),
        out_shape=jax.ShapeDtypeStruct((_V // _FOLD, 128), jnp.float32),
    )(table_t, wrep, mask)


_DO = 2


def _transpose_idx(idx2, idxlin):
    offs = lax.iota(jnp.int32, 16) * _H

    def step(l, carry):
        plsc.store_scatter(idxlin, [offs + l], idx2[l])
        return carry

    lax.fori_loop(0, _H, step, 0)


def _bag_body(xt_hbm, proj_hbm, bpad_hbm, out_hbm,
              idx0, idx1, lin0, lin1, rows0, rows1, out_v, bias_v,
              rsem0, rsem1, isem0, isem1):
    wid = lax.axis_index("s") * _NC + lax.axis_index("c")
    pltpu.sync_copy(bpad_hbm, bias_v)
    gbase = wid * _NG
    projv_hbm = proj_hbm
    idx = (idx0, idx1)
    lin = (lin0, lin1)
    rows = (rows0, rows1)
    rsem = (rsem0, rsem1)
    isem = (isem0, isem1)
    nrows = _GR * _H

    def fire_idx(g, par):
        pltpu.async_copy(
            xt_hbm.at[pl.ds(0, _H), pl.ds((gbase + g) * _GR, _GR)],
            idx[par], isem[par])

    def wait_idx(par):
        pltpu.make_async_copy(xt_hbm.at[pl.ds(0, _H), pl.ds(0, _GR)],
                              idx[par], isem[par]).wait()

    def fire_gathers(par):
        for j in range(_CPG):
            pltpu.async_copy(projv_hbm.at[lin[par].at[pl.ds(j * 128, 128)]],
                             rows[par].at[pl.ds(j * 128, 128)], rsem[par])

    def wait_gathers(par):
        pltpu.make_async_copy(projv_hbm.at[pl.ds(0, nrows)],
                              rows[par], rsem[par]).wait()

    pltpu.sync_copy(xt_hbm.at[pl.ds(0, _H), pl.ds(gbase * _GR, _GR)], idx[0])
    _transpose_idx(idx[0], lin[0])
    fire_gathers(0)
    fire_idx(1, 1)

    zero = jnp.zeros((_PW,), jnp.float32)
    bias = bias_v[...]
    lanes = lax.iota(jnp.int32, 16)
    omask = lanes < _DO

    def pair(i, carry):
        for par in range(2):
            g = i * 2 + par
            nxt = g + 1

            @pl.when(nxt < _NG)
            def _():
                wait_idx(1 - par)
                _transpose_idx(idx[1 - par], lin[1 - par])
                fire_gathers(1 - par)

            wait_gathers(par)

            @pl.when(nxt + 1 < _NG)
            def _():
                fire_idx(nxt + 1, par)

            rv = rows[par]
            for rp in range(_GR // 2):
                b0 = 2 * rp * _H
                b1 = b0 + _H

                def red(l8, accs):
                    a = list(accs)
                    for u in range(8):
                        a[u % 4] = a[u % 4] + rv[b0 + l8 * 8 + u]
                        a[4 + u % 4] = a[4 + u % 4] + rv[b1 + l8 * 8 + u]
                    return tuple(a)

                accs = lax.fori_loop(0, _H // 8, red, (zero,) * 8)
                a0 = accs[0] + accs[1] + accs[2] + accs[3] + bias
                a1 = accs[4] + accs[5] + accs[6] + accs[7] + bias
                rloc = g * _GR + 2 * rp
                plsc.store_scatter(out_v, [lanes, jnp.full((16,), 0, jnp.int32) + rloc],
                                   a0, mask=omask)
                plsc.store_scatter(out_v, [lanes, jnp.full((16,), 1, jnp.int32) + rloc],
                                   a1, mask=omask)
        return carry

    lax.fori_loop(0, _NG // 2, pair, 0)
    pltpu.sync_copy(out_v,
                    out_hbm.at[pl.ds(0, _DO), pl.ds(wid * _RPT, _RPT)])


def _bag(xt, proj, bpad):
    mesh = plsc.VectorSubcoreMesh(core_axis_name="c", subcore_axis_name="s")
    f = pl.kernel(
        _bag_body,
        mesh=mesh,
        out_type=jax.ShapeDtypeStruct((_DO, _B), jnp.float32),
        scratch_types=[
            pltpu.VMEM((_H, _GR), jnp.int32),
            pltpu.VMEM((_H, _GR), jnp.int32),
            pltpu.VMEM((_GR * _H,), jnp.int32),
            pltpu.VMEM((_GR * _H,), jnp.int32),
            pltpu.VMEM((_GR * _H, _PW), jnp.float32),
            pltpu.VMEM((_GR * _H, _PW), jnp.float32),
            pltpu.VMEM((_DO, _RPT), jnp.float32),
            pltpu.VMEM((16,), jnp.float32),
            pltpu.SemaphoreType.DMA,
            pltpu.SemaphoreType.DMA,
            pltpu.SemaphoreType.DMA,
            pltpu.SemaphoreType.DMA,
        ],
        compiler_params=pltpu.CompilerParams(use_tc_tiling_on_sc=False,
                                             needs_layout_passes=False),
    )
    return f(xt, proj, bpad)


def kernel(x, table, W, b):
    c = W.shape[0]
    xt = x.astype(jnp.int32).T
    wp = jnp.pad(W.T.astype(jnp.float32) * (1.0 / _H),
                 ((0, 0), (0, _PW - c)))
    bp = jnp.pad(b.astype(jnp.float32), (0, _PW - c))
    wrep = jnp.tile(wp, (1, _FOLD))
    lane = jnp.arange(128) // _PW
    mask = (lane[None, :] == jnp.arange(_FOLD)[:, None]).astype(jnp.float32)
    proj = _project(table.T, wrep, mask).reshape(_V, _PW)
    out = _bag(xt, proj, bp)
    return out.T

# --- scband reference (transcript-rebuilt; emitter-appended) ---
"""Pipeline reference for scband-fast-text-89180700934732 (READ-ONLY COPY).

The authoritative reference and input builder live on the scoring server;
editing this copy changes nothing except your own understanding.
"""

import jax, jax.numpy as jnp
import numpy as np

VOCAB = 1000000
EMBED = 64
DIM_OUT = 2
BATCH = 16384
HIST = 200

def setup_inputs(seed: int = 0) -> dict:
    key = jax.random.key(seed)
    k1, k2, k3, k4 = jax.random.split(key, 4)
    x = jax.random.randint(k1, (BATCH, HIST), 0, VOCAB, dtype=jnp.int64)
    table = jax.random.normal(k2, (VOCAB, EMBED), dtype=jnp.float32) * 0.02
    W = jax.random.normal(k3, (DIM_OUT, EMBED), dtype=jnp.float32) * (1.0 / np.sqrt(EMBED))
    b = jnp.zeros((DIM_OUT,), dtype=jnp.float32)
    return {"x": x, "table": table, "W": W, "b": b}

def reference(x, table, W, b):
    # nn.EmbeddingBag(mode='mean') with 2D input: mean over each row (bag)
    gathered = jnp.take(table, x, axis=0)           # [B, L, E]
    embedding = jnp.mean(gathered, axis=1)          # [B, E]
    # Dropout(0.5) is identity in eval mode
    logits = embedding @ W.T + b                    # [B, dim_out]
    return logits

if __name__ == "__main__":
    import jax
    _d = setup_inputs()
    print(jax.jit(kernel)(*tuple(_d.values())))

</pallas_src>

<mosaic_0001>
#map = affine_map<(d0, d1) -> (0, 0)>
#map1 = affine_map<(d0, d1) -> (0)>
module attributes {stable_mosaic.version = 14 : i64} {
  func.func @_bag_body(%arg0: i32, %arg1: i32, %arg2: memref<200x16384xi32, #tpu.memory_space<hbm>>, %arg3: memref<1000000x16xf32, #tpu.memory_space<hbm>>, %arg4: memref<16xf32, #tpu.memory_space<hbm>>, %arg5: memref<2x16384xf32, #tpu.memory_space<hbm>>, %arg6: memref<200x16xi32, #tpu.memory_space<vmem>>, %arg7: memref<200x16xi32, #tpu.memory_space<vmem>>, %arg8: memref<3200xi32, #tpu.memory_space<vmem>>, %arg9: memref<3200xi32, #tpu.memory_space<vmem>>, %arg10: memref<3200x16xf32, #tpu.memory_space<vmem>>, %arg11: memref<3200x16xf32, #tpu.memory_space<vmem>>, %arg12: memref<2x512xf32, #tpu.memory_space<vmem>>, %arg13: memref<16xf32, #tpu.memory_space<vmem>>, %arg14: memref<!tpu.dma_semaphore, #tpu.memory_space<semaphore_mem>>, %arg15: memref<!tpu.dma_semaphore, #tpu.memory_space<semaphore_mem>>, %arg16: memref<!tpu.dma_semaphore, #tpu.memory_space<semaphore_mem>>, %arg17: memref<!tpu.dma_semaphore, #tpu.memory_space<semaphore_mem>>) attributes {dimension_semantics = [#tpu.dimension_semantics<core_parallel>, #tpu.dimension_semantics<subcore_parallel>], iteration_bounds = array<i64: 2, 16>, scalar_prefetch = 0 : i64, scratch_operands = 12 : i64, tpu.core_type = #tpu.core_type<sc_vector_subcore>, window_params = [{transform_indices = #map}, {transform_indices = #map}, {transform_indices = #map1}, {transform_indices = #map}]} {
    %mul3A = arith.constant 2 : i32
    %mul3A_0 = arith.muli %arg1, %mul3A : i32
    %add3A = arith.addi %mul3A_0, %arg0 : i32
    "tpu.region"() ({
      %run_scoped3A = tpu.sem_alloc : memref<!tpu.dma_semaphore, #tpu.memory_space<semaphore_mem>>
      tpu.enqueue_dma source(%arg4 : memref<16xf32, #tpu.memory_space<hbm>>) target(%arg13 : memref<16xf32, #tpu.memory_space<vmem>>) target_semaphore(%run_scoped3A : memref<!tpu.dma_semaphore, #tpu.memory_space<semaphore_mem>>)
      tpu.wait_dma2 semaphore(%run_scoped3A : memref<!tpu.dma_semaphore, #tpu.memory_space<semaphore_mem>>) src(%arg4 : memref<16xf32, #tpu.memory_space<hbm>>) dst(%arg13 : memref<16xf32, #tpu.memory_space<vmem>>)
      tpu.yield
    }) : () -> ()
    %mul3A_1 = arith.constant 32 : i32
    %mul3A_2 = arith.muli %add3A, %mul3A_1 : i32
    %mul3A_3 = arith.constant 16 : i32
    %mul3A_4 = arith.muli %mul3A_2, %mul3A_3 : i32
    "tpu.region"() ({
      %run_scoped3A = tpu.sem_alloc : memref<!tpu.dma_semaphore, #tpu.memory_space<semaphore_mem>>
      %dma_start3A_233 = arith.constant 0 : i32
      %dma_start3A_234 = tpu.memref_slice %arg2[%dma_start3A_233, %mul3A_4] : memref<200x16384xi32, #tpu.memory_space<hbm>> -> memref<200x16xi32, #tpu.memory_space<hbm>>
      %dma_start3A_235 = arith.constant 0 : i32
      %dma_start3A_236 = tpu.memref_slice %arg2[%dma_start3A_235, %mul3A_4] : memref<200x16384xi32, #tpu.memory_space<hbm>> -> memref<200x16xi32, #tpu.memory_space<hbm>>
      tpu.enqueue_dma source(%dma_start3A_236 : memref<200x16xi32, #tpu.memory_space<hbm>>) target(%arg6 : memref<200x16xi32, #tpu.memory_space<vmem>>) target_semaphore(%run_scoped3A : memref<!tpu.dma_semaphore, #tpu.memory_space<semaphore_mem>>)
      %dma_wait3A = arith.constant 0 : i32
      %dma_wait3A_237 = tpu.memref_slice %arg2[%dma_wait3A, %mul3A_4] : memref<200x16384xi32, #tpu.memory_space<hbm>> -> memref<200x16xi32, #tpu.memory_space<hbm>>
      %dma_wait3A_238 = arith.constant 0 : i32
      %dma_wait3A_239 = tpu.memref_slice %arg2[%dma_wait3A_238, %mul3A_4] : memref<200x16384xi32, #tpu.memory_space<hbm>> -> memref<200x16xi32, #tpu.memory_space<hbm>>
      tpu.wait_dma2 semaphore(%run_scoped3A : memref<!tpu.dma_semaphore, #tpu.memory_space<semaphore_mem>>) src(%dma_wait3A_239 : memref<200x16xi32, #tpu.memory_space<hbm>>) dst(%arg6 : memref<200x16xi32, #tpu.memory_space<vmem>>)
      tpu.yield
    }) : () -> ()
    %iota3A = tpu.iota {dimensions = array<i32: 0>} : vector<16xi32>
    %mul3A_5 = arith.constant 200 : i32
    %mul3A_6 = vector.broadcast %mul3A_5 : i32 to vector<16xi32>
    %mul3A_7 = arith.muli %iota3A, %mul3A_6 : vector<16xi32>
    %scan3A = arith.constant 0 : i32
    %scan3A_8 = arith.constant 0 : i32
    %scan3A_9 = arith.constant 200 : i32
    %scan3A_10 = arith.addi %scan3A_8, %scan3A_9 : i32
    %scan3A_11 = arith.constant 1 : i32
    scf.for %scan3A_233 = %scan3A_8 to %scan3A_10 step %scan3A_11  : i32 {
      %add3A_234 = vector.broadcast %scan3A_233 : i32 to vector<16xi32>
      %add3A_235 = arith.addi %mul3A_7, %add3A_234 : vector<16xi32>
      %get3A_236 = arith.index_cast %scan3A_233 : i32 to index
      %get3A_237 = arith.constant 0 : index
      %get3A_238 = tpu.vector_load %arg6[%get3A_236, %get3A_237] {strides = array<i32>} : memref<200x16xi32, #tpu.memory_space<vmem>>, vector<16xi32>,
      tpu.vector_store_idx %arg8[%add3A_235], %get3A_238 : memref<3200xi32, #tpu.memory_space<vmem>>[vector<16xi32>], vector<16xi32>,
    }
    %scan3A_12 = arith.constant 200 : i32
    %dma_start3A = arith.constant 0 : i32
    %dma_start3A_13 = arith.constant 0 : i32
    %dma_start3A_14 = tpu.memref_slice %arg10[%dma_start3A, %dma_start3A_13] : memref<3200x16xf32, #tpu.memory_space<vmem>> -> memref<128x16xf32, #tpu.memory_space<vmem>>
    %dma_start3A_15 = arith.constant 0 : i32
    %dma_start3A_16 = tpu.memref_slice %arg8[%dma_start3A_15] : memref<3200xi32, #tpu.memory_space<vmem>> -> memref<128xi32, #tpu.memory_space<vmem>>
    %dma_start3A_17 = arith.constant 0 : i32
    %dma_start3A_18 = arith.constant 0 : i32
    %dma_start3A_19 = tpu.memref_slice %arg3[%dma_start3A_17, %dma_start3A_18] : memref<1000000x16xf32, #tpu.memory_space<hbm>> -> memref<1000000x16xf32, #tpu.memory_space<hbm>>
    tpu.enqueue_indirect_dma source(%dma_start3A_19 : memref<1000000x16xf32, #tpu.memory_space<hbm>>) target(%dma_start3A_14 : memref<128x16xf32, #tpu.memory_space<vmem>>) offsets(%dma_start3A_16 : memref<128xi32, #tpu.memory_space<vmem>>) semaphore(%arg14 : memref<!tpu.dma_semaphore, #tpu.memory_space<semaphore_mem>>)
    %dma_start3A_20 = arith.constant 128 : i32
    %dma_start3A_21 = arith.constant 0 : i32
    %dma_start3A_22 = tpu.memref_slice %arg10[%dma_start3A_20, %dma_start3A_21] : memref<3200x16xf32, #tpu.memory_space<vmem>> -> memref<128x16xf32, #tpu.memory_space<vmem>>
    %dma_start3A_23 = arith.constant 128 : i32
    %dma_start3A_24 = tpu.memref_slice %arg8[%dma_start3A_23] : memref<3200xi32, #tpu.memory_space<vmem>> -> memref<128xi32, #tpu.memory_space<vmem>>
    %dma_start3A_25 = arith.constant 0 : i32
    %dma_start3A_26 = arith.constant 0 : i32
    %dma_start3A_27 = tpu.memref_slice %arg3[%dma_start3A_25, %dma_start3A_26] : memref<1000000x16xf32, #tpu.memory_space<hbm>> -> memref<1000000x16xf32, #tpu.memory_space<hbm>>
    tpu.enqueue_indirect_dma source(%dma_start3A_27 : memref<1000000x16xf32, #tpu.memory_space<hbm>>) target(%dma_start3A_22 : memref<128x16xf32, #tpu.memory_space<vmem>>) offsets(%dma_start3A_24 : memref<128xi32, #tpu.memory_space<vmem>>) semaphore(%arg14 : memref<!tpu.dma_semaphore, #tpu.memory_space<semaphore_mem>>)
    %dma_start3A_28 = arith.constant 256 : i32
    %dma_start3A_29 = arith.constant 0 : i32
    %dma_start3A_30 = tpu.memref_slice %arg10[%dma_start3A_28, %dma_start3A_29] : memref<3200x16xf32, #tpu.memory_space<vmem>> -> memref<128x16xf32, #tpu.memory_space<vmem>>
    %dma_start3A_31 = arith.constant 256 : i32
    %dma_start3A_32 = tpu.memref_slice %arg8[%dma_start3A_31] : memref<3200xi32, #tpu.memory_space<vmem>> -> memref<128xi32, #tpu.memory_space<vmem>>
    %dma_start3A_33 = arith.constant 0 : i32
    %dma_start3A_34 = arith.constant 0 : i32
    %dma_start3A_35 = tpu.memref_slice %arg3[%dma_start3A_33, %dma_start3A_34] : memref<1000000x16xf32, #tpu.memory_space<hbm>> -> memref<1000000x16xf32, #tpu.memory_space<hbm>>
    tpu.enqueue_indirect_dma source(%dma_start3A_35 : memref<1000000x16xf32, #tpu.memory_space<hbm>>) target(%dma_start3A_30 : memref<128x16xf32, #tpu.memory_space<vmem>>) offsets(%dma_start3A_32 : memref<128xi32, #tpu.memory_space<vmem>>) semaphore(%arg14 : memref<!tpu.dma_semaphore, #tpu.memory_space<semaphore_mem>>)
    %dma_start3A_36 = arith.constant 384 : i32
    %dma_start3A_37 = arith.constant 0 : i32
    %dma_start3A_38 = tpu.memref_slice %arg10[%dma_start3A_36, %dma_start3A_37] : memref<3200x16xf32, #tpu.memory_space<vmem>> -> memref<128x16xf32, #tpu.memory_space<vmem>>
    %dma_start3A_39 = arith.constant 384 : i32
    %dma_start3A_40 = tpu.memref_slice %arg8[%dma_start3A_39] : memref<3200xi32, #tpu.memory_space<vmem>> -> memref<128xi32, #tpu.memory_space<vmem>>
    %dma_start3A_41 = arith.constant 0 : i32
    %dma_start3A_42 = arith.constant 0 : i32
    %dma_start3A_43 = tpu.memref_slice %arg3[%dma_start3A_41, %dma_start3A_42] : memref<1000000x16xf32, #tpu.memory_space<hbm>> -> memref<1000000x16xf32, #tpu.memory_space<hbm>>
    tpu.enqueue_indirect_dma source(%dma_start3A_43 : memref<1000000x16xf32, #tpu.memory_space<hbm>>) target(%dma_start3A_38 : memref<128x16xf32, #tpu.memory_space<vmem>>) offsets(%dma_start3A_40 : memref<128xi32, #tpu.memory_space<vmem>>) semaphore(%arg14 : memref<!tpu.dma_semaphore, #tpu.memory_space<semaphore_mem>>)
    %dma_start3A_44 = arith.constant 512 : i32
    %dma_start3A_45 = arith.constant 0 : i32
    %dma_start3A_46 = tpu.memref_slice %arg10[%dma_start3A_44, %dma_start3A_45] : memref<3200x16xf32, #tpu.memory_space<vmem>> -> memref<128x16xf32, #tpu.memory_space<vmem>>
    %dma_start3A_47 = arith.constant 512 : i32
    %dma_start3A_48 = tpu.memref_slice %arg8[%dma_start3A_47] : memref<3200xi32, #tpu.memory_space<vmem>> -> memref<128xi32, #tpu.memory_space<vmem>>
    %dma_start3A_49 = arith.constant 0 : i32
    %dma_start3A_50 = arith.constant 0 : i32
    %dma_start3A_51 = tpu.memref_slice %arg3[%dma_start3A_49, %dma_start3A_50] : memref<1000000x16xf32, #tpu.memory_space<hbm>> -> memref<1000000x16xf32, #tpu.memory_space<hbm>>
    tpu.enqueue_indirect_dma source(%dma_start3A_51 : memref<1000000x16xf32, #tpu.memory_space<hbm>>) target(%dma_start3A_46 : memref<128x16xf32, #tpu.memory_space<vmem>>) offsets(%dma_start3A_48 : memref<128xi32, #tpu.memory_space<vmem>>) semaphore(%arg14 : memref<!tpu.dma_semaphore, #tpu.memory_space<semaphore_mem>>)
    %dma_start3A_52 = arith.constant 640 : i32
    %dma_start3A_53 = arith.constant 0 : i32
    %dma_start3A_54 = tpu.memref_slice %arg10[%dma_start3A_52, %dma_start3A_53] : memref<3200x16xf32, #tpu.memory_space<vmem>> -> memref<128x16xf32, #tpu.memory_space<vmem>>
    %dma_start3A_55 = arith.constant 640 : i32
    %dma_start3A_56 = tpu.memref_slice %arg8[%dma_start3A_55] : memref<3200xi32, #tpu.memory_space<vmem>> -> memref<128xi32, #tpu.memory_space<vmem>>
    %dma_start3A_57 = arith.constant 0 : i32
    %dma_start3A_58 = arith.constant 0 : i32
    %dma_start3A_59 = tpu.memref_slice %arg3[%dma_start3A_57, %dma_start3A_58] : memref<1000000x16xf32, #tpu.memory_space<hbm>> -> memref<1000000x16xf32, #tpu.memory_space<hbm>>
    tpu.enqueue_indirect_dma source(%dma_start3A_59 : memref<1000000x16xf32, #tpu.memory_space<hbm>>) target(%dma_start3A_54 : memref<128x16xf32, #tpu.memory_space<vmem>>) offsets(%dma_start3A_56 : memref<128xi32, #tpu.memory_space<vmem>>) semaphore(%arg14 : memref<!tpu.dma_semaphore, #tpu.memory_space<semaphore_mem>>)
    %dma_start3A_60 = arith.constant 768 : i32
    %dma_start3A_61 = arith.constant 0 : i32
    %dma_start3A_62 = tpu.memref_slice %arg10[%dma_start3A_60, %dma_start3A_61] : memref<3200x16xf32, #tpu.memory_space<vmem>> -> memref<128x16xf32, #tpu.memory_space<vmem>>
    %dma_start3A_63 = arith.constant 768 : i32
    %dma_start3A_64 = tpu.memref_slice %arg8[%dma_start3A_63] : memref<3200xi32, #tpu.memory_space<vmem>> -> memref<128xi32, #tpu.memory_space<vmem>>
    %dma_start3A_65 = arith.constant 0 : i32
    %dma_start3A_66 = arith.constant 0 : i32
    %dma_start3A_67 = tpu.memref_slice %arg3[%dma_start3A_65, %dma_start3A_66] : memref<1000000x16xf32, #tpu.memory_space<hbm>> -> memref<1000000x16xf32, #tpu.memory_space<hbm>>
    tpu.enqueue_indirect_dma source(%dma_start3A_67 : memref<1000000x16xf32, #tpu.memory_space<hbm>>) target(%dma_start3A_62 : memref<128x16xf32, #tpu.memory_space<vmem>>) offsets(%dma_start3A_64 : memref<128xi32, #tpu.memory_space<vmem>>) semaphore(%arg14 : memref<!tpu.dma_semaphore, #tpu.memory_space<semaphore_mem>>)
    %dma_start3A_68 = arith.constant 896 : i32
    %dma_start3A_69 = arith.constant 0 : i32
    %dma_start3A_70 = tpu.memref_slice %arg10[%dma_start3A_68, %dma_start3A_69] : memref<3200x16xf32, #tpu.memory_space<vmem>> -> memref<128x16xf32, #tpu.memory_space<vmem>>
    %dma_start3A_71 = arith.constant 896 : i32
    %dma_start3A_72 = tpu.memref_slice %arg8[%dma_start3A_71] : memref<3200xi32, #tpu.memory_space<vmem>> -> memref<128xi32, #tpu.memory_space<vmem>>
    %dma_start3A_73 = arith.constant 0 : i32
    %dma_start3A_74 = arith.constant 0 : i32
    %dma_start3A_75 = tpu.memref_slice %arg3[%dma_start3A_73, %dma_start3A_74] : memref<1000000x16xf32, #tpu.memory_space<hbm>> -> memref<1000000x16xf32, #tpu.memory_space<hbm>>
    tpu.enqueue_indirect_dma source(%dma_start3A_75 : memref<1000000x16xf32, #tpu.memory_space<hbm>>) target(%dma_start3A_70 : memref<128x16xf32, #tpu.memory_space<vmem>>) offsets(%dma_start3A_72 : memref<128xi32, #tpu.memory_space<vmem>>) semaphore(%arg14 : memref<!tpu.dma_semaphore, #tpu.memory_space<semaphore_mem>>)
    %dma_start3A_76 = arith.constant 1024 : i32
    %dma_start3A_77 = arith.constant 0 : i32
    %dma_start3A_78 = tpu.memref_slice %arg10[%dma_start3A_76, %dma_start3A_77] : memref<3200x16xf32, #tpu.memory_space<vmem>> -> memref<128x16xf32, #tpu.memory_space<vmem>>
    %dma_start3A_79 = arith.constant 1024 : i32
    %dma_start3A_80 = tpu.memref_slice %arg8[%dma_start3A_79] : memref<3200xi32, #tpu.memory_space<vmem>> -> memref<128xi32, #tpu.memory_space<vmem>>
    %dma_start3A_81 = arith.constant 0 : i32
    %dma_start3A_82 = arith.constant 0 : i32
    %dma_start3A_83 = tpu.memref_slice %arg3[%dma_start3A_81, %dma_start3A_82] : memref<1000000x16xf32, #tpu.memory_space<hbm>> -> memref<1000000x16xf32, #tpu.memory_space<hbm>>
    tpu.enqueue_indirect_dma source(%dma_start3A_83 : memref<1000000x16xf32, #tpu.memory_space<hbm>>) target(%dma_start3A_78 : memref<128x16xf32, #tpu.memory_space<vmem>>) offsets(%dma_start3A_80 : memref<128xi32, #tpu.memory_space<vmem>>) semaphore(%arg14 : memref<!tpu.dma_semaphore, #tpu.memory_space<semaphore_mem>>)
    %dma_start3A_84 = arith.constant 1152 : i32
    %dma_start3A_85 = arith.constant 0 : i32
    %dma_start3A_86 = tpu.memref_slice %arg10[%dma_start3A_84, %dma_start3A_85] : memref<3200x16xf32, #tpu.memory_space<vmem>> -> memref<128x16xf32, #tpu.memory_space<vmem>>
    %dma_start3A_87 = arith.constant 1152 : i32
    %dma_start3A_88 = tpu.memref_slice %arg8[%dma_start3A_87] : memref<3200xi32, #tpu.memory_space<vmem>> -> memref<128xi32, #tpu.memory_space<vmem>>
    %dma_start3A_89 = arith.constant 0 : i32
    %dma_start3A_90 = arith.constant 0 : i32
    %dma_start3A_91 = tpu.memref_slice %arg3[%dma_start3A_89, %dma_start3A_90] : memref<1000000x16xf32, #tpu.memory_space<hbm>> -> memref<1000000x16xf32, #tpu.memory_space<hbm>>
    tpu.enqueue_indirect_dma source(%dma_start3A_91 : memref<1000000x16xf32, #tpu.memory_space<hbm>>) target(%dma_start3A_86 : memref<128x16xf32, #tpu.memory_space<vmem>>) offsets(%dma_start3A_88 : memref<128xi32, #tpu.memory_space<vmem>>) semaphore(%arg14 : memref<!tpu.dma_semaphore, #tpu.memory_space<semaphore_mem>>)
    %dma_start3A_92 = arith.constant 1280 : i32
    %dma_start3A_93 = arith.constant 0 : i32
    %dma_start3A_94 = tpu.memref_slice %arg10[%dma_start3A_92, %dma_start3A_93] : memref<3200x16xf32, #tpu.memory_space<vmem>> -> memref<128x16xf32, #tpu.memory_space<vmem>>
    %dma_start3A_95 = arith.constant 1280 : i32
    %dma_start3A_96 = tpu.memref_slice %arg8[%dma_start3A_95] : memref<3200xi32, #tpu.memory_space<vmem>> -> memref<128xi32, #tpu.memory_space<vmem>>
    %dma_start3A_97 = arith.constant 0 : i32
    %dma_start3A_98 = arith.constant 0 : i32
    %dma_start3A_99 = tpu.memref_slice %arg3[%dma_start3A_97, %dma_start3A_98] : memref<1000000x16xf32, #tpu.memory_space<hbm>> -> memref<1000000x16xf32, #tpu.memory_space<hbm>>
    tpu.enqueue_indirect_dma source(%dma_start3A_99 : memref<1000000x16xf32, #tpu.memory_space<hbm>>) target(%dma_start3A_94 : memref<128x16xf32, #tpu.memory_space<vmem>>) offsets(%dma_start3A_96 : memref<128xi32, #tpu.memory_space<vmem>>) semaphore(%arg14 : memref<!tpu.dma_semaphore, #tpu.memory_space<semaphore_mem>>)
    %dma_start3A_100 = arith.constant 1408 : i32
    %dma_start3A_101 = arith.constant 0 : i32
    %dma_start3A_102 = tpu.memref_slice %arg10[%dma_start3A_100, %dma_start3A_101] : memref<3200x16xf32, #tpu.memory_space<vmem>> -> memref<128x16xf32, #tpu.memory_space<vmem>>
    %dma_start3A_103 = arith.constant 1408 : i32
    %dma_start3A_104 = tpu.memref_slice %arg8[%dma_start3A_103] : memref<3200xi32, #tpu.memory_space<vmem>> -> memref<128xi32, #tpu.memory_space<vmem>>
    %dma_start3A_105 = arith.constant 0 : i32
    %dma_start3A_106 = arith.constant 0 : i32
    %dma_start3A_107 = tpu.memref_slice %arg3[%dma_start3A_105, %dma_start3A_106] : memref<1000000x16xf32, #tpu.memory_space<hbm>> -> memref<1000000x16xf32, #tpu.memory_space<hbm>>
    tpu.enqueue_indirect_dma source(%dma_start3A_107 : memref<1000000x16xf32, #tpu.memory_space<hbm>>) target(%dma_start3A_102 : memref<128x16xf32, #tpu.memory_space<vmem>>) offsets(%dma_start3A_104 : memref<128xi32, #tpu.memory_space<vmem>>) semaphore(%arg14 : memref<!tpu.dma_semaphore, #tpu.memory_space<semaphore_mem>>)
    %dma_start3A_108 = arith.constant 1536 : i32
    %dma_start3A_109 = arith.constant 0 : i32
    %dma_start3A_110 = tpu.memref_slice %arg10[%dma_start3A_108, %dma_start3A_109] : memref<3200x16xf32, #tpu.memory_space<vmem>> -> memref<128x16xf32, #tpu.memory_space<vmem>>
    %dma_start3A_111 = arith.constant 1536 : i32
    %dma_start3A_112 = tpu.memref_slice %arg8[%dma_start3A_111] : memref<3200xi32, #tpu.memory_space<vmem>> -> memref<128xi32, #tpu.memory_space<vmem>>
    %dma_start3A_113 = arith.constant 0 : i32
    %dma_start3A_114 = arith.constant 0 : i32
    %dma_start3A_115 = tpu.memref_slice %arg3[%dma_start3A_113, %dma_start3A_114] : memref<1000000x16xf32, #tpu.memory_space<hbm>> -> memref<1000000x16xf32, #tpu.memory_space<hbm>>
    tpu.enqueue_indirect_dma source(%dma_start3A_115 : memref<1000000x16xf32, #tpu.memory_space<hbm>>) target(%dma_start3A_110 : memref<128x16xf32, #tpu.memory_space<vmem>>) offsets(%dma_start3A_112 : memref<128xi32, #tpu.memory_space<vmem>>) semaphore(%arg14 : memref<!tpu.dma_semaphore, #tpu.memory_space<semaphore_mem>>)
    %dma_start3A_116 = arith.constant 1664 : i32
    %dma_start3A_117 = arith.constant 0 : i32
    %dma_start3A_118 = tpu.memref_slice %arg10[%dma_start3A_116, %dma_start3A_117] : memref<3200x16xf32, #tpu.memory_space<vmem>> -> memref<128x16xf32, #tpu.memory_space<vmem>>
    %dma_start3A_119 = arith.constant 1664 : i32
    %dma_start3A_120 = tpu.memref_slice %arg8[%dma_start3A_119] : memref<3200xi32, #tpu.memory_space<vmem>> -> memref<128xi32, #tpu.memory_space<vmem>>
    %dma_start3A_121 = arith.constant 0 : i32
    %dma_start3A_122 = arith.constant 0 : i32
    %dma_start3A_123 = tpu.memref_slice %arg3[%dma_start3A_121, %dma_start3A_122] : memref<1000000x16xf32, #tpu.memory_space<hbm>> -> memref<1000000x16xf32, #tpu.memory_space<hbm>>
    tpu.enqueue_indirect_dma source(%dma_start3A_123 : memref<1000000x16xf32, #tpu.memory_space<hbm>>) target(%dma_start3A_118 : memref<128x16xf32, #tpu.memory_space<vmem>>) offsets(%dma_start3A_120 : memref<128xi32, #tpu.memory_space<vmem>>) semaphore(%arg14 : memref<!tpu.dma_semaphore, #tpu.memory_space<semaphore_mem>>)
    %dma_start3A_124 = arith.constant 1792 : i32
    %dma_start3A_125 = arith.constant 0 : i32
    %dma_start3A_126 = tpu.memref_slice %arg10[%dma_start3A_124, %dma_start3A_125] : memref<3200x16xf32, #tpu.memory_space<vmem>> -> memref<128x16xf32, #tpu.memory_space<vmem>>
    %dma_start3A_127 = arith.constant 1792 : i32
    %dma_start3A_128 = tpu.memref_slice %arg8[%dma_start3A_127] : memref<3200xi32, #tpu.memory_space<vmem>> -> memref<128xi32, #tpu.memory_space<vmem>>
    %dma_start3A_129 = arith.constant 0 : i32
    %dma_start3A_130 = arith.constant 0 : i32
    %dma_start3A_131 = tpu.memref_slice %arg3[%dma_start3A_129, %dma_start3A_130] : memref<1000000x16xf32, #tpu.memory_space<hbm>> -> memref<1000000x16xf32, #tpu.memory_space<hbm>>
    tpu.enqueue_indirect_dma source(%dma_start3A_131 : memref<1000000x16xf32, #tpu.memory_space<hbm>>) target(%dma_start3A_126 : memref<128x16xf32, #tpu.memory_space<vmem>>) offsets(%dma_start3A_128 : memref<128xi32, #tpu.memory_space<vmem>>) semaphore(%arg14 : memref<!tpu.dma_semaphore, #tpu.memory_space<semaphore_mem>>)
    %dma_start3A_132 = arith.constant 1920 : i32
    %dma_start3A_133 = arith.constant 0 : i32
    %dma_start3A_134 = tpu.memref_slice %arg10[%dma_start3A_132, %dma_start3A_133] : memref<3200x16xf32, #tpu.memory_space<vmem>> -> memref<128x16xf32, #tpu.memory_space<vmem>>
    %dma_start3A_135 = arith.constant 1920 : i32
    %dma_start3A_136 = tpu.memref_slice %arg8[%dma_start3A_135] : memref<3200xi32, #tpu.memory_space<vmem>> -> memref<128xi32, #tpu.memory_space<vmem>>
    %dma_start3A_137 = arith.constant 0 : i32
    %dma_start3A_138 = arith.constant 0 : i32
    %dma_start3A_139 = tpu.memref_slice %arg3[%dma_start3A_137, %dma_start3A_138] : memref<1000000x16xf32, #tpu.memory_space<hbm>> -> memref<1000000x16xf32, #tpu.memory_space<hbm>>
    tpu.enqueue_indirect_dma source(%dma_start3A_139 : memref<1000000x16xf32, #tpu.memory_space<hbm>>) target(%dma_start3A_134 : memref<128x16xf32, #tpu.memory_space<vmem>>) offsets(%dma_start3A_136 : memref<128xi32, #tpu.memory_space<vmem>>) semaphore(%arg14 : memref<!tpu.dma_semaphore, #tpu.memory_space<semaphore_mem>>)
    %dma_start3A_140 = arith.constant 2048 : i32
    %dma_start3A_141 = arith.constant 0 : i32
    %dma_start3A_142 = tpu.memref_slice %arg10[%dma_start3A_140, %dma_start3A_141] : memref<3200x16xf32, #tpu.memory_space<vmem>> -> memref<128x16xf32, #tpu.memory_space<vmem>>
    %dma_start3A_143 = arith.constant 2048 : i32
    %dma_start3A_144 = tpu.memref_slice %arg8[%dma_start3A_143] : memref<3200xi32, #tpu.memory_space<vmem>> -> memref<128xi32, #tpu.memory_space<vmem>>
    %dma_start3A_145 = arith.constant 0 : i32
    %dma_start3A_146 = arith.constant 0 : i32
    %dma_start3A_147 = tpu.memref_slice %arg3[%dma_start3A_145, %dma_start3A_146] : memref<1000000x16xf32, #tpu.memory_space<hbm>> -> memref<1000000x16xf32, #tpu.memory_space<hbm>>
    tpu.enqueue_indirect_dma source(%dma_start3A_147 : memref<1000000x16xf32, #tpu.memory_space<hbm>>) target(%dma_start3A_142 : memref<128x16xf32, #tpu.memory_space<vmem>>) offsets(%dma_start3A_144 : memref<128xi32, #tpu.memory_space<vmem>>) semaphore(%arg14 : memref<!tpu.dma_semaphore, #tpu.memory_space<semaphore_mem>>)
    %dma_start3A_148 = arith.constant 2176 : i32
    %dma_start3A_149 = arith.constant 0 : i32
    %dma_start3A_150 = tpu.memref_slice %arg10[%dma_start3A_148, %dma_start3A_149] : memref<3200x16xf32, #tpu.memory_space<vmem>> -> memref<128x16xf32, #tpu.memory_space<vmem>>
    %dma_start3A_151 = arith.constant 2176 : i32
    %dma_start3A_152 = tpu.memref_slice %arg8[%dma_start3A_151] : memref<3200xi32, #tpu.memory_space<vmem>> -> memref<128xi32, #tpu.memory_space<vmem>>
    %dma_start3A_153 = arith.constant 0 : i32
    %dma_start3A_154 = arith.constant 0 : i32
    %dma_start3A_155 = tpu.memref_slice %arg3[%dma_start3A_153, %dma_start3A_154] : memref<1000000x16xf32, #tpu.memory_space<hbm>> -> memref<1000000x16xf32, #tpu.memory_space<hbm>>
    tpu.enqueue_indirect_dma source(%dma_start3A_155 : memref<1000000x16xf32, #tpu.memory_space<hbm>>) target(%dma_start3A_150 : memref<128x16xf32, #tpu.memory_space<vmem>>) offsets(%dma_start3A_152 : memref<128xi32, #tpu.memory_space<vmem>>) semaphore(%arg14 : memref<!tpu.dma_semaphore, #tpu.memory_space<semaphore_mem>>)
    %dma_start3A_156 = arith.constant 2304 : i32
    %dma_start3A_157 = arith.constant 0 : i32
    %dma_start3A_158 = tpu.memref_slice %arg10[%dma_start3A_156, %dma_start3A_157] : memref<3200x16xf32, #tpu.memory_space<vmem>> -> memref<128x16xf32, #tpu.memory_space<vmem>>
    %dma_start3A_159 = arith.constant 2304 : i32
    %dma_start3A_160 = tpu.memref_slice %arg8[%dma_start3A_159] : memref<3200xi32, #tpu.memory_space<vmem>> -> memref<128xi32, #tpu.memory_space<vmem>>
    %dma_start3A_161 = arith.constant 0 : i32
    %dma_start3A_162 = arith.constant 0 : i32
    %dma_start3A_163 = tpu.memref_slice %arg3[%dma_start3A_161, %dma_start3A_162] : memref<1000000x16xf32, #tpu.memory_space<hbm>> -> memref<1000000x16xf32, #tpu.memory_space<hbm>>
    tpu.enqueue_indirect_dma source(%dma_start3A_163 : memref<1000000x16xf32, #tpu.memory_space<hbm>>) target(%dma_start3A_158 : memref<128x16xf32, #tpu.memory_space<vmem>>) offsets(%dma_start3A_160 : memref<128xi32, #tpu.memory_space<vmem>>) semaphore(%arg14 : memref<!tpu.dma_semaphore, #tpu.memory_space<semaphore_mem>>)
    %dma_start3A_164 = arith.constant 2432 : i32
    %dma_start3A_165 = arith.constant 0 : i32
    %dma_start3A_166 = tpu.memref_slice %arg10[%dma_start3A_164, %dma_start3A_165] : memref<3200x16xf32, #tpu.memory_space<vmem>> -> memref<128x16xf32, #tpu.memory_space<vmem>>
    %dma_start3A_167 = arith.constant 2432 : i32
    %dma_start3A_168 = tpu.memref_slice %arg8[%dma_start3A_167] : memref<3200xi32, #tpu.memory_space<vmem>> -> memref<128xi32, #tpu.memory_space<vmem>>
    %dma_start3A_169 = arith.constant 0 : i32
    %dma_start3A_170 = arith.constant 0 : i32
    %dma_start3A_171 = tpu.memref_slice %arg3[%dma_start3A_169, %dma_start3A_170] : memref<1000000x16xf32, #tpu.memory_space<hbm>> -> memref<1000000x16xf32, #tpu.memory_space<hbm>>
    tpu.enqueue_indirect_dma source(%dma_start3A_171 : memref<1000000x16xf32, #tpu.memory_space<hbm>>) target(%dma_start3A_166 : memref<128x16xf32, #tpu.memory_space<vmem>>) offsets(%dma_start3A_168 : memref<128xi32, #tpu.memory_space<vmem>>) semaphore(%arg14 : memref<!tpu.dma_semaphore, #tpu.memory_space<semaphore_mem>>)
    %dma_start3A_172 = arith.constant 2560 : i32
    %dma_start3A_173 = arith.constant 0 : i32
    %dma_start3A_174 = tpu.memref_slice %arg10[%dma_start3A_172, %dma_start3A_173] : memref<3200x16xf32, #tpu.memory_space<vmem>> -> memref<128x16xf32, #tpu.memory_space<vmem>>
    %dma_start3A_175 = arith.constant 2560 : i32
    %dma_start3A_176 = tpu.memref_slice %arg8[%dma_start3A_175] : memref<3200xi32, #tpu.memory_space<vmem>> -> memref<128xi32, #tpu.memory_space<vmem>>
    %dma_start3A_177 = arith.constant 0 : i32
    %dma_start3A_178 = arith.constant 0 : i32
    %dma_start3A_179 = tpu.memref_slice %arg3[%dma_start3A_177, %dma_start3A_178] : memref<1000000x16xf32, #tpu.memory_space<hbm>> -> memref<1000000x16xf32, #tpu.memory_space<hbm>>
    tpu.enqueue_indirect_dma source(%dma_start3A_179 : memref<1000000x16xf32, #tpu.memory_space<hbm>>) target(%dma_start3A_174 : memref<128x16xf32, #tpu.memory_space<vmem>>) offsets(%dma_start3A_176 : memref<128xi32, #tpu.memory_space<vmem>>) semaphore(%arg14 : memref<!tpu.dma_semaphore, #tpu.memory_space<semaphore_mem>>)
    %dma_start3A_180 = arith.constant 2688 : i32
    %dma_start3A_181 = arith.constant 0 : i32
    %dma_start3A_182 = tpu.memref_slice %arg10[%dma_start3A_180, %dma_start3A_181] : memref<3200x16xf32, #tpu.memory_space<vmem>> -> memref<128x16xf32, #tpu.memory_space<vmem>>
    %dma_start3A_183 = arith.constant 2688 : i32
    %dma_start3A_184 = tpu.memref_slice %arg8[%dma_start3A_183] : memref<3200xi32, #tpu.memory_space<vmem>> -> memref<128xi32, #tpu.memory_space<vmem>>
    %dma_start3A_185 = arith.constant 0 : i32
    %dma_start3A_186 = arith.constant 0 : i32
    %dma_start3A_187 = tpu.memref_slice %arg3[%dma_start3A_185, %dma_start3A_186] : memref<1000000x16xf32, #tpu.memory_space<hbm>> -> memref<1000000x16xf32, #tpu.memory_space<hbm>>
    tpu.enqueue_indirect_dma source(%dma_start3A_187 : memref<1000000x16xf32, #tpu.memory_space<hbm>>) target(%dma_start3A_182 : memref<128x16xf32, #tpu.memory_space<vmem>>) offsets(%dma_start3A_184 : memref<128xi32, #tpu.memory_space<vmem>>) semaphore(%arg14 : memref<!tpu.dma_semaphore, #tpu.memory_space<semaphore_mem>>)
    %dma_start3A_188 = arith.constant 2816 : i32
    %dma_start3A_189 = arith.constant 0 : i32
    %dma_start3A_190 = tpu.memref_slice %arg10[%dma_start3A_188, %dma_start3A_189] : memref<3200x16xf32, #tpu.memory_space<vmem>> -> memref<128x16xf32, #tpu.memory_space<vmem>>
    %dma_start3A_191 = arith.constant 2816 : i32
    %dma_start3A_192 = tpu.memref_slice %arg8[%dma_start3A_191] : memref<3200xi32, #tpu.memory_space<vmem>> -> memref<128xi32, #tpu.memory_space<vmem>>
    %dma_start3A_193 = arith.constant 0 : i32
    %dma_start3A_194 = arith.constant 0 : i32
    %dma_start3A_195 = tpu.memref_slice %arg3[%dma_start3A_193, %dma_start3A_194] : memref<1000000x16xf32, #tpu.memory_space<hbm>> -> memref<1000000x16xf32, #tpu.memory_space<hbm>>
    tpu.enqueue_indirect_dma source(%dma_start3A_195 : memref<1000000x16xf32, #tpu.memory_space<hbm>>) target(%dma_start3A_190 : memref<128x16xf32, #tpu.memory_space<vmem>>) offsets(%dma_start3A_192 : memref<128xi32, #tpu.memory_space<vmem>>) semaphore(%arg14 : memref<!tpu.dma_semaphore, #tpu.memory_space<semaphore_mem>>)
    %dma_start3A_196 = arith.constant 2944 : i32
    %dma_start3A_197 = arith.constant 0 : i32
    %dma_start3A_198 = tpu.memref_slice %arg10[%dma_start3A_196, %dma_start3A_197] : memref<3200x16xf32, #tpu.memory_space<vmem>> -> memref<128x16xf32, #tpu.memory_space<vmem>>
    %dma_start3A_199 = arith.constant 2944 : i32
    %dma_start3A_200 = tpu.memref_slice %arg8[%dma_start3A_199] : memref<3200xi32, #tpu.memory_space<vmem>> -> memref<128xi32, #tpu.memory_space<vmem>>
    %dma_start3A_201 = arith.constant 0 : i32
    %dma_start3A_202 = arith.constant 0 : i32
    %dma_start3A_203 = tpu.memref_slice %arg3[%dma_start3A_201, %dma_start3A_202] : memref<1000000x16xf32, #tpu.memory_space<hbm>> -> memref<1000000x16xf32, #tpu.memory_space<hbm>>
    tpu.enqueue_indirect_dma source(%dma_start3A_203 : memref<1000000x16xf32, #tpu.memory_space<hbm>>) target(%dma_start3A_198 : memref<128x16xf32, #tpu.memory_space<vmem>>) offsets(%dma_start3A_200 : memref<128xi32, #tpu.memory_space<vmem>>) semaphore(%arg14 : memref<!tpu.dma_semaphore, #tpu.memory_space<semaphore_mem>>)
    %dma_start3A_204 = arith.constant 3072 : i32
    %dma_start3A_205 = arith.constant 0 : i32
    %dma_start3A_206 = tpu.memref_slice %arg10[%dma_start3A_204, %dma_start3A_205] : memref<3200x16xf32, #tpu.memory_space<vmem>> -> memref<128x16xf32, #tpu.memory_space<vmem>>
    %dma_start3A_207 = arith.constant 3072 : i32
    %dma_start3A_208 = tpu.memref_slice %arg8[%dma_start3A_207] : memref<3200xi32, #tpu.memory_space<vmem>> -> memref<128xi32, #tpu.memory_space<vmem>>
    %dma_start3A_209 = arith.constant 0 : i32
    %dma_start3A_210 = arith.constant 0 : i32
    %dma_start3A_211 = tpu.memref_slice %arg3[%dma_start3A_209, %dma_start3A_210] : memref<1000000x16xf32, #tpu.memory_space<hbm>> -> memref<1000000x16xf32, #tpu.memory_space<hbm>>
    tpu.enqueue_indirect_dma source(%dma_start3A_211 : memref<1000000x16xf32, #tpu.memory_space<hbm>>) target(%dma_start3A_206 : memref<128x16xf32, #tpu.memory_space<vmem>>) offsets(%dma_start3A_208 : memref<128xi32, #tpu.memory_space<vmem>>) semaphore(%arg14 : memref<!tpu.dma_semaphore, #tpu.memory_space<semaphore_mem>>)
    %add3A_212 = arith.constant 1 : i32
    %add3A_213 = arith.addi %mul3A_2, %add3A_212 : i32
    %mul3A_214 = arith.constant 16 : i32
    %mul3A_215 = arith.muli %add3A_213, %mul3A_214 : i32
    %dma_start3A_216 = arith.constant 0 : i32
    %dma_start3A_217 = tpu.memref_slice %arg2[%dma_start3A_216, %mul3A_215] : memref<200x16384xi32, #tpu.memory_space<hbm>> -> memref<200x16xi32, #tpu.memory_space<hbm>>
    %dma_start3A_218 = arith.constant 0 : i32
    %dma_start3A_219 = tpu.memref_slice %arg2[%dma_start3A_218, %mul3A_215] : memref<200x16384xi32, #tpu.memory_space<hbm>> -> memref<200x16xi32, #tpu.memory_space<hbm>>
    tpu.enqueue_dma source(%dma_start3A_219 : memref<200x16xi32, #tpu.memory_space<hbm>>) target(%arg7 : memref<200x16xi32, #tpu.memory_space<vmem>>) target_semaphore(%arg17 : memref<!tpu.dma_semaphore, #tpu.memory_space<semaphore_mem>>)
    %broadcast_in_dim3A = arith.constant 0.000000e+00 : f32
    %broadcast_in_dim3A_220 = vector.broadcast %broadcast_in_dim3A : f32 to vector<16xf32>
    %get3A = arith.constant 0 : index
    %get3A_221 = tpu.vector_load %arg13[%get3A] {strides = array<i32>} : memref<16xf32, #tpu.memory_space<vmem>>, vector<16xf32>,
    %iota3A_222 = tpu.iota {dimensions = array<i32: 0>} : vector<16xi32>
    %lt3A = arith.constant 2 : i32
    %lt3A_223 = vector.broadcast %lt3A : i32 to vector<16xi32>
    %lt3A_224 = arith.cmpi slt, %iota3A_222, %lt3A_223 : vector<16xi32>
    %scan3A_225 = arith.constant 0 : i32
    %scan3A_226 = arith.constant 0 : i32
    %scan3A_227 = arith.constant 16 : i32
    %scan3A_228 = arith.addi %scan3A_226, %scan3A_227 : i32
    %scan3A_229 = arith.constant 1 : i32
    scf.for %scan3A_233 = %scan3A_226 to %scan3A_228 step %scan3A_229  : i32 {
      %mul3A_234 = arith.constant 2 : i32
      %mul3A_235 = arith.muli %scan3A_233, %mul3A_234 : i32
      %add3A_236 = arith.constant 0 : i32
      %add3A_237 = arith.addi %mul3A_235, %add3A_236 : i32
      %add3A_238 = arith.constant 1 : i32
      %add3A_239 = arith.addi %add3A_237, %add3A_238 : i32
      %lt3A_240 = arith.constant 32 : i32
      %lt3A_241 = arith.cmpi slt, %add3A_239, %lt3A_240 : i32
      %convert_element_type3A = arith.extui %lt3A_241 : i1 to i32
      %cond3A = arith.constant 0 : i32
      %cond3A_242 = arith.cmpi ne, %convert_element_type3A, %cond3A : i32
      scf.if %cond3A_242 {
        %dma_wait3A_695 = arith.constant 0 : i32
        %dma_wait3A_696 = arith.constant 0 : i32
        %dma_wait3A_697 = tpu.memref_slice %arg2[%dma_wait3A_695, %dma_wait3A_696] : memref<200x16384xi32, #tpu.memory_space<hbm>> -> memref<200x16xi32, #tpu.memory_space<hbm>>
        %dma_wait3A_698 = arith.constant 0 : i32
        %dma_wait3A_699 = arith.constant 0 : i32
        %dma_wait3A_700 = tpu.memref_slice %arg2[%dma_wait3A_698, %dma_wait3A_699] : memref<200x16384xi32, #tpu.memory_space<hbm>> -> memref<200x16xi32, #tpu.memory_space<hbm>>
        tpu.wait_dma2 semaphore(%arg17 : memref<!tpu.dma_semaphore, #tpu.memory_space<semaphore_mem>>) src(%dma_wait3A_700 : memref<200x16xi32, #tpu.memory_space<hbm>>) dst(%arg7 : memref<200x16xi32, #tpu.memory_space<vmem>>)
        %iota3A_701 = tpu.iota {dimensions = array<i32: 0>} : vector<16xi32>
        %mul3A_702 = arith.constant 200 : i32
        %mul3A_703 = vector.broadcast %mul3A_702 : i32 to vector<16xi32>
        %mul3A_704 = arith.muli %iota3A_701, %mul3A_703 : vector<16xi32>
        %scan3A_705 = arith.constant 0 : i32
        %scan3A_706 = arith.constant 0 : i32
        %scan3A_707 = arith.constant 200 : i32
        %scan3A_708 = arith.addi %scan3A_706, %scan3A_707 : i32
        %scan3A_709 = arith.constant 1 : i32
        scf.for %scan3A_911 = %scan3A_706 to %scan3A_708 step %scan3A_709  : i32 {
          %add3A_912 = vector.broadcast %scan3A_911 : i32 to vector<16xi32>
          %add3A_913 = arith.addi %mul3A_704, %add3A_912 : vector<16xi32>
          %get3A_914 = arith.index_cast %scan3A_911 : i32 to index
          %get3A_915 = arith.constant 0 : index
          %get3A_916 = tpu.vector_load %arg7[%get3A_914, %get3A_915] {strides = array<i32>} : memref<200x16xi32, #tpu.memory_space<vmem>>, vector<16xi32>,
          tpu.vector_store_idx %arg9[%add3A_913], %get3A_916 : memref<3200xi32, #tpu.memory_space<vmem>>[vector<16xi32>], vector<16xi32>,
        }
        %scan3A_710 = arith.constant 200 : i32
        %dma_start3A_711 = arith.constant 0 : i32
        %dma_start3A_712 = arith.constant 0 : i32
        %dma_start3A_713 = tpu.memref_slice %arg11[%dma_start3A_711, %dma_start3A_712] : memref<3200x16xf32, #tpu.memory_space<vmem>> -> memref<128x16xf32, #tpu.memory_space<vmem>>
        %dma_start3A_714 = arith.constant 0 : i32
        %dma_start3A_715 = tpu.memref_slice %arg9[%dma_start3A_714] : memref<3200xi32, #tpu.memory_space<vmem>> -> memref<128xi32, #tpu.memory_space<vmem>>
        %dma_start3A_716 = arith.constant 0 : i32
        %dma_start3A_717 = arith.constant 0 : i32
        %dma_start3A_718 = tpu.memref_slice %arg3[%dma_start3A_716, %dma_start3A_717] : memref<1000000x16xf32, #tpu.memory_space<hbm>> -> memref<1000000x16xf32, #tpu.memory_space<hbm>>
        tpu.enqueue_indirect_dma source(%dma_start3A_718 : memref<1000000x16xf32, #tpu.memory_space<hbm>>) target(%dma_start3A_713 : memref<128x16xf32, #tpu.memory_space<vmem>>) offsets(%dma_start3A_715 : memref<128xi32, #tpu.memory_space<vmem>>) semaphore(%arg15 : memref<!tpu.dma_semaphore, #tpu.memory_space<semaphore_mem>>)
        %dma_start3A_719 = arith.constant 128 : i32
        %dma_start3A_720 = arith.constant 0 : i32
        %dma_start3A_721 = tpu.memref_slice %arg11[%dma_start3A_719, %dma_start3A_720] : memref<3200x16xf32, #tpu.memory_space<vmem>> -> memref<128x16xf32, #tpu.memory_space<vmem>>
        %dma_start3A_722 = arith.constant 128 : i32
        %dma_start3A_723 = tpu.memref_slice %arg9[%dma_start3A_722] : memref<3200xi32, #tpu.memory_space<vmem>> -> memref<128xi32, #tpu.memory_space<vmem>>
        %dma_start3A_724 = arith.constant 0 : i32
        %dma_start3A_725 = arith.constant 0 : i32
        %dma_start3A_726 = tpu.memref_slice %arg3[%dma_start3A_724, %dma_start3A_725] : memref<1000000x16xf32, #tpu.memory_space<hbm>> -> memref<1000000x16xf32, #tpu.memory_space<hbm>>
        tpu.enqueue_indirect_dma source(%dma_start3A_726 : memref<1000000x16xf32, #tpu.memory_space<hbm>>) target(%dma_start3A_721 : memref<128x16xf32, #tpu.memory_space<vmem>>) offsets(%dma_start3A_723 : memref<128xi32, #tpu.memory_space<vmem>>) semaphore(%arg15 : memref<!tpu.dma_semaphore, #tpu.memory_space<semaphore_mem>>)
        %dma_start3A_727 = arith.constant 256 : i32
        %dma_start3A_728 = arith.constant 0 : i32
        %dma_start3A_729 = tpu.memref_slice %arg11[%dma_start3A_727, %dma_start3A_728] : memref<3200x16xf32, #tpu.memory_space<vmem>> -> memref<128x16xf32, #tpu.memory_space<vmem>>
        %dma_start3A_730 = arith.constant 256 : i32
        %dma_start3A_731 = tpu.memref_slice %arg9[%dma_start3A_730] : memref<3200xi32, #tpu.memory_space<vmem>> -> memref<128xi32, #tpu.memory_space<vmem>>
        %dma_start3A_732 = arith.constant 0 : i32
        %dma_start3A_733 = arith.constant 0 : i32
        %dma_start3A_734 = tpu.memref_slice %arg3[%dma_start3A_732, %dma_start3A_733] : memref<1000000x16xf32, #tpu.memory_space<hbm>> -> memref<1000000x16xf32, #tpu.memory_space<hbm>>
        tpu.enqueue_indirect_dma source(%dma_start3A_734 : memref<1000000x16xf32, #tpu.memory_space<hbm>>) target(%dma_start3A_729 : memref<128x16xf32, #tpu.memory_space<vmem>>) offsets(%dma_start3A_731 : memref<128xi32, #tpu.memory_space<vmem>>) semaphore(%arg15 : memref<!tpu.dma_semaphore, #tpu.memory_space<semaphore_mem>>)
        %dma_start3A_735 = arith.constant 384 : i32
        %dma_start3A_736 = arith.constant 0 : i32
        %dma_start3A_737 = tpu.memref_slice %arg11[%dma_start3A_735, %dma_start3A_736] : memref<3200x16xf32, #tpu.memory_space<vmem>> -> memref<128x16xf32, #tpu.memory_space<vmem>>
        %dma_start3A_738 = arith.constant 384 : i32
        %dma_start3A_739 = tpu.memref_slice %arg9[%dma_start3A_738] : memref<3200xi32, #tpu.memory_space<vmem>> -> memref<128xi32, #tpu.memory_space<vmem>>
        %dma_start3A_740 = arith.constant 0 : i32
        %dma_start3A_741 = arith.constant 0 : i32
        %dma_start3A_742 = tpu.memref_slice %arg3[%dma_start3A_740, %dma_start3A_741] : memref<1000000x16xf32, #tpu.memory_space<hbm>> -> memref<1000000x16xf32, #tpu.memory_space<hbm>>
        tpu.enqueue_indirect_dma source(%dma_start3A_742 : memref<1000000x16xf32, #tpu.memory_space<hbm>>) target(%dma_start3A_737 : memref<128x16xf32, #tpu.memory_space<vmem>>) offsets(%dma_start3A_739 : memref<128xi32, #tpu.memory_space<vmem>>) semaphore(%arg15 : memref<!tpu.dma_semaphore, #tpu.memory_space<semaphore_mem>>)
        %dma_start3A_743 = arith.constant 512 : i32
        %dma_start3A_744 = arith.constant 0 : i32
        %dma_start3A_745 = tpu.memref_slice %arg11[%dma_start3A_743, %dma_start3A_744] : memref<3200x16xf32, #tpu.memory_space<vmem>> -> memref<128x16xf32, #tpu.memory_space<vmem>>
        %dma_start3A_746 = arith.constant 512 : i32
        %dma_start3A_747 = tpu.memref_slice %arg9[%dma_start3A_746] : memref<3200xi32, #tpu.memory_space<vmem>> -> memref<128xi32, #tpu.memory_space<vmem>>
        %dma_start3A_748 = arith.constant 0 : i32
        %dma_start3A_749 = arith.constant 0 : i32
        %dma_start3A_750 = tpu.memref_slice %arg3[%dma_start3A_748, %dma_start3A_749] : memref<1000000x16xf32, #tpu.memory_space<hbm>> -> memref<1000000x16xf32, #tpu.memory_space<hbm>>
        tpu.enqueue_indirect_dma source(%dma_start3A_750 : memref<1000000x16xf32, #tpu.memory_space<hbm>>) target(%dma_start3A_745 : memref<128x16xf32, #tpu.memory_space<vmem>>) offsets(%dma_start3A_747 : memref<128xi32, #tpu.memory_space<vmem>>) semaphore(%arg15 : memref<!tpu.dma_semaphore, #tpu.memory_space<semaphore_mem>>)
        %dma_start3A_751 = arith.constant 640 : i32
        %dma_start3A_752 = arith.constant 0 : i32
        %dma_start3A_753 = tpu.memref_slice %arg11[%dma_start3A_751, %dma_start3A_752] : memref<3200x16xf32, #tpu.memory_space<vmem>> -> memref<128x16xf32, #tpu.memory_space<vmem>>
        %dma_start3A_754 = arith.constant 640 : i32
        %dma_start3A_755 = tpu.memref_slice %arg9[%dma_start3A_754] : memref<3200xi32, #tpu.memory_space<vmem>> -> memref<128xi32, #tpu.memory_space<vmem>>
        %dma_start3A_756 = arith.constant 0 : i32
        %dma_start3A_757 = arith.constant 0 : i32
        %dma_start3A_758 = tpu.memref_slice %arg3[%dma_start3A_756, %dma_start3A_757] : memref<1000000x16xf32, #tpu.memory_space<hbm>> -> memref<1000000x16xf32, #tpu.memory_space<hbm>>
        tpu.enqueue_indirect_dma source(%dma_start3A_758 : memref<1000000x16xf32, #tpu.memory_space<hbm>>) target(%dma_start3A_753 : memref<128x16xf32, #tpu.memory_space<vmem>>) offsets(%dma_start3A_755 : memref<128xi32, #tpu.memory_space<vmem>>) semaphore(%arg15 : memref<!tpu.dma_semaphore, #tpu.memory_space<semaphore_mem>>)
        %dma_start3A_759 = arith.constant 768 : i32
        %dma_start3A_760 = arith.constant 0 : i32
        %dma_start3A_761 = tpu.memref_slice %arg11[%dma_start3A_759, %dma_start3A_760] : memref<3200x16xf32, #tpu.memory_space<vmem>> -> memref<128x16xf32, #tpu.memory_space<vmem>>
        %dma_start3A_762 = arith.constant 768 : i32
        %dma_start3A_763 = tpu.memref_slice %arg9[%dma_start3A_762] : memref<3200xi32, #tpu.memory_space<vmem>> -> memref<128xi32, #tpu.memory_space<vmem>>
        %dma_start3A_764 = arith.constant 0 : i32
        %dma_start3A_765 = arith.constant 0 : i32
        %dma_start3A_766 = tpu.memref_slice %arg3[%dma_start3A_764, %dma_start3A_765] : memref<1000000x16xf32, #tpu.memory_space<hbm>> -> memref<1000000x16xf32, #tpu.memory_space<hbm>>
        tpu.enqueue_indirect_dma source(%dma_start3A_766 : memref<1000000x16xf32, #tpu.memory_space<hbm>>) target(%dma_start3A_761 : memref<128x16xf32, #tpu.memory_space<vmem>>) offsets(%dma_start3A_763 : memref<128xi32, #tpu.memory_space<vmem>>) semaphore(%arg15 : memref<!tpu.dma_semaphore, #tpu.memory_space<semaphore_mem>>)
        %dma_start3A_767 = arith.constant 896 : i32
        %dma_start3A_768 = arith.constant 0 : i32
        %dma_start3A_769 = tpu.memref_slice %arg11[%dma_start3A_767, %dma_start3A_768] : memref<3200x16xf32, #tpu.memory_space<vmem>> -> memref<128x16xf32, #tpu.memory_space<vmem>>
        %dma_start3A_770 = arith.constant 896 : i32
        %dma_start3A_771 = tpu.memref_slice %arg9[%dma_start3A_770] : memref<3200xi32, #tpu.memory_space<vmem>> -> memref<128xi32, #tpu.memory_space<vmem>>
        %dma_start3A_772 = arith.constant 0 : i32
        %dma_start3A_773 = arith.constant 0 : i32
        %dma_start3A_774 = tpu.memref_slice %arg3[%dma_start3A_772, %dma_start3A_773] : memref<1000000x16xf32, #tpu.memory_space<hbm>> -> memref<1000000x16xf32, #tpu.memory_space<hbm>>
        tpu.enqueue_indirect_dma source(%dma_start3A_774 : memref<1000000x16xf32, #tpu.memory_space<hbm>>) target(%dma_start3A_769 : memref<128x16xf32, #tpu.memory_space<vmem>>) offsets(%dma_start3A_771 : memref<128xi32, #tpu.memory_space<vmem>>) semaphore(%arg15 : memref<!tpu.dma_semaphore, #tpu.memory_space<semaphore_mem>>)
        %dma_start3A_775 = arith.constant 1024 : i32
        %dma_start3A_776 = arith.constant 0 : i32
        %dma_start3A_777 = tpu.memref_slice %arg11[%dma_start3A_775, %dma_start3A_776] : memref<3200x16xf32, #tpu.memory_space<vmem>> -> memref<128x16xf32, #tpu.memory_space<vmem>>
        %dma_start3A_778 = arith.constant 1024 : i32
        %dma_start3A_779 = tpu.memref_slice %arg9[%dma_start3A_778] : memref<3200xi32, #tpu.memory_space<vmem>> -> memref<128xi32, #tpu.memory_space<vmem>>
        %dma_start3A_780 = arith.constant 0 : i32
        %dma_start3A_781 = arith.constant 0 : i32
        %dma_start3A_782 = tpu.memref_slice %arg3[%dma_start3A_780, %dma_start3A_781] : memref<1000000x16xf32, #tpu.memory_space<hbm>> -> memref<1000000x16xf32, #tpu.memory_space<hbm>>
        tpu.enqueue_indirect_dma source(%dma_start3A_782 : memref<1000000x16xf32, #tpu.memory_space<hbm>>) target(%dma_start3A_777 : memref<128x16xf32, #tpu.memory_space<vmem>>) offsets(%dma_start3A_779 : memref<128xi32, #tpu.memory_space<vmem>>) semaphore(%arg15 : memref<!tpu.dma_semaphore, #tpu.memory_space<semaphore_mem>>)
        %dma_start3A_783 = arith.constant 1152 : i32
        %dma_start3A_784 = arith.constant 0 : i32
        %dma_start3A_785 = tpu.memref_slice %arg11[%dma_start3A_783, %dma_start3A_784] : memref<3200x16xf32, #tpu.memory_space<vmem>> -> memref<128x16xf32, #tpu.memory_space<vmem>>
        %dma_start3A_786 = arith.constant 1152 : i32
        %dma_start3A_787 = tpu.memref_slice %arg9[%dma_start3A_786] : memref<3200xi32, #tpu.memory_space<vmem>> -> memref<128xi32, #tpu.memory_space<vmem>>
        %dma_start3A_788 = arith.constant 0 : i32
        %dma_start3A_789 = arith.constant 0 : i32
        %dma_start3A_790 = tpu.memref_slice %arg3[%dma_start3A_788, %dma_start3A_789] : memref<1000000x16xf32, #tpu.memory_space<hbm>> -> memref<1000000x16xf32, #tpu.memory_space<hbm>>
        tpu.enqueue_indirect_dma source(%dma_start3A_790 : memref<1000000x16xf32, #tpu.memory_space<hbm>>) target(%dma_start3A_785 : memref<128x16xf32, #tpu.memory_space<vmem>>) offsets(%dma_start3A_787 : memref<128xi32, #tpu.memory_space<vmem>>) semaphore(%arg15 : memref<!tpu.dma_semaphore, #tpu.memory_space<semaphore_mem>>)
        %dma_start3A_791 = arith.constant 1280 : i32
        %dma_start3A_792 = arith.constant 0 : i32
        %dma_start3A_793 = tpu.memref_slice %arg11[%dma_start3A_791, %dma_start3A_792] : memref<3200x16xf32, #tpu.memory_space<vmem>> -> memref<128x16xf32, #tpu.memory_space<vmem>>
        %dma_start3A_794 = arith.constant 1280 : i32
        %dma_start3A_795 = tpu.memref_slice %arg9[%dma_start3A_794] : memref<3200xi32, #tpu.memory_space<vmem>> -> memref<128xi32, #tpu.memory_space<vmem>>
        %dma_start3A_796 = arith.constant 0 : i32
        %dma_start3A_797 = arith.constant 0 : i32
        %dma_start3A_798 = tpu.memref_slice %arg3[%dma_start3A_796, %dma_start3A_797] : memref<1000000x16xf32, #tpu.memory_space<hbm>> -> memref<1000000x16xf32, #tpu.memory_space<hbm>>
        tpu.enqueue_indirect_dma source(%dma_start3A_798 : memref<1000000x16xf32, #tpu.memory_space<hbm>>) target(%dma_start3A_793 : memref<128x16xf32, #tpu.memory_space<vmem>>) offsets(%dma_start3A_795 : memref<128xi32, #tpu.memory_space<vmem>>) semaphore(%arg15 : memref<!tpu.dma_semaphore, #tpu.memory_space<semaphore_mem>>)
        %dma_start3A_799 = arith.constant 1408 : i32
        %dma_start3A_800 = arith.constant 0 : i32
        %dma_start3A_801 = tpu.memref_slice %arg11[%dma_start3A_799, %dma_start3A_800] : memref<3200x16xf32, #tpu.memory_space<vmem>> -> memref<128x16xf32, #tpu.memory_space<vmem>>
        %dma_start3A_802 = arith.constant 1408 : i32
        %dma_start3A_803 = tpu.memref_slice %arg9[%dma_start3A_802] : memref<3200xi32, #tpu.memory_space<vmem>> -> memref<128xi32, #tpu.memory_space<vmem>>
        %dma_start3A_804 = arith.constant 0 : i32
        %dma_start3A_805 = arith.constant 0 : i32
        %dma_start3A_806 = tpu.memref_slice %arg3[%dma_start3A_804, %dma_start3A_805] : memref<1000000x16xf32, #tpu.memory_space<hbm>> -> memref<1000000x16xf32, #tpu.memory_space<hbm>>
        tpu.enqueue_indirect_dma source(%dma_start3A_806 : memref<1000000x16xf32, #tpu.memory_space<hbm>>) target(%dma_start3A_801 : memref<128x16xf32, #tpu.memory_space<vmem>>) offsets(%dma_start3A_803 : memref<128xi32, #tpu.memory_space<vmem>>) semaphore(%arg15 : memref<!tpu.dma_semaphore, #tpu.memory_space<semaphore_mem>>)
        %dma_start3A_807 = arith.constant 1536 : i32
        %dma_start3A_808 = arith.constant 0 : i32
        %dma_start3A_809 = tpu.memref_slice %arg11[%dma_start3A_807, %dma_start3A_808] : memref<3200x16xf32, #tpu.memory_space<vmem>> -> memref<128x16xf32, #tpu.memory_space<vmem>>
        %dma_start3A_810 = arith.constant 1536 : i32
        %dma_start3A_811 = tpu.memref_slice %arg9[%dma_start3A_810] : memref<3200xi32, #tpu.memory_space<vmem>> -> memref<128xi32, #tpu.memory_space<vmem>>
        %dma_start3A_812 = arith.constant 0 : i32
        %dma_start3A_813 = arith.constant 0 : i32
        %dma_start3A_814 = tpu.memref_slice %arg3[%dma_start3A_812, %dma_start3A_813] : memref<1000000x16xf32, #tpu.memory_space<hbm>> -> memref<1000000x16xf32, #tpu.memory_space<hbm>>
        tpu.enqueue_indirect_dma source(%dma_start3A_814 : memref<1000000x16xf32, #tpu.memory_space<hbm>>) target(%dma_start3A_809 : memref<128x16xf32, #tpu.memory_space<vmem>>) offsets(%dma_start3A_811 : memref<128xi32, #tpu.memory_space<vmem>>) semaphore(%arg15 : memref<!tpu.dma_semaphore, #tpu.memory_space<semaphore_mem>>)
        %dma_start3A_815 = arith.constant 1664 : i32
        %dma_start3A_816 = arith.constant 0 : i32
        %dma_start3A_817 = tpu.memref_slice %arg11[%dma_start3A_815, %dma_start3A_816] : memref<3200x16xf32, #tpu.memory_space<vmem>> -> memref<128x16xf32, #tpu.memory_space<vmem>>
        %dma_start3A_818 = arith.constant 1664 : i32
        %dma_start3A_819 = tpu.memref_slice %arg9[%dma_start3A_818] : memref<3200xi32, #tpu.memory_space<vmem>> -> memref<128xi32, #tpu.memory_space<vmem>>
        %dma_start3A_820 = arith.constant 0 : i32
        %dma_start3A_821 = arith.constant 0 : i32
        %dma_start3A_822 = tpu.memref_slice %arg3[%dma_start3A_820, %dma_start3A_821] : memref<1000000x16xf32, #tpu.memory_space<hbm>> -> memref<1000000x16xf32, #tpu.memory_space<hbm>>
        tpu.enqueue_indirect_dma source(%dma_start3A_822 : memref<1000000x16xf32, #tpu.memory_space<hbm>>) target(%dma_start3A_817 : memref<128x16xf32, #tpu.memory_space<vmem>>) offsets(%dma_start3A_819 : memref<128xi32, #tpu.memory_space<vmem>>) semaphore(%arg15 : memref<!tpu.dma_semaphore, #tpu.memory_space<semaphore_mem>>)
        %dma_start3A_823 = arith.constant 1792 : i32
        %dma_start3A_824 = arith.constant 0 : i32
        %dma_start3A_825 = tpu.memref_slice %arg11[%dma_start3A_823, %dma_start3A_824] : memref<3200x16xf32, #tpu.memory_space<vmem>> -> memref<128x16xf32, #tpu.memory_space<vmem>>
        %dma_start3A_826 = arith.constant 1792 : i32
        %dma_start3A_827 = tpu.memref_slice %arg9[%dma_start3A_826] : memref<3200xi32, #tpu.memory_space<vmem>> -> memref<128xi32, #tpu.memory_space<vmem>>
        %dma_start3A_828 = arith.constant 0 : i32
        %dma_start3A_829 = arith.constant 0 : i32
        %dma_start3A_830 = tpu.memref_slice %arg3[%dma_start3A_828, %dma_start3A_829] : memref<1000000x16xf32, #tpu.memory_space<hbm>> -> memref<1000000x16xf32, #tpu.memory_space<hbm>>
        tpu.enqueue_indirect_dma source(%dma_start3A_830 : memref<1000000x16xf32, #tpu.memory_space<hbm>>) target(%dma_start3A_825 : memref<128x16xf32, #tpu.memory_space<vmem>>) offsets(%dma_start3A_827 : memref<128xi32, #tpu.memory_space<vmem>>) semaphore(%arg15 : memref<!tpu.dma_semaphore, #tpu.memory_space<semaphore_mem>>)
        %dma_start3A_831 = arith.constant 1920 : i32
        %dma_start3A_832 = arith.constant 0 : i32
        %dma_start3A_833 = tpu.memref_slice %arg11[%dma_start3A_831, %dma_start3A_832] : memref<3200x16xf32, #tpu.memory_space<vmem>> -> memref<128x16xf32, #tpu.memory_space<vmem>>
        %dma_start3A_834 = arith.constant 1920 : i32
        %dma_start3A_835 = tpu.memref_slice %arg9[%dma_start3A_834] : memref<3200xi32, #tpu.memory_space<vmem>> -> memref<128xi32, #tpu.memory_space<vmem>>
        %dma_start3A_836 = arith.constant 0 : i32
        %dma_start3A_837 = arith.constant 0 : i32
        %dma_start3A_838 = tpu.memref_slice %arg3[%dma_start3A_836, %dma_start3A_837] : memref<1000000x16xf32, #tpu.memory_space<hbm>> -> memref<1000000x16xf32, #tpu.memory_space<hbm>>
        tpu.enqueue_indirect_dma source(%dma_start3A_838 : memref<1000000x16xf32, #tpu.memory_space<hbm>>) target(%dma_start3A_833 : memref<128x16xf32, #tpu.memory_space<vmem>>) offsets(%dma_start3A_835 : memref<128xi32, #tpu.memory_space<vmem>>) semaphore(%arg15 : memref<!tpu.dma_semaphore, #tpu.memory_space<semaphore_mem>>)
        %dma_start3A_839 = arith.constant 2048 : i32
        %dma_start3A_840 = arith.constant 0 : i32
        %dma_start3A_841 = tpu.memref_slice %arg11[%dma_start3A_839, %dma_start3A_840] : memref<3200x16xf32, #tpu.memory_space<vmem>> -> memref<128x16xf32, #tpu.memory_space<vmem>>
        %dma_start3A_842 = arith.constant 2048 : i32
        %dma_start3A_843 = tpu.memref_slice %arg9[%dma_start3A_842] : memref<3200xi32, #tpu.memory_space<vmem>> -> memref<128xi32, #tpu.memory_space<vmem>>
        %dma_start3A_844 = arith.constant 0 : i32
        %dma_start3A_845 = arith.constant 0 : i32
        %dma_start3A_846 = tpu.memref_slice %arg3[%dma_start3A_844, %dma_start3A_845] : memref<1000000x16xf32, #tpu.memory_space<hbm>> -> memref<1000000x16xf32, #tpu.memory_space<hbm>>
        tpu.enqueue_indirect_dma source(%dma_start3A_846 : memref<1000000x16xf32, #tpu.memory_space<hbm>>) target(%dma_start3A_841 : memref<128x16xf32, #tpu.memory_space<vmem>>) offsets(%dma_start3A_843 : memref<128xi32, #tpu.memory_space<vmem>>) semaphore(%arg15 : memref<!tpu.dma_semaphore, #tpu.memory_space<semaphore_mem>>)
        %dma_start3A_847 = arith.constant 2176 : i32
        %dma_start3A_848 = arith.constant 0 : i32
        %dma_start3A_849 = tpu.memref_slice %arg11[%dma_start3A_847, %dma_start3A_848] : memref<3200x16xf32, #tpu.memory_space<vmem>> -> memref<128x16xf32, #tpu.memory_space<vmem>>
        %dma_start3A_850 = arith.constant 2176 : i32
        %dma_start3A_851 = tpu.memref_slice %arg9[%dma_start3A_850] : memref<3200xi32, #tpu.memory_space<vmem>> -> memref<128xi32, #tpu.memory_space<vmem>>
        %dma_start3A_852 = arith.constant 0 : i32
        %dma_start3A_853 = arith.constant 0 : i32
        %dma_start3A_854 = tpu.memref_slice %arg3[%dma_start3A_852, %dma_start3A_853] : memref<1000000x16xf32, #tpu.memory_space<hbm>> -> memref<1000000x16xf32, #tpu.memory_space<hbm>>
        tpu.enqueue_indirect_dma source(%dma_start3A_854 : memref<1000000x16xf32, #tpu.memory_space<hbm>>) target(%dma_start3A_849 : memref<128x16xf32, #tpu.memory_space<vmem>>) offsets(%dma_start3A_851 : memref<128xi32, #tpu.memory_space<vmem>>) semaphore(%arg15 : memref<!tpu.dma_semaphore, #tpu.memory_space<semaphore_mem>>)
        %dma_start3A_855 = arith.constant 2304 : i32
        %dma_start3A_856 = arith.constant 0 : i32
        %dma_start3A_857 = tpu.memref_slice %arg11[%dma_start3A_855, %dma_start3A_856] : memref<3200x16xf32, #tpu.memory_space<vmem>> -> memref<128x16xf32, #tpu.memory_space<vmem>>
        %dma_start3A_858 = arith.constant 2304 : i32
        %dma_start3A_859 = tpu.memref_slice %arg9[%dma_start3A_858] : memref<3200xi32, #tpu.memory_space<vmem>> -> memref<128xi32, #tpu.memory_space<vmem>>
        %dma_start3A_860 = arith.constant 0 : i32
        %dma_start3A_861 = arith.constant 0 : i32
        %dma_start3A_862 = tpu.memref_slice %arg3[%dma_start3A_860, %dma_start3A_861] : memref<1000000x16xf32, #tpu.memory_space<hbm>> -> memref<1000000x16xf32, #tpu.memory_space<hbm>>
        tpu.enqueue_indirect_dma source(%dma_start3A_862 : memref<1000000x16xf32, #tpu.memory_space<hbm>>) target(%dma_start3A_857 : memref<128x16xf32, #tpu.memory_space<vmem>>) offsets(%dma_start3A_859 : memref<128xi32, #tpu.memory_space<vmem>>) semaphore(%arg15 : memref<!tpu.dma_semaphore, #tpu.memory_space<semaphore_mem>>)
        %dma_start3A_863 = arith.constant 2432 : i32
        %dma_start3A_864 = arith.constant 0 : i32
        %dma_start3A_865 = tpu.memref_slice %arg11[%dma_start3A_863, %dma_start3A_864] : memref<3200x16xf32, #tpu.memory_space<vmem>> -> memref<128x16xf32, #tpu.memory_space<vmem>>
        %dma_start3A_866 = arith.constant 2432 : i32
        %dma_start3A_867 = tpu.memref_slice %arg9[%dma_start3A_866] : memref<3200xi32, #tpu.memory_space<vmem>> -> memref<128xi32, #tpu.memory_space<vmem>>
        %dma_start3A_868 = arith.constant 0 : i32
        %dma_start3A_869 = arith.constant 0 : i32
        %dma_start3A_870 = tpu.memref_slice %arg3[%dma_start3A_868, %dma_start3A_869] : memref<1000000x16xf32, #tpu.memory_space<hbm>> -> memref<1000000x16xf32, #tpu.memory_space<hbm>>
        tpu.enqueue_indirect_dma source(%dma_start3A_870 : memref<1000000x16xf32, #tpu.memory_space<hbm>>) target(%dma_start3A_865 : memref<128x16xf32, #tpu.memory_space<vmem>>) offsets(%dma_start3A_867 : memref<128xi32, #tpu.memory_space<vmem>>) semaphore(%arg15 : memref<!tpu.dma_semaphore, #tpu.memory_space<semaphore_mem>>)
        %dma_start3A_871 = arith.constant 2560 : i32
        %dma_start3A_872 = arith.constant 0 : i32
        %dma_start3A_873 = tpu.memref_slice %arg11[%dma_start3A_871, %dma_start3A_872] : memref<3200x16xf32, #tpu.memory_space<vmem>> -> memref<128x16xf32, #tpu.memory_space<vmem>>
        %dma_start3A_874 = arith.constant 2560 : i32
        %dma_start3A_875 = tpu.memref_slice %arg9[%dma_start3A_874] : memref<3200xi32, #tpu.memory_space<vmem>> -> memref<128xi32, #tpu.memory_space<vmem>>
        %dma_start3A_876 = arith.constant 0 : i32
        %dma_start3A_877 = arith.constant 0 : i32
        %dma_start3A_878 = tpu.memref_slice %arg3[%dma_start3A_876, %dma_start3A_877] : memref<1000000x16xf32, #tpu.memory_space<hbm>> -> memref<1000000x16xf32, #tpu.memory_space<hbm>>
        tpu.enqueue_indirect_dma source(%dma_start3A_878 : memref<1000000x16xf32, #tpu.memory_space<hbm>>) target(%dma_start3A_873 : memref<128x16xf32, #tpu.memory_space<vmem>>) offsets(%dma_start3A_875 : memref<128xi32, #tpu.memory_space<vmem>>) semaphore(%arg15 : memref<!tpu.dma_semaphore, #tpu.memory_space<semaphore_mem>>)
        %dma_start3A_879 = arith.constant 2688 : i32
        %dma_start3A_880 = arith.constant 0 : i32
        %dma_start3A_881 = tpu.memref_slice %arg11[%dma_start3A_879, %dma_start3A_880] : memref<3200x16xf32, #tpu.memory_space<vmem>> -> memref<128x16xf32, #tpu.memory_space<vmem>>
        %dma_start3A_882 = arith.constant 2688 : i32
        %dma_start3A_883 = tpu.memref_slice %arg9[%dma_start3A_882] : memref<3200xi32, #tpu.memory_space<vmem>> -> memref<128xi32, #tpu.memory_space<vmem>>
        %dma_start3A_884 = arith.constant 0 : i32
        %dma_start3A_885 = arith.constant 0 : i32
        %dma_start3A_886 = tpu.memref_slice %arg3[%dma_start3A_884, %dma_start3A_885] : memref<1000000x16xf32, #tpu.memory_space<hbm>> -> memref<1000000x16xf32, #tpu.memory_space<hbm>>
        tpu.enqueue_indirect_dma source(%dma_start3A_886 : memref<1000000x16xf32, #tpu.memory_space<hbm>>) target(%dma_start3A_881 : memref<128x16xf32, #tpu.memory_space<vmem>>) offsets(%dma_start3A_883 : memref<128xi32, #tpu.memory_space<vmem>>) semaphore(%arg15 : memref<!tpu.dma_semaphore, #tpu.memory_space<semaphore_mem>>)
        %dma_start3A_887 = arith.constant 2816 : i32
        %dma_start3A_888 = arith.constant 0 : i32
        %dma_start3A_889 = tpu.memref_slice %arg11[%dma_start3A_887, %dma_start3A_888] : memref<3200x16xf32, #tpu.memory_space<vmem>> -> memref<128x16xf32, #tpu.memory_space<vmem>>
        %dma_start3A_890 = arith.constant 2816 : i32
        %dma_start3A_891 = tpu.memref_slice %arg9[%dma_start3A_890] : memref<3200xi32, #tpu.memory_space<vmem>> -> memref<128xi32, #tpu.memory_space<vmem>>
        %dma_start3A_892 = arith.constant 0 : i32
        %dma_start3A_893 = arith.constant 0 : i32
        %dma_start3A_894 = tpu.memref_slice %arg3[%dma_start3A_892, %dma_start3A_893] : memref<1000000x16xf32, #tpu.memory_space<hbm>> -> memref<1000000x16xf32, #tpu.memory_space<hbm>>
        tpu.enqueue_indirect_dma source(%dma_start3A_894 : memref<1000000x16xf32, #tpu.memory_space<hbm>>) target(%dma_start3A_889 : memref<128x16xf32, #tpu.memory_space<vmem>>) offsets(%dma_start3A_891 : memref<128xi32, #tpu.memory_space<vmem>>) semaphore(%arg15 : memref<!tpu.dma_semaphore, #tpu.memory_space<semaphore_mem>>)
        %dma_start3A_895 = arith.constant 2944 : i32
        %dma_start3A_896 = arith.constant 0 : i32
        %dma_start3A_897 = tpu.memref_slice %arg11[%dma_start3A_895, %dma_start3A_896] : memref<3200x16xf32, #tpu.memory_space<vmem>> -> memref<128x16xf32, #tpu.memory_space<vmem>>
        %dma_start3A_898 = arith.constant 2944 : i32
        %dma_start3A_899 = tpu.memref_slice %arg9[%dma_start3A_898] : memref<3200xi32, #tpu.memory_space<vmem>> -> memref<128xi32, #tpu.memory_space<vmem>>
        %dma_start3A_900 = arith.constant 0 : i32
        %dma_start3A_901 = arith.constant 0 : i32
        %dma_start3A_902 = tpu.memref_slice %arg3[%dma_start3A_900, %dma_start3A_901] : memref<1000000x16xf32, #tpu.memory_space<hbm>> -> memref<1000000x16xf32, #tpu.memory_space<hbm>>
        tpu.enqueue_indirect_dma source(%dma_start3A_902 : memref<1000000x16xf32, #tpu.memory_space<hbm>>) target(%dma_start3A_897 : memref<128x16xf32, #tpu.memory_space<vmem>>) offsets(%dma_start3A_899 : memref<128xi32, #tpu.memory_space<vmem>>) semaphore(%arg15 : memref<!tpu.dma_semaphore, #tpu.memory_space<semaphore_mem>>)
        %dma_start3A_903 = arith.constant 3072 : i32
        %dma_start3A_904 = arith.constant 0 : i32
        %dma_start3A_905 = tpu.memref_slice %arg11[%dma_start3A_903, %dma_start3A_904] : memref<3200x16xf32, #tpu.memory_space<vmem>> -> memref<128x16xf32, #tpu.memory_space<vmem>>
        %dma_start3A_906 = arith.constant 3072 : i32
        %dma_start3A_907 = tpu.memref_slice %arg9[%dma_start3A_906] : memref<3200xi32, #tpu.memory_space<vmem>> -> memref<128xi32, #tpu.memory_space<vmem>>
        %dma_start3A_908 = arith.constant 0 : i32
        %dma_start3A_909 = arith.constant 0 : i32
        %dma_start3A_910 = tpu.memref_slice %arg3[%dma_start3A_908, %dma_start3A_909] : memref<1000000x16xf32, #tpu.memory_space<hbm>> -> memref<1000000x16xf32, #tpu.memory_space<hbm>>
        tpu.enqueue_indirect_dma source(%dma_start3A_910 : memref<1000000x16xf32, #tpu.memory_space<hbm>>) target(%dma_start3A_905 : memref<128x16xf32, #tpu.memory_space<vmem>>) offsets(%dma_start3A_907 : memref<128xi32, #tpu.memory_space<vmem>>) semaphore(%arg15 : memref<!tpu.dma_semaphore, #tpu.memory_space<semaphore_mem>>)
      } else {
      }
      %dma_wait3A = arith.constant 0 : i32
      %dma_wait3A_243 = arith.constant 0 : i32
      %dma_wait3A_244 = tpu.memref_slice %arg3[%dma_wait3A, %dma_wait3A_243] : memref<1000000x16xf32, #tpu.memory_space<hbm>> -> memref<3200x16xf32, #tpu.memory_space<hbm>>
      %dma_wait3A_245 = arith.constant 0 : i32
      %dma_wait3A_246 = arith.constant 0 : i32
      %dma_wait3A_247 = tpu.memref_slice %arg3[%dma_wait3A_245, %dma_wait3A_246] : memref<1000000x16xf32, #tpu.memory_space<hbm>> -> memref<3200x16xf32, #tpu.memory_space<hbm>>
      tpu.wait_dma2 semaphore(%arg14 : memref<!tpu.dma_semaphore, #tpu.memory_space<semaphore_mem>>) src(%dma_wait3A_247 : memref<3200x16xf32, #tpu.memory_space<hbm>>) dst(%arg10 : memref<3200x16xf32, #tpu.memory_space<vmem>>)
      %add3A_248 = arith.constant 1 : i32
      %add3A_249 = arith.addi %add3A_239, %add3A_248 : i32
      %lt3A_250 = arith.constant 32 : i32
      %lt3A_251 = arith.cmpi slt, %add3A_249, %lt3A_250 : i32
      %convert_element_type3A_252 = arith.extui %lt3A_251 : i1 to i32
      %cond3A_253 = arith.constant 0 : i32
      %cond3A_254 = arith.cmpi ne, %convert_element_type3A_252, %cond3A_253 : i32
      scf.if %cond3A_254 {
        %add3A_695 = arith.constant 1 : i32
        %add3A_696 = arith.addi %add3A_239, %add3A_695 : i32
        %add3A_697 = arith.addi %mul3A_2, %add3A_696 : i32
        %mul3A_698 = arith.constant 16 : i32
        %mul3A_699 = arith.muli %add3A_697, %mul3A_698 : i32
        %dma_start3A_700 = arith.constant 0 : i32
        %dma_start3A_701 = tpu.memref_slice %arg2[%dma_start3A_700, %mul3A_699] : memref<200x16384xi32, #tpu.memory_space<hbm>> -> memref<200x16xi32, #tpu.memory_space<hbm>>
        %dma_start3A_702 = arith.constant 0 : i32
        %dma_start3A_703 = tpu.memref_slice %arg2[%dma_start3A_702, %mul3A_699] : memref<200x16384xi32, #tpu.memory_space<hbm>> -> memref<200x16xi32, #tpu.memory_space<hbm>>
        tpu.enqueue_dma source(%dma_start3A_703 : memref<200x16xi32, #tpu.memory_space<hbm>>) target(%arg6 : memref<200x16xi32, #tpu.memory_space<vmem>>) target_semaphore(%arg16 : memref<!tpu.dma_semaphore, #tpu.memory_space<semaphore_mem>>)
      } else {
      }
      %scan3A_255 = arith.constant 0 : i32
      %scan3A_256 = arith.constant 25 : i32
      %scan3A_257 = arith.addi %scan3A_255, %scan3A_256 : i32
      %scan3A_258 = arith.constant 1 : i32
      %scan3A_259:8 = scf.for %scan3A_695 = %scan3A_255 to %scan3A_257 step %scan3A_258 iter_args(%scan3A_696 = %broadcast_in_dim3A_220, %scan3A_697 = %broadcast_in_dim3A_220, %scan3A_698 = %broadcast_in_dim3A_220, %scan3A_699 = %broadcast_in_dim3A_220, %scan3A_700 = %broadcast_in_dim3A_220, %scan3A_701 = %broadcast_in_dim3A_220, %scan3A_702 = %broadcast_in_dim3A_220, %scan3A_703 = %broadcast_in_dim3A_220) -> (vector<16xf32>, vector<16xf32>, vector<16xf32>, vector<16xf32>, vector<16xf32>, vector<16xf32>, vector<16xf32>, vector<16xf32>)  : i32 {
        %mul3A_704 = arith.constant 8 : i32
        %mul3A_705 = arith.muli %scan3A_695, %mul3A_704 : i32
        %add3A_706 = arith.constant 0 : i32
        %add3A_707 = arith.addi %add3A_706, %mul3A_705 : i32
        %add3A_708 = arith.constant 0 : i32
        %add3A_709 = arith.addi %add3A_707, %add3A_708 : i32
        %get3A_710 = arith.index_cast %add3A_709 : i32 to index
        %get3A_711 = arith.constant 0 : index
        %get3A_712 = tpu.vector_load %arg10[%get3A_710, %get3A_711] {strides = array<i32>} : memref<3200x16xf32, #tpu.memory_space<vmem>>, vector<16xf32>,
        %add3A_713 = arith.addf %scan3A_696, %get3A_712 : vector<16xf32>
        %mul3A_714 = arith.constant 8 : i32
        %mul3A_715 = arith.muli %scan3A_695, %mul3A_714 : i32
        %add3A_716 = arith.constant 200 : i32
        %add3A_717 = arith.addi %add3A_716, %mul3A_715 : i32
        %add3A_718 = arith.constant 0 : i32
        %add3A_719 = arith.addi %add3A_717, %add3A_718 : i32
        %get3A_720 = arith.index_cast %add3A_719 : i32 to index
        %get3A_721 = arith.constant 0 : index
        %get3A_722 = tpu.vector_load %arg10[%get3A_720, %get3A_721] {strides = array<i32>} : memref<3200x16xf32, #tpu.memory_space<vmem>>, vector<16xf32>,
        %add3A_723 = arith.addf %scan3A_700, %get3A_722 : vector<16xf32>
        %mul3A_724 = arith.constant 8 : i32
        %mul3A_725 = arith.muli %scan3A_695, %mul3A_724 : i32
        %add3A_726 = arith.constant 0 : i32
        %add3A_727 = arith.addi %add3A_726, %mul3A_725 : i32
        %add3A_728 = arith.constant 1 : i32
        %add3A_729 = arith.addi %add3A_727, %add3A_728 : i32
        %get3A_730 = arith.index_cast %add3A_729 : i32 to index
        %get3A_731 = arith.constant 0 : index
        %get3A_732 = tpu.vector_load %arg10[%get3A_730, %get3A_731] {strides = array<i32>} : memref<3200x16xf32, #tpu.memory_space<vmem>>, vector<16xf32>,
        %add3A_733 = arith.addf %scan3A_697, %get3A_732 : vector<16xf32>
        %mul3A_734 = arith.constant 8 : i32
        %mul3A_735 = arith.muli %scan3A_695, %mul3A_734 : i32
        %add3A_736 = arith.constant 200 : i32
        %add3A_737 = arith.addi %add3A_736, %mul3A_735 : i32
        %add3A_738 = arith.constant 1 : i32
        %add3A_739 = arith.addi %add3A_737, %add3A_738 : i32
        %get3A_740 = arith.index_cast %add3A_739 : i32 to index
        %get3A_741 = arith.constant 0 : index
        %get3A_742 = tpu.vector_load %arg10[%get3A_740, %get3A_741] {strides = array<i32>} : memref<3200x16xf32, #tpu.memory_space<vmem>>, vector<16xf32>,
        %add3A_743 = arith.addf %scan3A_701, %get3A_742 : vector<16xf32>
        %mul3A_744 = arith.constant 8 : i32
        %mul3A_745 = arith.muli %scan3A_695, %mul3A_744 : i32
        %add3A_746 = arith.constant 0 : i32
        %add3A_747 = arith.addi %add3A_746, %mul3A_745 : i32
        %add3A_748 = arith.constant 2 : i32
        %add3A_749 = arith.addi %add3A_747, %add3A_748 : i32
        %get3A_750 = arith.index_cast %add3A_749 : i32 to index
        %get3A_751 = arith.constant 0 : index
        %get3A_752 = tpu.vector_load %arg10[%get3A_750, %get3A_751] {strides = array<i32>} : memref<3200x16xf32, #tpu.memory_space<vmem>>, vector<16xf32>,
        %add3A_753 = arith.addf %scan3A_698, %get3A_752 : vector<16xf32>
        %mul3A_754 = arith.constant 8 : i32
        %mul3A_755 = arith.muli %scan3A_695, %mul3A_754 : i32
        %add3A_756 = arith.constant 200 : i32
        %add3A_757 = arith.addi %add3A_756, %mul3A_755 : i32
        %add3A_758 = arith.constant 2 : i32
        %add3A_759 = arith.addi %add3A_757, %add3A_758 : i32
        %get3A_760 = arith.index_cast %add3A_759 : i32 to index
        %get3A_761 = arith.constant 0 : index
        %get3A_762 = tpu.vector_load %arg10[%get3A_760, %get3A_761] {strides = array<i32>} : memref<3200x16xf32, #tpu.memory_space<vmem>>, vector<16xf32>,
        %add3A_763 = arith.addf %scan3A_702, %get3A_762 : vector<16xf32>
        %mul3A_764 = arith.constant 8 : i32
        %mul3A_765 = arith.muli %scan3A_695, %mul3A_764 : i32
        %add3A_766 = arith.constant 0 : i32
        %add3A_767 = arith.addi %add3A_766, %mul3A_765 : i32
        %add3A_768 = arith.constant 3 : i32
        %add3A_769 = arith.addi %add3A_767, %add3A_768 : i32
        %get3A_770 = arith.index_cast %add3A_769 : i32 to index
        %get3A_771 = arith.constant 0 : index
        %get3A_772 = tpu.vector_load %arg10[%get3A_770, %get3A_771] {strides = array<i32>} : memref<3200x16xf32, #tpu.memory_space<vmem>>, vector<16xf32>,
        %add3A_773 = arith.addf %scan3A_699, %get3A_772 : vector<16xf32>
        %mul3A_774 = arith.constant 8 : i32
        %mul3A_775 = arith.muli %scan3A_695, %mul3A_774 : i32
        %add3A_776 = arith.constant 200 : i32
        %add3A_777 = arith.addi %add3A_776, %mul3A_775 : i32
        %add3A_778 = arith.constant 3 : i32
        %add3A_779 = arith.addi %add3A_777, %add3A_778 : i32
        %get3A_780 = arith.index_cast %add3A_779 : i32 to index
        %get3A_781 = arith.constant 0 : index
        %get3A_782 = tpu.vector_load %arg10[%get3A_780, %get3A_781] {strides = array<i32>} : memref<3200x16xf32, #tpu.memory_space<vmem>>, vector<16xf32>,
        %add3A_783 = arith.addf %scan3A_703, %get3A_782 : vector<16xf32>
        %mul3A_784 = arith.constant 8 : i32
        %mul3A_785 = arith.muli %scan3A_695, %mul3A_784 : i32
        %add3A_786 = arith.constant 0 : i32
        %add3A_787 = arith.addi %add3A_786, %mul3A_785 : i32
        %add3A_788 = arith.constant 4 : i32
        %add3A_789 = arith.addi %add3A_787, %add3A_788 : i32
        %get3A_790 = arith.index_cast %add3A_789 : i32 to index
        %get3A_791 = arith.constant 0 : index
        %get3A_792 = tpu.vector_load %arg10[%get3A_790, %get3A_791] {strides = array<i32>} : memref<3200x16xf32, #tpu.memory_space<vmem>>, vector<16xf32>,
        %add3A_793 = arith.addf %add3A_713, %get3A_792 : vector<16xf32>
        %mul3A_794 = arith.constant 8 : i32
        %mul3A_795 = arith.muli %scan3A_695, %mul3A_794 : i32
        %add3A_796 = arith.constant 200 : i32
        %add3A_797 = arith.addi %add3A_796, %mul3A_795 : i32
        %add3A_798 = arith.constant 4 : i32
        %add3A_799 = arith.addi %add3A_797, %add3A_798 : i32
        %get3A_800 = arith.index_cast %add3A_799 : i32 to index
        %get3A_801 = arith.constant 0 : index
        %get3A_802 = tpu.vector_load %arg10[%get3A_800, %get3A_801] {strides = array<i32>} : memref<3200x16xf32, #tpu.memory_space<vmem>>, vector<16xf32>,
        %add3A_803 = arith.addf %add3A_723, %get3A_802 : vector<16xf32>
        %mul3A_804 = arith.constant 8 : i32
        %mul3A_805 = arith.muli %scan3A_695, %mul3A_804 : i32
        %add3A_806 = arith.constant 0 : i32
        %add3A_807 = arith.addi %add3A_806, %mul3A_805 : i32
        %add3A_808 = arith.constant 5 : i32
        %add3A_809 = arith.addi %add3A_807, %add3A_808 : i32
        %get3A_810 = arith.index_cast %add3A_809 : i32 to index
        %get3A_811 = arith.constant 0 : index
        %get3A_812 = tpu.vector_load %arg10[%get3A_810, %get3A_811] {strides = array<i32>} : memref<3200x16xf32, #tpu.memory_space<vmem>>, vector<16xf32>,
        %add3A_813 = arith.addf %add3A_733, %get3A_812 : vector<16xf32>
        %mul3A_814 = arith.constant 8 : i32
        %mul3A_815 = arith.muli %scan3A_695, %mul3A_814 : i32
        %add3A_816 = arith.constant 200 : i32
        %add3A_817 = arith.addi %add3A_816, %mul3A_815 : i32
        %add3A_818 = arith.constant 5 : i32
        %add3A_819 = arith.addi %add3A_817, %add3A_818 : i32
        %get3A_820 = arith.index_cast %add3A_819 : i32 to index
        %get3A_821 = arith.constant 0 : index
        %get3A_822 = tpu.vector_load %arg10[%get3A_820, %get3A_821] {strides = array<i32>} : memref<3200x16xf32, #tpu.memory_space<vmem>>, vector<16xf32>,
        %add3A_823 = arith.addf %add3A_743, %get3A_822 : vector<16xf32>
        %mul3A_824 = arith.constant 8 : i32
        %mul3A_825 = arith.muli %scan3A_695, %mul3A_824 : i32
        %add3A_826 = arith.constant 0 : i32
        %add3A_827 = arith.addi %add3A_826, %mul3A_825 : i32
        %add3A_828 = arith.constant 6 : i32
        %add3A_829 = arith.addi %add3A_827, %add3A_828 : i32
        %get3A_830 = arith.index_cast %add3A_829 : i32 to index
        %get3A_831 = arith.constant 0 : index
        %get3A_832 = tpu.vector_load %arg10[%get3A_830, %get3A_831] {strides = array<i32>} : memref<3200x16xf32, #tpu.memory_space<vmem>>, vector<16xf32>,
        %add3A_833 = arith.addf %add3A_753, %get3A_832 : vector<16xf32>
        %mul3A_834 = arith.constant 8 : i32
        %mul3A_835 = arith.muli %scan3A_695, %mul3A_834 : i32
        %add3A_836 = arith.constant 200 : i32
        %add3A_837 = arith.addi %add3A_836, %mul3A_835 : i32
        %add3A_838 = arith.constant 6 : i32
        %add3A_839 = arith.addi %add3A_837, %add3A_838 : i32
        %get3A_840 = arith.index_cast %add3A_839 : i32 to index
        %get3A_841 = arith.constant 0 : index
        %get3A_842 = tpu.vector_load %arg10[%get3A_840, %get3A_841] {strides = array<i32>} : memref<3200x16xf32, #tpu.memory_space<vmem>>, vector<16xf32>,
        %add3A_843 = arith.addf %add3A_763, %get3A_842 : vector<16xf32>
        %mul3A_844 = arith.constant 8 : i32
        %mul3A_845 = arith.muli %scan3A_695, %mul3A_844 : i32
        %add3A_846 = arith.constant 0 : i32
        %add3A_847 = arith.addi %add3A_846, %mul3A_845 : i32
        %add3A_848 = arith.constant 7 : i32
        %add3A_849 = arith.addi %add3A_847, %add3A_848 : i32
        %get3A_850 = arith.index_cast %add3A_849 : i32 to index
        %get3A_851 = arith.constant 0 : index
        %get3A_852 = tpu.vector_load %arg10[%get3A_850, %get3A_851] {strides = array<i32>} : memref<3200x16xf32, #tpu.memory_space<vmem>>, vector<16xf32>,
        %add3A_853 = arith.addf %add3A_773, %get3A_852 : vector<16xf32>
        %mul3A_854 = arith.constant 8 : i32
        %mul3A_855 = arith.muli %scan3A_695, %mul3A_854 : i32
        %add3A_856 = arith.constant 200 : i32
        %add3A_857 = arith.addi %add3A_856, %mul3A_855 : i32
        %add3A_858 = arith.constant 7 : i32
        %add3A_859 = arith.addi %add3A_857, %add3A_858 : i32
        %get3A_860 = arith.index_cast %add3A_859 : i32 to index
        %get3A_861 = arith.constant 0 : index
        %get3A_862 = tpu.vector_load %arg10[%get3A_860, %get3A_861] {strides = array<i32>} : memref<3200x16xf32, #tpu.memory_space<vmem>>, vector<16xf32>,
        %add3A_863 = arith.addf %add3A_783, %get3A_862 : vector<16xf32>
        scf.yield %add3A_793, %add3A_813, %add3A_833, %add3A_853, %add3A_803, %add3A_823, %add3A_843, %add3A_863 : vector<16xf32>, vector<16xf32>, vector<16xf32>, vector<16xf32>, vector<16xf32>, vector<16xf32>, vector<16xf32>, vector<16xf32>
      }
      %scan3A_260 = arith.constant 25 : i32
      %add3A_261 = arith.addf %scan3A_259#0, %scan3A_259#1 : vector<16xf32>
      %add3A_262 = arith.addf %add3A_261, %scan3A_259#2 : vector<16xf32>
      %add3A_263 = arith.addf %add3A_262, %scan3A_259#3 : vector<16xf32>
      %add3A_264 = arith.addf %add3A_263, %get3A_221 : vector<16xf32>
      %add3A_265 = arith.addf %scan3A_259#4, %scan3A_259#5 : vector<16xf32>
      %add3A_266 = arith.addf %add3A_265, %scan3A_259#6 : vector<16xf32>
      %add3A_267 = arith.addf %add3A_266, %scan3A_259#7 : vector<16xf32>
      %add3A_268 = arith.addf %add3A_267, %get3A_221 : vector<16xf32>
      %mul3A_269 = arith.constant 16 : i32
      %mul3A_270 = arith.muli %add3A_237, %mul3A_269 : i32
      %add3A_271 = arith.constant 0 : i32
      %add3A_272 = arith.addi %mul3A_270, %add3A_271 : i32
      %broadcast_in_dim3A_273 = arith.constant 0 : i32
      %broadcast_in_dim3A_274 = vector.broadcast %broadcast_in_dim3A_273 : i32 to vector<16xi32>
      %add3A_275 = vector.broadcast %add3A_272 : i32 to vector<16xi32>
      %add3A_276 = arith.addi %broadcast_in_dim3A_274, %add3A_275 : vector<16xi32>
      tpu.vector_store_idx %arg12[%iota3A_222, %add3A_276], %add3A_264 masked %lt3A_224 : memref<2x512xf32, #tpu.memory_space<vmem>>[vector<16xi32>, vector<16xi32>], vector<16xf32>, vector<16xi1>
      %broadcast_in_dim3A_277 = arith.constant 1 : i32
      %broadcast_in_dim3A_278 = vector.broadcast %broadcast_in_dim3A_277 : i32 to vector<16xi32>
      %add3A_279 = vector.broadcast %add3A_272 : i32 to vector<16xi32>
      %add3A_280 = arith.addi %broadcast_in_dim3A_278, %add3A_279 : vector<16xi32>
      tpu.vector_store_idx %arg12[%iota3A_222, %add3A_280], %add3A_268 masked %lt3A_224 : memref<2x512xf32, #tpu.memory_space<vmem>>[vector<16xi32>, vector<16xi32>], vector<16xf32>, vector<16xi1>
      %scan3A_281 = arith.constant 0 : i32
      %scan3A_282 = arith.constant 25 : i32
      %scan3A_283 = arith.addi %scan3A_281, %scan3A_282 : i32
      %scan3A_284 = arith.constant 1 : i32
      %scan3A_285:8 = scf.for %scan3A_695 = %scan3A_281 to %scan3A_283 step %scan3A_284 iter_args(%scan3A_696 = %broadcast_in_dim3A_220, %scan3A_697 = %broadcast_in_dim3A_220, %scan3A_698 = %broadcast_in_dim3A_220, %scan3A_699 = %broadcast_in_dim3A_220, %scan3A_700 = %broadcast_in_dim3A_220, %scan3A_701 = %broadcast_in_dim3A_220, %scan3A_702 = %broadcast_in_dim3A_220, %scan3A_703 = %broadcast_in_dim3A_220) -> (vector<16xf32>, vector<16xf32>, vector<16xf32>, vector<16xf32>, vector<16xf32>, vector<16xf32>, vector<16xf32>, vector<16xf32>)  : i32 {
        %mul3A_704 = arith.constant 8 : i32
        %mul3A_705 = arith.muli %scan3A_695, %mul3A_704 : i32
        %add3A_706 = arith.constant 400 : i32
        %add3A_707 = arith.addi %add3A_706, %mul3A_705 : i32
        %add3A_708 = arith.constant 0 : i32
        %add3A_709 = arith.addi %add3A_707, %add3A_708 : i32
        %get3A_710 = arith.index_cast %add3A_709 : i32 to index
        %get3A_711 = arith.constant 0 : index
        %get3A_712 = tpu.vector_load %arg10[%get3A_710, %get3A_711] {strides = array<i32>} : memref<3200x16xf32, #tpu.memory_space<vmem>>, vector<16xf32>,
        %add3A_713 = arith.addf %scan3A_696, %get3A_712 : vector<16xf32>
        %mul3A_714 = arith.constant 8 : i32
        %mul3A_715 = arith.muli %scan3A_695, %mul3A_714 : i32
        %add3A_716 = arith.constant 600 : i32
        %add3A_717 = arith.addi %add3A_716, %mul3A_715 : i32
        %add3A_718 = arith.constant 0 : i32
        %add3A_719 = arith.addi %add3A_717, %add3A_718 : i32
        %get3A_720 = arith.index_cast %add3A_719 : i32 to index
        %get3A_721 = arith.constant 0 : index
        %get3A_722 = tpu.vector_load %arg10[%get3A_720, %get3A_721] {strides = array<i32>} : memref<3200x16xf32, #tpu.memory_space<vmem>>, vector<16xf32>,
        %add3A_723 = arith.addf %scan3A_700, %get3A_722 : vector<16xf32>
        %mul3A_724 = arith.constant 8 : i32
        %mul3A_725 = arith.muli %scan3A_695, %mul3A_724 : i32
        %add3A_726 = arith.constant 400 : i32
        %add3A_727 = arith.addi %add3A_726, %mul3A_725 : i32
        %add3A_728 = arith.constant 1 : i32
        %add3A_729 = arith.addi %add3A_727, %add3A_728 : i32
        %get3A_730 = arith.index_cast %add3A_729 : i32 to index
        %get3A_731 = arith.constant 0 : index
        %get3A_732 = tpu.vector_load %arg10[%get3A_730, %get3A_731] {strides = array<i32>} : memref<3200x16xf32, #tpu.memory_space<vmem>>, vector<16xf32>,
        %add3A_733 = arith.addf %scan3A_697, %get3A_732 : vector<16xf32>
        %mul3A_734 = arith.constant 8 : i32
        %mul3A_735 = arith.muli %scan3A_695, %mul3A_734 : i32
        %add3A_736 = arith.constant 600 : i32
        %add3A_737 = arith.addi %add3A_736, %mul3A_735 : i32
        %add3A_738 = arith.constant 1 : i32
        %add3A_739 = arith.addi %add3A_737, %add3A_738 : i32
        %get3A_740 = arith.index_cast %add3A_739 : i32 to index
        %get3A_741 = arith.constant 0 : index
        %get3A_742 = tpu.vector_load %arg10[%get3A_740, %get3A_741] {strides = array<i32>} : memref<3200x16xf32, #tpu.memory_space<vmem>>, vector<16xf32>,
        %add3A_743 = arith.addf %scan3A_701, %get3A_742 : vector<16xf32>
        %mul3A_744 = arith.constant 8 : i32
        %mul3A_745 = arith.muli %scan3A_695, %mul3A_744 : i32
        %add3A_746 = arith.constant 400 : i32
        %add3A_747 = arith.addi %add3A_746, %mul3A_745 : i32
        %add3A_748 = arith.constant 2 : i32
        %add3A_749 = arith.addi %add3A_747, %add3A_748 : i32
        %get3A_750 = arith.index_cast %add3A_749 : i32 to index
        %get3A_751 = arith.constant 0 : index
        %get3A_752 = tpu.vector_load %arg10[%get3A_750, %get3A_751] {strides = array<i32>} : memref<3200x16xf32, #tpu.memory_space<vmem>>, vector<16xf32>,
        %add3A_753 = arith.addf %scan3A_698, %get3A_752 : vector<16xf32>
        %mul3A_754 = arith.constant 8 : i32
        %mul3A_755 = arith.muli %scan3A_695, %mul3A_754 : i32
        %add3A_756 = arith.constant 600 : i32
        %add3A_757 = arith.addi %add3A_756, %mul3A_755 : i32
        %add3A_758 = arith.constant 2 : i32
        %add3A_759 = arith.addi %add3A_757, %add3A_758 : i32
        %get3A_760 = arith.index_cast %add3A_759 : i32 to index
        %get3A_761 = arith.constant 0 : index
        %get3A_762 = tpu.vector_load %arg10[%get3A_760, %get3A_761] {strides = array<i32>} : memref<3200x16xf32, #tpu.memory_space<vmem>>, vector<16xf32>,
        %add3A_763 = arith.addf %scan3A_702, %get3A_762 : vector<16xf32>
        %mul3A_764 = arith.constant 8 : i32
        %mul3A_765 = arith.muli %scan3A_695, %mul3A_764 : i32
        %add3A_766 = arith.constant 400 : i32
        %add3A_767 = arith.addi %add3A_766, %mul3A_765 : i32
        %add3A_768 = arith.constant 3 : i32
        %add3A_769 = arith.addi %add3A_767, %add3A_768 : i32
        %get3A_770 = arith.index_cast %add3A_769 : i32 to index
        %get3A_771 = arith.constant 0 : index
        %get3A_772 = tpu.vector_load %arg10[%get3A_770, %get3A_771] {strides = array<i32>} : memref<3200x16xf32, #tpu.memory_space<vmem>>, vector<16xf32>,
        %add3A_773 = arith.addf %scan3A_699, %get3A_772 : vector<16xf32>
        %mul3A_774 = arith.constant 8 : i32
        %mul3A_775 = arith.muli %scan3A_695, %mul3A_774 : i32
        %add3A_776 = arith.constant 600 : i32
        %add3A_777 = arith.addi %add3A_776, %mul3A_775 : i32
        %add3A_778 = arith.constant 3 : i32
        %add3A_779 = arith.addi %add3A_777, %add3A_778 : i32
        %get3A_780 = arith.index_cast %add3A_779 : i32 to index
        %get3A_781 = arith.constant 0 : index
        %get3A_782 = tpu.vector_load %arg10[%get3A_780, %get3A_781] {strides = array<i32>} : memref<3200x16xf32, #tpu.memory_space<vmem>>, vector<16xf32>,
        %add3A_783 = arith.addf %scan3A_703, %get3A_782 : vector<16xf32>
        %mul3A_784 = arith.constant 8 : i32
        %mul3A_785 = arith.muli %scan3A_695, %mul3A_784 : i32
        %add3A_786 = arith.constant 400 : i32
        %add3A_787 = arith.addi %add3A_786, %mul3A_785 : i32
        %add3A_788 = arith.constant 4 : i32
        %add3A_789 = arith.addi %add3A_787, %add3A_788 : i32
        %get3A_790 = arith.index_cast %add3A_789 : i32 to index
        %get3A_791 = arith.constant 0 : index
        %get3A_792 = tpu.vector_load %arg10[%get3A_790, %get3A_791] {strides = array<i32>} : memref<3200x16xf32, #tpu.memory_space<vmem>>, vector<16xf32>,
        %add3A_793 = arith.addf %add3A_713, %get3A_792 : vector<16xf32>
        %mul3A_794 = arith.constant 8 : i32
        %mul3A_795 = arith.muli %scan3A_695, %mul3A_794 : i32
        %add3A_796 = arith.constant 600 : i32
        %add3A_797 = arith.addi %add3A_796, %mul3A_795 : i32
        %add3A_798 = arith.constant 4 : i32
        %add3A_799 = arith.addi %add3A_797, %add3A_798 : i32
        %get3A_800 = arith.index_cast %add3A_799 : i32 to index
        %get3A_801 = arith.constant 0 : index
        %get3A_802 = tpu.vector_load %arg10[%get3A_800, %get3A_801] {strides = array<i32>} : memref<3200x16xf32, #tpu.memory_space<vmem>>, vector<16xf32>,
        %add3A_803 = arith.addf %add3A_723, %get3A_802 : vector<16xf32>
        %mul3A_804 = arith.constant 8 : i32
        %mul3A_805 = arith.muli %scan3A_695, %mul3A_804 : i32
        %add3A_806 = arith.constant 400 : i32
        %add3A_807 = arith.addi %add3A_806, %mul3A_805 : i32
        %add3A_808 = arith.constant 5 : i32
        %add3A_809 = arith.addi %add3A_807, %add3A_808 : i32
        %get3A_810 = arith.index_cast %add3A_809 : i32 to index
        %get3A_811 = arith.constant 0 : index
        %get3A_812 = tpu.vector_load %arg10[%get3A_810, %get3A_811] {strides = array<i32>} : memref<3200x16xf32, #tpu.memory_space<vmem>>, vector<16xf32>,
        %add3A_813 = arith.addf %add3A_733, %get3A_812 : vector<16xf32>
        %mul3A_814 = arith.constant 8 : i32
        %mul3A_815 = arith.muli %scan3A_695, %mul3A_814 : i32
        %add3A_816 = arith.constant 600 : i32
        %add3A_817 = arith.addi %add3A_816, %mul3A_815 : i32
        %add3A_818 = arith.constant 5 : i32
        %add3A_819 = arith.addi %add3A_817, %add3A_818 : i32
        %get3A_820 = arith.index_cast %add3A_819 : i32 to index
        %get3A_821 = arith.constant 0 : index
        %get3A_822 = tpu.vector_load %arg10[%get3A_820, %get3A_821] {strides = array<i32>} : memref<3200x16xf32, #tpu.memory_space<vmem>>, vector<16xf32>,
        %add3A_823 = arith.addf %add3A_743, %get3A_822 : vector<16xf32>
        %mul3A_824 = arith.constant 8 : i32
        %mul3A_825 = arith.muli %scan3A_695, %mul3A_824 : i32
        %add3A_826 = arith.constant 400 : i32
        %add3A_827 = arith.addi %add3A_826, %mul3A_825 : i32
        %add3A_828 = arith.constant 6 : i32
        %add3A_829 = arith.addi %add3A_827, %add3A_828 : i32
        %get3A_830 = arith.index_cast %add3A_829 : i32 to index
        %get3A_831 = arith.constant 0 : index
        %get3A_832 = tpu.vector_load %arg10[%get3A_830, %get3A_831] {strides = array<i32>} : memref<3200x16xf32, #tpu.memory_space<vmem>>, vector<16xf32>,
        %add3A_833 = arith.addf %add3A_753, %get3A_832 : vector<16xf32>
        %mul3A_834 = arith.constant 8 : i32
        %mul3A_835 = arith.muli %scan3A_695, %mul3A_834 : i32
        %add3A_836 = arith.constant 600 : i32
        %add3A_837 = arith.addi %add3A_836, %mul3A_835 : i32
        %add3A_838 = arith.constant 6 : i32
        %add3A_839 = arith.addi %add3A_837, %add3A_838 : i32
        %get3A_840 = arith.index_cast %add3A_839 : i32 to index
        %get3A_841 = arith.constant 0 : index
        %get3A_842 = tpu.vector_load %arg10[%get3A_840, %get3A_841] {strides = array<i32>} : memref<3200x16xf32, #tpu.memory_space<vmem>>, vector<16xf32>,
        %add3A_843 = arith.addf %add3A_763, %get3A_842 : vector<16xf32>
        %mul3A_844 = arith.constant 8 : i32
        %mul3A_845 = arith.muli %scan3A_695, %mul3A_844 : i32
        %add3A_846 = arith.constant 400 : i32
        %add3A_847 = arith.addi %add3A_846, %mul3A_845 : i32
        %add3A_848 = arith.constant 7 : i32
        %add3A_849 = arith.addi %add3A_847, %add3A_848 : i32
        %get3A_850 = arith.index_cast %add3A_849 : i32 to index
        %get3A_851 = arith.constant 0 : index
        %get3A_852 = tpu.vector_load %arg10[%get3A_850, %get3A_851] {strides = array<i32>} : memref<3200x16xf32, #tpu.memory_space<vmem>>, vector<16xf32>,
        %add3A_853 = arith.addf %add3A_773, %get3A_852 : vector<16xf32>
        %mul3A_854 = arith.constant 8 : i32
        %mul3A_855 = arith.muli %scan3A_695, %mul3A_854 : i32
        %add3A_856 = arith.constant 600 : i32
        %add3A_857 = arith.addi %add3A_856, %mul3A_855 : i32
        %add3A_858 = arith.constant 7 : i32
        %add3A_859 = arith.addi %add3A_857, %add3A_858 : i32
        %get3A_860 = arith.index_cast %add3A_859 : i32 to index
        %get3A_861 = arith.constant 0 : index
        %get3A_862 = tpu.vector_load %arg10[%get3A_860, %get3A_861] {strides = array<i32>} : memref<3200x16xf32, #tpu.memory_space<vmem>>, vector<16xf32>,
        %add3A_863 = arith.addf %add3A_783, %get3A_862 : vector<16xf32>
        scf.yield %add3A_793, %add3A_813, %add3A_833, %add3A_853, %add3A_803, %add3A_823, %add3A_843, %add3A_863 : vector<16xf32>, vector<16xf32>, vector<16xf32>, vector<16xf32>, vector<16xf32>, vector<16xf32>, vector<16xf32>, vector<16xf32>
      }
      %scan3A_286 = arith.constant 25 : i32
      %add3A_287 = arith.addf %scan3A_285#0, %scan3A_285#1 : vector<16xf32>
      %add3A_288 = arith.addf %add3A_287, %scan3A_285#2 : vector<16xf32>
      %add3A_289 = arith.addf %add3A_288, %scan3A_285#3 : vector<16xf32>
      %add3A_290 = arith.addf %add3A_289, %get3A_221 : vector<16xf32>
      %add3A_291 = arith.addf %scan3A_285#4, %scan3A_285#5 : vector<16xf32>
      %add3A_292 = arith.addf %add3A_291, %scan3A_285#6 : vector<16xf32>
      %add3A_293 = arith.addf %add3A_292, %scan3A_285#7 : vector<16xf32>
      %add3A_294 = arith.addf %add3A_293, %get3A_221 : vector<16xf32>
      %mul3A_295 = arith.constant 16 : i32
      %mul3A_296 = arith.muli %add3A_237, %mul3A_295 : i32
      %add3A_297 = arith.constant 2 : i32
      %add3A_298 = arith.addi %mul3A_296, %add3A_297 : i32
      %broadcast_in_dim3A_299 = arith.constant 0 : i32
      %broadcast_in_dim3A_300 = vector.broadcast %broadcast_in_dim3A_299 : i32 to vector<16xi32>
      %add3A_301 = vector.broadcast %add3A_298 : i32 to vector<16xi32>
      %add3A_302 = arith.addi %broadcast_in_dim3A_300, %add3A_301 : vector<16xi32>
      tpu.vector_store_idx %arg12[%iota3A_222, %add3A_302], %add3A_290 masked %lt3A_224 : memref<2x512xf32, #tpu.memory_space<vmem>>[vector<16xi32>, vector<16xi32>], vector<16xf32>, vector<16xi1>
      %broadcast_in_dim3A_303 = arith.constant 1 : i32
      %broadcast_in_dim3A_304 = vector.broadcast %broadcast_in_dim3A_303 : i32 to vector<16xi32>
      %add3A_305 = vector.broadcast %add3A_298 : i32 to vector<16xi32>
      %add3A_306 = arith.addi %broadcast_in_dim3A_304, %add3A_305 : vector<16xi32>
      tpu.vector_store_idx %arg12[%iota3A_222, %add3A_306], %add3A_294 masked %lt3A_224 : memref<2x512xf32, #tpu.memory_space<vmem>>[vector<16xi32>, vector<16xi32>], vector<16xf32>, vector<16xi1>
      %scan3A_307 = arith.constant 0 : i32
      %scan3A_308 = arith.constant 25 : i32
      %scan3A_309 = arith.addi %scan3A_307, %scan3A_308 : i32
      %scan3A_310 = arith.constant 1 : i32
      %scan3A_311:8 = scf.for %scan3A_695 = %scan3A_307 to %scan3A_309 step %scan3A_310 iter_args(%scan3A_696 = %broadcast_in_dim3A_220, %scan3A_697 = %broadcast_in_dim3A_220, %scan3A_698 = %broadcast_in_dim3A_220, %scan3A_699 = %broadcast_in_dim3A_220, %scan3A_700 = %broadcast_in_dim3A_220, %scan3A_701 = %broadcast_in_dim3A_220, %scan3A_702 = %broadcast_in_dim3A_220, %scan3A_703 = %broadcast_in_dim3A_220) -> (vector<16xf32>, vector<16xf32>, vector<16xf32>, vector<16xf32>, vector<16xf32>, vector<16xf32>, vector<16xf32>, vector<16xf32>)  : i32 {
        %mul3A_704 = arith.constant 8 : i32
        %mul3A_705 = arith.muli %scan3A_695, %mul3A_704 : i32
        %add3A_706 = arith.constant 800 : i32
        %add3A_707 = arith.addi %add3A_706, %mul3A_705 : i32
        %add3A_708 = arith.constant 0 : i32
        %add3A_709 = arith.addi %add3A_707, %add3A_708 : i32
        %get3A_710 = arith.index_cast %add3A_709 : i32 to index
        %get3A_711 = arith.constant 0 : index
        %get3A_712 = tpu.vector_load %arg10[%get3A_710, %get3A_711] {strides = array<i32>} : memref<3200x16xf32, #tpu.memory_space<vmem>>, vector<16xf32>,
        %add3A_713 = arith.addf %scan3A_696, %get3A_712 : vector<16xf32>
        %mul3A_714 = arith.constant 8 : i32
        %mul3A_715 = arith.muli %scan3A_695, %mul3A_714 : i32
        %add3A_716 = arith.constant 1000 : i32
        %add3A_717 = arith.addi %add3A_716, %mul3A_715 : i32
        %add3A_718 = arith.constant 0 : i32
        %add3A_719 = arith.addi %add3A_717, %add3A_718 : i32
        %get3A_720 = arith.index_cast %add3A_719 : i32 to index
        %get3A_721 = arith.constant 0 : index
        %get3A_722 = tpu.vector_load %arg10[%get3A_720, %get3A_721] {strides = array<i32>} : memref<3200x16xf32, #tpu.memory_space<vmem>>, vector<16xf32>,
        %add3A_723 = arith.addf %scan3A_700, %get3A_722 : vector<16xf32>
        %mul3A_724 = arith.constant 8 : i32
        %mul3A_725 = arith.muli %scan3A_695, %mul3A_724 : i32
        %add3A_726 = arith.constant 800 : i32
        %add3A_727 = arith.addi %add3A_726, %mul3A_725 : i32
        %add3A_728 = arith.constant 1 : i32
        %add3A_729 = arith.addi %add3A_727, %add3A_728 : i32
        %get3A_730 = arith.index_cast %add3A_729 : i32 to index
        %get3A_731 = arith.constant 0 : index
        %get3A_732 = tpu.vector_load %arg10[%get3A_730, %get3A_731] {strides = array<i32>} : memref<3200x16xf32, #tpu.memory_space<vmem>>, vector<16xf32>,
        %add3A_733 = arith.addf %scan3A_697, %get3A_732 : vector<16xf32>
        %mul3A_734 = arith.constant 8 : i32
        %mul3A_735 = arith.muli %scan3A_695, %mul3A_734 : i32
        %add3A_736 = arith.constant 1000 : i32
        %add3A_737 = arith.addi %add3A_736, %mul3A_735 : i32
        %add3A_738 = arith.constant 1 : i32
        %add3A_739 = arith.addi %add3A_737, %add3A_738 : i32
        %get3A_740 = arith.index_cast %add3A_739 : i32 to index
        %get3A_741 = arith.constant 0 : index
        %get3A_742 = tpu.vector_load %arg10[%get3A_740, %get3A_741] {strides = array<i32>} : memref<3200x16xf32, #tpu.memory_space<vmem>>, vector<16xf32>,
        %add3A_743 = arith.addf %scan3A_701, %get3A_742 : vector<16xf32>
        %mul3A_744 = arith.constant 8 : i32
        %mul3A_745 = arith.muli %scan3A_695, %mul3A_744 : i32
        %add3A_746 = arith.constant 800 : i32
        %add3A_747 = arith.addi %add3A_746, %mul3A_745 : i32
        %add3A_748 = arith.constant 2 : i32
        %add3A_749 = arith.addi %add3A_747, %add3A_748 : i32
        %get3A_750 = arith.index_cast %add3A_749 : i32 to index
        %get3A_751 = arith.constant 0 : index
        %get3A_752 = tpu.vector_load %arg10[%get3A_750, %get3A_751] {strides = array<i32>} : memref<3200x16xf32, #tpu.memory_space<vmem>>, vector<16xf32>,
        %add3A_753 = arith.addf %scan3A_698, %get3A_752 : vector<16xf32>
        %mul3A_754 = arith.constant 8 : i32
        %mul3A_755 = arith.muli %scan3A_695, %mul3A_754 : i32
        %add3A_756 = arith.constant 1000 : i32
        %add3A_757 = arith.addi %add3A_756, %mul3A_755 : i32
        %add3A_758 = arith.constant 2 : i32
        %add3A_759 = arith.addi %add3A_757, %add3A_758 : i32
        %get3A_760 = arith.index_cast %add3A_759 : i32 to index
        %get3A_761 = arith.constant 0 : index
        %get3A_762 = tpu.vector_load %arg10[%get3A_760, %get3A_761] {strides = array<i32>} : memref<3200x16xf32, #tpu.memory_space<vmem>>, vector<16xf32>,
        %add3A_763 = arith.addf %scan3A_702, %get3A_762 : vector<16xf32>
        %mul3A_764 = arith.constant 8 : i32
        %mul3A_765 = arith.muli %scan3A_695, %mul3A_764 : i32
        %add3A_766 = arith.constant 800 : i32
        %add3A_767 = arith.addi %add3A_766, %mul3A_765 : i32
        %add3A_768 = arith.constant 3 : i32
        %add3A_769 = arith.addi %add3A_767, %add3A_768 : i32
        %get3A_770 = arith.index_cast %add3A_769 : i32 to index
        %get3A_771 = arith.constant 0 : index
        %get3A_772 = tpu.vector_load %arg10[%get3A_770, %get3A_771] {strides = array<i32>} : memref<3200x16xf32, #tpu.memory_space<vmem>>, vector<16xf32>,
        %add3A_773 = arith.addf %scan3A_699, %get3A_772 : vector<16xf32>
        %mul3A_774 = arith.constant 8 : i32
        %mul3A_775 = arith.muli %scan3A_695, %mul3A_774 : i32
        %add3A_776 = arith.constant 1000 : i32
        %add3A_777 = arith.addi %add3A_776, %mul3A_775 : i32
        %add3A_778 = arith.constant 3 : i32
        %add3A_779 = arith.addi %add3A_777, %add3A_778 : i32
        %get3A_780 = arith.index_cast %add3A_779 : i32 to index
        %get3A_781 = arith.constant 0 : index
        %get3A_782 = tpu.vector_load %arg10[%get3A_780, %get3A_781] {strides = array<i32>} : memref<3200x16xf32, #tpu.memory_space<vmem>>, vector<16xf32>,
        %add3A_783 = arith.addf %scan3A_703, %get3A_782 : vector<16xf32>
        %mul3A_784 = arith.constant 8 : i32
        %mul3A_785 = arith.muli %scan3A_695, %mul3A_784 : i32
        %add3A_786 = arith.constant 800 : i32
        %add3A_787 = arith.addi %add3A_786, %mul3A_785 : i32
        %add3A_788 = arith.constant 4 : i32
        %add3A_789 = arith.addi %add3A_787, %add3A_788 : i32
        %get3A_790 = arith.index_cast %add3A_789 : i32 to index
        %get3A_791 = arith.constant 0 : index
        %get3A_792 = tpu.vector_load %arg10[%get3A_790, %get3A_791] {strides = array<i32>} : memref<3200x16xf32, #tpu.memory_space<vmem>>, vector<16xf32>,
        %add3A_793 = arith.addf %add3A_713, %get3A_792 : vector<16xf32>
        %mul3A_794 = arith.constant 8 : i32
        %mul3A_795 = arith.muli %scan3A_695, %mul3A_794 : i32
        %add3A_796 = arith.constant 1000 : i32
        %add3A_797 = arith.addi %add3A_796, %mul3A_795 : i32
        %add3A_798 = arith.constant 4 : i32
        %add3A_799 = arith.addi %add3A_797, %add3A_798 : i32
        %get3A_800 = arith.index_cast %add3A_799 : i32 to index
        %get3A_801 = arith.constant 0 : index
        %get3A_802 = tpu.vector_load %arg10[%get3A_800, %get3A_801] {strides = array<i32>} : memref<3200x16xf32, #tpu.memory_space<vmem>>, vector<16xf32>,
        %add3A_803 = arith.addf %add3A_723, %get3A_802 : vector<16xf32>
        %mul3A_804 = arith.constant 8 : i32
        %mul3A_805 = arith.muli %scan3A_695, %mul3A_804 : i32
        %add3A_806 = arith.constant 800 : i32
        %add3A_807 = arith.addi %add3A_806, %mul3A_805 : i32
        %add3A_808 = arith.constant 5 : i32
        %add3A_809 = arith.addi %add3A_807, %add3A_808 : i32
        %get3A_810 = arith.index_cast %add3A_809 : i32 to index
        %get3A_811 = arith.constant 0 : index
        %get3A_812 = tpu.vector_load %arg10[%get3A_810, %get3A_811] {strides = array<i32>} : memref<3200x16xf32, #tpu.memory_space<vmem>>, vector<16xf32>,
        %add3A_813 = arith.addf %add3A_733, %get3A_812 : vector<16xf32>
        %mul3A_814 = arith.constant 8 : i32
        %mul3A_815 = arith.muli %scan3A_695, %mul3A_814 : i32
        %add3A_816 = arith.constant 1000 : i32
        %add3A_817 = arith.addi %add3A_816, %mul3A_815 : i32
        %add3A_818 = arith.constant 5 : i32
        %add3A_819 = arith.addi %add3A_817, %add3A_818 : i32
        %get3A_820 = arith.index_cast %add3A_819 : i32 to index
        %get3A_821 = arith.constant 0 : index
        %get3A_822 = tpu.vector_load %arg10[%get3A_820, %get3A_821] {strides = array<i32>} : memref<3200x16xf32, #tpu.memory_space<vmem>>, vector<16xf32>,
        %add3A_823 = arith.addf %add3A_743, %get3A_822 : vector<16xf32>
        %mul3A_824 = arith.constant 8 : i32
        %mul3A_825 = arith.muli %scan3A_695, %mul3A_824 : i32
        %add3A_826 = arith.constant 800 : i32
        %add3A_827 = arith.addi %add3A_826, %mul3A_825 : i32
        %add3A_828 = arith.constant 6 : i32
        %add3A_829 = arith.addi %add3A_827, %add3A_828 : i32
        %get3A_830 = arith.index_cast %add3A_829 : i32 to index
        %get3A_831 = arith.constant 0 : index
        %get3A_832 = tpu.vector_load %arg10[%get3A_830, %get3A_831] {strides = array<i32>} : memref<3200x16xf32, #tpu.memory_space<vmem>>, vector<16xf32>,
        %add3A_833 = arith.addf %add3A_753, %get3A_832 : vector<16xf32>
        %mul3A_834 = arith.constant 8 : i32
        %mul3A_835 = arith.muli %scan3A_695, %mul3A_834 : i32
        %add3A_836 = arith.constant 1000 : i32
        %add3A_837 = arith.addi %add3A_836, %mul3A_835 : i32
        %add3A_838 = arith.constant 6 : i32
        %add3A_839 = arith.addi %add3A_837, %add3A_838 : i32
        %get3A_840 = arith.index_cast %add3A_839 : i32 to index
        %get3A_841 = arith.constant 0 : index
        %get3A_842 = tpu.vector_load %arg10[%get3A_840, %get3A_841] {strides = array<i32>} : memref<3200x16xf32, #tpu.memory_space<vmem>>, vector<16xf32>,
        %add3A_843 = arith.addf %add3A_763, %get3A_842 : vector<16xf32>
        %mul3A_844 = arith.constant 8 : i32
        %mul3A_845 = arith.muli %scan3A_695, %mul3A_844 : i32
        %add3A_846 = arith.constant 800 : i32
        %add3A_847 = arith.addi %add3A_846, %mul3A_845 : i32
        %add3A_848 = arith.constant 7 : i32
        %add3A_849 = arith.addi %add3A_847, %add3A_848 : i32
        %get3A_850 = arith.index_cast %add3A_849 : i32 to index
        %get3A_851 = arith.constant 0 : index
        %get3A_852 = tpu.vector_load %arg10[%get3A_850, %get3A_851] {strides = array<i32>} : memref<3200x16xf32, #tpu.memory_space<vmem>>, vector<16xf32>,
        %add3A_853 = arith.addf %add3A_773, %get3A_852 : vector<16xf32>
        %mul3A_854 = arith.constant 8 : i32
        %mul3A_855 = arith.muli %scan3A_695, %mul3A_854 : i32
        %add3A_856 = arith.constant 1000 : i32
        %add3A_857 = arith.addi %add3A_856, %mul3A_855 : i32
        %add3A_858 = arith.constant 7 : i32
        %add3A_859 = arith.addi %add3A_857, %add3A_858 : i32
        %get3A_860 = arith.index_cast %add3A_859 : i32 to index
        %get3A_861 = arith.constant 0 : index
        %get3A_862 = tpu.vector_load %arg10[%get3A_860, %get3A_861] {strides = array<i32>} : memref<3200x16xf32, #tpu.memory_space<vmem>>, vector<16xf32>,
        %add3A_863 = arith.addf %add3A_783, %get3A_862 : vector<16xf32>
        scf.yield %add3A_793, %add3A_813, %add3A_833, %add3A_853, %add3A_803, %add3A_823, %add3A_843, %add3A_863 : vector<16xf32>, vector<16xf32>, vector<16xf32>, vector<16xf32>, vector<16xf32>, vector<16xf32>, vector<16xf32>, vector<16xf32>
      }
      %scan3A_312 = arith.constant 25 : i32
      %add3A_313 = arith.addf %scan3A_311#0, %scan3A_311#1 : vector<16xf32>
      %add3A_314 = arith.addf %add3A_313, %scan3A_311#2 : vector<16xf32>
      %add3A_315 = arith.addf %add3A_314, %scan3A_311#3 : vector<16xf32>
      %add3A_316 = arith.addf %add3A_315, %get3A_221 : vector<16xf32>
      %add3A_317 = arith.addf %scan3A_311#4, %scan3A_311#5 : vector<16xf32>
      %add3A_318 = arith.addf %add3A_317, %scan3A_311#6 : vector<16xf32>
      %add3A_319 = arith.addf %add3A_318, %scan3A_311#7 : vector<16xf32>
      %add3A_320 = arith.addf %add3A_319, %get3A_221 : vector<16xf32>
      %mul3A_321 = arith.constant 16 : i32
      %mul3A_322 = arith.muli %add3A_237, %mul3A_321 : i32
      %add3A_323 = arith.constant 4 : i32
      %add3A_324 = arith.addi %mul3A_322, %add3A_323 : i32
      %broadcast_in_dim3A_325 = arith.constant 0 : i32
      %broadcast_in_dim3A_326 = vector.broadcast %broadcast_in_dim3A_325 : i32 to vector<16xi32>
      %add3A_327 = vector.broadcast %add3A_324 : i32 to vector<16xi32>
      %add3A_328 = arith.addi %broadcast_in_dim3A_326, %add3A_327 : vector<16xi32>
      tpu.vector_store_idx %arg12[%iota3A_222, %add3A_328], %add3A_316 masked %lt3A_224 : memref<2x512xf32, #tpu.memory_space<vmem>>[vector<16xi32>, vector<16xi32>], vector<16xf32>, vector<16xi1>
      %broadcast_in_dim3A_329 = arith.constant 1 : i32
      %broadcast_in_dim3A_330 = vector.broadcast %broadcast_in_dim3A_329 : i32 to vector<16xi32>
      %add3A_331 = vector.broadcast %add3A_324 : i32 to vector<16xi32>
      %add3A_332 = arith.addi %broadcast_in_dim3A_330, %add3A_331 : vector<16xi32>
      tpu.vector_store_idx %arg12[%iota3A_222, %add3A_332], %add3A_320 masked %lt3A_224 : memref<2x512xf32, #tpu.memory_space<vmem>>[vector<16xi32>, vector<16xi32>], vector<16xf32>, vector<16xi1>
      %scan3A_333 = arith.constant 0 : i32
      %scan3A_334 = arith.constant 25 : i32
      %scan3A_335 = arith.addi %scan3A_333, %scan3A_334 : i32
      %scan3A_336 = arith.constant 1 : i32
      %scan3A_337:8 = scf.for %scan3A_695 = %scan3A_333 to %scan3A_335 step %scan3A_336 iter_args(%scan3A_696 = %broadcast_in_dim3A_220, %scan3A_697 = %broadcast_in_dim3A_220, %scan3A_698 = %broadcast_in_dim3A_220, %scan3A_699 = %broadcast_in_dim3A_220, %scan3A_700 = %broadcast_in_dim3A_220, %scan3A_701 = %broadcast_in_dim3A_220, %scan3A_702 = %broadcast_in_dim3A_220, %scan3A_703 = %broadcast_in_dim3A_220) -> (vector<16xf32>, vector<16xf32>, vector<16xf32>, vector<16xf32>, vector<16xf32>, vector<16xf32>, vector<16xf32>, vector<16xf32>)  : i32 {
        %mul3A_704 = arith.constant 8 : i32
        %mul3A_705 = arith.muli %scan3A_695, %mul3A_704 : i32
        %add3A_706 = arith.constant 1200 : i32
        %add3A_707 = arith.addi %add3A_706, %mul3A_705 : i32
        %add3A_708 = arith.constant 0 : i32
        %add3A_709 = arith.addi %add3A_707, %add3A_708 : i32
        %get3A_710 = arith.index_cast %add3A_709 : i32 to index
        %get3A_711 = arith.constant 0 : index
        %get3A_712 = tpu.vector_load %arg10[%get3A_710, %get3A_711] {strides = array<i32>} : memref<3200x16xf32, #tpu.memory_space<vmem>>, vector<16xf32>,
        %add3A_713 = arith.addf %scan3A_696, %get3A_712 : vector<16xf32>
        %mul3A_714 = arith.constant 8 : i32
        %mul3A_715 = arith.muli %scan3A_695, %mul3A_714 : i32
        %add3A_716 = arith.constant 1400 : i32
        %add3A_717 = arith.addi %add3A_716, %mul3A_715 : i32
        %add3A_718 = arith.constant 0 : i32
        %add3A_719 = arith.addi %add3A_717, %add3A_718 : i32
        %get3A_720 = arith.index_cast %add3A_719 : i32 to index
        %get3A_721 = arith.constant 0 : index
        %get3A_722 = tpu.vector_load %arg10[%get3A_720, %get3A_721] {strides = array<i32>} : memref<3200x16xf32, #tpu.memory_space<vmem>>, vector<16xf32>,
        %add3A_723 = arith.addf %scan3A_700, %get3A_722 : vector<16xf32>
        %mul3A_724 = arith.constant 8 : i32
        %mul3A_725 = arith.muli %scan3A_695, %mul3A_724 : i32
        %add3A_726 = arith.constant 1200 : i32
        %add3A_727 = arith.addi %add3A_726, %mul3A_725 : i32
        %add3A_728 = arith.constant 1 : i32
        %add3A_729 = arith.addi %add3A_727, %add3A_728 : i32
        %get3A_730 = arith.index_cast %add3A_729 : i32 to index
        %get3A_731 = arith.constant 0 : index
        %get3A_732 = tpu.vector_load %arg10[%get3A_730, %get3A_731] {strides = array<i32>} : memref<3200x16xf32, #tpu.memory_space<vmem>>, vector<16xf32>,
        %add3A_733 = arith.addf %scan3A_697, %get3A_732 : vector<16xf32>
        %mul3A_734 = arith.constant 8 : i32
        %mul3A_735 = arith.muli %scan3A_695, %mul3A_734 : i32
        %add3A_736 = arith.constant 1400 : i32
        %add3A_737 = arith.addi %add3A_736, %mul3A_735 : i32
        %add3A_738 = arith.constant 1 : i32
        %add3A_739 = arith.addi %add3A_737, %add3A_738 : i32
        %get3A_740 = arith.index_cast %add3A_739 : i32 to index
        %get3A_741 = arith.constant 0 : index
        %get3A_742 = tpu.vector_load %arg10[%get3A_740, %get3A_741] {strides = array<i32>} : memref<3200x16xf32, #tpu.memory_space<vmem>>, vector<16xf32>,
        %add3A_743 = arith.addf %scan3A_701, %get3A_742 : vector<16xf32>
        %mul3A_744 = arith.constant 8 : i32
        %mul3A_745 = arith.muli %scan3A_695, %mul3A_744 : i32
        %add3A_746 = arith.constant 1200 : i32
        %add3A_747 = arith.addi %add3A_746, %mul3A_745 : i32
        %add3A_748 = arith.constant 2 : i32
        %add3A_749 = arith.addi %add3A_747, %add3A_748 : i32
        %get3A_750 = arith.index_cast %add3A_749 : i32 to index
        %get3A_751 = arith.constant 0 : index
        %get3A_752 = tpu.vector_load %arg10[%get3A_750, %get3A_751] {strides = array<i32>} : memref<3200x16xf32, #tpu.memory_space<vmem>>, vector<16xf32>,
        %add3A_753 = arith.addf %scan3A_698, %get3A_752 : vector<16xf32>
        %mul3A_754 = arith.constant 8 : i32
        %mul3A_755 = arith.muli %scan3A_695, %mul3A_754 : i32
        %add3A_756 = arith.constant 1400 : i32
        %add3A_757 = arith.addi %add3A_756, %mul3A_755 : i32
        %add3A_758 = arith.constant 2 : i32
        %add3A_759 = arith.addi %add3A_757, %add3A_758 : i32
        %get3A_760 = arith.index_cast %add3A_759 : i32 to index
        %get3A_761 = arith.constant 0 : index
        %get3A_762 = tpu.vector_load %arg10[%get3A_760, %get3A_761] {strides = array<i32>} : memref<3200x16xf32, #tpu.memory_space<vmem>>, vector<16xf32>,
        %add3A_763 = arith.addf %scan3A_702, %get3A_762 : vector<16xf32>
        %mul3A_764 = arith.constant 8 : i32
        %mul3A_765 = arith.muli %scan3A_695, %mul3A_764 : i32
        %add3A_766 = arith.constant 1200 : i32
        %add3A_767 = arith.addi %add3A_766, %mul3A_765 : i32
        %add3A_768 = arith.constant 3 : i32
        %add3A_769 = arith.addi %add3A_767, %add3A_768 : i32
        %get3A_770 = arith.index_cast %add3A_769 : i32 to index
        %get3A_771 = arith.constant 0 : index
        %get3A_772 = tpu.vector_load %arg10[%get3A_770, %get3A_771] {strides = array<i32>} : memref<3200x16xf32, #tpu.memory_space<vmem>>, vector<16xf32>,
        %add3A_773 = arith.addf %scan3A_699, %get3A_772 : vector<16xf32>
        %mul3A_774 = arith.constant 8 : i32
        %mul3A_775 = arith.muli %scan3A_695, %mul3A_774 : i32
        %add3A_776 = arith.constant 1400 : i32
        %add3A_777 = arith.addi %add3A_776, %mul3A_775 : i32
        %add3A_778 = arith.constant 3 : i32
        %add3A_779 = arith.addi %add3A_777, %add3A_778 : i32
        %get3A_780 = arith.index_cast %add3A_779 : i32 to index
        %get3A_781 = arith.constant 0 : index
        %get3A_782 = tpu.vector_load %arg10[%get3A_780, %get3A_781] {strides = array<i32>} : memref<3200x16xf32, #tpu.memory_space<vmem>>, vector<16xf32>,
        %add3A_783 = arith.addf %scan3A_703, %get3A_782 : vector<16xf32>
        %mul3A_784 = arith.constant 8 : i32
        %mul3A_785 = arith.muli %scan3A_695, %mul3A_784 : i32
        %add3A_786 = arith.constant 1200 : i32
        %add3A_787 = arith.addi %add3A_786, %mul3A_785 : i32
        %add3A_788 = arith.constant 4 : i32
        %add3A_789 = arith.addi %add3A_787, %add3A_788 : i32
        %get3A_790 = arith.index_cast %add3A_789 : i32 to index
        %get3A_791 = arith.constant 0 : index
        %get3A_792 = tpu.vector_load %arg10[%get3A_790, %get3A_791] {strides = array<i32>} : memref<3200x16xf32, #tpu.memory_space<vmem>>, vector<16xf32>,
        %add3A_793 = arith.addf %add3A_713, %get3A_792 : vector<16xf32>
        %mul3A_794 = arith.constant 8 : i32
        %mul3A_795 = arith.muli %scan3A_695, %mul3A_794 : i32
        %add3A_796 = arith.constant 1400 : i32
        %add3A_797 = arith.addi %add3A_796, %mul3A_795 : i32
        %add3A_798 = arith.constant 4 : i32
        %add3A_799 = arith.addi %add3A_797, %add3A_798 : i32
        %get3A_800 = arith.index_cast %add3A_799 : i32 to index
        %get3A_801 = arith.constant 0 : index
        %get3A_802 = tpu.vector_load %arg10[%get3A_800, %get3A_801] {strides = array<i32>} : memref<3200x16xf32, #tpu.memory_space<vmem>>, vector<16xf32>,
        %add3A_803 = arith.addf %add3A_723, %get3A_802 : vector<16xf32>
        %mul3A_804 = arith.constant 8 : i32
        %mul3A_805 = arith.muli %scan3A_695, %mul3A_804 : i32
        %add3A_806 = arith.constant 1200 : i32
        %add3A_807 = arith.addi %add3A_806, %mul3A_805 : i32
        %add3A_808 = arith.constant 5 : i32
        %add3A_809 = arith.addi %add3A_807, %add3A_808 : i32
        %get3A_810 = arith.index_cast %add3A_809 : i32 to index
        %get3A_811 = arith.constant 0 : index
        %get3A_812 = tpu.vector_load %arg10[%get3A_810, %get3A_811] {strides = array<i32>} : memref<3200x16xf32, #tpu.memory_space<vmem>>, vector<16xf32>,
        %add3A_813 = arith.addf %add3A_733, %get3A_812 : vector<16xf32>
        %mul3A_814 = arith.constant 8 : i32
        %mul3A_815 = arith.muli %scan3A_695, %mul3A_814 : i32
        %add3A_816 = arith.constant 1400 : i32
        %add3A_817 = arith.addi %add3A_816, %mul3A_815 : i32
        %add3A_818 = arith.constant 5 : i32
        %add3A_819 = arith.addi %add3A_817, %add3A_818 : i32
        %get3A_820 = arith.index_cast %add3A_819 : i32 to index
        %get3A_821 = arith.constant 0 : index
        %get3A_822 = tpu.vector_load %arg10[%get3A_820, %get3A_821] {strides = array<i32>} : memref<3200x16xf32, #tpu.memory_space<vmem>>, vector<16xf32>,
        %add3A_823 = arith.addf %add3A_743, %get3A_822 : vector<16xf32>
        %mul3A_824 = arith.constant 8 : i32
        %mul3A_825 = arith.muli %scan3A_695, %mul3A_824 : i32
        %add3A_826 = arith.constant 1200 : i32
        %add3A_827 = arith.addi %add3A_826, %mul3A_825 : i32
        %add3A_828 = arith.constant 6 : i32
        %add3A_829 = arith.addi %add3A_827, %add3A_828 : i32
        %get3A_830 = arith.index_cast %add3A_829 : i32 to index
        %get3A_831 = arith.constant 0 : index
        %get3A_832 = tpu.vector_load %arg10[%get3A_830, %get3A_831] {strides = array<i32>} : memref<3200x16xf32, #tpu.memory_space<vmem>>, vector<16xf32>,
        %add3A_833 = arith.addf %add3A_753, %get3A_832 : vector<16xf32>
        %mul3A_834 = arith.constant 8 : i32
        %mul3A_835 = arith.muli %scan3A_695, %mul3A_834 : i32
        %add3A_836 = arith.constant 1400 : i32
        %add3A_837 = arith.addi %add3A_836, %mul3A_835 : i32
        %add3A_838 = arith.constant 6 : i32
        %add3A_839 = arith.addi %add3A_837, %add3A_838 : i32
        %get3A_840 = arith.index_cast %add3A_839 : i32 to index
        %get3A_841 = arith.constant 0 : index
        %get3A_842 = tpu.vector_load %arg10[%get3A_840, %get3A_841] {strides = array<i32>} : memref<3200x16xf32, #tpu.memory_space<vmem>>, vector<16xf32>,
        %add3A_843 = arith.addf %add3A_763, %get3A_842 : vector<16xf32>
        %mul3A_844 = arith.constant 8 : i32
        %mul3A_845 = arith.muli %scan3A_695, %mul3A_844 : i32
        %add3A_846 = arith.constant 1200 : i32
        %add3A_847 = arith.addi %add3A_846, %mul3A_845 : i32
        %add3A_848 = arith.constant 7 : i32
        %add3A_849 = arith.addi %add3A_847, %add3A_848 : i32
        %get3A_850 = arith.index_cast %add3A_849 : i32 to index
        %get3A_851 = arith.constant 0 : index
        %get3A_852 = tpu.vector_load %arg10[%get3A_850, %get3A_851] {strides = array<i32>} : memref<3200x16xf32, #tpu.memory_space<vmem>>, vector<16xf32>,
        %add3A_853 = arith.addf %add3A_773, %get3A_852 : vector<16xf32>
        %mul3A_854 = arith.constant 8 : i32
        %mul3A_855 = arith.muli %scan3A_695, %mul3A_854 : i32
        %add3A_856 = arith.constant 1400 : i32
        %add3A_857 = arith.addi %add3A_856, %mul3A_855 : i32
        %add3A_858 = arith.constant 7 : i32
        %add3A_859 = arith.addi %add3A_857, %add3A_858 : i32
        %get3A_860 = arith.index_cast %add3A_859 : i32 to index
        %get3A_861 = arith.constant 0 : index
        %get3A_862 = tpu.vector_load %arg10[%get3A_860, %get3A_861] {strides = array<i32>} : memref<3200x16xf32, #tpu.memory_space<vmem>>, vector<16xf32>,
        %add3A_863 = arith.addf %add3A_783, %get3A_862 : vector<16xf32>
        scf.yield %add3A_793, %add3A_813, %add3A_833, %add3A_853, %add3A_803, %add3A_823, %add3A_843, %add3A_863 : vector<16xf32>, vector<16xf32>, vector<16xf32>, vector<16xf32>, vector<16xf32>, vector<16xf32>, vector<16xf32>, vector<16xf32>
      }
      %scan3A_338 = arith.constant 25 : i32
      %add3A_339 = arith.addf %scan3A_337#0, %scan3A_337#1 : vector<16xf32>
      %add3A_340 = arith.addf %add3A_339, %scan3A_337#2 : vector<16xf32>
      %add3A_341 = arith.addf %add3A_340, %scan3A_337#3 : vector<16xf32>
      %add3A_342 = arith.addf %add3A_341, %get3A_221 : vector<16xf32>
      %add3A_343 = arith.addf %scan3A_337#4, %scan3A_337#5 : vector<16xf32>
      %add3A_344 = arith.addf %add3A_343, %scan3A_337#6 : vector<16xf32>
      %add3A_345 = arith.addf %add3A_344, %scan3A_337#7 : vector<16xf32>
      %add3A_346 = arith.addf %add3A_345, %get3A_221 : vector<16xf32>
      %mul3A_347 = arith.constant 16 : i32
      %mul3A_348 = arith.muli %add3A_237, %mul3A_347 : i32
      %add3A_349 = arith.constant 6 : i32
      %add3A_350 = arith.addi %mul3A_348, %add3A_349 : i32
      %broadcast_in_dim3A_351 = arith.constant 0 : i32
      %broadcast_in_dim3A_352 = vector.broadcast %broadcast_in_dim3A_351 : i32 to vector<16xi32>
      %add3A_353 = vector.broadcast %add3A_350 : i32 to vector<16xi32>
      %add3A_354 = arith.addi %broadcast_in_dim3A_352, %add3A_353 : vector<16xi32>
      tpu.vector_store_idx %arg12[%iota3A_222, %add3A_354], %add3A_342 masked %lt3A_224 : memref<2x512xf32, #tpu.memory_space<vmem>>[vector<16xi32>, vector<16xi32>], vector<16xf32>, vector<16xi1>
      %broadcast_in_dim3A_355 = arith.constant 1 : i32
      %broadcast_in_dim3A_356 = vector.broadcast %broadcast_in_dim3A_355 : i32 to vector<16xi32>
      %add3A_357 = vector.broadcast %add3A_350 : i32 to vector<16xi32>
      %add3A_358 = arith.addi %broadcast_in_dim3A_356, %add3A_357 : vector<16xi32>
      tpu.vector_store_idx %arg12[%iota3A_222, %add3A_358], %add3A_346 masked %lt3A_224 : memref<2x512xf32, #tpu.memory_space<vmem>>[vector<16xi32>, vector<16xi32>], vector<16xf32>, vector<16xi1>
      %scan3A_359 = arith.constant 0 : i32
      %scan3A_360 = arith.constant 25 : i32
      %scan3A_361 = arith.addi %scan3A_359, %scan3A_360 : i32
      %scan3A_362 = arith.constant 1 : i32
      %scan3A_363:8 = scf.for %scan3A_695 = %scan3A_359 to %scan3A_361 step %scan3A_362 iter_args(%scan3A_696 = %broadcast_in_dim3A_220, %scan3A_697 = %broadcast_in_dim3A_220, %scan3A_698 = %broadcast_in_dim3A_220, %scan3A_699 = %broadcast_in_dim3A_220, %scan3A_700 = %broadcast_in_dim3A_220, %scan3A_701 = %broadcast_in_dim3A_220, %scan3A_702 = %broadcast_in_dim3A_220, %scan3A_703 = %broadcast_in_dim3A_220) -> (vector<16xf32>, vector<16xf32>, vector<16xf32>, vector<16xf32>, vector<16xf32>, vector<16xf32>, vector<16xf32>, vector<16xf32>)  : i32 {
        %mul3A_704 = arith.constant 8 : i32
        %mul3A_705 = arith.muli %scan3A_695, %mul3A_704 : i32
        %add3A_706 = arith.constant 1600 : i32
        %add3A_707 = arith.addi %add3A_706, %mul3A_705 : i32
        %add3A_708 = arith.constant 0 : i32
        %add3A_709 = arith.addi %add3A_707, %add3A_708 : i32
        %get3A_710 = arith.index_cast %add3A_709 : i32 to index
        %get3A_711 = arith.constant 0 : index
        %get3A_712 = tpu.vector_load %arg10[%get3A_710, %get3A_711] {strides = array<i32>} : memref<3200x16xf32, #tpu.memory_space<vmem>>, vector<16xf32>,
        %add3A_713 = arith.addf %scan3A_696, %get3A_712 : vector<16xf32>
        %mul3A_714 = arith.constant 8 : i32
        %mul3A_715 = arith.muli %scan3A_695, %mul3A_714 : i32
        %add3A_716 = arith.constant 1800 : i32
        %add3A_717 = arith.addi %add3A_716, %mul3A_715 : i32
        %add3A_718 = arith.constant 0 : i32
        %add3A_719 = arith.addi %add3A_717, %add3A_718 : i32
        %get3A_720 = arith.index_cast %add3A_719 : i32 to index
        %get3A_721 = arith.constant 0 : index
        %get3A_722 = tpu.vector_load %arg10[%get3A_720, %get3A_721] {strides = array<i32>} : memref<3200x16xf32, #tpu.memory_space<vmem>>, vector<16xf32>,
        %add3A_723 = arith.addf %scan3A_700, %get3A_722 : vector<16xf32>
        %mul3A_724 = arith.constant 8 : i32
        %mul3A_725 = arith.muli %scan3A_695, %mul3A_724 : i32
        %add3A_726 = arith.constant 1600 : i32
        %add3A_727 = arith.addi %add3A_726, %mul3A_725 : i32
        %add3A_728 = arith.constant 1 : i32
        %add3A_729 = arith.addi %add3A_727, %add3A_728 : i32
        %get3A_730 = arith.index_cast %add3A_729 : i32 to index
        %get3A_731 = arith.constant 0 : index
        %get3A_732 = tpu.vector_load %arg10[%get3A_730, %get3A_731] {strides = array<i32>} : memref<3200x16xf32, #tpu.memory_space<vmem>>, vector<16xf32>,
        %add3A_733 = arith.addf %scan3A_697, %get3A_732 : vector<16xf32>
        %mul3A_734 = arith.constant 8 : i32
        %mul3A_735 = arith.muli %scan3A_695, %mul3A_734 : i32
        %add3A_736 = arith.constant 1800 : i32
        %add3A_737 = arith.addi %add3A_736, %mul3A_735 : i32
        %add3A_738 = arith.constant 1 : i32
        %add3A_739 = arith.addi %add3A_737, %add3A_738 : i32
        %get3A_740 = arith.index_cast %add3A_739 : i32 to index
        %get3A_741 = arith.constant 0 : index
        %get3A_742 = tpu.vector_load %arg10[%get3A_740, %get3A_741] {strides = array<i32>} : memref<3200x16xf32, #tpu.memory_space<vmem>>, vector<16xf32>,
        %add3A_743 = arith.addf %scan3A_701, %get3A_742 : vector<16xf32>
        %mul3A_744 = arith.constant 8 : i32
        %mul3A_745 = arith.muli %scan3A_695, %mul3A_744 : i32
        %add3A_746 = arith.constant 1600 : i32
        %add3A_747 = arith.addi %add3A_746, %mul3A_745 : i32
        %add3A_748 = arith.constant 2 : i32
        %add3A_749 = arith.addi %add3A_747, %add3A_748 : i32
        %get3A_750 = arith.index_cast %add3A_749 : i32 to index
        %get3A_751 = arith.constant 0 : index
        %get3A_752 = tpu.vector_load %arg10[%get3A_750, %get3A_751] {strides = array<i32>} : memref<3200x16xf32, #tpu.memory_space<vmem>>, vector<16xf32>,
        %add3A_753 = arith.addf %scan3A_698, %get3A_752 : vector<16xf32>
        %mul3A_754 = arith.constant 8 : i32
        %mul3A_755 = arith.muli %scan3A_695, %mul3A_754 : i32
        %add3A_756 = arith.constant 1800 : i32
        %add3A_757 = arith.addi %add3A_756, %mul3A_755 : i32
        %add3A_758 = arith.constant 2 : i32
        %add3A_759 = arith.addi %add3A_757, %add3A_758 : i32
        %get3A_760 = arith.index_cast %add3A_759 : i32 to index
        %get3A_761 = arith.constant 0 : index
        %get3A_762 = tpu.vector_load %arg10[%get3A_760, %get3A_761] {strides = array<i32>} : memref<3200x16xf32, #tpu.memory_space<vmem>>, vector<16xf32>,
        %add3A_763 = arith.addf %scan3A_702, %get3A_762 : vector<16xf32>
        %mul3A_764 = arith.constant 8 : i32
        %mul3A_765 = arith.muli %scan3A_695, %mul3A_764 : i32
        %add3A_766 = arith.constant 1600 : i32
        %add3A_767 = arith.addi %add3A_766, %mul3A_765 : i32
        %add3A_768 = arith.constant 3 : i32
        %add3A_769 = arith.addi %add3A_767, %add3A_768 : i32
        %get3A_770 = arith.index_cast %add3A_769 : i32 to index
        %get3A_771 = arith.constant 0 : index
        %get3A_772 = tpu.vector_load %arg10[%get3A_770, %get3A_771] {strides = array<i32>} : memref<3200x16xf32, #tpu.memory_space<vmem>>, vector<16xf32>,
        %add3A_773 = arith.addf %scan3A_699, %get3A_772 : vector<16xf32>
        %mul3A_774 = arith.constant 8 : i32
        %mul3A_775 = arith.muli %scan3A_695, %mul3A_774 : i32
        %add3A_776 = arith.constant 1800 : i32
        %add3A_777 = arith.addi %add3A_776, %mul3A_775 : i32
        %add3A_778 = arith.constant 3 : i32
        %add3A_779 = arith.addi %add3A_777, %add3A_778 : i32
        %get3A_780 = arith.index_cast %add3A_779 : i32 to index
        %get3A_781 = arith.constant 0 : index
        %get3A_782 = tpu.vector_load %arg10[%get3A_780, %get3A_781] {strides = array<i32>} : memref<3200x16xf32, #tpu.memory_space<vmem>>, vector<16xf32>,
        %add3A_783 = arith.addf %scan3A_703, %get3A_782 : vector<16xf32>
        %mul3A_784 = arith.constant 8 : i32
        %mul3A_785 = arith.muli %scan3A_695, %mul3A_784 : i32
        %add3A_786 = arith.constant 1600 : i32
        %add3A_787 = arith.addi %add3A_786, %mul3A_785 : i32
        %add3A_788 = arith.constant 4 : i32
        %add3A_789 = arith.addi %add3A_787, %add3A_788 : i32
        %get3A_790 = arith.index_cast %add3A_789 : i32 to index
        %get3A_791 = arith.constant 0 : index
        %get3A_792 = tpu.vector_load %arg10[%get3A_790, %get3A_791] {strides = array<i32>} : memref<3200x16xf32, #tpu.memory_space<vmem>>, vector<16xf32>,
        %add3A_793 = arith.addf %add3A_713, %get3A_792 : vector<16xf32>
        %mul3A_794 = arith.constant 8 : i32
        %mul3A_795 = arith.muli %scan3A_695, %mul3A_794 : i32
        %add3A_796 = arith.constant 1800 : i32
        %add3A_797 = arith.addi %add3A_796, %mul3A_795 : i32
        %add3A_798 = arith.constant 4 : i32
        %add3A_799 = arith.addi %add3A_797, %add3A_798 : i32
        %get3A_800 = arith.index_cast %add3A_799 : i32 to index
        %get3A_801 = arith.constant 0 : index
        %get3A_802 = tpu.vector_load %arg10[%get3A_800, %get3A_801] {strides = array<i32>} : memref<3200x16xf32, #tpu.memory_space<vmem>>, vector<16xf32>,
        %add3A_803 = arith.addf %add3A_723, %get3A_802 : vector<16xf32>
        %mul3A_804 = arith.constant 8 : i32
        %mul3A_805 = arith.muli %scan3A_695, %mul3A_804 : i32
        %add3A_806 = arith.constant 1600 : i32
        %add3A_807 = arith.addi %add3A_806, %mul3A_805 : i32
        %add3A_808 = arith.constant 5 : i32
        %add3A_809 = arith.addi %add3A_807, %add3A_808 : i32
        %get3A_810 = arith.index_cast %add3A_809 : i32 to index
        %get3A_811 = arith.constant 0 : index
        %get3A_812 = tpu.vector_load %arg10[%get3A_810, %get3A_811] {strides = array<i32>} : memref<3200x16xf32, #tpu.memory_space<vmem>>, vector<16xf32>,
        %add3A_813 = arith.addf %add3A_733, %get3A_812 : vector<16xf32>
        %mul3A_814 = arith.constant 8 : i32
        %mul3A_815 = arith.muli %scan3A_695, %mul3A_814 : i32
        %add3A_816 = arith.constant 1800 : i32
        %add3A_817 = arith.addi %add3A_816, %mul3A_815 : i32
        %add3A_818 = arith.constant 5 : i32
        %add3A_819 = arith.addi %add3A_817, %add3A_818 : i32
        %get3A_820 = arith.index_cast %add3A_819 : i32 to index
        %get3A_821 = arith.constant 0 : index
        %get3A_822 = tpu.vector_load %arg10[%get3A_820, %get3A_821] {strides = array<i32>} : memref<3200x16xf32, #tpu.memory_space<vmem>>, vector<16xf32>,
        %add3A_823 = arith.addf %add3A_743, %get3A_822 : vector<16xf32>
        %mul3A_824 = arith.constant 8 : i32
        %mul3A_825 = arith.muli %scan3A_695, %mul3A_824 : i32
        %add3A_826 = arith.constant 1600 : i32
        %add3A_827 = arith.addi %add3A_826, %mul3A_825 : i32
        %add3A_828 = arith.constant 6 : i32
        %add3A_829 = arith.addi %add3A_827, %add3A_828 : i32
        %get3A_830 = arith.index_cast %add3A_829 : i32 to index
        %get3A_831 = arith.constant 0 : index
        %get3A_832 = tpu.vector_load %arg10[%get3A_830, %get3A_831] {strides = array<i32>} : memref<3200x16xf32, #tpu.memory_space<vmem>>, vector<16xf32>,
        %add3A_833 = arith.addf %add3A_753, %get3A_832 : vector<16xf32>
        %mul3A_834 = arith.constant 8 : i32
        %mul3A_835 = arith.muli %scan3A_695, %mul3A_834 : i32
        %add3A_836 = arith.constant 1800 : i32
        %add3A_837 = arith.addi %add3A_836, %mul3A_835 : i32
        %add3A_838 = arith.constant 6 : i32
        %add3A_839 = arith.addi %add3A_837, %add3A_838 : i32
        %get3A_840 = arith.index_cast %add3A_839 : i32 to index
        %get3A_841 = arith.constant 0 : index
        %get3A_842 = tpu.vector_load %arg10[%get3A_840, %get3A_841] {strides = array<i32>} : memref<3200x16xf32, #tpu.memory_space<vmem>>, vector<16xf32>,
        %add3A_843 = arith.addf %add3A_763, %get3A_842 : vector<16xf32>
        %mul3A_844 = arith.constant 8 : i32
        %mul3A_845 = arith.muli %scan3A_695, %mul3A_844 : i32
        %add3A_846 = arith.constant 1600 : i32
        %add3A_847 = arith.addi %add3A_846, %mul3A_845 : i32
        %add3A_848 = arith.constant 7 : i32
        %add3A_849 = arith.addi %add3A_847, %add3A_848 : i32
        %get3A_850 = arith.index_cast %add3A_849 : i32 to index
        %get3A_851 = arith.constant 0 : index
        %get3A_852 = tpu.vector_load %arg10[%get3A_850, %get3A_851] {strides = array<i32>} : memref<3200x16xf32, #tpu.memory_space<vmem>>, vector<16xf32>,
        %add3A_853 = arith.addf %add3A_773, %get3A_852 : vector<16xf32>
        %mul3A_854 = arith.constant 8 : i32
        %mul3A_855 = arith.muli %scan3A_695, %mul3A_854 : i32
        %add3A_856 = arith.constant 1800 : i32
        %add3A_857 = arith.addi %add3A_856, %mul3A_855 : i32
        %add3A_858 = arith.constant 7 : i32
        %add3A_859 = arith.addi %add3A_857, %add3A_858 : i32
        %get3A_860 = arith.index_cast %add3A_859 : i32 to index
        %get3A_861 = arith.constant 0 : index
        %get3A_862 = tpu.vector_load %arg10[%get3A_860, %get3A_861] {strides = array<i32>} : memref<3200x16xf32, #tpu.memory_space<vmem>>, vector<16xf32>,
        %add3A_863 = arith.addf %add3A_783, %get3A_862 : vector<16xf32>
        scf.yield %add3A_793, %add3A_813, %add3A_833, %add3A_853, %add3A_803, %add3A_823, %add3A_843, %add3A_863 : vector<16xf32>, vector<16xf32>, vector<16xf32>, vector<16xf32>, vector<16xf32>, vector<16xf32>, vector<16xf32>, vector<16xf32>
      }
      %scan3A_364 = arith.constant 25 : i32
      %add3A_365 = arith.addf %scan3A_363#0, %scan3A_363#1 : vector<16xf32>
      %add3A_366 = arith.addf %add3A_365, %scan3A_363#2 : vector<16xf32>
      %add3A_367 = arith.addf %add3A_366, %scan3A_363#3 : vector<16xf32>
      %add3A_368 = arith.addf %add3A_367, %get3A_221 : vector<16xf32>
      %add3A_369 = arith.addf %scan3A_363#4, %scan3A_363#5 : vector<16xf32>
      %add3A_370 = arith.addf %add3A_369, %scan3A_363#6 : vector<16xf32>
      %add3A_371 = arith.addf %add3A_370, %scan3A_363#7 : vector<16xf32>
      %add3A_372 = arith.addf %add3A_371, %get3A_221 : vector<16xf32>
      %mul3A_373 = arith.constant 16 : i32
      %mul3A_374 = arith.muli %add3A_237, %mul3A_373 : i32
      %add3A_375 = arith.constant 8 : i32
      %add3A_376 = arith.addi %mul3A_374, %add3A_375 : i32
      %broadcast_in_dim3A_377 = arith.constant 0 : i32
      %broadcast_in_dim3A_378 = vector.broadcast %broadcast_in_dim3A_377 : i32 to vector<16xi32>
      %add3A_379 = vector.broadcast %add3A_376 : i32 to vector<16xi32>
      %add3A_380 = arith.addi %broadcast_in_dim3A_378, %add3A_379 : vector<16xi32>
      tpu.vector_store_idx %arg12[%iota3A_222, %add3A_380], %add3A_368 masked %lt3A_224 : memref<2x512xf32, #tpu.memory_space<vmem>>[vector<16xi32>, vector<16xi32>], vector<16xf32>, vector<16xi1>
      %broadcast_in_dim3A_381 = arith.constant 1 : i32
      %broadcast_in_dim3A_382 = vector.broadcast %broadcast_in_dim3A_381 : i32 to vector<16xi32>
      %add3A_383 = vector.broadcast %add3A_376 : i32 to vector<16xi32>
      %add3A_384 = arith.addi %broadcast_in_dim3A_382, %add3A_383 : vector<16xi32>
      tpu.vector_store_idx %arg12[%iota3A_222, %add3A_384], %add3A_372 masked %lt3A_224 : memref<2x512xf32, #tpu.memory_space<vmem>>[vector<16xi32>, vector<16xi32>], vector<16xf32>, vector<16xi1>
      %scan3A_385 = arith.constant 0 : i32
      %scan3A_386 = arith.constant 25 : i32
      %scan3A_387 = arith.addi %scan3A_385, %scan3A_386 : i32
      %scan3A_388 = arith.constant 1 : i32
      %scan3A_389:8 = scf.for %scan3A_695 = %scan3A_385 to %scan3A_387 step %scan3A_388 iter_args(%scan3A_696 = %broadcast_in_dim3A_220, %scan3A_697 = %broadcast_in_dim3A_220, %scan3A_698 = %broadcast_in_dim3A_220, %scan3A_699 = %broadcast_in_dim3A_220, %scan3A_700 = %broadcast_in_dim3A_220, %scan3A_701 = %broadcast_in_dim3A_220, %scan3A_702 = %broadcast_in_dim3A_220, %scan3A_703 = %broadcast_in_dim3A_220) -> (vector<16xf32>, vector<16xf32>, vector<16xf32>, vector<16xf32>, vector<16xf32>, vector<16xf32>, vector<16xf32>, vector<16xf32>)  : i32 {
        %mul3A_704 = arith.constant 8 : i32
        %mul3A_705 = arith.muli %scan3A_695, %mul3A_704 : i32
        %add3A_706 = arith.constant 2000 : i32
        %add3A_707 = arith.addi %add3A_706, %mul3A_705 : i32
        %add3A_708 = arith.constant 0 : i32
        %add3A_709 = arith.addi %add3A_707, %add3A_708 : i32
        %get3A_710 = arith.index_cast %add3A_709 : i32 to index
        %get3A_711 = arith.constant 0 : index
        %get3A_712 = tpu.vector_load %arg10[%get3A_710, %get3A_711] {strides = array<i32>} : memref<3200x16xf32, #tpu.memory_space<vmem>>, vector<16xf32>,
        %add3A_713 = arith.addf %scan3A_696, %get3A_712 : vector<16xf32>
        %mul3A_714 = arith.constant 8 : i32
        %mul3A_715 = arith.muli %scan3A_695, %mul3A_714 : i32
        %add3A_716 = arith.constant 2200 : i32
        %add3A_717 = arith.addi %add3A_716, %mul3A_715 : i32
        %add3A_718 = arith.constant 0 : i32
        %add3A_719 = arith.addi %add3A_717, %add3A_718 : i32
        %get3A_720 = arith.index_cast %add3A_719 : i32 to index
        %get3A_721 = arith.constant 0 : index
        %get3A_722 = tpu.vector_load %arg10[%get3A_720, %get3A_721] {strides = array<i32>} : memref<3200x16xf32, #tpu.memory_space<vmem>>, vector<16xf32>,
        %add3A_723 = arith.addf %scan3A_700, %get3A_722 : vector<16xf32>
        %mul3A_724 = arith.constant 8 : i32
        %mul3A_725 = arith.muli %scan3A_695, %mul3A_724 : i32
        %add3A_726 = arith.constant 2000 : i32
        %add3A_727 = arith.addi %add3A_726, %mul3A_725 : i32
        %add3A_728 = arith.constant 1 : i32
        %add3A_729 = arith.addi %add3A_727, %add3A_728 : i32
        %get3A_730 = arith.index_cast %add3A_729 : i32 to index
        %get3A_731 = arith.constant 0 : index
        %get3A_732 = tpu.vector_load %arg10[%get3A_730, %get3A_731] {strides = array<i32>} : memref<3200x16xf32, #tpu.memory_space<vmem>>, vector<16xf32>,
        %add3A_733 = arith.addf %scan3A_697, %get3A_732 : vector<16xf32>
        %mul3A_734 = arith.constant 8 : i32
        %mul3A_735 = arith.muli %scan3A_695, %mul3A_734 : i32
        %add3A_736 = arith.constant 2200 : i32
        %add3A_737 = arith.addi %add3A_736, %mul3A_735 : i32
        %add3A_738 = arith.constant 1 : i32
        %add3A_739 = arith.addi %add3A_737, %add3A_738 : i32
        %get3A_740 = arith.index_cast %add3A_739 : i32 to index
        %get3A_741 = arith.constant 0 : index
        %get3A_742 = tpu.vector_load %arg10[%get3A_740, %get3A_741] {strides = array<i32>} : memref<3200x16xf32, #tpu.memory_space<vmem>>, vector<16xf32>,
        %add3A_743 = arith.addf %scan3A_701, %get3A_742 : vector<16xf32>
        %mul3A_744 = arith.constant 8 : i32
        %mul3A_745 = arith.muli %scan3A_695, %mul3A_744 : i32
        %add3A_746 = arith.constant 2000 : i32
        %add3A_747 = arith.addi %add3A_746, %mul3A_745 : i32
        %add3A_748 = arith.constant 2 : i32
        %add3A_749 = arith.addi %add3A_747, %add3A_748 : i32
        %get3A_750 = arith.index_cast %add3A_749 : i32 to index
        %get3A_751 = arith.constant 0 : index
        %get3A_752 = tpu.vector_load %arg10[%get3A_750, %get3A_751] {strides = array<i32>} : memref<3200x16xf32, #tpu.memory_space<vmem>>, vector<16xf32>,
        %add3A_753 = arith.addf %scan3A_698, %get3A_752 : vector<16xf32>
        %mul3A_754 = arith.constant 8 : i32
        %mul3A_755 = arith.muli %scan3A_695, %mul3A_754 : i32
        %add3A_756 = arith.constant 2200 : i32
        %add3A_757 = arith.addi %add3A_756, %mul3A_755 : i32
        %add3A_758 = arith.constant 2 : i32
        %add3A_759 = arith.addi %add3A_757, %add3A_758 : i32
        %get3A_760 = arith.index_cast %add3A_759 : i32 to index
        %get3A_761 = arith.constant 0 : index
        %get3A_762 = tpu.vector_load %arg10[%get3A_760, %get3A_761] {strides = array<i32>} : memref<3200x16xf32, #tpu.memory_space<vmem>>, vector<16xf32>,
        %add3A_763 = arith.addf %scan3A_702, %get3A_762 : vector<16xf32>
        %mul3A_764 = arith.constant 8 : i32
        %mul3A_765 = arith.muli %scan3A_695, %mul3A_764 : i32
        %add3A_766 = arith.constant 2000 : i32
        %add3A_767 = arith.addi %add3A_766, %mul3A_765 : i32
        %add3A_768 = arith.constant 3 : i32
        %add3A_769 = arith.addi %add3A_767, %add3A_768 : i32
        %get3A_770 = arith.index_cast %add3A_769 : i32 to index
        %get3A_771 = arith.constant 0 : index
        %get3A_772 = tpu.vector_load %arg10[%get3A_770, %get3A_771] {strides = array<i32>} : memref<3200x16xf32, #tpu.memory_space<vmem>>, vector<16xf32>,
        %add3A_773 = arith.addf %scan3A_699, %get3A_772 : vector<16xf32>
        %mul3A_774 = arith.constant 8 : i32
        %mul3A_775 = arith.muli %scan3A_695, %mul3A_774 : i32
        %add3A_776 = arith.constant 2200 : i32
        %add3A_777 = arith.addi %add3A_776, %mul3A_775 : i32
        %add3A_778 = arith.constant 3 : i32
        %add3A_779 = arith.addi %add3A_777, %add3A_778 : i32
        %get3A_780 = arith.index_cast %add3A_779 : i32 to index
        %get3A_781 = arith.constant 0 : index
        %get3A_782 = tpu.vector_load %arg10[%get3A_780, %get3A_781] {strides = array<i32>} : memref<3200x16xf32, #tpu.memory_space<vmem>>, vector<16xf32>,
        %add3A_783 = arith.addf %scan3A_703, %get3A_782 : vector<16xf32>
        %mul3A_784 = arith.constant 8 : i32
        %mul3A_785 = arith.muli %scan3A_695, %mul3A_784 : i32
        %add3A_786 = arith.constant 2000 : i32
        %add3A_787 = arith.addi %add3A_786, %mul3A_785 : i32
        %add3A_788 = arith.constant 4 : i32
        %add3A_789 = arith.addi %add3A_787, %add3A_788 : i32
        %get3A_790 = arith.index_cast %add3A_789 : i32 to index
        %get3A_791 = arith.constant 0 : index
        %get3A_792 = tpu.vector_load %arg10[%get3A_790, %get3A_791] {strides = array<i32>} : memref<3200x16xf32, #tpu.memory_space<vmem>>, vector<16xf32>,
        %add3A_793 = arith.addf %add3A_713, %get3A_792 : vector<16xf32>
        %mul3A_794 = arith.constant 8 : i32
        %mul3A_795 = arith.muli %scan3A_695, %mul3A_794 : i32
        %add3A_796 = arith.constant 2200 : i32
        %add3A_797 = arith.addi %add3A_796, %mul3A_795 : i32
        %add3A_798 = arith.constant 4 : i32
        %add3A_799 = arith.addi %add3A_797, %add3A_798 : i32
        %get3A_800 = arith.index_cast %add3A_799 : i32 to index
        %get3A_801 = arith.constant 0 : index
        %get3A_802 = tpu.vector_load %arg10[%get3A_800, %get3A_801] {strides = array<i32>} : memref<3200x16xf32, #tpu.memory_space<vmem>>, vector<16xf32>,
        %add3A_803 = arith.addf %add3A_723, %get3A_802 : vector<16xf32>
        %mul3A_804 = arith.constant 8 : i32
        %mul3A_805 = arith.muli %scan3A_695, %mul3A_804 : i32
        %add3A_806 = arith.constant 2000 : i32
        %add3A_807 = arith.addi %add3A_806, %mul3A_805 : i32
        %add3A_808 = arith.constant 5 : i32
        %add3A_809 = arith.addi %add3A_807, %add3A_808 : i32
        %get3A_810 = arith.index_cast %add3A_809 : i32 to index
        %get3A_811 = arith.constant 0 : index
        %get3A_812 = tpu.vector_load %arg10[%get3A_810, %get3A_811] {strides = array<i32>} : memref<3200x16xf32, #tpu.memory_space<vmem>>, vector<16xf32>,
        %add3A_813 = arith.addf %add3A_733, %get3A_812 : vector<16xf32>
        %mul3A_814 = arith.constant 8 : i32
        %mul3A_815 = arith.muli %scan3A_695, %mul3A_814 : i32
        %add3A_816 = arith.constant 2200 : i32
        %add3A_817 = arith.addi %add3A_816, %mul3A_815 : i32
        %add3A_818 = arith.constant 5 : i32
        %add3A_819 = arith.addi %add3A_817, %add3A_818 : i32
        %get3A_820 = arith.index_cast %add3A_819 : i32 to index
        %get3A_821 = arith.constant 0 : index
        %get3A_822 = tpu.vector_load %arg10[%get3A_820, %get3A_821] {strides = array<i32>} : memref<3200x16xf32, #tpu.memory_space<vmem>>, vector<16xf32>,
        %add3A_823 = arith.addf %add3A_743, %get3A_822 : vector<16xf32>
        %mul3A_824 = arith.constant 8 : i32
        %mul3A_825 = arith.muli %scan3A_695, %mul3A_824 : i32
        %add3A_826 = arith.constant 2000 : i32
        %add3A_827 = arith.addi %add3A_826, %mul3A_825 : i32
        %add3A_828 = arith.constant 6 : i32
        %add3A_829 = arith.addi %add3A_827, %add3A_828 : i32
        %get3A_830 = arith.index_cast %add3A_829 : i32 to index
        %get3A_831 = arith.constant 0 : index
        %get3A_832 = tpu.vector_load %arg10[%get3A_830, %get3A_831] {strides = array<i32>} : memref<3200x16xf32, #tpu.memory_space<vmem>>, vector<16xf32>,
        %add3A_833 = arith.addf %add3A_753, %get3A_832 : vector<16xf32>
        %mul3A_834 = arith.constant 8 : i32
        %mul3A_835 = arith.muli %scan3A_695, %mul3A_834 : i32
        %add3A_836 = arith.constant 2200 : i32
        %add3A_837 = arith.addi %add3A_836, %mul3A_835 : i32
        %add3A_838 = arith.constant 6 : i32
        %add3A_839 = arith.addi %add3A_837, %add3A_838 : i32
        %get3A_840 = arith.index_cast %add3A_839 : i32 to index
        %get3A_841 = arith.constant 0 : index
        %get3A_842 = tpu.vector_load %arg10[%get3A_840, %get3A_841] {strides = array<i32>} : memref<3200x16xf32, #tpu.memory_space<vmem>>, vector<16xf32>,
        %add3A_843 = arith.addf %add3A_763, %get3A_842 : vector<16xf32>
        %mul3A_844 = arith.constant 8 : i32
        %mul3A_845 = arith.muli %scan3A_695, %mul3A_844 : i32
        %add3A_846 = arith.constant 2000 : i32
        %add3A_847 = arith.addi %add3A_846, %mul3A_845 : i32
        %add3A_848 = arith.constant 7 : i32
        %add3A_849 = arith.addi %add3A_847, %add3A_848 : i32
        %get3A_850 = arith.index_cast %add3A_849 : i32 to index
        %get3A_851 = arith.constant 0 : index
        %get3A_852 = tpu.vector_load %arg10[%get3A_850, %get3A_851] {strides = array<i32>} : memref<3200x16xf32, #tpu.memory_space<vmem>>, vector<16xf32>,
        %add3A_853 = arith.addf %add3A_773, %get3A_852 : vector<16xf32>
        %mul3A_854 = arith.constant 8 : i32
        %mul3A_855 = arith.muli %scan3A_695, %mul3A_854 : i32
        %add3A_856 = arith.constant 2200 : i32
        %add3A_857 = arith.addi %add3A_856, %mul3A_855 : i32
        %add3A_858 = arith.constant 7 : i32
        %add3A_859 = arith.addi %add3A_857, %add3A_858 : i32
        %get3A_860 = arith.index_cast %add3A_859 : i32 to index
        %get3A_861 = arith.constant 0 : index
        %get3A_862 = tpu.vector_load %arg10[%get3A_860, %get3A_861] {strides = array<i32>} : memref<3200x16xf32, #tpu.memory_space<vmem>>, vector<16xf32>,
        %add3A_863 = arith.addf %add3A_783, %get3A_862 : vector<16xf32>
        scf.yield %add3A_793, %add3A_813, %add3A_833, %add3A_853, %add3A_803, %add3A_823, %add3A_843, %add3A_863 : vector<16xf32>, vector<16xf32>, vector<16xf32>, vector<16xf32>, vector<16xf32>, vector<16xf32>, vector<16xf32>, vector<16xf32>
      }
      %scan3A_390 = arith.constant 25 : i32
      %add3A_391 = arith.addf %scan3A_389#0, %scan3A_389#1 : vector<16xf32>
      %add3A_392 = arith.addf %add3A_391, %scan3A_389#2 : vector<16xf32>
      %add3A_393 = arith.addf %add3A_392, %scan3A_389#3 : vector<16xf32>
      %add3A_394 = arith.addf %add3A_393, %get3A_221 : vector<16xf32>
      %add3A_395 = arith.addf %scan3A_389#4, %scan3A_389#5 : vector<16xf32>
      %add3A_396 = arith.addf %add3A_395, %scan3A_389#6 : vector<16xf32>
      %add3A_397 = arith.addf %add3A_396, %scan3A_389#7 : vector<16xf32>
      %add3A_398 = arith.addf %add3A_397, %get3A_221 : vector<16xf32>
      %mul3A_399 = arith.constant 16 : i32
      %mul3A_400 = arith.muli %add3A_237, %mul3A_399 : i32
      %add3A_401 = arith.constant 10 : i32
      %add3A_402 = arith.addi %mul3A_400, %add3A_401 : i32
      %broadcast_in_dim3A_403 = arith.constant 0 : i32
      %broadcast_in_dim3A_404 = vector.broadcast %broadcast_in_dim3A_403 : i32 to vector<16xi32>
      %add3A_405 = vector.broadcast %add3A_402 : i32 to vector<16xi32>
      %add3A_406 = arith.addi %broadcast_in_dim3A_404, %add3A_405 : vector<16xi32>
      tpu.vector_store_idx %arg12[%iota3A_222, %add3A_406], %add3A_394 masked %lt3A_224 : memref<2x512xf32, #tpu.memory_space<vmem>>[vector<16xi32>, vector<16xi32>], vector<16xf32>, vector<16xi1>
      %broadcast_in_dim3A_407 = arith.constant 1 : i32
      %broadcast_in_dim3A_408 = vector.broadcast %broadcast_in_dim3A_407 : i32 to vector<16xi32>
      %add3A_409 = vector.broadcast %add3A_402 : i32 to vector<16xi32>
      %add3A_410 = arith.addi %broadcast_in_dim3A_408, %add3A_409 : vector<16xi32>
      tpu.vector_store_idx %arg12[%iota3A_222, %add3A_410], %add3A_398 masked %lt3A_224 : memref<2x512xf32, #tpu.memory_space<vmem>>[vector<16xi32>, vector<16xi32>], vector<16xf32>, vector<16xi1>
      %scan3A_411 = arith.constant 0 : i32
      %scan3A_412 = arith.constant 25 : i32
      %scan3A_413 = arith.addi %scan3A_411, %scan3A_412 : i32
      %scan3A_414 = arith.constant 1 : i32
      %scan3A_415:8 = scf.for %scan3A_695 = %scan3A_411 to %scan3A_413 step %scan3A_414 iter_args(%scan3A_696 = %broadcast_in_dim3A_220, %scan3A_697 = %broadcast_in_dim3A_220, %scan3A_698 = %broadcast_in_dim3A_220, %scan3A_699 = %broadcast_in_dim3A_220, %scan3A_700 = %broadcast_in_dim3A_220, %scan3A_701 = %broadcast_in_dim3A_220, %scan3A_702 = %broadcast_in_dim3A_220, %scan3A_703 = %broadcast_in_dim3A_220) -> (vector<16xf32>, vector<16xf32>, vector<16xf32>, vector<16xf32>, vector<16xf32>, vector<16xf32>, vector<16xf32>, vector<16xf32>)  : i32 {
        %mul3A_704 = arith.constant 8 : i32
        %mul3A_705 = arith.muli %scan3A_695, %mul3A_704 : i32
        %add3A_706 = arith.constant 2400 : i32
        %add3A_707 = arith.addi %add3A_706, %mul3A_705 : i32
        %add3A_708 = arith.constant 0 : i32
        %add3A_709 = arith.addi %add3A_707, %add3A_708 : i32
        %get3A_710 = arith.index_cast %add3A_709 : i32 to index
        %get3A_711 = arith.constant 0 : index
        %get3A_712 = tpu.vector_load %arg10[%get3A_710, %get3A_711] {strides = array<i32>} : memref<3200x16xf32, #tpu.memory_space<vmem>>, vector<16xf32>,
        %add3A_713 = arith.addf %scan3A_696, %get3A_712 : vector<16xf32>
        %mul3A_714 = arith.constant 8 : i32
        %mul3A_715 = arith.muli %scan3A_695, %mul3A_714 : i32
        %add3A_716 = arith.constant 2600 : i32
        %add3A_717 = arith.addi %add3A_716, %mul3A_715 : i32
        %add3A_718 = arith.constant 0 : i32
        %add3A_719 = arith.addi %add3A_717, %add3A_718 : i32
        %get3A_720 = arith.index_cast %add3A_719 : i32 to index
        %get3A_721 = arith.constant 0 : index
        %get3A_722 = tpu.vector_load %arg10[%get3A_720, %get3A_721] {strides = array<i32>} : memref<3200x16xf32, #tpu.memory_space<vmem>>, vector<16xf32>,
        %add3A_723 = arith.addf %scan3A_700, %get3A_722 : vector<16xf32>
        %mul3A_724 = arith.constant 8 : i32
        %mul3A_725 = arith.muli %scan3A_695, %mul3A_724 : i32
        %add3A_726 = arith.constant 2400 : i32
        %add3A_727 = arith.addi %add3A_726, %mul3A_725 : i32
        %add3A_728 = arith.constant 1 : i32
        %add3A_729 = arith.addi %add3A_727, %add3A_728 : i32
        %get3A_730 = arith.index_cast %add3A_729 : i32 to index
        %get3A_731 = arith.constant 0 : index
        %get3A_732 = tpu.vector_load %arg10[%get3A_730, %get3A_731] {strides = array<i32>} : memref<3200x16xf32, #tpu.memory_space<vmem>>, vector<16xf32>,
        %add3A_733 = arith.addf %scan3A_697, %get3A_732 : vector<16xf32>
        %mul3A_734 = arith.constant 8 : i32
        %mul3A_735 = arith.muli %scan3A_695, %mul3A_734 : i32
        %add3A_736 = arith.constant 2600 : i32
        %add3A_737 = arith.addi %add3A_736, %mul3A_735 : i32
        %add3A_738 = arith.constant 1 : i32
        %add3A_739 = arith.addi %add3A_737, %add3A_738 : i32
        %get3A_740 = arith.index_cast %add3A_739 : i32 to index
        %get3A_741 = arith.constant 0 : index
        %get3A_742 = tpu.vector_load %arg10[%get3A_740, %get3A_741] {strides = array<i32>} : memref<3200x16xf32, #tpu.memory_space<vmem>>, vector<16xf32>,
        %add3A_743 = arith.addf %scan3A_701, %get3A_742 : vector<16xf32>
        %mul3A_744 = arith.constant 8 : i32
        %mul3A_745 = arith.muli %scan3A_695, %mul3A_744 : i32
        %add3A_746 = arith.constant 2400 : i32
        %add3A_747 = arith.addi %add3A_746, %mul3A_745 : i32
        %add3A_748 = arith.constant 2 : i32
        %add3A_749 = arith.addi %add3A_747, %add3A_748 : i32
        %get3A_750 = arith.index_cast %add3A_749 : i32 to index
        %get3A_751 = arith.constant 0 : index
        %get3A_752 = tpu.vector_load %arg10[%get3A_750, %get3A_751] {strides = array<i32>} : memref<3200x16xf32, #tpu.memory_space<vmem>>, vector<16xf32>,
        %add3A_753 = arith.addf %scan3A_698, %get3A_752 : vector<16xf32>
        %mul3A_754 = arith.constant 8 : i32
        %mul3A_755 = arith.muli %scan3A_695, %mul3A_754 : i32
        %add3A_756 = arith.constant 2600 : i32
        %add3A_757 = arith.addi %add3A_756, %mul3A_755 : i32
        %add3A_758 = arith.constant 2 : i32
        %add3A_759 = arith.addi %add3A_757, %add3A_758 : i32
        %get3A_760 = arith.index_cast %add3A_759 : i32 to index
        %get3A_761 = arith.constant 0 : index
        %get3A_762 = tpu.vector_load %arg10[%get3A_760, %get3A_761] {strides = array<i32>} : memref<3200x16xf32, #tpu.memory_space<vmem>>, vector<16xf32>,
        %add3A_763 = arith.addf %scan3A_702, %get3A_762 : vector<16xf32>
        %mul3A_764 = arith.constant 8 : i32
        %mul3A_765 = arith.muli %scan3A_695, %mul3A_764 : i32
        %add3A_766 = arith.constant 2400 : i32
        %add3A_767 = arith.addi %add3A_766, %mul3A_765 : i32
        %add3A_768 = arith.constant 3 : i32
        %add3A_769 = arith.addi %add3A_767, %add3A_768 : i32
        %get3A_770 = arith.index_cast %add3A_769 : i32 to index
        %get3A_771 = arith.constant 0 : index
        %get3A_772 = tpu.vector_load %arg10[%get3A_770, %get3A_771] {strides = array<i32>} : memref<3200x16xf32, #tpu.memory_space<vmem>>, vector<16xf32>,
        %add3A_773 = arith.addf %scan3A_699, %get3A_772 : vector<16xf32>
        %mul3A_774 = arith.constant 8 : i32
        %mul3A_775 = arith.muli %scan3A_695, %mul3A_774 : i32
        %add3A_776 = arith.constant 2600 : i32
        %add3A_777 = arith.addi %add3A_776, %mul3A_775 : i32
        %add3A_778 = arith.constant 3 : i32
        %add3A_779 = arith.addi %add3A_777, %add3A_778 : i32
        %get3A_780 = arith.index_cast %add3A_779 : i32 to index
        %get3A_781 = arith.constant 0 : index
        %get3A_782 = tpu.vector_load %arg10[%get3A_780, %get3A_781] {strides = array<i32>} : memref<3200x16xf32, #tpu.memory_space<vmem>>, vector<16xf32>,
        %add3A_783 = arith.addf %scan3A_703, %get3A_782 : vector<16xf32>
        %mul3A_784 = arith.constant 8 : i32
        %mul3A_785 = arith.muli %scan3A_695, %mul3A_784 : i32
        %add3A_786 = arith.constant 2400 : i32
        %add3A_787 = arith.addi %add3A_786, %mul3A_785 : i32
        %add3A_788 = arith.constant 4 : i32
        %add3A_789 = arith.addi %add3A_787, %add3A_788 : i32
        %get3A_790 = arith.index_cast %add3A_789 : i32 to index
        %get3A_791 = arith.constant 0 : index
        %get3A_792 = tpu.vector_load %arg10[%get3A_790, %get3A_791] {strides = array<i32>} : memref<3200x16xf32, #tpu.memory_space<vmem>>, vector<16xf32>,
        %add3A_793 = arith.addf %add3A_713, %get3A_792 : vector<16xf32>
        %mul3A_794 = arith.constant 8 : i32
        %mul3A_795 = arith.muli %scan3A_695, %mul3A_794 : i32
        %add3A_796 = arith.constant 2600 : i32
        %add3A_797 = arith.addi %add3A_796, %mul3A_795 : i32
        %add3A_798 = arith.constant 4 : i32
        %add3A_799 = arith.addi %add3A_797, %add3A_798 : i32
        %get3A_800 = arith.index_cast %add3A_799 : i32 to index
        %get3A_801 = arith.constant 0 : index
        %get3A_802 = tpu.vector_load %arg10[%get3A_800, %get3A_801] {strides = array<i32>} : memref<3200x16xf32, #tpu.memory_space<vmem>>, vector<16xf32>,
        %add3A_803 = arith.addf %add3A_723, %get3A_802 : vector<16xf32>
        %mul3A_804 = arith.constant 8 : i32
        %mul3A_805 = arith.muli %scan3A_695, %mul3A_804 : i32
        %add3A_806 = arith.constant 2400 : i32
        %add3A_807 = arith.addi %add3A_806, %mul3A_805 : i32
        %add3A_808 = arith.constant 5 : i32
        %add3A_809 = arith.addi %add3A_807, %add3A_808 : i32
        %get3A_810 = arith.index_cast %add3A_809 : i32 to index
        %get3A_811 = arith.constant 0 : index
        %get3A_812 = tpu.vector_load %arg10[%get3A_810, %get3A_811] {strides = array<i32>} : memref<3200x16xf32, #tpu.memory_space<vmem>>, vector<16xf32>,
        %add3A_813 = arith.addf %add3A_733, %get3A_812 : vector<16xf32>
        %mul3A_814 = arith.constant 8 : i32
        %mul3A_815 = arith.muli %scan3A_695, %mul3A_814 : i32
        %add3A_816 = arith.constant 2600 : i32
        %add3A_817 = arith.addi %add3A_816, %mul3A_815 : i32
        %add3A_818 = arith.constant 5 : i32
        %add3A_819 = arith.addi %add3A_817, %add3A_818 : i32
        %get3A_820 = arith.index_cast %add3A_819 : i32 to index
        %get3A_821 = arith.constant 0 : index
        %get3A_822 = tpu.vector_load %arg10[%get3A_820, %get3A_821] {strides = array<i32>} : memref<3200x16xf32, #tpu.memory_space<vmem>>, vector<16xf32>,
        %add3A_823 = arith.addf %add3A_743, %get3A_822 : vector<16xf32>
        %mul3A_824 = arith.constant 8 : i32
        %mul3A_825 = arith.muli %scan3A_695, %mul3A_824 : i32
        %add3A_826 = arith.constant 2400 : i32
        %add3A_827 = arith.addi %add3A_826, %mul3A_825 : i32
        %add3A_828 = arith.constant 6 : i32
        %add3A_829 = arith.addi %add3A_827, %add3A_828 : i32
        %get3A_830 = arith.index_cast %add3A_829 : i32 to index
        %get3A_831 = arith.constant 0 : index
        %get3A_832 = tpu.vector_load %arg10[%get3A_830, %get3A_831] {strides = array<i32>} : memref<3200x16xf32, #tpu.memory_space<vmem>>, vector<16xf32>,
        %add3A_833 = arith.addf %add3A_753, %get3A_832 : vector<16xf32>
        %mul3A_834 = arith.constant 8 : i32
        %mul3A_835 = arith.muli %scan3A_695, %mul3A_834 : i32
        %add3A_836 = arith.constant 2600 : i32
        %add3A_837 = arith.addi %add3A_836, %mul3A_835 : i32
        %add3A_838 = arith.constant 6 : i32
        %add3A_839 = arith.addi %add3A_837, %add3A_838 : i32
        %get3A_840 = arith.index_cast %add3A_839 : i32 to index
        %get3A_841 = arith.constant 0 : index
        %get3A_842 = tpu.vector_load %arg10[%get3A_840, %get3A_841] {strides = array<i32>} : memref<3200x16xf32, #tpu.memory_space<vmem>>, vector<16xf32>,
        %add3A_843 = arith.addf %add3A_763, %get3A_842 : vector<16xf32>
        %mul3A_844 = arith.constant 8 : i32
        %mul3A_845 = arith.muli %scan3A_695, %mul3A_844 : i32
        %add3A_846 = arith.constant 2400 : i32
        %add3A_847 = arith.addi %add3A_846, %mul3A_845 : i32
        %add3A_848 = arith.constant 7 : i32
        %add3A_849 = arith.addi %add3A_847, %add3A_848 : i32
        %get3A_850 = arith.index_cast %add3A_849 : i32 to index
        %get3A_851 = arith.constant 0 : index
        %get3A_852 = tpu.vector_load %arg10[%get3A_850, %get3A_851] {strides = array<i32>} : memref<3200x16xf32, #tpu.memory_space<vmem>>, vector<16xf32>,
        %add3A_853 = arith.addf %add3A_773, %get3A_852 : vector<16xf32>
        %mul3A_854 = arith.constant 8 : i32
        %mul3A_855 = arith.muli %scan3A_695, %mul3A_854 : i32
        %add3A_856 = arith.constant 2600 : i32
        %add3A_857 = arith.addi %add3A_856, %mul3A_855 : i32
        %add3A_858 = arith.constant 7 : i32
        %add3A_859 = arith.addi %add3A_857, %add3A_858 : i32
        %get3A_860 = arith.index_cast %add3A_859 : i32 to index
        %get3A_861 = arith.constant 0 : index
        %get3A_862 = tpu.vector_load %arg10[%get3A_860, %get3A_861] {strides = array<i32>} : memref<3200x16xf32, #tpu.memory_space<vmem>>, vector<16xf32>,
        %add3A_863 = arith.addf %add3A_783, %get3A_862 : vector<16xf32>
        scf.yield %add3A_793, %add3A_813, %add3A_833, %add3A_853, %add3A_803, %add3A_823, %add3A_843, %add3A_863 : vector<16xf32>, vector<16xf32>, vector<16xf32>, vector<16xf32>, vector<16xf32>, vector<16xf32>, vector<16xf32>, vector<16xf32>
      }
      %scan3A_416 = arith.constant 25 : i32
      %add3A_417 = arith.addf %scan3A_415#0, %scan3A_415#1 : vector<16xf32>
      %add3A_418 = arith.addf %add3A_417, %scan3A_415#2 : vector<16xf32>
      %add3A_419 = arith.addf %add3A_418, %scan3A_415#3 : vector<16xf32>
      %add3A_420 = arith.addf %add3A_419, %get3A_221 : vector<16xf32>
      %add3A_421 = arith.addf %scan3A_415#4, %scan3A_415#5 : vector<16xf32>
      %add3A_422 = arith.addf %add3A_421, %scan3A_415#6 : vector<16xf32>
      %add3A_423 = arith.addf %add3A_422, %scan3A_415#7 : vector<16xf32>
      %add3A_424 = arith.addf %add3A_423, %get3A_221 : vector<16xf32>
      %mul3A_425 = arith.constant 16 : i32
      %mul3A_426 = arith.muli %add3A_237, %mul3A_425 : i32
      %add3A_427 = arith.constant 12 : i32
      %add3A_428 = arith.addi %mul3A_426, %add3A_427 : i32
      %broadcast_in_dim3A_429 = arith.constant 0 : i32
      %broadcast_in_dim3A_430 = vector.broadcast %broadcast_in_dim3A_429 : i32 to vector<16xi32>
      %add3A_431 = vector.broadcast %add3A_428 : i32 to vector<16xi32>
      %add3A_432 = arith.addi %broadcast_in_dim3A_430, %add3A_431 : vector<16xi32>
      tpu.vector_store_idx %arg12[%iota3A_222, %add3A_432], %add3A_420 masked %lt3A_224 : memref<2x512xf32, #tpu.memory_space<vmem>>[vector<16xi32>, vector<16xi32>], vector<16xf32>, vector<16xi1>
      %broadcast_in_dim3A_433 = arith.constant 1 : i32
      %broadcast_in_dim3A_434 = vector.broadcast %broadcast_in_dim3A_433 : i32 to vector<16xi32>
      %add3A_435 = vector.broadcast %add3A_428 : i32 to vector<16xi32>
      %add3A_436 = arith.addi %broadcast_in_dim3A_434, %add3A_435 : vector<16xi32>
      tpu.vector_store_idx %arg12[%iota3A_222, %add3A_436], %add3A_424 masked %lt3A_224 : memref<2x512xf32, #tpu.memory_space<vmem>>[vector<16xi32>, vector<16xi32>], vector<16xf32>, vector<16xi1>
      %scan3A_437 = arith.constant 0 : i32
      %scan3A_438 = arith.constant 25 : i32
      %scan3A_439 = arith.addi %scan3A_437, %scan3A_438 : i32
      %scan3A_440 = arith.constant 1 : i32
      %scan3A_441:8 = scf.for %scan3A_695 = %scan3A_437 to %scan3A_439 step %scan3A_440 iter_args(%scan3A_696 = %broadcast_in_dim3A_220, %scan3A_697 = %broadcast_in_dim3A_220, %scan3A_698 = %broadcast_in_dim3A_220, %scan3A_699 = %broadcast_in_dim3A_220, %scan3A_700 = %broadcast_in_dim3A_220, %scan3A_701 = %broadcast_in_dim3A_220, %scan3A_702 = %broadcast_in_dim3A_220, %scan3A_703 = %broadcast_in_dim3A_220) -> (vector<16xf32>, vector<16xf32>, vector<16xf32>, vector<16xf32>, vector<16xf32>, vector<16xf32>, vector<16xf32>, vector<16xf32>)  : i32 {
        %mul3A_704 = arith.constant 8 : i32
        %mul3A_705 = arith.muli %scan3A_695, %mul3A_704 : i32
        %add3A_706 = arith.constant 2800 : i32
        %add3A_707 = arith.addi %add3A_706, %mul3A_705 : i32
        %add3A_708 = arith.constant 0 : i32
        %add3A_709 = arith.addi %add3A_707, %add3A_708 : i32
        %get3A_710 = arith.index_cast %add3A_709 : i32 to index
        %get3A_711 = arith.constant 0 : index
        %get3A_712 = tpu.vector_load %arg10[%get3A_710, %get3A_711] {strides = array<i32>} : memref<3200x16xf32, #tpu.memory_space<vmem>>, vector<16xf32>,
        %add3A_713 = arith.addf %scan3A_696, %get3A_712 : vector<16xf32>
        %mul3A_714 = arith.constant 8 : i32
        %mul3A_715 = arith.muli %scan3A_695, %mul3A_714 : i32
        %add3A_716 = arith.constant 3000 : i32
        %add3A_717 = arith.addi %add3A_716, %mul3A_715 : i32
        %add3A_718 = arith.constant 0 : i32
        %add3A_719 = arith.addi %add3A_717, %add3A_718 : i32
        %get3A_720 = arith.index_cast %add3A_719 : i32 to index
        %get3A_721 = arith.constant 0 : index
        %get3A_722 = tpu.vector_load %arg10[%get3A_720, %get3A_721] {strides = array<i32>} : memref<3200x16xf32, #tpu.memory_space<vmem>>, vector<16xf32>,
        %add3A_723 = arith.addf %scan3A_700, %get3A_722 : vector<16xf32>
        %mul3A_724 = arith.constant 8 : i32
        %mul3A_725 = arith.muli %scan3A_695, %mul3A_724 : i32
        %add3A_726 = arith.constant 2800 : i32
        %add3A_727 = arith.addi %add3A_726, %mul3A_725 : i32
        %add3A_728 = arith.constant 1 : i32
        %add3A_729 = arith.addi %add3A_727, %add3A_728 : i32
        %get3A_730 = arith.index_cast %add3A_729 : i32 to index
        %get3A_731 = arith.constant 0 : index
        %get3A_732 = tpu.vector_load %arg10[%get3A_730, %get3A_731] {strides = array<i32>} : memref<3200x16xf32, #tpu.memory_space<vmem>>, vector<16xf32>,
        %add3A_733 = arith.addf %scan3A_697, %get3A_732 : vector<16xf32>
        %mul3A_734 = arith.constant 8 : i32
        %mul3A_735 = arith.muli %scan3A_695, %mul3A_734 : i32
        %add3A_736 = arith.constant 3000 : i32
        %add3A_737 = arith.addi %add3A_736, %mul3A_735 : i32
        %add3A_738 = arith.constant 1 : i32
        %add3A_739 = arith.addi %add3A_737, %add3A_738 : i32
        %get3A_740 = arith.index_cast %add3A_739 : i32 to index
        %get3A_741 = arith.constant 0 : index
        %get3A_742 = tpu.vector_load %arg10[%get3A_740, %get3A_741] {strides = array<i32>} : memref<3200x16xf32, #tpu.memory_space<vmem>>, vector<16xf32>,
        %add3A_743 = arith.addf %scan3A_701, %get3A_742 : vector<16xf32>
        %mul3A_744 = arith.constant 8 : i32
        %mul3A_745 = arith.muli %scan3A_695, %mul3A_744 : i32
        %add3A_746 = arith.constant 2800 : i32
        %add3A_747 = arith.addi %add3A_746, %mul3A_745 : i32
        %add3A_748 = arith.constant 2 : i32
        %add3A_749 = arith.addi %add3A_747, %add3A_748 : i32
        %get3A_750 = arith.index_cast %add3A_749 : i32 to index
        %get3A_751 = arith.constant 0 : index
        %get3A_752 = tpu.vector_load %arg10[%get3A_750, %get3A_751] {strides = array<i32>} : memref<3200x16xf32, #tpu.memory_space<vmem>>, vector<16xf32>,
        %add3A_753 = arith.addf %scan3A_698, %get3A_752 : vector<16xf32>
        %mul3A_754 = arith.constant 8 : i32
        %mul3A_755 = arith.muli %scan3A_695, %mul3A_754 : i32
        %add3A_756 = arith.constant 3000 : i32
        %add3A_757 = arith.addi %add3A_756, %mul3A_755 : i32
        %add3A_758 = arith.constant 2 : i32
        %add3A_759 = arith.addi %add3A_757, %add3A_758 : i32
        %get3A_760 = arith.index_cast %add3A_759 : i32 to index
        %get3A_761 = arith.constant 0 : index
        %get3A_762 = tpu.vector_load %arg10[%get3A_760, %get3A_761] {strides = array<i32>} : memref<3200x16xf32, #tpu.memory_space<vmem>>, vector<16xf32>,
        %add3A_763 = arith.addf %scan3A_702, %get3A_762 : vector<16xf32>
        %mul3A_764 = arith.constant 8 : i32
        %mul3A_765 = arith.muli %scan3A_695, %mul3A_764 : i32
        %add3A_766 = arith.constant 2800 : i32
        %add3A_767 = arith.addi %add3A_766, %mul3A_765 : i32
        %add3A_768 = arith.constant 3 : i32
        %add3A_769 = arith.addi %add3A_767, %add3A_768 : i32
        %get3A_770 = arith.index_cast %add3A_769 : i32 to index
        %get3A_771 = arith.constant 0 : index
        %get3A_772 = tpu.vector_load %arg10[%get3A_770, %get3A_771] {strides = array<i32>} : memref<3200x16xf32, #tpu.memory_space<vmem>>, vector<16xf32>,
        %add3A_773 = arith.addf %scan3A_699, %get3A_772 : vector<16xf32>
        %mul3A_774 = arith.constant 8 : i32
        %mul3A_775 = arith.muli %scan3A_695, %mul3A_774 : i32
        %add3A_776 = arith.constant 3000 : i32
        %add3A_777 = arith.addi %add3A_776, %mul3A_775 : i32
        %add3A_778 = arith.constant 3 : i32
        %add3A_779 = arith.addi %add3A_777, %add3A_778 : i32
        %get3A_780 = arith.index_cast %add3A_779 : i32 to index
        %get3A_781 = arith.constant 0 : index
        %get3A_782 = tpu.vector_load %arg10[%get3A_780, %get3A_781] {strides = array<i32>} : memref<3200x16xf32, #tpu.memory_space<vmem>>, vector<16xf32>,
        %add3A_783 = arith.addf %scan3A_703, %get3A_782 : vector<16xf32>
        %mul3A_784 = arith.constant 8 : i32
        %mul3A_785 = arith.muli %scan3A_695, %mul3A_784 : i32
        %add3A_786 = arith.constant 2800 : i32
        %add3A_787 = arith.addi %add3A_786, %mul3A_785 : i32
        %add3A_788 = arith.constant 4 : i32
        %add3A_789 = arith.addi %add3A_787, %add3A_788 : i32
        %get3A_790 = arith.index_cast %add3A_789 : i32 to index
        %get3A_791 = arith.constant 0 : index
        %get3A_792 = tpu.vector_load %arg10[%get3A_790, %get3A_791] {strides = array<i32>} : memref<3200x16xf32, #tpu.memory_space<vmem>>, vector<16xf32>,
        %add3A_793 = arith.addf %add3A_713, %get3A_792 : vector<16xf32>
        %mul3A_794 = arith.constant 8 : i32
        %mul3A_795 = arith.muli %scan3A_695, %mul3A_794 : i32
        %add3A_796 = arith.constant 3000 : i32
        %add3A_797 = arith.addi %add3A_796, %mul3A_795 : i32
        %add3A_798 = arith.constant 4 : i32
        %add3A_799 = arith.addi %add3A_797, %add3A_798 : i32
        %get3A_800 = arith.index_cast %add3A_799 : i32 to index
        %get3A_801 = arith.constant 0 : index
        %get3A_802 = tpu.vector_load %arg10[%get3A_800, %get3A_801] {strides = array<i32>} : memref<3200x16xf32, #tpu.memory_space<vmem>>, vector<16xf32>,
        %add3A_803 = arith.addf %add3A_723, %get3A_802 : vector<16xf32>
        %mul3A_804 = arith.constant 8 : i32
        %mul3A_805 = arith.muli %scan3A_695, %mul3A_804 : i32
        %add3A_806 = arith.constant 2800 : i32
        %add3A_807 = arith.addi %add3A_806, %mul3A_805 : i32
        %add3A_808 = arith.constant 5 : i32
        %add3A_809 = arith.addi %add3A_807, %add3A_808 : i32
        %get3A_810 = arith.index_cast %add3A_809 : i32 to index
        %get3A_811 = arith.constant 0 : index
        %get3A_812 = tpu.vector_load %arg10[%get3A_810, %get3A_811] {strides = array<i32>} : memref<3200x16xf32, #tpu.memory_space<vmem>>, vector<16xf32>,
        %add3A_813 = arith.addf %add3A_733, %get3A_812 : vector<16xf32>
        %mul3A_814 = arith.constant 8 : i32
        %mul3A_815 = arith.muli %scan3A_695, %mul3A_814 : i32
        %add3A_816 = arith.constant 3000 : i32
        %add3A_817 = arith.addi %add3A_816, %mul3A_815 : i32
        %add3A_818 = arith.constant 5 : i32
        %add3A_819 = arith.addi %add3A_817, %add3A_818 : i32
        %get3A_820 = arith.index_cast %add3A_819 : i32 to index
        %get3A_821 = arith.constant 0 : index
        %get3A_822 = tpu.vector_load %arg10[%get3A_820, %get3A_821] {strides = array<i32>} : memref<3200x16xf32, #tpu.memory_space<vmem>>, vector<16xf32>,
        %add3A_823 = arith.addf %add3A_743, %get3A_822 : vector<16xf32>
        %mul3A_824 = arith.constant 8 : i32
        %mul3A_825 = arith.muli %scan3A_695, %mul3A_824 : i32
        %add3A_826 = arith.constant 2800 : i32
        %add3A_827 = arith.addi %add3A_826, %mul3A_825 : i32
        %add3A_828 = arith.constant 6 : i32
        %add3A_829 = arith.addi %add3A_827, %add3A_828 : i32
        %get3A_830 = arith.index_cast %add3A_829 : i32 to index
        %get3A_831 = arith.constant 0 : index
        %get3A_832 = tpu.vector_load %arg10[%get3A_830, %get3A_831] {strides = array<i32>} : memref<3200x16xf32, #tpu.memory_space<vmem>>, vector<16xf32>,
        %add3A_833 = arith.addf %add3A_753, %get3A_832 : vector<16xf32>
        %mul3A_834 = arith.constant 8 : i32
        %mul3A_835 = arith.muli %scan3A_695, %mul3A_834 : i32
        %add3A_836 = arith.constant 3000 : i32
        %add3A_837 = arith.addi %add3A_836, %mul3A_835 : i32
        %add3A_838 = arith.constant 6 : i32
        %add3A_839 = arith.addi %add3A_837, %add3A_838 : i32
        %get3A_840 = arith.index_cast %add3A_839 : i32 to index
        %get3A_841 = arith.constant 0 : index
        %get3A_842 = tpu.vector_load %arg10[%get3A_840, %get3A_841] {strides = array<i32>} : memref<3200x16xf32, #tpu.memory_space<vmem>>, vector<16xf32>,
        %add3A_843 = arith.addf %add3A_763, %get3A_842 : vector<16xf32>
        %mul3A_844 = arith.constant 8 : i32
        %mul3A_845 = arith.muli %scan3A_695, %mul3A_844 : i32
        %add3A_846 = arith.constant 2800 : i32
        %add3A_847 = arith.addi %add3A_846, %mul3A_845 : i32
        %add3A_848 = arith.constant 7 : i32
        %add3A_849 = arith.addi %add3A_847, %add3A_848 : i32
        %get3A_850 = arith.index_cast %add3A_849 : i32 to index
        %get3A_851 = arith.constant 0 : index
        %get3A_852 = tpu.vector_load %arg10[%get3A_850, %get3A_851] {strides = array<i32>} : memref<3200x16xf32, #tpu.memory_space<vmem>>, vector<16xf32>,
        %add3A_853 = arith.addf %add3A_773, %get3A_852 : vector<16xf32>
        %mul3A_854 = arith.constant 8 : i32
        %mul3A_855 = arith.muli %scan3A_695, %mul3A_854 : i32
        %add3A_856 = arith.constant 3000 : i32
        %add3A_857 = arith.addi %add3A_856, %mul3A_855 : i32
        %add3A_858 = arith.constant 7 : i32
        %add3A_859 = arith.addi %add3A_857, %add3A_858 : i32
        %get3A_860 = arith.index_cast %add3A_859 : i32 to index
        %get3A_861 = arith.constant 0 : index
        %get3A_862 = tpu.vector_load %arg10[%get3A_860, %get3A_861] {strides = array<i32>} : memref<3200x16xf32, #tpu.memory_space<vmem>>, vector<16xf32>,
        %add3A_863 = arith.addf %add3A_783, %get3A_862 : vector<16xf32>
        scf.yield %add3A_793, %add3A_813, %add3A_833, %add3A_853, %add3A_803, %add3A_823, %add3A_843, %add3A_863 : vector<16xf32>, vector<16xf32>, vector<16xf32>, vector<16xf32>, vector<16xf32>, vector<16xf32>, vector<16xf32>, vector<16xf32>
      }
      %scan3A_442 = arith.constant 25 : i32
      %add3A_443 = arith.addf %scan3A_441#0, %scan3A_441#1 : vector<16xf32>
      %add3A_444 = arith.addf %add3A_443, %scan3A_441#2 : vector<16xf32>
      %add3A_445 = arith.addf %add3A_444, %scan3A_441#3 : vector<16xf32>
      %add3A_446 = arith.addf %add3A_445, %get3A_221 : vector<16xf32>
      %add3A_447 = arith.addf %scan3A_441#4, %scan3A_441#5 : vector<16xf32>
      %add3A_448 = arith.addf %add3A_447, %scan3A_441#6 : vector<16xf32>
      %add3A_449 = arith.addf %add3A_448, %scan3A_441#7 : vector<16xf32>
      %add3A_450 = arith.addf %add3A_449, %get3A_221 : vector<16xf32>
      %mul3A_451 = arith.constant 16 : i32
      %mul3A_452 = arith.muli %add3A_237, %mul3A_451 : i32
      %add3A_453 = arith.constant 14 : i32
      %add3A_454 = arith.addi %mul3A_452, %add3A_453 : i32
      %broadcast_in_dim3A_455 = arith.constant 0 : i32
      %broadcast_in_dim3A_456 = vector.broadcast %broadcast_in_dim3A_455 : i32 to vector<16xi32>
      %add3A_457 = vector.broadcast %add3A_454 : i32 to vector<16xi32>
      %add3A_458 = arith.addi %broadcast_in_dim3A_456, %add3A_457 : vector<16xi32>
      tpu.vector_store_idx %arg12[%iota3A_222, %add3A_458], %add3A_446 masked %lt3A_224 : memref<2x512xf32, #tpu.memory_space<vmem>>[vector<16xi32>, vector<16xi32>], vector<16xf32>, vector<16xi1>
      %broadcast_in_dim3A_459 = arith.constant 1 : i32
      %broadcast_in_dim3A_460 = vector.broadcast %broadcast_in_dim3A_459 : i32 to vector<16xi32>
      %add3A_461 = vector.broadcast %add3A_454 : i32 to vector<16xi32>
      %add3A_462 = arith.addi %broadcast_in_dim3A_460, %add3A_461 : vector<16xi32>
      tpu.vector_store_idx %arg12[%iota3A_222, %add3A_462], %add3A_450 masked %lt3A_224 : memref<2x512xf32, #tpu.memory_space<vmem>>[vector<16xi32>, vector<16xi32>], vector<16xf32>, vector<16xi1>
      %mul3A_463 = arith.constant 2 : i32
      %mul3A_464 = arith.muli %scan3A_233, %mul3A_463 : i32
      %add3A_465 = arith.constant 1 : i32
      %add3A_466 = arith.addi %mul3A_464, %add3A_465 : i32
      %add3A_467 = arith.constant 1 : i32
      %add3A_468 = arith.addi %add3A_466, %add3A_467 : i32
      %lt3A_469 = arith.constant 32 : i32
      %lt3A_470 = arith.cmpi slt, %add3A_468, %lt3A_469 : i32
      %convert_element_type3A_471 = arith.extui %lt3A_470 : i1 to i32
      %cond3A_472 = arith.constant 0 : i32
      %cond3A_473 = arith.cmpi ne, %convert_element_type3A_471, %cond3A_472 : i32
      scf.if %cond3A_473 {
        %dma_wait3A_695 = arith.constant 0 : i32
        %dma_wait3A_696 = arith.constant 0 : i32
        %dma_wait3A_697 = tpu.memref_slice %arg2[%dma_wait3A_695, %dma_wait3A_696] : memref<200x16384xi32, #tpu.memory_space<hbm>> -> memref<200x16xi32, #tpu.memory_space<hbm>>
        %dma_wait3A_698 = arith.constant 0 : i32
        %dma_wait3A_699 = arith.constant 0 : i32
        %dma_wait3A_700 = tpu.memref_slice %arg2[%dma_wait3A_698, %dma_wait3A_699] : memref<200x16384xi32, #tpu.memory_space<hbm>> -> memref<200x16xi32, #tpu.memory_space<hbm>>
        tpu.wait_dma2 semaphore(%arg16 : memref<!tpu.dma_semaphore, #tpu.memory_space<semaphore_mem>>) src(%dma_wait3A_700 : memref<200x16xi32, #tpu.memory_space<hbm>>) dst(%arg6 : memref<200x16xi32, #tpu.memory_space<vmem>>)
        %iota3A_701 = tpu.iota {dimensions = array<i32: 0>} : vector<16xi32>
        %mul3A_702 = arith.constant 200 : i32
        %mul3A_703 = vector.broadcast %mul3A_702 : i32 to vector<16xi32>
        %mul3A_704 = arith.muli %iota3A_701, %mul3A_703 : vector<16xi32>
        %scan3A_705 = arith.constant 0 : i32
        %scan3A_706 = arith.constant 0 : i32
        %scan3A_707 = arith.constant 200 : i32
        %scan3A_708 = arith.addi %scan3A_706, %scan3A_707 : i32
        %scan3A_709 = arith.constant 1 : i32
        scf.for %scan3A_911 = %scan3A_706 to %scan3A_708 step %scan3A_709  : i32 {
          %add3A_912 = vector.broadcast %scan3A_911 : i32 to vector<16xi32>
          %add3A_913 = arith.addi %mul3A_704, %add3A_912 : vector<16xi32>
          %get3A_914 = arith.index_cast %scan3A_911 : i32 to index
          %get3A_915 = arith.constant 0 : index
          %get3A_916 = tpu.vector_load %arg6[%get3A_914, %get3A_915] {strides = array<i32>} : memref<200x16xi32, #tpu.memory_space<vmem>>, vector<16xi32>,
          tpu.vector_store_idx %arg8[%add3A_913], %get3A_916 : memref<3200xi32, #tpu.memory_space<vmem>>[vector<16xi32>], vector<16xi32>,
        }
        %scan3A_710 = arith.constant 200 : i32
        %dma_start3A_711 = arith.constant 0 : i32
        %dma_start3A_712 = arith.constant 0 : i32
        %dma_start3A_713 = tpu.memref_slice %arg10[%dma_start3A_711, %dma_start3A_712] : memref<3200x16xf32, #tpu.memory_space<vmem>> -> memref<128x16xf32, #tpu.memory_space<vmem>>
        %dma_start3A_714 = arith.constant 0 : i32
        %dma_start3A_715 = tpu.memref_slice %arg8[%dma_start3A_714] : memref<3200xi32, #tpu.memory_space<vmem>> -> memref<128xi32, #tpu.memory_space<vmem>>
        %dma_start3A_716 = arith.constant 0 : i32
        %dma_start3A_717 = arith.constant 0 : i32
        %dma_start3A_718 = tpu.memref_slice %arg3[%dma_start3A_716, %dma_start3A_717] : memref<1000000x16xf32, #tpu.memory_space<hbm>> -> memref<1000000x16xf32, #tpu.memory_space<hbm>>
        tpu.enqueue_indirect_dma source(%dma_start3A_718 : memref<1000000x16xf32, #tpu.memory_space<hbm>>) target(%dma_start3A_713 : memref<128x16xf32, #tpu.memory_space<vmem>>) offsets(%dma_start3A_715 : memref<128xi32, #tpu.memory_space<vmem>>) semaphore(%arg14 : memref<!tpu.dma_semaphore, #tpu.memory_space<semaphore_mem>>)
        %dma_start3A_719 = arith.constant 128 : i32
        %dma_start3A_720 = arith.constant 0 : i32
        %dma_start3A_721 = tpu.memref_slice %arg10[%dma_start3A_719, %dma_start3A_720] : memref<3200x16xf32, #tpu.memory_space<vmem>> -> memref<128x16xf32, #tpu.memory_space<vmem>>
        %dma_start3A_722 = arith.constant 128 : i32
        %dma_start3A_723 = tpu.memref_slice %arg8[%dma_start3A_722] : memref<3200xi32, #tpu.memory_space<vmem>> -> memref<128xi32, #tpu.memory_space<vmem>>
        %dma_start3A_724 = arith.constant 0 : i32
        %dma_start3A_725 = arith.constant 0 : i32
        %dma_start3A_726 = tpu.memref_slice %arg3[%dma_start3A_724, %dma_start3A_725] : memref<1000000x16xf32, #tpu.memory_space<hbm>> -> memref<1000000x16xf32, #tpu.memory_space<hbm>>
        tpu.enqueue_indirect_dma source(%dma_start3A_726 : memref<1000000x16xf32, #tpu.memory_space<hbm>>) target(%dma_start3A_721 : memref<128x16xf32, #tpu.memory_space<vmem>>) offsets(%dma_start3A_723 : memref<128xi32, #tpu.memory_space<vmem>>) semaphore(%arg14 : memref<!tpu.dma_semaphore, #tpu.memory_space<semaphore_mem>>)
        %dma_start3A_727 = arith.constant 256 : i32
        %dma_start3A_728 = arith.constant 0 : i32
        %dma_start3A_729 = tpu.memref_slice %arg10[%dma_start3A_727, %dma_start3A_728] : memref<3200x16xf32, #tpu.memory_space<vmem>> -> memref<128x16xf32, #tpu.memory_space<vmem>>
        %dma_start3A_730 = arith.constant 256 : i32
        %dma_start3A_731 = tpu.memref_slice %arg8[%dma_start3A_730] : memref<3200xi32, #tpu.memory_space<vmem>> -> memref<128xi32, #tpu.memory_space<vmem>>
        %dma_start3A_732 = arith.constant 0 : i32
        %dma_start3A_733 = arith.constant 0 : i32
        %dma_start3A_734 = tpu.memref_slice %arg3[%dma_start3A_732, %dma_start3A_733] : memref<1000000x16xf32, #tpu.memory_space<hbm>> -> memref<1000000x16xf32, #tpu.memory_space<hbm>>
        tpu.enqueue_indirect_dma source(%dma_start3A_734 : memref<1000000x16xf32, #tpu.memory_space<hbm>>) target(%dma_start3A_729 : memref<128x16xf32, #tpu.memory_space<vmem>>) offsets(%dma_start3A_731 : memref<128xi32, #tpu.memory_space<vmem>>) semaphore(%arg14 : memref<!tpu.dma_semaphore, #tpu.memory_space<semaphore_mem>>)
        %dma_start3A_735 = arith.constant 384 : i32
        %dma_start3A_736 = arith.constant 0 : i32
        %dma_start3A_737 = tpu.memref_slice %arg10[%dma_start3A_735, %dma_start3A_736] : memref<3200x16xf32, #tpu.memory_space<vmem>> -> memref<128x16xf32, #tpu.memory_space<vmem>>
        %dma_start3A_738 = arith.constant 384 : i32
        %dma_start3A_739 = tpu.memref_slice %arg8[%dma_start3A_738] : memref<3200xi32, #tpu.memory_space<vmem>> -> memref<128xi32, #tpu.memory_space<vmem>>
        %dma_start3A_740 = arith.constant 0 : i32
        %dma_start3A_741 = arith.constant 0 : i32
        %dma_start3A_742 = tpu.memref_slice %arg3[%dma_start3A_740, %dma_start3A_741] : memref<1000000x16xf32, #tpu.memory_space<hbm>> -> memref<1000000x16xf32, #tpu.memory_space<hbm>>
        tpu.enqueue_indirect_dma source(%dma_start3A_742 : memref<1000000x16xf32, #tpu.memory_space<hbm>>) target(%dma_start3A_737 : memref<128x16xf32, #tpu.memory_space<vmem>>) offsets(%dma_start3A_739 : memref<128xi32, #tpu.memory_space<vmem>>) semaphore(%arg14 : memref<!tpu.dma_semaphore, #tpu.memory_space<semaphore_mem>>)
        %dma_start3A_743 = arith.constant 512 : i32
        %dma_start3A_744 = arith.constant 0 : i32
        %dma_start3A_745 = tpu.memref_slice %arg10[%dma_start3A_743, %dma_start3A_744] : memref<3200x16xf32, #tpu.memory_space<vmem>> -> memref<128x16xf32, #tpu.memory_space<vmem>>
        %dma_start3A_746 = arith.constant 512 : i32
        %dma_start3A_747 = tpu.memref_slice %arg8[%dma_start3A_746] : memref<3200xi32, #tpu.memory_space<vmem>> -> memref<128xi32, #tpu.memory_space<vmem>>
        %dma_start3A_748 = arith.constant 0 : i32
        %dma_start3A_749 = arith.constant 0 : i32
        %dma_start3A_750 = tpu.memref_slice %arg3[%dma_start3A_748, %dma_start3A_749] : memref<1000000x16xf32, #tpu.memory_space<hbm>> -> memref<1000000x16xf32, #tpu.memory_space<hbm>>
        tpu.enqueue_indirect_dma source(%dma_start3A_750 : memref<1000000x16xf32, #tpu.memory_space<hbm>>) target(%dma_start3A_745 : memref<128x16xf32, #tpu.memory_space<vmem>>) offsets(%dma_start3A_747 : memref<128xi32, #tpu.memory_space<vmem>>) semaphore(%arg14 : memref<!tpu.dma_semaphore, #tpu.memory_space<semaphore_mem>>)
        %dma_start3A_751 = arith.constant 640 : i32
        %dma_start3A_752 = arith.constant 0 : i32
        %dma_start3A_753 = tpu.memref_slice %arg10[%dma_start3A_751, %dma_start3A_752] : memref<3200x16xf32, #tpu.memory_space<vmem>> -> memref<128x16xf32, #tpu.memory_space<vmem>>
        %dma_start3A_754 = arith.constant 640 : i32
        %dma_start3A_755 = tpu.memref_slice %arg8[%dma_start3A_754] : memref<3200xi32, #tpu.memory_space<vmem>> -> memref<128xi32, #tpu.memory_space<vmem>>
        %dma_start3A_756 = arith.constant 0 : i32
        %dma_start3A_757 = arith.constant 0 : i32
        %dma_start3A_758 = tpu.memref_slice %arg3[%dma_start3A_756, %dma_start3A_757] : memref<1000000x16xf32, #tpu.memory_space<hbm>> -> memref<1000000x16xf32, #tpu.memory_space<hbm>>
        tpu.enqueue_indirect_dma source(%dma_start3A_758 : memref<1000000x16xf32, #tpu.memory_space<hbm>>) target(%dma_start3A_753 : memref<128x16xf32, #tpu.memory_space<vmem>>) offsets(%dma_start3A_755 : memref<128xi32, #tpu.memory_space<vmem>>) semaphore(%arg14 : memref<!tpu.dma_semaphore, #tpu.memory_space<semaphore_mem>>)
        %dma_start3A_759 = arith.constant 768 : i32
        %dma_start3A_760 = arith.constant 0 : i32
        %dma_start3A_761 = tpu.memref_slice %arg10[%dma_start3A_759, %dma_start3A_760] : memref<3200x16xf32, #tpu.memory_space<vmem>> -> memref<128x16xf32, #tpu.memory_space<vmem>>
        %dma_start3A_762 = arith.constant 768 : i32
        %dma_start3A_763 = tpu.memref_slice %arg8[%dma_start3A_762] : memref<3200xi32, #tpu.memory_space<vmem>> -> memref<128xi32, #tpu.memory_space<vmem>>
        %dma_start3A_764 = arith.constant 0 : i32
        %dma_start3A_765 = arith.constant 0 : i32
        %dma_start3A_766 = tpu.memref_slice %arg3[%dma_start3A_764, %dma_start3A_765] : memref<1000000x16xf32, #tpu.memory_space<hbm>> -> memref<1000000x16xf32, #tpu.memory_space<hbm>>
        tpu.enqueue_indirect_dma source(%dma_start3A_766 : memref<1000000x16xf32, #tpu.memory_space<hbm>>) target(%dma_start3A_761 : memref<128x16xf32, #tpu.memory_space<vmem>>) offsets(%dma_start3A_763 : memref<128xi32, #tpu.memory_space<vmem>>) semaphore(%arg14 : memref<!tpu.dma_semaphore, #tpu.memory_space<semaphore_mem>>)
        %dma_start3A_767 = arith.constant 896 : i32
        %dma_start3A_768 = arith.constant 0 : i32
        %dma_start3A_769 = tpu.memref_slice %arg10[%dma_start3A_767, %dma_start3A_768] : memref<3200x16xf32, #tpu.memory_space<vmem>> -> memref<128x16xf32, #tpu.memory_space<vmem>>
        %dma_start3A_770 = arith.constant 896 : i32
        %dma_start3A_771 = tpu.memref_slice %arg8[%dma_start3A_770] : memref<3200xi32, #tpu.memory_space<vmem>> -> memref<128xi32, #tpu.memory_space<vmem>>
        %dma_start3A_772 = arith.constant 0 : i32
        %dma_start3A_773 = arith.constant 0 : i32
        %dma_start3A_774 = tpu.memref_slice %arg3[%dma_start3A_772, %dma_start3A_773] : memref<1000000x16xf32, #tpu.memory_space<hbm>> -> memref<1000000x16xf32, #tpu.memory_space<hbm>>
        tpu.enqueue_indirect_dma source(%dma_start3A_774 : memref<1000000x16xf32, #tpu.memory_space<hbm>>) target(%dma_start3A_769 : memref<128x16xf32, #tpu.memory_space<vmem>>) offsets(%dma_start3A_771 : memref<128xi32, #tpu.memory_space<vmem>>) semaphore(%arg14 : memref<!tpu.dma_semaphore, #tpu.memory_space<semaphore_mem>>)
        %dma_start3A_775 = arith.constant 1024 : i32
        %dma_start3A_776 = arith.constant 0 : i32
        %dma_start3A_777 = tpu.memref_slice %arg10[%dma_start3A_775, %dma_start3A_776] : memref<3200x16xf32, #tpu.memory_space<vmem>> -> memref<128x16xf32, #tpu.memory_space<vmem>>
        %dma_start3A_778 = arith.constant 1024 : i32
        %dma_start3A_779 = tpu.memref_slice %arg8[%dma_start3A_778] : memref<3200xi32, #tpu.memory_space<vmem>> -> memref<128xi32, #tpu.memory_space<vmem>>
        %dma_start3A_780 = arith.constant 0 : i32
        %dma_start3A_781 = arith.constant 0 : i32
        %dma_start3A_782 = tpu.memref_slice %arg3[%dma_start3A_780, %dma_start3A_781] : memref<1000000x16xf32, #tpu.memory_space<hbm>> -> memref<1000000x16xf32, #tpu.memory_space<hbm>>
        tpu.enqueue_indirect_dma source(%dma_start3A_782 : memref<1000000x16xf32, #tpu.memory_space<hbm>>) target(%dma_start3A_777 : memref<128x16xf32, #tpu.memory_space<vmem>>) offsets(%dma_start3A_779 : memref<128xi32, #tpu.memory_space<vmem>>) semaphore(%arg14 : memref<!tpu.dma_semaphore, #tpu.memory_space<semaphore_mem>>)
        %dma_start3A_783 = arith.constant 1152 : i32
        %dma_start3A_784 = arith.constant 0 : i32
        %dma_start3A_785 = tpu.memref_slice %arg10[%dma_start3A_783, %dma_start3A_784] : memref<3200x16xf32, #tpu.memory_space<vmem>> -> memref<128x16xf32, #tpu.memory_space<vmem>>
        %dma_start3A_786 = arith.constant 1152 : i32
        %dma_start3A_787 = tpu.memref_slice %arg8[%dma_start3A_786] : memref<3200xi32, #tpu.memory_space<vmem>> -> memref<128xi32, #tpu.memory_space<vmem>>
        %dma_start3A_788 = arith.constant 0 : i32
        %dma_start3A_789 = arith.constant 0 : i32
        %dma_start3A_790 = tpu.memref_slice %arg3[%dma_start3A_788, %dma_start3A_789] : memref<1000000x16xf32, #tpu.memory_space<hbm>> -> memref<1000000x16xf32, #tpu.memory_space<hbm>>
        tpu.enqueue_indirect_dma source(%dma_start3A_790 : memref<1000000x16xf32, #tpu.memory_space<hbm>>) target(%dma_start3A_785 : memref<128x16xf32, #tpu.memory_space<vmem>>) offsets(%dma_start3A_787 : memref<128xi32, #tpu.memory_space<vmem>>) semaphore(%arg14 : memref<!tpu.dma_semaphore, #tpu.memory_space<semaphore_mem>>)
        %dma_start3A_791 = arith.constant 1280 : i32
        %dma_start3A_792 = arith.constant 0 : i32
        %dma_start3A_793 = tpu.memref_slice %arg10[%dma_start3A_791, %dma_start3A_792] : memref<3200x16xf32, #tpu.memory_space<vmem>> -> memref<128x16xf32, #tpu.memory_space<vmem>>
        %dma_start3A_794 = arith.constant 1280 : i32
        %dma_start3A_795 = tpu.memref_slice %arg8[%dma_start3A_794] : memref<3200xi32, #tpu.memory_space<vmem>> -> memref<128xi32, #tpu.memory_space<vmem>>
        %dma_start3A_796 = arith.constant 0 : i32
        %dma_start3A_797 = arith.constant 0 : i32
        %dma_start3A_798 = tpu.memref_slice %arg3[%dma_start3A_796, %dma_start3A_797] : memref<1000000x16xf32, #tpu.memory_space<hbm>> -> memref<1000000x16xf32, #tpu.memory_space<hbm>>
        tpu.enqueue_indirect_dma source(%dma_start3A_798 : memref<1000000x16xf32, #tpu.memory_space<hbm>>) target(%dma_start3A_793 : memref<128x16xf32, #tpu.memory_space<vmem>>) offsets(%dma_start3A_795 : memref<128xi32, #tpu.memory_space<vmem>>) semaphore(%arg14 : memref<!tpu.dma_semaphore, #tpu.memory_space<semaphore_mem>>)
        %dma_start3A_799 = arith.constant 1408 : i32
        %dma_start3A_800 = arith.constant 0 : i32
        %dma_start3A_801 = tpu.memref_slice %arg10[%dma_start3A_799, %dma_start3A_800] : memref<3200x16xf32, #tpu.memory_space<vmem>> -> memref<128x16xf32, #tpu.memory_space<vmem>>
        %dma_start3A_802 = arith.constant 1408 : i32
        %dma_start3A_803 = tpu.memref_slice %arg8[%dma_start3A_802] : memref<3200xi32, #tpu.memory_space<vmem>> -> memref<128xi32, #tpu.memory_space<vmem>>
        %dma_start3A_804 = arith.constant 0 : i32
        %dma_start3A_805 = arith.constant 0 : i32
        %dma_start3A_806 = tpu.memref_slice %arg3[%dma_start3A_804, %dma_start3A_805] : memref<1000000x16xf32, #tpu.memory_space<hbm>> -> memref<1000000x16xf32, #tpu.memory_space<hbm>>
        tpu.enqueue_indirect_dma source(%dma_start3A_806 : memref<1000000x16xf32, #tpu.memory_space<hbm>>) target(%dma_start3A_801 : memref<128x16xf32, #tpu.memory_space<vmem>>) offsets(%dma_start3A_803 : memref<128xi32, #tpu.memory_space<vmem>>) semaphore(%arg14 : memref<!tpu.dma_semaphore, #tpu.memory_space<semaphore_mem>>)
        %dma_start3A_807 = arith.constant 1536 : i32
        %dma_start3A_808 = arith.constant 0 : i32
        %dma_start3A_809 = tpu.memref_slice %arg10[%dma_start3A_807, %dma_start3A_808] : memref<3200x16xf32, #tpu.memory_space<vmem>> -> memref<128x16xf32, #tpu.memory_space<vmem>>
        %dma_start3A_810 = arith.constant 1536 : i32
        %dma_start3A_811 = tpu.memref_slice %arg8[%dma_start3A_810] : memref<3200xi32, #tpu.memory_space<vmem>> -> memref<128xi32, #tpu.memory_space<vmem>>
        %dma_start3A_812 = arith.constant 0 : i32
        %dma_start3A_813 = arith.constant 0 : i32
        %dma_start3A_814 = tpu.memref_slice %arg3[%dma_start3A_812, %dma_start3A_813] : memref<1000000x16xf32, #tpu.memory_space<hbm>> -> memref<1000000x16xf32, #tpu.memory_space<hbm>>
        tpu.enqueue_indirect_dma source(%dma_start3A_814 : memref<1000000x16xf32, #tpu.memory_space<hbm>>) target(%dma_start3A_809 : memref<128x16xf32, #tpu.memory_space<vmem>>) offsets(%dma_start3A_811 : memref<128xi32, #tpu.memory_space<vmem>>) semaphore(%arg14 : memref<!tpu.dma_semaphore, #tpu.memory_space<semaphore_mem>>)
        %dma_start3A_815 = arith.constant 1664 : i32
        %dma_start3A_816 = arith.constant 0 : i32
        %dma_start3A_817 = tpu.memref_slice %arg10[%dma_start3A_815, %dma_start3A_816] : memref<3200x16xf32, #tpu.memory_space<vmem>> -> memref<128x16xf32, #tpu.memory_space<vmem>>
        %dma_start3A_818 = arith.constant 1664 : i32
        %dma_start3A_819 = tpu.memref_slice %arg8[%dma_start3A_818] : memref<3200xi32, #tpu.memory_space<vmem>> -> memref<128xi32, #tpu.memory_space<vmem>>
        %dma_start3A_820 = arith.constant 0 : i32
        %dma_start3A_821 = arith.constant 0 : i32
        %dma_start3A_822 = tpu.memref_slice %arg3[%dma_start3A_820, %dma_start3A_821] : memref<1000000x16xf32, #tpu.memory_space<hbm>> -> memref<1000000x16xf32, #tpu.memory_space<hbm>>
        tpu.enqueue_indirect_dma source(%dma_start3A_822 : memref<1000000x16xf32, #tpu.memory_space<hbm>>) target(%dma_start3A_817 : memref<128x16xf32, #tpu.memory_space<vmem>>) offsets(%dma_start3A_819 : memref<128xi32, #tpu.memory_space<vmem>>) semaphore(%arg14 : memref<!tpu.dma_semaphore, #tpu.memory_space<semaphore_mem>>)
        %dma_start3A_823 = arith.constant 1792 : i32
        %dma_start3A_824 = arith.constant 0 : i32
        %dma_start3A_825 = tpu.memref_slice %arg10[%dma_start3A_823, %dma_start3A_824] : memref<3200x16xf32, #tpu.memory_space<vmem>> -> memref<128x16xf32, #tpu.memory_space<vmem>>
        %dma_start3A_826 = arith.constant 1792 : i32
        %dma_start3A_827 = tpu.memref_slice %arg8[%dma_start3A_826] : memref<3200xi32, #tpu.memory_space<vmem>> -> memref<128xi32, #tpu.memory_space<vmem>>
        %dma_start3A_828 = arith.constant 0 : i32
        %dma_start3A_829 = arith.constant 0 : i32
        %dma_start3A_830 = tpu.memref_slice %arg3[%dma_start3A_828, %dma_start3A_829] : memref<1000000x16xf32, #tpu.memory_space<hbm>> -> memref<1000000x16xf32, #tpu.memory_space<hbm>>
        tpu.enqueue_indirect_dma source(%dma_start3A_830 : memref<1000000x16xf32, #tpu.memory_space<hbm>>) target(%dma_start3A_825 : memref<128x16xf32, #tpu.memory_space<vmem>>) offsets(%dma_start3A_827 : memref<128xi32, #tpu.memory_space<vmem>>) semaphore(%arg14 : memref<!tpu.dma_semaphore, #tpu.memory_space<semaphore_mem>>)
        %dma_start3A_831 = arith.constant 1920 : i32
        %dma_start3A_832 = arith.constant 0 : i32
        %dma_start3A_833 = tpu.memref_slice %arg10[%dma_start3A_831, %dma_start3A_832] : memref<3200x16xf32, #tpu.memory_space<vmem>> -> memref<128x16xf32, #tpu.memory_space<vmem>>
        %dma_start3A_834 = arith.constant 1920 : i32
        %dma_start3A_835 = tpu.memref_slice %arg8[%dma_start3A_834] : memref<3200xi32, #tpu.memory_space<vmem>> -> memref<128xi32, #tpu.memory_space<vmem>>
        %dma_start3A_836 = arith.constant 0 : i32
        %dma_start3A_837 = arith.constant 0 : i32
        %dma_start3A_838 = tpu.memref_slice %arg3[%dma_start3A_836, %dma_start3A_837] : memref<1000000x16xf32, #tpu.memory_space<hbm>> -> memref<1000000x16xf32, #tpu.memory_space<hbm>>
        tpu.enqueue_indirect_dma source(%dma_start3A_838 : memref<1000000x16xf32, #tpu.memory_space<hbm>>) target(%dma_start3A_833 : memref<128x16xf32, #tpu.memory_space<vmem>>) offsets(%dma_start3A_835 : memref<128xi32, #tpu.memory_space<vmem>>) semaphore(%arg14 : memref<!tpu.dma_semaphore, #tpu.memory_space<semaphore_mem>>)
        %dma_start3A_839 = arith.constant 2048 : i32
        %dma_start3A_840 = arith.constant 0 : i32
        %dma_start3A_841 = tpu.memref_slice %arg10[%dma_start3A_839, %dma_start3A_840] : memref<3200x16xf32, #tpu.memory_space<vmem>> -> memref<128x16xf32, #tpu.memory_space<vmem>>
        %dma_start3A_842 = arith.constant 2048 : i32
        %dma_start3A_843 = tpu.memref_slice %arg8[%dma_start3A_842] : memref<3200xi32, #tpu.memory_space<vmem>> -> memref<128xi32, #tpu.memory_space<vmem>>
        %dma_start3A_844 = arith.constant 0 : i32
        %dma_start3A_845 = arith.constant 0 : i32
        %dma_start3A_846 = tpu.memref_slice %arg3[%dma_start3A_844, %dma_start3A_845] : memref<1000000x16xf32, #tpu.memory_space<hbm>> -> memref<1000000x16xf32, #tpu.memory_space<hbm>>
        tpu.enqueue_indirect_dma source(%dma_start3A_846 : memref<1000000x16xf32, #tpu.memory_space<hbm>>) target(%dma_start3A_841 : memref<128x16xf32, #tpu.memory_space<vmem>>) offsets(%dma_start3A_843 : memref<128xi32, #tpu.memory_space<vmem>>) semaphore(%arg14 : memref<!tpu.dma_semaphore, #tpu.memory_space<semaphore_mem>>)
        %dma_start3A_847 = arith.constant 2176 : i32
        %dma_start3A_848 = arith.constant 0 : i32
        %dma_start3A_849 = tpu.memref_slice %arg10[%dma_start3A_847, %dma_start3A_848] : memref<3200x16xf32, #tpu.memory_space<vmem>> -> memref<128x16xf32, #tpu.memory_space<vmem>>
        %dma_start3A_850 = arith.constant 2176 : i32
        %dma_start3A_851 = tpu.memref_slice %arg8[%dma_start3A_850] : memref<3200xi32, #tpu.memory_space<vmem>> -> memref<128xi32, #tpu.memory_space<vmem>>
        %dma_start3A_852 = arith.constant 0 : i32
        %dma_start3A_853 = arith.constant 0 : i32
        %dma_start3A_854 = tpu.memref_slice %arg3[%dma_start3A_852, %dma_start3A_853] : memref<1000000x16xf32, #tpu.memory_space<hbm>> -> memref<1000000x16xf32, #tpu.memory_space<hbm>>
        tpu.enqueue_indirect_dma source(%dma_start3A_854 : memref<1000000x16xf32, #tpu.memory_space<hbm>>) target(%dma_start3A_849 : memref<128x16xf32, #tpu.memory_space<vmem>>) offsets(%dma_start3A_851 : memref<128xi32, #tpu.memory_space<vmem>>) semaphore(%arg14 : memref<!tpu.dma_semaphore, #tpu.memory_space<semaphore_mem>>)
        %dma_start3A_855 = arith.constant 2304 : i32
        %dma_start3A_856 = arith.constant 0 : i32
        %dma_start3A_857 = tpu.memref_slice %arg10[%dma_start3A_855, %dma_start3A_856] : memref<3200x16xf32, #tpu.memory_space<vmem>> -> memref<128x16xf32, #tpu.memory_space<vmem>>
        %dma_start3A_858 = arith.constant 2304 : i32
        %dma_start3A_859 = tpu.memref_slice %arg8[%dma_start3A_858] : memref<3200xi32, #tpu.memory_space<vmem>> -> memref<128xi32, #tpu.memory_space<vmem>>
        %dma_start3A_860 = arith.constant 0 : i32
        %dma_start3A_861 = arith.constant 0 : i32
        %dma_start3A_862 = tpu.memref_slice %arg3[%dma_start3A_860, %dma_start3A_861] : memref<1000000x16xf32, #tpu.memory_space<hbm>> -> memref<1000000x16xf32, #tpu.memory_space<hbm>>
        tpu.enqueue_indirect_dma source(%dma_start3A_862 : memref<1000000x16xf32, #tpu.memory_space<hbm>>) target(%dma_start3A_857 : memref<128x16xf32, #tpu.memory_space<vmem>>) offsets(%dma_start3A_859 : memref<128xi32, #tpu.memory_space<vmem>>) semaphore(%arg14 : memref<!tpu.dma_semaphore, #tpu.memory_space<semaphore_mem>>)
        %dma_start3A_863 = arith.constant 2432 : i32
        %dma_start3A_864 = arith.constant 0 : i32
        %dma_start3A_865 = tpu.memref_slice %arg10[%dma_start3A_863, %dma_start3A_864] : memref<3200x16xf32, #tpu.memory_space<vmem>> -> memref<128x16xf32, #tpu.memory_space<vmem>>
        %dma_start3A_866 = arith.constant 2432 : i32
        %dma_start3A_867 = tpu.memref_slice %arg8[%dma_start3A_866] : memref<3200xi32, #tpu.memory_space<vmem>> -> memref<128xi32, #tpu.memory_space<vmem>>
        %dma_start3A_868 = arith.constant 0 : i32
        %dma_start3A_869 = arith.constant 0 : i32
        %dma_start3A_870 = tpu.memref_slice %arg3[%dma_start3A_868, %dma_start3A_869] : memref<1000000x16xf32, #tpu.memory_space<hbm>> -> memref<1000000x16xf32, #tpu.memory_space<hbm>>
        tpu.enqueue_indirect_dma source(%dma_start3A_870 : memref<1000000x16xf32, #tpu.memory_space<hbm>>) target(%dma_start3A_865 : memref<128x16xf32, #tpu.memory_space<vmem>>) offsets(%dma_start3A_867 : memref<128xi32, #tpu.memory_space<vmem>>) semaphore(%arg14 : memref<!tpu.dma_semaphore, #tpu.memory_space<semaphore_mem>>)
        %dma_start3A_871 = arith.constant 2560 : i32
        %dma_start3A_872 = arith.constant 0 : i32
        %dma_start3A_873 = tpu.memref_slice %arg10[%dma_start3A_871, %dma_start3A_872] : memref<3200x16xf32, #tpu.memory_space<vmem>> -> memref<128x16xf32, #tpu.memory_space<vmem>>
        %dma_start3A_874 = arith.constant 2560 : i32
        %dma_start3A_875 = tpu.memref_slice %arg8[%dma_start3A_874] : memref<3200xi32, #tpu.memory_space<vmem>> -> memref<128xi32, #tpu.memory_space<vmem>>
        %dma_start3A_876 = arith.constant 0 : i32
        %dma_start3A_877 = arith.constant 0 : i32
        %dma_start3A_878 = tpu.memref_slice %arg3[%dma_start3A_876, %dma_start3A_877] : memref<1000000x16xf32, #tpu.memory_space<hbm>> -> memref<1000000x16xf32, #tpu.memory_space<hbm>>
        tpu.enqueue_indirect_dma source(%dma_start3A_878 : memref<1000000x16xf32, #tpu.memory_space<hbm>>) target(%dma_start3A_873 : memref<128x16xf32, #tpu.memory_space<vmem>>) offsets(%dma_start3A_875 : memref<128xi32, #tpu.memory_space<vmem>>) semaphore(%arg14 : memref<!tpu.dma_semaphore, #tpu.memory_space<semaphore_mem>>)
        %dma_start3A_879 = arith.constant 2688 : i32
        %dma_start3A_880 = arith.constant 0 : i32
        %dma_start3A_881 = tpu.memref_slice %arg10[%dma_start3A_879, %dma_start3A_880] : memref<3200x16xf32, #tpu.memory_space<vmem>> -> memref<128x16xf32, #tpu.memory_space<vmem>>
        %dma_start3A_882 = arith.constant 2688 : i32
        %dma_start3A_883 = tpu.memref_slice %arg8[%dma_start3A_882] : memref<3200xi32, #tpu.memory_space<vmem>> -> memref<128xi32, #tpu.memory_space<vmem>>
        %dma_start3A_884 = arith.constant 0 : i32
        %dma_start3A_885 = arith.constant 0 : i32
        %dma_start3A_886 = tpu.memref_slice %arg3[%dma_start3A_884, %dma_start3A_885] : memref<1000000x16xf32, #tpu.memory_space<hbm>> -> memref<1000000x16xf32, #tpu.memory_space<hbm>>
        tpu.enqueue_indirect_dma source(%dma_start3A_886 : memref<1000000x16xf32, #tpu.memory_space<hbm>>) target(%dma_start3A_881 : memref<128x16xf32, #tpu.memory_space<vmem>>) offsets(%dma_start3A_883 : memref<128xi32, #tpu.memory_space<vmem>>) semaphore(%arg14 : memref<!tpu.dma_semaphore, #tpu.memory_space<semaphore_mem>>)
        %dma_start3A_887 = arith.constant 2816 : i32
        %dma_start3A_888 = arith.constant 0 : i32
        %dma_start3A_889 = tpu.memref_slice %arg10[%dma_start3A_887, %dma_start3A_888] : memref<3200x16xf32, #tpu.memory_space<vmem>> -> memref<128x16xf32, #tpu.memory_space<vmem>>
        %dma_start3A_890 = arith.constant 2816 : i32
        %dma_start3A_891 = tpu.memref_slice %arg8[%dma_start3A_890] : memref<3200xi32, #tpu.memory_space<vmem>> -> memref<128xi32, #tpu.memory_space<vmem>>
        %dma_start3A_892 = arith.constant 0 : i32
        %dma_start3A_893 = arith.constant 0 : i32
        %dma_start3A_894 = tpu.memref_slice %arg3[%dma_start3A_892, %dma_start3A_893] : memref<1000000x16xf32, #tpu.memory_space<hbm>> -> memref<1000000x16xf32, #tpu.memory_space<hbm>>
        tpu.enqueue_indirect_dma source(%dma_start3A_894 : memref<1000000x16xf32, #tpu.memory_space<hbm>>) target(%dma_start3A_889 : memref<128x16xf32, #tpu.memory_space<vmem>>) offsets(%dma_start3A_891 : memref<128xi32, #tpu.memory_space<vmem>>) semaphore(%arg14 : memref<!tpu.dma_semaphore, #tpu.memory_space<semaphore_mem>>)
        %dma_start3A_895 = arith.constant 2944 : i32
        %dma_start3A_896 = arith.constant 0 : i32
        %dma_start3A_897 = tpu.memref_slice %arg10[%dma_start3A_895, %dma_start3A_896] : memref<3200x16xf32, #tpu.memory_space<vmem>> -> memref<128x16xf32, #tpu.memory_space<vmem>>
        %dma_start3A_898 = arith.constant 2944 : i32
        %dma_start3A_899 = tpu.memref_slice %arg8[%dma_start3A_898] : memref<3200xi32, #tpu.memory_space<vmem>> -> memref<128xi32, #tpu.memory_space<vmem>>
        %dma_start3A_900 = arith.constant 0 : i32
        %dma_start3A_901 = arith.constant 0 : i32
        %dma_start3A_902 = tpu.memref_slice %arg3[%dma_start3A_900, %dma_start3A_901] : memref<1000000x16xf32, #tpu.memory_space<hbm>> -> memref<1000000x16xf32, #tpu.memory_space<hbm>>
        tpu.enqueue_indirect_dma source(%dma_start3A_902 : memref<1000000x16xf32, #tpu.memory_space<hbm>>) target(%dma_start3A_897 : memref<128x16xf32, #tpu.memory_space<vmem>>) offsets(%dma_start3A_899 : memref<128xi32, #tpu.memory_space<vmem>>) semaphore(%arg14 : memref<!tpu.dma_semaphore, #tpu.memory_space<semaphore_mem>>)
        %dma_start3A_903 = arith.constant 3072 : i32
        %dma_start3A_904 = arith.constant 0 : i32
        %dma_start3A_905 = tpu.memref_slice %arg10[%dma_start3A_903, %dma_start3A_904] : memref<3200x16xf32, #tpu.memory_space<vmem>> -> memref<128x16xf32, #tpu.memory_space<vmem>>
        %dma_start3A_906 = arith.constant 3072 : i32
        %dma_start3A_907 = tpu.memref_slice %arg8[%dma_start3A_906] : memref<3200xi32, #tpu.memory_space<vmem>> -> memref<128xi32, #tpu.memory_space<vmem>>
        %dma_start3A_908 = arith.constant 0 : i32
        %dma_start3A_909 = arith.constant 0 : i32
        %dma_start3A_910 = tpu.memref_slice %arg3[%dma_start3A_908, %dma_start3A_909] : memref<1000000x16xf32, #tpu.memory_space<hbm>> -> memref<1000000x16xf32, #tpu.memory_space<hbm>>
        tpu.enqueue_indirect_dma source(%dma_start3A_910 : memref<1000000x16xf32, #tpu.memory_space<hbm>>) target(%dma_start3A_905 : memref<128x16xf32, #tpu.memory_space<vmem>>) offsets(%dma_start3A_907 : memref<128xi32, #tpu.memory_space<vmem>>) semaphore(%arg14 : memref<!tpu.dma_semaphore, #tpu.memory_space<semaphore_mem>>)
      } else {
      }
      %dma_wait3A_474 = arith.constant 0 : i32
      %dma_wait3A_475 = arith.constant 0 : i32
      %dma_wait3A_476 = tpu.memref_slice %arg3[%dma_wait3A_474, %dma_wait3A_475] : memref<1000000x16xf32, #tpu.memory_space<hbm>> -> memref<3200x16xf32, #tpu.memory_space<hbm>>
      %dma_wait3A_477 = arith.constant 0 : i32
      %dma_wait3A_478 = arith.constant 0 : i32
      %dma_wait3A_479 = tpu.memref_slice %arg3[%dma_wait3A_477, %dma_wait3A_478] : memref<1000000x16xf32, #tpu.memory_space<hbm>> -> memref<3200x16xf32, #tpu.memory_space<hbm>>
      tpu.wait_dma2 semaphore(%arg15 : memref<!tpu.dma_semaphore, #tpu.memory_space<semaphore_mem>>) src(%dma_wait3A_479 : memref<3200x16xf32, #tpu.memory_space<hbm>>) dst(%arg11 : memref<3200x16xf32, #tpu.memory_space<vmem>>)
      %add3A_480 = arith.constant 1 : i32
      %add3A_481 = arith.addi %add3A_468, %add3A_480 : i32
      %lt3A_482 = arith.constant 32 : i32
      %lt3A_483 = arith.cmpi slt, %add3A_481, %lt3A_482 : i32
      %convert_element_type3A_484 = arith.extui %lt3A_483 : i1 to i32
      %cond3A_485 = arith.constant 0 : i32
      %cond3A_486 = arith.cmpi ne, %convert_element_type3A_484, %cond3A_485 : i32
      scf.if %cond3A_486 {
        %add3A_695 = arith.constant 1 : i32
        %add3A_696 = arith.addi %add3A_468, %add3A_695 : i32
        %add3A_697 = arith.addi %mul3A_2, %add3A_696 : i32
        %mul3A_698 = arith.constant 16 : i32
        %mul3A_699 = arith.muli %add3A_697, %mul3A_698 : i32
        %dma_start3A_700 = arith.constant 0 : i32
        %dma_start3A_701 = tpu.memref_slice %arg2[%dma_start3A_700, %mul3A_699] : memref<200x16384xi32, #tpu.memory_space<hbm>> -> memref<200x16xi32, #tpu.memory_space<hbm>>
        %dma_start3A_702 = arith.constant 0 : i32
        %dma_start3A_703 = tpu.memref_slice %arg2[%dma_start3A_702, %mul3A_699] : memref<200x16384xi32, #tpu.memory_space<hbm>> -> memref<200x16xi32, #tpu.memory_space<hbm>>
        tpu.enqueue_dma source(%dma_start3A_703 : memref<200x16xi32, #tpu.memory_space<hbm>>) target(%arg7 : memref<200x16xi32, #tpu.memory_space<vmem>>) target_semaphore(%arg17 : memref<!tpu.dma_semaphore, #tpu.memory_space<semaphore_mem>>)
      } else {
      }
      %scan3A_487 = arith.constant 0 : i32
      %scan3A_488 = arith.constant 25 : i32
      %scan3A_489 = arith.addi %scan3A_487, %scan3A_488 : i32
      %scan3A_490 = arith.constant 1 : i32
      %scan3A_491:8 = scf.for %scan3A_695 = %scan3A_487 to %scan3A_489 step %scan3A_490 iter_args(%scan3A_696 = %broadcast_in_dim3A_220, %scan3A_697 = %broadcast_in_dim3A_220, %scan3A_698 = %broadcast_in_dim3A_220, %scan3A_699 = %broadcast_in_dim3A_220, %scan3A_700 = %broadcast_in_dim3A_220, %scan3A_701 = %broadcast_in_dim3A_220, %scan3A_702 = %broadcast_in_dim3A_220, %scan3A_703 = %broadcast_in_dim3A_220) -> (vector<16xf32>, vector<16xf32>, vector<16xf32>, vector<16xf32>, vector<16xf32>, vector<16xf32>, vector<16xf32>, vector<16xf32>)  : i32 {
        %mul3A_704 = arith.constant 8 : i32
        %mul3A_705 = arith.muli %scan3A_695, %mul3A_704 : i32
        %add3A_706 = arith.constant 0 : i32
        %add3A_707 = arith.addi %add3A_706, %mul3A_705 : i32
        %add3A_708 = arith.constant 0 : i32
        %add3A_709 = arith.addi %add3A_707, %add3A_708 : i32
        %get3A_710 = arith.index_cast %add3A_709 : i32 to index
        %get3A_711 = arith.constant 0 : index
        %get3A_712 = tpu.vector_load %arg11[%get3A_710, %get3A_711] {strides = array<i32>} : memref<3200x16xf32, #tpu.memory_space<vmem>>, vector<16xf32>,
        %add3A_713 = arith.addf %scan3A_696, %get3A_712 : vector<16xf32>
        %mul3A_714 = arith.constant 8 : i32
        %mul3A_715 = arith.muli %scan3A_695, %mul3A_714 : i32
        %add3A_716 = arith.constant 200 : i32
        %add3A_717 = arith.addi %add3A_716, %mul3A_715 : i32
        %add3A_718 = arith.constant 0 : i32
        %add3A_719 = arith.addi %add3A_717, %add3A_718 : i32
        %get3A_720 = arith.index_cast %add3A_719 : i32 to index
        %get3A_721 = arith.constant 0 : index
        %get3A_722 = tpu.vector_load %arg11[%get3A_720, %get3A_721] {strides = array<i32>} : memref<3200x16xf32, #tpu.memory_space<vmem>>, vector<16xf32>,
        %add3A_723 = arith.addf %scan3A_700, %get3A_722 : vector<16xf32>
        %mul3A_724 = arith.constant 8 : i32
        %mul3A_725 = arith.muli %scan3A_695, %mul3A_724 : i32
        %add3A_726 = arith.constant 0 : i32
        %add3A_727 = arith.addi %add3A_726, %mul3A_725 : i32
        %add3A_728 = arith.constant 1 : i32
        %add3A_729 = arith.addi %add3A_727, %add3A_728 : i32
        %get3A_730 = arith.index_cast %add3A_729 : i32 to index
        %get3A_731 = arith.constant 0 : index
        %get3A_732 = tpu.vector_load %arg11[%get3A_730, %get3A_731] {strides = array<i32>} : memref<3200x16xf32, #tpu.memory_space<vmem>>, vector<16xf32>,
        %add3A_733 = arith.addf %scan3A_697, %get3A_732 : vector<16xf32>
        %mul3A_734 = arith.constant 8 : i32
        %mul3A_735 = arith.muli %scan3A_695, %mul3A_734 : i32
        %add3A_736 = arith.constant 200 : i32
        %add3A_737 = arith.addi %add3A_736, %mul3A_735 : i32
        %add3A_738 = arith.constant 1 : i32
        %add3A_739 = arith.addi %add3A_737, %add3A_738 : i32
        %get3A_740 = arith.index_cast %add3A_739 : i32 to index
        %get3A_741 = arith.constant 0 : index
        %get3A_742 = tpu.vector_load %arg11[%get3A_740, %get3A_741] {strides = array<i32>} : memref<3200x16xf32, #tpu.memory_space<vmem>>, vector<16xf32>,
        %add3A_743 = arith.addf %scan3A_701, %get3A_742 : vector<16xf32>
        %mul3A_744 = arith.constant 8 : i32
        %mul3A_745 = arith.muli %scan3A_695, %mul3A_744 : i32
        %add3A_746 = arith.constant 0 : i32
        %add3A_747 = arith.addi %add3A_746, %mul3A_745 : i32
        %add3A_748 = arith.constant 2 : i32
        %add3A_749 = arith.addi %add3A_747, %add3A_748 : i32
        %get3A_750 = arith.index_cast %add3A_749 : i32 to index
        %get3A_751 = arith.constant 0 : index
        %get3A_752 = tpu.vector_load %arg11[%get3A_750, %get3A_751] {strides = array<i32>} : memref<3200x16xf32, #tpu.memory_space<vmem>>, vector<16xf32>,
        %add3A_753 = arith.addf %scan3A_698, %get3A_752 : vector<16xf32>
        %mul3A_754 = arith.constant 8 : i32
        %mul3A_755 = arith.muli %scan3A_695, %mul3A_754 : i32
        %add3A_756 = arith.constant 200 : i32
        %add3A_757 = arith.addi %add3A_756, %mul3A_755 : i32
        %add3A_758 = arith.constant 2 : i32
        %add3A_759 = arith.addi %add3A_757, %add3A_758 : i32
        %get3A_760 = arith.index_cast %add3A_759 : i32 to index
        %get3A_761 = arith.constant 0 : index
        %get3A_762 = tpu.vector_load %arg11[%get3A_760, %get3A_761] {strides = array<i32>} : memref<3200x16xf32, #tpu.memory_space<vmem>>, vector<16xf32>,
        %add3A_763 = arith.addf %scan3A_702, %get3A_762 : vector<16xf32>
        %mul3A_764 = arith.constant 8 : i32
        %mul3A_765 = arith.muli %scan3A_695, %mul3A_764 : i32
        %add3A_766 = arith.constant 0 : i32
        %add3A_767 = arith.addi %add3A_766, %mul3A_765 : i32
        %add3A_768 = arith.constant 3 : i32
        %add3A_769 = arith.addi %add3A_767, %add3A_768 : i32
        %get3A_770 = arith.index_cast %add3A_769 : i32 to index
        %get3A_771 = arith.constant 0 : index
        %get3A_772 = tpu.vector_load %arg11[%get3A_770, %get3A_771] {strides = array<i32>} : memref<3200x16xf32, #tpu.memory_space<vmem>>, vector<16xf32>,
        %add3A_773 = arith.addf %scan3A_699, %get3A_772 : vector<16xf32>
        %mul3A_774 = arith.constant 8 : i32
        %mul3A_775 = arith.muli %scan3A_695, %mul3A_774 : i32
        %add3A_776 = arith.constant 200 : i32
        %add3A_777 = arith.addi %add3A_776, %mul3A_775 : i32
        %add3A_778 = arith.constant 3 : i32
        %add3A_779 = arith.addi %add3A_777, %add3A_778 : i32
        %get3A_780 = arith.index_cast %add3A_779 : i32 to index
        %get3A_781 = arith.constant 0 : index
        %get3A_782 = tpu.vector_load %arg11[%get3A_780, %get3A_781] {strides = array<i32>} : memref<3200x16xf32, #tpu.memory_space<vmem>>, vector<16xf32>,
        %add3A_783 = arith.addf %scan3A_703, %get3A_782 : vector<16xf32>
        %mul3A_784 = arith.constant 8 : i32
        %mul3A_785 = arith.muli %scan3A_695, %mul3A_784 : i32
        %add3A_786 = arith.constant 0 : i32
        %add3A_787 = arith.addi %add3A_786, %mul3A_785 : i32
        %add3A_788 = arith.constant 4 : i32
        %add3A_789 = arith.addi %add3A_787, %add3A_788 : i32
        %get3A_790 = arith.index_cast %add3A_789 : i32 to index
        %get3A_791 = arith.constant 0 : index
        %get3A_792 = tpu.vector_load %arg11[%get3A_790, %get3A_791] {strides = array<i32>} : memref<3200x16xf32, #tpu.memory_space<vmem>>, vector<16xf32>,
        %add3A_793 = arith.addf %add3A_713, %get3A_792 : vector<16xf32>
        %mul3A_794 = arith.constant 8 : i32
        %mul3A_795 = arith.muli %scan3A_695, %mul3A_794 : i32
        %add3A_796 = arith.constant 200 : i32
        %add3A_797 = arith.addi %add3A_796, %mul3A_795 : i32
        %add3A_798 = arith.constant 4 : i32
        %add3A_799 = arith.addi %add3A_797, %add3A_798 : i32
        %get3A_800 = arith.index_cast %add3A_799 : i32 to index
        %get3A_801 = arith.constant 0 : index
        %get3A_802 = tpu.vector_load %arg11[%get3A_800, %get3A_801] {strides = array<i32>} : memref<3200x16xf32, #tpu.memory_space<vmem>>, vector<16xf32>,
        %add3A_803 = arith.addf %add3A_723, %get3A_802 : vector<16xf32>
        %mul3A_804 = arith.constant 8 : i32
        %mul3A_805 = arith.muli %scan3A_695, %mul3A_804 : i32
        %add3A_806 = arith.constant 0 : i32
        %add3A_807 = arith.addi %add3A_806, %mul3A_805 : i32
        %add3A_808 = arith.constant 5 : i32
        %add3A_809 = arith.addi %add3A_807, %add3A_808 : i32
        %get3A_810 = arith.index_cast %add3A_809 : i32 to index
        %get3A_811 = arith.constant 0 : index
        %get3A_812 = tpu.vector_load %arg11[%get3A_810, %get3A_811] {strides = array<i32>} : memref<3200x16xf32, #tpu.memory_space<vmem>>, vector<16xf32>,
        %add3A_813 = arith.addf %add3A_733, %get3A_812 : vector<16xf32>
        %mul3A_814 = arith.constant 8 : i32
        %mul3A_815 = arith.muli %scan3A_695, %mul3A_814 : i32
        %add3A_816 = arith.constant 200 : i32
        %add3A_817 = arith.addi %add3A_816, %mul3A_815 : i32
        %add3A_818 = arith.constant 5 : i32
        %add3A_819 = arith.addi %add3A_817, %add3A_818 : i32
        %get3A_820 = arith.index_cast %add3A_819 : i32 to index
        %get3A_821 = arith.constant 0 : index
        %get3A_822 = tpu.vector_load %arg11[%get3A_820, %get3A_821] {strides = array<i32>} : memref<3200x16xf32, #tpu.memory_space<vmem>>, vector<16xf32>,
        %add3A_823 = arith.addf %add3A_743, %get3A_822 : vector<16xf32>
        %mul3A_824 = arith.constant 8 : i32
        %mul3A_825 = arith.muli %scan3A_695, %mul3A_824 : i32
        %add3A_826 = arith.constant 0 : i32
        %add3A_827 = arith.addi %add3A_826, %mul3A_825 : i32
        %add3A_828 = arith.constant 6 : i32
        %add3A_829 = arith.addi %add3A_827, %add3A_828 : i32
        %get3A_830 = arith.index_cast %add3A_829 : i32 to index
        %get3A_831 = arith.constant 0 : index
        %get3A_832 = tpu.vector_load %arg11[%get3A_830, %get3A_831] {strides = array<i32>} : memref<3200x16xf32, #tpu.memory_space<vmem>>, vector<16xf32>,
        %add3A_833 = arith.addf %add3A_753, %get3A_832 : vector<16xf32>
        %mul3A_834 = arith.constant 8 : i32
        %mul3A_835 = arith.muli %scan3A_695, %mul3A_834 : i32
        %add3A_836 = arith.constant 200 : i32
        %add3A_837 = arith.addi %add3A_836, %mul3A_835 : i32
        %add3A_838 = arith.constant 6 : i32
        %add3A_839 = arith.addi %add3A_837, %add3A_838 : i32
        %get3A_840 = arith.index_cast %add3A_839 : i32 to index
        %get3A_841 = arith.constant 0 : index
        %get3A_842 = tpu.vector_load %arg11[%get3A_840, %get3A_841] {strides = array<i32>} : memref<3200x16xf32, #tpu.memory_space<vmem>>, vector<16xf32>,
        %add3A_843 = arith.addf %add3A_763, %get3A_842 : vector<16xf32>
        %mul3A_844 = arith.constant 8 : i32
        %mul3A_845 = arith.muli %scan3A_695, %mul3A_844 : i32
        %add3A_846 = arith.constant 0 : i32
        %add3A_847 = arith.addi %add3A_846, %mul3A_845 : i32
        %add3A_848 = arith.constant 7 : i32
        %add3A_849 = arith.addi %add3A_847, %add3A_848 : i32
        %get3A_850 = arith.index_cast %add3A_849 : i32 to index
        %get3A_851 = arith.constant 0 : index
        %get3A_852 = tpu.vector_load %arg11[%get3A_850, %get3A_851] {strides = array<i32>} : memref<3200x16xf32, #tpu.memory_space<vmem>>, vector<16xf32>,
        %add3A_853 = arith.addf %add3A_773, %get3A_852 : vector<16xf32>
        %mul3A_854 = arith.constant 8 : i32
        %mul3A_855 = arith.muli %scan3A_695, %mul3A_854 : i32
        %add3A_856 = arith.constant 200 : i32
        %add3A_857 = arith.addi %add3A_856, %mul3A_855 : i32
        %add3A_858 = arith.constant 7 : i32
        %add3A_859 = arith.addi %add3A_857, %add3A_858 : i32
        %get3A_860 = arith.index_cast %add3A_859 : i32 to index
        %get3A_861 = arith.constant 0 : index
        %get3A_862 = tpu.vector_load %arg11[%get3A_860, %get3A_861] {strides = array<i32>} : memref<3200x16xf32, #tpu.memory_space<vmem>>, vector<16xf32>,
        %add3A_863 = arith.addf %add3A_783, %get3A_862 : vector<16xf32>
        scf.yield %add3A_793, %add3A_813, %add3A_833, %add3A_853, %add3A_803, %add3A_823, %add3A_843, %add3A_863 : vector<16xf32>, vector<16xf32>, vector<16xf32>, vector<16xf32>, vector<16xf32>, vector<16xf32>, vector<16xf32>, vector<16xf32>
      }
      %scan3A_492 = arith.constant 25 : i32
      %add3A_493 = arith.addf %scan3A_491#0, %scan3A_491#1 : vector<16xf32>
      %add3A_494 = arith.addf %add3A_493, %scan3A_491#2 : vector<16xf32>
      %add3A_495 = arith.addf %add3A_494, %scan3A_491#3 : vector<16xf32>
      %add3A_496 = arith.addf %add3A_495, %get3A_221 : vector<16xf32>
      %add3A_497 = arith.addf %scan3A_491#4, %scan3A_491#5 : vector<16xf32>
      %add3A_498 = arith.addf %add3A_497, %scan3A_491#6 : vector<16xf32>
      %add3A_499 = arith.addf %add3A_498, %scan3A_491#7 : vector<16xf32>
      %add3A_500 = arith.addf %add3A_499, %get3A_221 : vector<16xf32>
      %mul3A_501 = arith.constant 16 : i32
      %mul3A_502 = arith.muli %add3A_466, %mul3A_501 : i32
      %add3A_503 = arith.constant 0 : i32
      %add3A_504 = arith.addi %mul3A_502, %add3A_503 : i32
      %broadcast_in_dim3A_505 = arith.constant 0 : i32
      %broadcast_in_dim3A_506 = vector.broadcast %broadcast_in_dim3A_505 : i32 to vector<16xi32>
      %add3A_507 = vector.broadcast %add3A_504 : i32 to vector<16xi32>
      %add3A_508 = arith.addi %broadcast_in_dim3A_506, %add3A_507 : vector<16xi32>
      tpu.vector_store_idx %arg12[%iota3A_222, %add3A_508], %add3A_496 masked %lt3A_224 : memref<2x512xf32, #tpu.memory_space<vmem>>[vector<16xi32>, vector<16xi32>], vector<16xf32>, vector<16xi1>
      %broadcast_in_dim3A_509 = arith.constant 1 : i32
      %broadcast_in_dim3A_510 = vector.broadcast %broadcast_in_dim3A_509 : i32 to vector<16xi32>
      %add3A_511 = vector.broadcast %add3A_504 : i32 to vector<16xi32>
      %add3A_512 = arith.addi %broadcast_in_dim3A_510, %add3A_511 : vector<16xi32>
      tpu.vector_store_idx %arg12[%iota3A_222, %add3A_512], %add3A_500 masked %lt3A_224 : memref<2x512xf32, #tpu.memory_space<vmem>>[vector<16xi32>, vector<16xi32>], vector<16xf32>, vector<16xi1>
      %scan3A_513 = arith.constant 0 : i32
      %scan3A_514 = arith.constant 25 : i32
      %scan3A_515 = arith.addi %scan3A_513, %scan3A_514 : i32
      %scan3A_516 = arith.constant 1 : i32
      %scan3A_517:8 = scf.for %scan3A_695 = %scan3A_513 to %scan3A_515 step %scan3A_516 iter_args(%scan3A_696 = %broadcast_in_dim3A_220, %scan3A_697 = %broadcast_in_dim3A_220, %scan3A_698 = %broadcast_in_dim3A_220, %scan3A_699 = %broadcast_in_dim3A_220, %scan3A_700 = %broadcast_in_dim3A_220, %scan3A_701 = %broadcast_in_dim3A_220, %scan3A_702 = %broadcast_in_dim3A_220, %scan3A_703 = %broadcast_in_dim3A_220) -> (vector<16xf32>, vector<16xf32>, vector<16xf32>, vector<16xf32>, vector<16xf32>, vector<16xf32>, vector<16xf32>, vector<16xf32>)  : i32 {
        %mul3A_704 = arith.constant 8 : i32
        %mul3A_705 = arith.muli %scan3A_695, %mul3A_704 : i32
        %add3A_706 = arith.constant 400 : i32
        %add3A_707 = arith.addi %add3A_706, %mul3A_705 : i32
        %add3A_708 = arith.constant 0 : i32
        %add3A_709 = arith.addi %add3A_707, %add3A_708 : i32
        %get3A_710 = arith.index_cast %add3A_709 : i32 to index
        %get3A_711 = arith.constant 0 : index
        %get3A_712 = tpu.vector_load %arg11[%get3A_710, %get3A_711] {strides = array<i32>} : memref<3200x16xf32, #tpu.memory_space<vmem>>, vector<16xf32>,
        %add3A_713 = arith.addf %scan3A_696, %get3A_712 : vector<16xf32>
        %mul3A_714 = arith.constant 8 : i32
        %mul3A_715 = arith.muli %scan3A_695, %mul3A_714 : i32
        %add3A_716 = arith.constant 600 : i32
        %add3A_717 = arith.addi %add3A_716, %mul3A_715 : i32
        %add3A_718 = arith.constant 0 : i32
        %add3A_719 = arith.addi %add3A_717, %add3A_718 : i32
        %get3A_720 = arith.index_cast %add3A_719 : i32 to index
        %get3A_721 = arith.constant 0 : index
        %get3A_722 = tpu.vector_load %arg11[%get3A_720, %get3A_721] {strides = array<i32>} : memref<3200x16xf32, #tpu.memory_space<vmem>>, vector<16xf32>,
        %add3A_723 = arith.addf %scan3A_700, %get3A_722 : vector<16xf32>
        %mul3A_724 = arith.constant 8 : i32
        %mul3A_725 = arith.muli %scan3A_695, %mul3A_724 : i32
        %add3A_726 = arith.constant 400 : i32
        %add3A_727 = arith.addi %add3A_726, %mul3A_725 : i32
        %add3A_728 = arith.constant 1 : i32
        %add3A_729 = arith.addi %add3A_727, %add3A_728 : i32
        %get3A_730 = arith.index_cast %add3A_729 : i32 to index
        %get3A_731 = arith.constant 0 : index
        %get3A_732 = tpu.vector_load %arg11[%get3A_730, %get3A_731] {strides = array<i32>} : memref<3200x16xf32, #tpu.memory_space<vmem>>, vector<16xf32>,
        %add3A_733 = arith.addf %scan3A_697, %get3A_732 : vector<16xf32>
        %mul3A_734 = arith.constant 8 : i32
        %mul3A_735 = arith.muli %scan3A_695, %mul3A_734 : i32
        %add3A_736 = arith.constant 600 : i32
        %add3A_737 = arith.addi %add3A_736, %mul3A_735 : i32
        %add3A_738 = arith.constant 1 : i32
        %add3A_739 = arith.addi %add3A_737, %add3A_738 : i32
        %get3A_740 = arith.index_cast %add3A_739 : i32 to index
        %get3A_741 = arith.constant 0 : index
        %get3A_742 = tpu.vector_load %arg11[%get3A_740, %get3A_741] {strides = array<i32>} : memref<3200x16xf32, #tpu.memory_space<vmem>>, vector<16xf32>,
        %add3A_743 = arith.addf %scan3A_701, %get3A_742 : vector<16xf32>
        %mul3A_744 = arith.constant 8 : i32
        %mul3A_745 = arith.muli %scan3A_695, %mul3A_744 : i32
        %add3A_746 = arith.constant 400 : i32
        %add3A_747 = arith.addi %add3A_746, %mul3A_745 : i32
        %add3A_748 = arith.constant 2 : i32
        %add3A_749 = arith.addi %add3A_747, %add3A_748 : i32
        %get3A_750 = arith.index_cast %add3A_749 : i32 to index
        %get3A_751 = arith.constant 0 : index
        %get3A_752 = tpu.vector_load %arg11[%get3A_750, %get3A_751] {strides = array<i32>} : memref<3200x16xf32, #tpu.memory_space<vmem>>, vector<16xf32>,
        %add3A_753 = arith.addf %scan3A_698, %get3A_752 : vector<16xf32>
        %mul3A_754 = arith.constant 8 : i32
        %mul3A_755 = arith.muli %scan3A_695, %mul3A_754 : i32
        %add3A_756 = arith.constant 600 : i32
        %add3A_757 = arith.addi %add3A_756, %mul3A_755 : i32
        %add3A_758 = arith.constant 2 : i32
        %add3A_759 = arith.addi %add3A_757, %add3A_758 : i32
        %get3A_760 = arith.index_cast %add3A_759 : i32 to index
        %get3A_761 = arith.constant 0 : index
        %get3A_762 = tpu.vector_load %arg11[%get3A_760, %get3A_761] {strides = array<i32>} : memref<3200x16xf32, #tpu.memory_space<vmem>>, vector<16xf32>,
        %add3A_763 = arith.addf %scan3A_702, %get3A_762 : vector<16xf32>
        %mul3A_764 = arith.constant 8 : i32
        %mul3A_765 = arith.muli %scan3A_695, %mul3A_764 : i32
        %add3A_766 = arith.constant 400 : i32
        %add3A_767 = arith.addi %add3A_766, %mul3A_765 : i32
        %add3A_768 = arith.constant 3 : i32
        %add3A_769 = arith.addi %add3A_767, %add3A_768 : i32
        %get3A_770 = arith.index_cast %add3A_769 : i32 to index
        %get3A_771 = arith.constant 0 : index
        %get3A_772 = tpu.vector_load %arg11[%get3A_770, %get3A_771] {strides = array<i32>} : memref<3200x16xf32, #tpu.memory_space<vmem>>, vector<16xf32>,
        %add3A_773 = arith.addf %scan3A_699, %get3A_772 : vector<16xf32>
        %mul3A_774 = arith.constant 8 : i32
        %mul3A_775 = arith.muli %scan3A_695, %mul3A_774 : i32
        %add3A_776 = arith.constant 600 : i32
        %add3A_777 = arith.addi %add3A_776, %mul3A_775 : i32
        %add3A_778 = arith.constant 3 : i32
        %add3A_779 = arith.addi %add3A_777, %add3A_778 : i32
        %get3A_780 = arith.index_cast %add3A_779 : i32 to index
        %get3A_781 = arith.constant 0 : index
        %get3A_782 = tpu.vector_load %arg11[%get3A_780, %get3A_781] {strides = array<i32>} : memref<3200x16xf32, #tpu.memory_space<vmem>>, vector<16xf32>,
        %add3A_783 = arith.addf %scan3A_703, %get3A_782 : vector<16xf32>
        %mul3A_784 = arith.constant 8 : i32
        %mul3A_785 = arith.muli %scan3A_695, %mul3A_784 : i32
        %add3A_786 = arith.constant 400 : i32
        %add3A_787 = arith.addi %add3A_786, %mul3A_785 : i32
        %add3A_788 = arith.constant 4 : i32
        %add3A_789 = arith.addi %add3A_787, %add3A_788 : i32
        %get3A_790 = arith.index_cast %add3A_789 : i32 to index
        %get3A_791 = arith.constant 0 : index
        %get3A_792 = tpu.vector_load %arg11[%get3A_790, %get3A_791] {strides = array<i32>} : memref<3200x16xf32, #tpu.memory_space<vmem>>, vector<16xf32>,
        %add3A_793 = arith.addf %add3A_713, %get3A_792 : vector<16xf32>
        %mul3A_794 = arith.constant 8 : i32
        %mul3A_795 = arith.muli %scan3A_695, %mul3A_794 : i32
        %add3A_796 = arith.constant 600 : i32
        %add3A_797 = arith.addi %add3A_796, %mul3A_795 : i32
        %add3A_798 = arith.constant 4 : i32
        %add3A_799 = arith.addi %add3A_797, %add3A_798 : i32
        %get3A_800 = arith.index_cast %add3A_799 : i32 to index
        %get3A_801 = arith.constant 0 : index
        %get3A_802 = tpu.vector_load %arg11[%get3A_800, %get3A_801] {strides = array<i32>} : memref<3200x16xf32, #tpu.memory_space<vmem>>, vector<16xf32>,
        %add3A_803 = arith.addf %add3A_723, %get3A_802 : vector<16xf32>
        %mul3A_804 = arith.constant 8 : i32
        %mul3A_805 = arith.muli %scan3A_695, %mul3A_804 : i32
        %add3A_806 = arith.constant 400 : i32
        %add3A_807 = arith.addi %add3A_806, %mul3A_805 : i32
        %add3A_808 = arith.constant 5 : i32
        %add3A_809 = arith.addi %add3A_807, %add3A_808 : i32
        %get3A_810 = arith.index_cast %add3A_809 : i32 to index
        %get3A_811 = arith.constant 0 : index
        %get3A_812 = tpu.vector_load %arg11[%get3A_810, %get3A_811] {strides = array<i32>} : memref<3200x16xf32, #tpu.memory_space<vmem>>, vector<16xf32>,
        %add3A_813 = arith.addf %add3A_733, %get3A_812 : vector<16xf32>
        %mul3A_814 = arith.constant 8 : i32
        %mul3A_815 = arith.muli %scan3A_695, %mul3A_814 : i32
        %add3A_816 = arith.constant 600 : i32
        %add3A_817 = arith.addi %add3A_816, %mul3A_815 : i32
        %add3A_818 = arith.constant 5 : i32
        %add3A_819 = arith.addi %add3A_817, %add3A_818 : i32
        %get3A_820 = arith.index_cast %add3A_819 : i32 to index
        %get3A_821 = arith.constant 0 : index
        %get3A_822 = tpu.vector_load %arg11[%get3A_820, %get3A_821] {strides = array<i32>} : memref<3200x16xf32, #tpu.memory_space<vmem>>, vector<16xf32>,
        %add3A_823 = arith.addf %add3A_743, %get3A_822 : vector<16xf32>
        %mul3A_824 = arith.constant 8 : i32
        %mul3A_825 = arith.muli %scan3A_695, %mul3A_824 : i32
        %add3A_826 = arith.constant 400 : i32
        %add3A_827 = arith.addi %add3A_826, %mul3A_825 : i32
        %add3A_828 = arith.constant 6 : i32
        %add3A_829 = arith.addi %add3A_827, %add3A_828 : i32
        %get3A_830 = arith.index_cast %add3A_829 : i32 to index
        %get3A_831 = arith.constant 0 : index
        %get3A_832 = tpu.vector_load %arg11[%get3A_830, %get3A_831] {strides = array<i32>} : memref<3200x16xf32, #tpu.memory_space<vmem>>, vector<16xf32>,
        %add3A_833 = arith.addf %add3A_753, %get3A_832 : vector<16xf32>
        %mul3A_834 = arith.constant 8 : i32
        %mul3A_835 = arith.muli %scan3A_695, %mul3A_834 : i32
        %add3A_836 = arith.constant 600 : i32
        %add3A_837 = arith.addi %add3A_836, %mul3A_835 : i32
        %add3A_838 = arith.constant 6 : i32
        %add3A_839 = arith.addi %add3A_837, %add3A_838 : i32
        %get3A_840 = arith.index_cast %add3A_839 : i32 to index
        %get3A_841 = arith.constant 0 : index
        %get3A_842 = tpu.vector_load %arg11[%get3A_840, %get3A_841] {strides = array<i32>} : memref<3200x16xf32, #tpu.memory_space<vmem>>, vector<16xf32>,
        %add3A_843 = arith.addf %add3A_763, %get3A_842 : vector<16xf32>
        %mul3A_844 = arith.constant 8 : i32
        %mul3A_845 = arith.muli %scan3A_695, %mul3A_844 : i32
        %add3A_846 = arith.constant 400 : i32
        %add3A_847 = arith.addi %add3A_846, %mul3A_845 : i32
        %add3A_848 = arith.constant 7 : i32
        %add3A_849 = arith.addi %add3A_847, %add3A_848 : i32
        %get3A_850 = arith.index_cast %add3A_849 : i32 to index
        %get3A_851 = arith.constant 0 : index
        %get3A_852 = tpu.vector_load %arg11[%get3A_850, %get3A_851] {strides = array<i32>} : memref<3200x16xf32, #tpu.memory_space<vmem>>, vector<16xf32>,
        %add3A_853 = arith.addf %add3A_773, %get3A_852 : vector<16xf32>
        %mul3A_854 = arith.constant 8 : i32
        %mul3A_855 = arith.muli %scan3A_695, %mul3A_854 : i32
        %add3A_856 = arith.constant 600 : i32
        %add3A_857 = arith.addi %add3A_856, %mul3A_855 : i32
        %add3A_858 = arith.constant 7 : i32
        %add3A_859 = arith.addi %add3A_857, %add3A_858 : i32
        %get3A_860 = arith.index_cast %add3A_859 : i32 to index
        %get3A_861 = arith.constant 0 : index
        %get3A_862 = tpu.vector_load %arg11[%get3A_860, %get3A_861] {strides = array<i32>} : memref<3200x16xf32, #tpu.memory_space<vmem>>, vector<16xf32>,
        %add3A_863 = arith.addf %add3A_783, %get3A_862 : vector<16xf32>
        scf.yield %add3A_793, %add3A_813, %add3A_833, %add3A_853, %add3A_803, %add3A_823, %add3A_843, %add3A_863 : vector<16xf32>, vector<16xf32>, vector<16xf32>, vector<16xf32>, vector<16xf32>, vector<16xf32>, vector<16xf32>, vector<16xf32>
      }
      %scan3A_518 = arith.constant 25 : i32
      %add3A_519 = arith.addf %scan3A_517#0, %scan3A_517#1 : vector<16xf32>
      %add3A_520 = arith.addf %add3A_519, %scan3A_517#2 : vector<16xf32>
      %add3A_521 = arith.addf %add3A_520, %scan3A_517#3 : vector<16xf32>
      %add3A_522 = arith.addf %add3A_521, %get3A_221 : vector<16xf32>
      %add3A_523 = arith.addf %scan3A_517#4, %scan3A_517#5 : vector<16xf32>
      %add3A_524 = arith.addf %add3A_523, %scan3A_517#6 : vector<16xf32>
      %add3A_525 = arith.addf %add3A_524, %scan3A_517#7 : vector<16xf32>
      %add3A_526 = arith.addf %add3A_525, %get3A_221 : vector<16xf32>
      %mul3A_527 = arith.constant 16 : i32
      %mul3A_528 = arith.muli %add3A_466, %mul3A_527 : i32
      %add3A_529 = arith.constant 2 : i32
      %add3A_530 = arith.addi %mul3A_528, %add3A_529 : i32
      %broadcast_in_dim3A_531 = arith.constant 0 : i32
      %broadcast_in_dim3A_532 = vector.broadcast %broadcast_in_dim3A_531 : i32 to vector<16xi32>
      %add3A_533 = vector.broadcast %add3A_530 : i32 to vector<16xi32>
      %add3A_534 = arith.addi %broadcast_in_dim3A_532, %add3A_533 : vector<16xi32>
      tpu.vector_store_idx %arg12[%iota3A_222, %add3A_534], %add3A_522 masked %lt3A_224 : memref<2x512xf32, #tpu.memory_space<vmem>>[vector<16xi32>, vector<16xi32>], vector<16xf32>, vector<16xi1>
      %broadcast_in_dim3A_535 = arith.constant 1 : i32
      %broadcast_in_dim3A_536 = vector.broadcast %broadcast_in_dim3A_535 : i32 to vector<16xi32>
      %add3A_537 = vector.broadcast %add3A_530 : i32 to vector<16xi32>
      %add3A_538 = arith.addi %broadcast_in_dim3A_536, %add3A_537 : vector<16xi32>
      tpu.vector_store_idx %arg12[%iota3A_222, %add3A_538], %add3A_526 masked %lt3A_224 : memref<2x512xf32, #tpu.memory_space<vmem>>[vector<16xi32>, vector<16xi32>], vector<16xf32>, vector<16xi1>
      %scan3A_539 = arith.constant 0 : i32
      %scan3A_540 = arith.constant 25 : i32
      %scan3A_541 = arith.addi %scan3A_539, %scan3A_540 : i32
      %scan3A_542 = arith.constant 1 : i32
      %scan3A_543:8 = scf.for %scan3A_695 = %scan3A_539 to %scan3A_541 step %scan3A_542 iter_args(%scan3A_696 = %broadcast_in_dim3A_220, %scan3A_697 = %broadcast_in_dim3A_220, %scan3A_698 = %broadcast_in_dim3A_220, %scan3A_699 = %broadcast_in_dim3A_220, %scan3A_700 = %broadcast_in_dim3A_220, %scan3A_701 = %broadcast_in_dim3A_220, %scan3A_702 = %broadcast_in_dim3A_220, %scan3A_703 = %broadcast_in_dim3A_220) -> (vector<16xf32>, vector<16xf32>, vector<16xf32>, vector<16xf32>, vector<16xf32>, vector<16xf32>, vector<16xf32>, vector<16xf32>)  : i32 {
        %mul3A_704 = arith.constant 8 : i32
        %mul3A_705 = arith.muli %scan3A_695, %mul3A_704 : i32
        %add3A_706 = arith.constant 800 : i32
        %add3A_707 = arith.addi %add3A_706, %mul3A_705 : i32
        %add3A_708 = arith.constant 0 : i32
        %add3A_709 = arith.addi %add3A_707, %add3A_708 : i32
        %get3A_710 = arith.index_cast %add3A_709 : i32 to index
        %get3A_711 = arith.constant 0 : index
        %get3A_712 = tpu.vector_load %arg11[%get3A_710, %get3A_711] {strides = array<i32>} : memref<3200x16xf32, #tpu.memory_space<vmem>>, vector<16xf32>,
        %add3A_713 = arith.addf %scan3A_696, %get3A_712 : vector<16xf32>
        %mul3A_714 = arith.constant 8 : i32
        %mul3A_715 = arith.muli %scan3A_695, %mul3A_714 : i32
        %add3A_716 = arith.constant 1000 : i32
        %add3A_717 = arith.addi %add3A_716, %mul3A_715 : i32
        %add3A_718 = arith.constant 0 : i32
        %add3A_719 = arith.addi %add3A_717, %add3A_718 : i32
        %get3A_720 = arith.index_cast %add3A_719 : i32 to index
        %get3A_721 = arith.constant 0 : index
        %get3A_722 = tpu.vector_load %arg11[%get3A_720, %get3A_721] {strides = array<i32>} : memref<3200x16xf32, #tpu.memory_space<vmem>>, vector<16xf32>,
        %add3A_723 = arith.addf %scan3A_700, %get3A_722 : vector<16xf32>
        %mul3A_724 = arith.constant 8 : i32
        %mul3A_725 = arith.muli %scan3A_695, %mul3A_724 : i32
        %add3A_726 = arith.constant 800 : i32
        %add3A_727 = arith.addi %add3A_726, %mul3A_725 : i32
        %add3A_728 = arith.constant 1 : i32
        %add3A_729 = arith.addi %add3A_727, %add3A_728 : i32
        %get3A_730 = arith.index_cast %add3A_729 : i32 to index
        %get3A_731 = arith.constant 0 : index
        %get3A_732 = tpu.vector_load %arg11[%get3A_730, %get3A_731] {strides = array<i32>} : memref<3200x16xf32, #tpu.memory_space<vmem>>, vector<16xf32>,
        %add3A_733 = arith.addf %scan3A_697, %get3A_732 : vector<16xf32>
        %mul3A_734 = arith.constant 8 : i32
        %mul3A_735 = arith.muli %scan3A_695, %mul3A_734 : i32
        %add3A_736 = arith.constant 1000 : i32
        %add3A_737 = arith.addi %add3A_736, %mul3A_735 : i32
        %add3A_738 = arith.constant 1 : i32
        %add3A_739 = arith.addi %add3A_737, %add3A_738 : i32
        %get3A_740 = arith.index_cast %add3A_739 : i32 to index
        %get3A_741 = arith.constant 0 : index
        %get3A_742 = tpu.vector_load %arg11[%get3A_740, %get3A_741] {strides = array<i32>} : memref<3200x16xf32, #tpu.memory_space<vmem>>, vector<16xf32>,
        %add3A_743 = arith.addf %scan3A_701, %get3A_742 : vector<16xf32>
        %mul3A_744 = arith.constant 8 : i32
        %mul3A_745 = arith.muli %scan3A_695, %mul3A_744 : i32
        %add3A_746 = arith.constant 800 : i32
        %add3A_747 = arith.addi %add3A_746, %mul3A_745 : i32
        %add3A_748 = arith.constant 2 : i32
        %add3A_749 = arith.addi %add3A_747, %add3A_748 : i32
        %get3A_750 = arith.index_cast %add3A_749 : i32 to index
        %get3A_751 = arith.constant 0 : index
        %get3A_752 = tpu.vector_load %arg11[%get3A_750, %get3A_751] {strides = array<i32>} : memref<3200x16xf32, #tpu.memory_space<vmem>>, vector<16xf32>,
        %add3A_753 = arith.addf %scan3A_698, %get3A_752 : vector<16xf32>
        %mul3A_754 = arith.constant 8 : i32
        %mul3A_755 = arith.muli %scan3A_695, %mul3A_754 : i32
        %add3A_756 = arith.constant 1000 : i32
        %add3A_757 = arith.addi %add3A_756, %mul3A_755 : i32
        %add3A_758 = arith.constant 2 : i32
        %add3A_759 = arith.addi %add3A_757, %add3A_758 : i32
        %get3A_760 = arith.index_cast %add3A_759 : i32 to index
        %get3A_761 = arith.constant 0 : index
        %get3A_762 = tpu.vector_load %arg11[%get3A_760, %get3A_761] {strides = array<i32>} : memref<3200x16xf32, #tpu.memory_space<vmem>>, vector<16xf32>,
        %add3A_763 = arith.addf %scan3A_702, %get3A_762 : vector<16xf32>
        %mul3A_764 = arith.constant 8 : i32
        %mul3A_765 = arith.muli %scan3A_695, %mul3A_764 : i32
        %add3A_766 = arith.constant 800 : i32
        %add3A_767 = arith.addi %add3A_766, %mul3A_765 : i32
        %add3A_768 = arith.constant 3 : i32
        %add3A_769 = arith.addi %add3A_767, %add3A_768 : i32
        %get3A_770 = arith.index_cast %add3A_769 : i32 to index
        %get3A_771 = arith.constant 0 : index
        %get3A_772 = tpu.vector_load %arg11[%get3A_770, %get3A_771] {strides = array<i32>} : memref<3200x16xf32, #tpu.memory_space<vmem>>, vector<16xf32>,
        %add3A_773 = arith.addf %scan3A_699, %get3A_772 : vector<16xf32>
        %mul3A_774 = arith.constant 8 : i32
        %mul3A_775 = arith.muli %scan3A_695, %mul3A_774 : i32
        %add3A_776 = arith.constant 1000 : i32
        %add3A_777 = arith.addi %add3A_776, %mul3A_775 : i32
        %add3A_778 = arith.constant 3 : i32
        %add3A_779 = arith.addi %add3A_777, %add3A_778 : i32
        %get3A_780 = arith.index_cast %add3A_779 : i32 to index
        %get3A_781 = arith.constant 0 : index
        %get3A_782 = tpu.vector_load %arg11[%get3A_780, %get3A_781] {strides = array<i32>} : memref<3200x16xf32, #tpu.memory_space<vmem>>, vector<16xf32>,
        %add3A_783 = arith.addf %scan3A_703, %get3A_782 : vector<16xf32>
        %mul3A_784 = arith.constant 8 : i32
        %mul3A_785 = arith.muli %scan3A_695, %mul3A_784 : i32
        %add3A_786 = arith.constant 800 : i32
        %add3A_787 = arith.addi %add3A_786, %mul3A_785 : i32
        %add3A_788 = arith.constant 4 : i32
        %add3A_789 = arith.addi %add3A_787, %add3A_788 : i32
        %get3A_790 = arith.index_cast %add3A_789 : i32 to index
        %get3A_791 = arith.constant 0 : index
        %get3A_792 = tpu.vector_load %arg11[%get3A_790, %get3A_791] {strides = array<i32>} : memref<3200x16xf32, #tpu.memory_space<vmem>>, vector<16xf32>,
        %add3A_793 = arith.addf %add3A_713, %get3A_792 : vector<16xf32>
        %mul3A_794 = arith.constant 8 : i32
        %mul3A_795 = arith.muli %scan3A_695, %mul3A_794 : i32
        %add3A_796 = arith.constant 1000 : i32
        %add3A_797 = arith.addi %add3A_796, %mul3A_795 : i32
        %add3A_798 = arith.constant 4 : i32
        %add3A_799 = arith.addi %add3A_797, %add3A_798 : i32
        %get3A_800 = arith.index_cast %add3A_799 : i32 to index
        %get3A_801 = arith.constant 0 : index
        %get3A_802 = tpu.vector_load %arg11[%get3A_800, %get3A_801] {strides = array<i32>} : memref<3200x16xf32, #tpu.memory_space<vmem>>, vector<16xf32>,
        %add3A_803 = arith.addf %add3A_723, %get3A_802 : vector<16xf32>
        %mul3A_804 = arith.constant 8 : i32
        %mul3A_805 = arith.muli %scan3A_695, %mul3A_804 : i32
        %add3A_806 = arith.constant 800 : i32
        %add3A_807 = arith.addi %add3A_806, %mul3A_805 : i32
        %add3A_808 = arith.constant 5 : i32
        %add3A_809 = arith.addi %add3A_807, %add3A_808 : i32
        %get3A_810 = arith.index_cast %add3A_809 : i32 to index
        %get3A_811 = arith.constant 0 : index
        %get3A_812 = tpu.vector_load %arg11[%get3A_810, %get3A_811] {strides = array<i32>} : memref<3200x16xf32, #tpu.memory_space<vmem>>, vector<16xf32>,
        %add3A_813 = arith.addf %add3A_733, %get3A_812 : vector<16xf32>
        %mul3A_814 = arith.constant 8 : i32
        %mul3A_815 = arith.muli %scan3A_695, %mul3A_814 : i32
        %add3A_816 = arith.constant 1000 : i32
        %add3A_817 = arith.addi %add3A_816, %mul3A_815 : i32
        %add3A_818 = arith.constant 5 : i32
        %add3A_819 = arith.addi %add3A_817, %add3A_818 : i32
        %get3A_820 = arith.index_cast %add3A_819 : i32 to index
        %get3A_821 = arith.constant 0 : index
        %get3A_822 = tpu.vector_load %arg11[%get3A_820, %get3A_821] {strides = array<i32>} : memref<3200x16xf32, #tpu.memory_space<vmem>>, vector<16xf32>,
        %add3A_823 = arith.addf %add3A_743, %get3A_822 : vector<16xf32>
        %mul3A_824 = arith.constant 8 : i32
        %mul3A_825 = arith.muli %scan3A_695, %mul3A_824 : i32
        %add3A_826 = arith.constant 800 : i32
        %add3A_827 = arith.addi %add3A_826, %mul3A_825 : i32
        %add3A_828 = arith.constant 6 : i32
        %add3A_829 = arith.addi %add3A_827, %add3A_828 : i32
        %get3A_830 = arith.index_cast %add3A_829 : i32 to index
        %get3A_831 = arith.constant 0 : index
        %get3A_832 = tpu.vector_load %arg11[%get3A_830, %get3A_831] {strides = array<i32>} : memref<3200x16xf32, #tpu.memory_space<vmem>>, vector<16xf32>,
        %add3A_833 = arith.addf %add3A_753, %get3A_832 : vector<16xf32>
        %mul3A_834 = arith.constant 8 : i32
        %mul3A_835 = arith.muli %scan3A_695, %mul3A_834 : i32
        %add3A_836 = arith.constant 1000 : i32
        %add3A_837 = arith.addi %add3A_836, %mul3A_835 : i32
        %add3A_838 = arith.constant 6 : i32
        %add3A_839 = arith.addi %add3A_837, %add3A_838 : i32
        %get3A_840 = arith.index_cast %add3A_839 : i32 to index
        %get3A_841 = arith.constant 0 : index
        %get3A_842 = tpu.vector_load %arg11[%get3A_840, %get3A_841] {strides = array<i32>} : memref<3200x16xf32, #tpu.memory_space<vmem>>, vector<16xf32>,
        %add3A_843 = arith.addf %add3A_763, %get3A_842 : vector<16xf32>
        %mul3A_844 = arith.constant 8 : i32
        %mul3A_845 = arith.muli %scan3A_695, %mul3A_844 : i32
        %add3A_846 = arith.constant 800 : i32
        %add3A_847 = arith.addi %add3A_846, %mul3A_845 : i32
        %add3A_848 = arith.constant 7 : i32
        %add3A_849 = arith.addi %add3A_847, %add3A_848 : i32
        %get3A_850 = arith.index_cast %add3A_849 : i32 to index
        %get3A_851 = arith.constant 0 : index
        %get3A_852 = tpu.vector_load %arg11[%get3A_850, %get3A_851] {strides = array<i32>} : memref<3200x16xf32, #tpu.memory_space<vmem>>, vector<16xf32>,
        %add3A_853 = arith.addf %add3A_773, %get3A_852 : vector<16xf32>
        %mul3A_854 = arith.constant 8 : i32
        %mul3A_855 = arith.muli %scan3A_695, %mul3A_854 : i32
        %add3A_856 = arith.constant 1000 : i32
        %add3A_857 = arith.addi %add3A_856, %mul3A_855 : i32
        %add3A_858 = arith.constant 7 : i32
        %add3A_859 = arith.addi %add3A_857, %add3A_858 : i32
        %get3A_860 = arith.index_cast %add3A_859 : i32 to index
        %get3A_861 = arith.constant 0 : index
        %get3A_862 = tpu.vector_load %arg11[%get3A_860, %get3A_861] {strides = array<i32>} : memref<3200x16xf32, #tpu.memory_space<vmem>>, vector<16xf32>,
        %add3A_863 = arith.addf %add3A_783, %get3A_862 : vector<16xf32>
        scf.yield %add3A_793, %add3A_813, %add3A_833, %add3A_853, %add3A_803, %add3A_823, %add3A_843, %add3A_863 : vector<16xf32>, vector<16xf32>, vector<16xf32>, vector<16xf32>, vector<16xf32>, vector<16xf32>, vector<16xf32>, vector<16xf32>
      }
      %scan3A_544 = arith.constant 25 : i32
      %add3A_545 = arith.addf %scan3A_543#0, %scan3A_543#1 : vector<16xf32>
      %add3A_546 = arith.addf %add3A_545, %scan3A_543#2 : vector<16xf32>
      %add3A_547 = arith.addf %add3A_546, %scan3A_543#3 : vector<16xf32>
      %add3A_548 = arith.addf %add3A_547, %get3A_221 : vector<16xf32>
      %add3A_549 = arith.addf %scan3A_543#4, %scan3A_543#5 : vector<16xf32>
      %add3A_550 = arith.addf %add3A_549, %scan3A_543#6 : vector<16xf32>
      %add3A_551 = arith.addf %add3A_550, %scan3A_543#7 : vector<16xf32>
      %add3A_552 = arith.addf %add3A_551, %get3A_221 : vector<16xf32>
      %mul3A_553 = arith.constant 16 : i32
      %mul3A_554 = arith.muli %add3A_466, %mul3A_553 : i32
      %add3A_555 = arith.constant 4 : i32
      %add3A_556 = arith.addi %mul3A_554, %add3A_555 : i32
      %broadcast_in_dim3A_557 = arith.constant 0 : i32
      %broadcast_in_dim3A_558 = vector.broadcast %broadcast_in_dim3A_557 : i32 to vector<16xi32>
      %add3A_559 = vector.broadcast %add3A_556 : i32 to vector<16xi32>
      %add3A_560 = arith.addi %broadcast_in_dim3A_558, %add3A_559 : vector<16xi32>
      tpu.vector_store_idx %arg12[%iota3A_222, %add3A_560], %add3A_548 masked %lt3A_224 : memref<2x512xf32, #tpu.memory_space<vmem>>[vector<16xi32>, vector<16xi32>], vector<16xf32>, vector<16xi1>
      %broadcast_in_dim3A_561 = arith.constant 1 : i32
      %broadcast_in_dim3A_562 = vector.broadcast %broadcast_in_dim3A_561 : i32 to vector<16xi32>
      %add3A_563 = vector.broadcast %add3A_556 : i32 to vector<16xi32>
      %add3A_564 = arith.addi %broadcast_in_dim3A_562, %add3A_563 : vector<16xi32>
      tpu.vector_store_idx %arg12[%iota3A_222, %add3A_564], %add3A_552 masked %lt3A_224 : memref<2x512xf32, #tpu.memory_space<vmem>>[vector<16xi32>, vector<16xi32>], vector<16xf32>, vector<16xi1>
      %scan3A_565 = arith.constant 0 : i32
      %scan3A_566 = arith.constant 25 : i32
      %scan3A_567 = arith.addi %scan3A_565, %scan3A_566 : i32
      %scan3A_568 = arith.constant 1 : i32
      %scan3A_569:8 = scf.for %scan3A_695 = %scan3A_565 to %scan3A_567 step %scan3A_568 iter_args(%scan3A_696 = %broadcast_in_dim3A_220, %scan3A_697 = %broadcast_in_dim3A_220, %scan3A_698 = %broadcast_in_dim3A_220, %scan3A_699 = %broadcast_in_dim3A_220, %scan3A_700 = %broadcast_in_dim3A_220, %scan3A_701 = %broadcast_in_dim3A_220, %scan3A_702 = %broadcast_in_dim3A_220, %scan3A_703 = %broadcast_in_dim3A_220) -> (vector<16xf32>, vector<16xf32>, vector<16xf32>, vector<16xf32>, vector<16xf32>, vector<16xf32>, vector<16xf32>, vector<16xf32>)  : i32 {
        %mul3A_704 = arith.constant 8 : i32
        %mul3A_705 = arith.muli %scan3A_695, %mul3A_704 : i32
        %add3A_706 = arith.constant 1200 : i32
        %add3A_707 = arith.addi %add3A_706, %mul3A_705 : i32
        %add3A_708 = arith.constant 0 : i32
        %add3A_709 = arith.addi %add3A_707, %add3A_708 : i32
        %get3A_710 = arith.index_cast %add3A_709 : i32 to index
        %get3A_711 = arith.constant 0 : index
        %get3A_712 = tpu.vector_load %arg11[%get3A_710, %get3A_711] {strides = array<i32>} : memref<3200x16xf32, #tpu.memory_space<vmem>>, vector<16xf32>,
        %add3A_713 = arith.addf %scan3A_696, %get3A_712 : vector<16xf32>
        %mul3A_714 = arith.constant 8 : i32
        %mul3A_715 = arith.muli %scan3A_695, %mul3A_714 : i32
        %add3A_716 = arith.constant 1400 : i32
        %add3A_717 = arith.addi %add3A_716, %mul3A_715 : i32
        %add3A_718 = arith.constant 0 : i32
        %add3A_719 = arith.addi %add3A_717, %add3A_718 : i32
        %get3A_720 = arith.index_cast %add3A_719 : i32 to index
        %get3A_721 = arith.constant 0 : index
        %get3A_722 = tpu.vector_load %arg11[%get3A_720, %get3A_721] {strides = array<i32>} : memref<3200x16xf32, #tpu.memory_space<vmem>>, vector<16xf32>,
        %add3A_723 = arith.addf %scan3A_700, %get3A_722 : vector<16xf32>
        %mul3A_724 = arith.constant 8 : i32
        %mul3A_725 = arith.muli %scan3A_695, %mul3A_724 : i32
        %add3A_726 = arith.constant 1200 : i32
        %add3A_727 = arith.addi %add3A_726, %mul3A_725 : i32
        %add3A_728 = arith.constant 1 : i32
        %add3A_729 = arith.addi %add3A_727, %add3A_728 : i32
        %get3A_730 = arith.index_cast %add3A_729 : i32 to index
        %get3A_731 = arith.constant 0 : index
        %get3A_732 = tpu.vector_load %arg11[%get3A_730, %get3A_731] {strides = array<i32>} : memref<3200x16xf32, #tpu.memory_space<vmem>>, vector<16xf32>,
        %add3A_733 = arith.addf %scan3A_697, %get3A_732 : vector<16xf32>
        %mul3A_734 = arith.constant 8 : i32
        %mul3A_735 = arith.muli %scan3A_695, %mul3A_734 : i32
        %add3A_736 = arith.constant 1400 : i32
        %add3A_737 = arith.addi %add3A_736, %mul3A_735 : i32
        %add3A_738 = arith.constant 1 : i32
        %add3A_739 = arith.addi %add3A_737, %add3A_738 : i32
        %get3A_740 = arith.index_cast %add3A_739 : i32 to index
        %get3A_741 = arith.constant 0 : index
        %get3A_742 = tpu.vector_load %arg11[%get3A_740, %get3A_741] {strides = array<i32>} : memref<3200x16xf32, #tpu.memory_space<vmem>>, vector<16xf32>,
        %add3A_743 = arith.addf %scan3A_701, %get3A_742 : vector<16xf32>
        %mul3A_744 = arith.constant 8 : i32
        %mul3A_745 = arith.muli %scan3A_695, %mul3A_744 : i32
        %add3A_746 = arith.constant 1200 : i32
        %add3A_747 = arith.addi %add3A_746, %mul3A_745 : i32
        %add3A_748 = arith.constant 2 : i32
        %add3A_749 = arith.addi %add3A_747, %add3A_748 : i32
        %get3A_750 = arith.index_cast %add3A_749 : i32 to index
        %get3A_751 = arith.constant 0 : index
        %get3A_752 = tpu.vector_load %arg11[%get3A_750, %get3A_751] {strides = array<i32>} : memref<3200x16xf32, #tpu.memory_space<vmem>>, vector<16xf32>,
        %add3A_753 = arith.addf %scan3A_698, %get3A_752 : vector<16xf32>
        %mul3A_754 = arith.constant 8 : i32
        %mul3A_755 = arith.muli %scan3A_695, %mul3A_754 : i32
        %add3A_756 = arith.constant 1400 : i32
        %add3A_757 = arith.addi %add3A_756, %mul3A_755 : i32
        %add3A_758 = arith.constant 2 : i32
        %add3A_759 = arith.addi %add3A_757, %add3A_758 : i32
        %get3A_760 = arith.index_cast %add3A_759 : i32 to index
        %get3A_761 = arith.constant 0 : index
        %get3A_762 = tpu.vector_load %arg11[%get3A_760, %get3A_761] {strides = array<i32>} : memref<3200x16xf32, #tpu.memory_space<vmem>>, vector<16xf32>,
        %add3A_763 = arith.addf %scan3A_702, %get3A_762 : vector<16xf32>
        %mul3A_764 = arith.constant 8 : i32
        %mul3A_765 = arith.muli %scan3A_695, %mul3A_764 : i32
        %add3A_766 = arith.constant 1200 : i32
        %add3A_767 = arith.addi %add3A_766, %mul3A_765 : i32
        %add3A_768 = arith.constant 3 : i32
        %add3A_769 = arith.addi %add3A_767, %add3A_768 : i32
        %get3A_770 = arith.index_cast %add3A_769 : i32 to index
        %get3A_771 = arith.constant 0 : index
        %get3A_772 = tpu.vector_load %arg11[%get3A_770, %get3A_771] {strides = array<i32>} : memref<3200x16xf32, #tpu.memory_space<vmem>>, vector<16xf32>,
        %add3A_773 = arith.addf %scan3A_699, %get3A_772 : vector<16xf32>
        %mul3A_774 = arith.constant 8 : i32
        %mul3A_775 = arith.muli %scan3A_695, %mul3A_774 : i32
        %add3A_776 = arith.constant 1400 : i32
        %add3A_777 = arith.addi %add3A_776, %mul3A_775 : i32
        %add3A_778 = arith.constant 3 : i32
        %add3A_779 = arith.addi %add3A_777, %add3A_778 : i32
        %get3A_780 = arith.index_cast %add3A_779 : i32 to index
        %get3A_781 = arith.constant 0 : index
        %get3A_782 = tpu.vector_load %arg11[%get3A_780, %get3A_781] {strides = array<i32>} : memref<3200x16xf32, #tpu.memory_space<vmem>>, vector<16xf32>,
        %add3A_783 = arith.addf %scan3A_703, %get3A_782 : vector<16xf32>
        %mul3A_784 = arith.constant 8 : i32
        %mul3A_785 = arith.muli %scan3A_695, %mul3A_784 : i32
        %add3A_786 = arith.constant 1200 : i32
        %add3A_787 = arith.addi %add3A_786, %mul3A_785 : i32
        %add3A_788 = arith.constant 4 : i32
        %add3A_789 = arith.addi %add3A_787, %add3A_788 : i32
        %get3A_790 = arith.index_cast %add3A_789 : i32 to index
        %get3A_791 = arith.constant 0 : index
        %get3A_792 = tpu.vector_load %arg11[%get3A_790, %get3A_791] {strides = array<i32>} : memref<3200x16xf32, #tpu.memory_space<vmem>>, vector<16xf32>,
        %add3A_793 = arith.addf %add3A_713, %get3A_792 : vector<16xf32>
        %mul3A_794 = arith.constant 8 : i32
        %mul3A_795 = arith.muli %scan3A_695, %mul3A_794 : i32
        %add3A_796 = arith.constant 1400 : i32
        %add3A_797 = arith.addi %add3A_796, %mul3A_795 : i32
        %add3A_798 = arith.constant 4 : i32
        %add3A_799 = arith.addi %add3A_797, %add3A_798 : i32
        %get3A_800 = arith.index_cast %add3A_799 : i32 to index
        %get3A_801 = arith.constant 0 : index
        %get3A_802 = tpu.vector_load %arg11[%get3A_800, %get3A_801] {strides = array<i32>} : memref<3200x16xf32, #tpu.memory_space<vmem>>, vector<16xf32>,
        %add3A_803 = arith.addf %add3A_723, %get3A_802 : vector<16xf32>
        %mul3A_804 = arith.constant 8 : i32
        %mul3A_805 = arith.muli %scan3A_695, %mul3A_804 : i32
        %add3A_806 = arith.constant 1200 : i32
        %add3A_807 = arith.addi %add3A_806, %mul3A_805 : i32
        %add3A_808 = arith.constant 5 : i32
        %add3A_809 = arith.addi %add3A_807, %add3A_808 : i32
        %get3A_810 = arith.index_cast %add3A_809 : i32 to index
        %get3A_811 = arith.constant 0 : index
        %get3A_812 = tpu.vector_load %arg11[%get3A_810, %get3A_811] {strides = array<i32>} : memref<3200x16xf32, #tpu.memory_space<vmem>>, vector<16xf32>,
        %add3A_813 = arith.addf %add3A_733, %get3A_812 : vector<16xf32>
        %mul3A_814 = arith.constant 8 : i32
        %mul3A_815 = arith.muli %scan3A_695, %mul3A_814 : i32
        %add3A_816 = arith.constant 1400 : i32
        %add3A_817 = arith.addi %add3A_816, %mul3A_815 : i32
        %add3A_818 = arith.constant 5 : i32
        %add3A_819 = arith.addi %add3A_817, %add3A_818 : i32
        %get3A_820 = arith.index_cast %add3A_819 : i32 to index
        %get3A_821 = arith.constant 0 : index
        %get3A_822 = tpu.vector_load %arg11[%get3A_820, %get3A_821] {strides = array<i32>} : memref<3200x16xf32, #tpu.memory_space<vmem>>, vector<16xf32>,
        %add3A_823 = arith.addf %add3A_743, %get3A_822 : vector<16xf32>
        %mul3A_824 = arith.constant 8 : i32
        %mul3A_825 = arith.muli %scan3A_695, %mul3A_824 : i32
        %add3A_826 = arith.constant 1200 : i32
        %add3A_827 = arith.addi %add3A_826, %mul3A_825 : i32
        %add3A_828 = arith.constant 6 : i32
        %add3A_829 = arith.addi %add3A_827, %add3A_828 : i32
        %get3A_830 = arith.index_cast %add3A_829 : i32 to index
        %get3A_831 = arith.constant 0 : index
        %get3A_832 = tpu.vector_load %arg11[%get3A_830, %get3A_831] {strides = array<i32>} : memref<3200x16xf32, #tpu.memory_space<vmem>>, vector<16xf32>,
        %add3A_833 = arith.addf %add3A_753, %get3A_832 : vector<16xf32>
        %mul3A_834 = arith.constant 8 : i32
        %mul3A_835 = arith.muli %scan3A_695, %mul3A_834 : i32
        %add3A_836 = arith.constant 1400 : i32
        %add3A_837 = arith.addi %add3A_836, %mul3A_835 : i32
        %add3A_838 = arith.constant 6 : i32
        %add3A_839 = arith.addi %add3A_837, %add3A_838 : i32
        %get3A_840 = arith.index_cast %add3A_839 : i32 to index
        %get3A_841 = arith.constant 0 : index
        %get3A_842 = tpu.vector_load %arg11[%get3A_840, %get3A_841] {strides = array<i32>} : memref<3200x16xf32, #tpu.memory_space<vmem>>, vector<16xf32>,
        %add3A_843 = arith.addf %add3A_763, %get3A_842 : vector<16xf32>
        %mul3A_844 = arith.constant 8 : i32
        %mul3A_845 = arith.muli %scan3A_695, %mul3A_844 : i32
        %add3A_846 = arith.constant 1200 : i32
        %add3A_847 = arith.addi %add3A_846, %mul3A_845 : i32
        %add3A_848 = arith.constant 7 : i32
        %add3A_849 = arith.addi %add3A_847, %add3A_848 : i32
        %get3A_850 = arith.index_cast %add3A_849 : i32 to index
        %get3A_851 = arith.constant 0 : index
        %get3A_852 = tpu.vector_load %arg11[%get3A_850, %get3A_851] {strides = array<i32>} : memref<3200x16xf32, #tpu.memory_space<vmem>>, vector<16xf32>,
        %add3A_853 = arith.addf %add3A_773, %get3A_852 : vector<16xf32>
        %mul3A_854 = arith.constant 8 : i32
        %mul3A_855 = arith.muli %scan3A_695, %mul3A_854 : i32
        %add3A_856 = arith.constant 1400 : i32
        %add3A_857 = arith.addi %add3A_856, %mul3A_855 : i32
        %add3A_858 = arith.constant 7 : i32
        %add3A_859 = arith.addi %add3A_857, %add3A_858 : i32
        %get3A_860 = arith.index_cast %add3A_859 : i32 to index
        %get3A_861 = arith.constant 0 : index
        %get3A_862 = tpu.vector_load %arg11[%get3A_860, %get3A_861] {strides = array<i32>} : memref<3200x16xf32, #tpu.memory_space<vmem>>, vector<16xf32>,
        %add3A_863 = arith.addf %add3A_783, %get3A_862 : vector<16xf32>
        scf.yield %add3A_793, %add3A_813, %add3A_833, %add3A_853, %add3A_803, %add3A_823, %add3A_843, %add3A_863 : vector<16xf32>, vector<16xf32>, vector<16xf32>, vector<16xf32>, vector<16xf32>, vector<16xf32>, vector<16xf32>, vector<16xf32>
      }
      %scan3A_570 = arith.constant 25 : i32
      %add3A_571 = arith.addf %scan3A_569#0, %scan3A_569#1 : vector<16xf32>
      %add3A_572 = arith.addf %add3A_571, %scan3A_569#2 : vector<16xf32>
      %add3A_573 = arith.addf %add3A_572, %scan3A_569#3 : vector<16xf32>
      %add3A_574 = arith.addf %add3A_573, %get3A_221 : vector<16xf32>
      %add3A_575 = arith.addf %scan3A_569#4, %scan3A_569#5 : vector<16xf32>
      %add3A_576 = arith.addf %add3A_575, %scan3A_569#6 : vector<16xf32>
      %add3A_577 = arith.addf %add3A_576, %scan3A_569#7 : vector<16xf32>
      %add3A_578 = arith.addf %add3A_577, %get3A_221 : vector<16xf32>
      %mul3A_579 = arith.constant 16 : i32
      %mul3A_580 = arith.muli %add3A_466, %mul3A_579 : i32
      %add3A_581 = arith.constant 6 : i32
      %add3A_582 = arith.addi %mul3A_580, %add3A_581 : i32
      %broadcast_in_dim3A_583 = arith.constant 0 : i32
      %broadcast_in_dim3A_584 = vector.broadcast %broadcast_in_dim3A_583 : i32 to vector<16xi32>
      %add3A_585 = vector.broadcast %add3A_582 : i32 to vector<16xi32>
      %add3A_586 = arith.addi %broadcast_in_dim3A_584, %add3A_585 : vector<16xi32>
      tpu.vector_store_idx %arg12[%iota3A_222, %add3A_586], %add3A_574 masked %lt3A_224 : memref<2x512xf32, #tpu.memory_space<vmem>>[vector<16xi32>, vector<16xi32>], vector<16xf32>, vector<16xi1>
      %broadcast_in_dim3A_587 = arith.constant 1 : i32
      %broadcast_in_dim3A_588 = vector.broadcast %broadcast_in_dim3A_587 : i32 to vector<16xi32>
      %add3A_589 = vector.broadcast %add3A_582 : i32 to vector<16xi32>
      %add3A_590 = arith.addi %broadcast_in_dim3A_588, %add3A_589 : vector<16xi32>
      tpu.vector_store_idx %arg12[%iota3A_222, %add3A_590], %add3A_578 masked %lt3A_224 : memref<2x512xf32, #tpu.memory_space<vmem>>[vector<16xi32>, vector<16xi32>], vector<16xf32>, vector<16xi1>
      %scan3A_591 = arith.constant 0 : i32
      %scan3A_592 = arith.constant 25 : i32
      %scan3A_593 = arith.addi %scan3A_591, %scan3A_592 : i32
      %scan3A_594 = arith.constant 1 : i32
      %scan3A_595:8 = scf.for %scan3A_695 = %scan3A_591 to %scan3A_593 step %scan3A_594 iter_args(%scan3A_696 = %broadcast_in_dim3A_220, %scan3A_697 = %broadcast_in_dim3A_220, %scan3A_698 = %broadcast_in_dim3A_220, %scan3A_699 = %broadcast_in_dim3A_220, %scan3A_700 = %broadcast_in_dim3A_220, %scan3A_701 = %broadcast_in_dim3A_220, %scan3A_702 = %broadcast_in_dim3A_220, %scan3A_703 = %broadcast_in_dim3A_220) -> (vector<16xf32>, vector<16xf32>, vector<16xf32>, vector<16xf32>, vector<16xf32>, vector<16xf32>, vector<16xf32>, vector<16xf32>)  : i32 {
        %mul3A_704 = arith.constant 8 : i32
        %mul3A_705 = arith.muli %scan3A_695, %mul3A_704 : i32
        %add3A_706 = arith.constant 1600 : i32
        %add3A_707 = arith.addi %add3A_706, %mul3A_705 : i32
        %add3A_708 = arith.constant 0 : i32
        %add3A_709 = arith.addi %add3A_707, %add3A_708 : i32
        %get3A_710 = arith.index_cast %add3A_709 : i32 to index
        %get3A_711 = arith.constant 0 : index
        %get3A_712 = tpu.vector_load %arg11[%get3A_710, %get3A_711] {strides = array<i32>} : memref<3200x16xf32, #tpu.memory_space<vmem>>, vector<16xf32>,
        %add3A_713 = arith.addf %scan3A_696, %get3A_712 : vector<16xf32>
        %mul3A_714 = arith.constant 8 : i32
        %mul3A_715 = arith.muli %scan3A_695, %mul3A_714 : i32
        %add3A_716 = arith.constant 1800 : i32
        %add3A_717 = arith.addi %add3A_716, %mul3A_715 : i32
        %add3A_718 = arith.constant 0 : i32
        %add3A_719 = arith.addi %add3A_717, %add3A_718 : i32
        %get3A_720 = arith.index_cast %add3A_719 : i32 to index
        %get3A_721 = arith.constant 0 : index
        %get3A_722 = tpu.vector_load %arg11[%get3A_720, %get3A_721] {strides = array<i32>} : memref<3200x16xf32, #tpu.memory_space<vmem>>, vector<16xf32>,
        %add3A_723 = arith.addf %scan3A_700, %get3A_722 : vector<16xf32>
        %mul3A_724 = arith.constant 8 : i32
        %mul3A_725 = arith.muli %scan3A_695, %mul3A_724 : i32
        %add3A_726 = arith.constant 1600 : i32
        %add3A_727 = arith.addi %add3A_726, %mul3A_725 : i32
        %add3A_728 = arith.constant 1 : i32
        %add3A_729 = arith.addi %add3A_727, %add3A_728 : i32
        %get3A_730 = arith.index_cast %add3A_729 : i32 to index
        %get3A_731 = arith.constant 0 : index
        %get3A_732 = tpu.vector_load %arg11[%get3A_730, %get3A_731] {strides = array<i32>} : memref<3200x16xf32, #tpu.memory_space<vmem>>, vector<16xf32>,
        %add3A_733 = arith.addf %scan3A_697, %get3A_732 : vector<16xf32>
        %mul3A_734 = arith.constant 8 : i32
        %mul3A_735 = arith.muli %scan3A_695, %mul3A_734 : i32
        %add3A_736 = arith.constant 1800 : i32
        %add3A_737 = arith.addi %add3A_736, %mul3A_735 : i32
        %add3A_738 = arith.constant 1 : i32
        %add3A_739 = arith.addi %add3A_737, %add3A_738 : i32
        %get3A_740 = arith.index_cast %add3A_739 : i32 to index
        %get3A_741 = arith.constant 0 : index
        %get3A_742 = tpu.vector_load %arg11[%get3A_740, %get3A_741] {strides = array<i32>} : memref<3200x16xf32, #tpu.memory_space<vmem>>, vector<16xf32>,
        %add3A_743 = arith.addf %scan3A_701, %get3A_742 : vector<16xf32>
        %mul3A_744 = arith.constant 8 : i32
        %mul3A_745 = arith.muli %scan3A_695, %mul3A_744 : i32
        %add3A_746 = arith.constant 1600 : i32
        %add3A_747 = arith.addi %add3A_746, %mul3A_745 : i32
        %add3A_748 = arith.constant 2 : i32
        %add3A_749 = arith.addi %add3A_747, %add3A_748 : i32
        %get3A_750 = arith.index_cast %add3A_749 : i32 to index
        %get3A_751 = arith.constant 0 : index
        %get3A_752 = tpu.vector_load %arg11[%get3A_750, %get3A_751] {strides = array<i32>} : memref<3200x16xf32, #tpu.memory_space<vmem>>, vector<16xf32>,
        %add3A_753 = arith.addf %scan3A_698, %get3A_752 : vector<16xf32>
        %mul3A_754 = arith.constant 8 : i32
        %mul3A_755 = arith.muli %scan3A_695, %mul3A_754 : i32
        %add3A_756 = arith.constant 1800 : i32
        %add3A_757 = arith.addi %add3A_756, %mul3A_755 : i32
        %add3A_758 = arith.constant 2 : i32
        %add3A_759 = arith.addi %add3A_757, %add3A_758 : i32
        %get3A_760 = arith.index_cast %add3A_759 : i32 to index
        %get3A_761 = arith.constant 0 : index
        %get3A_762 = tpu.vector_load %arg11[%get3A_760, %get3A_761] {strides = array<i32>} : memref<3200x16xf32, #tpu.memory_space<vmem>>, vector<16xf32>,
        %add3A_763 = arith.addf %scan3A_702, %get3A_762 : vector<16xf32>
        %mul3A_764 = arith.constant 8 : i32
        %mul3A_765 = arith.muli %scan3A_695, %mul3A_764 : i32
        %add3A_766 = arith.constant 1600 : i32
        %add3A_767 = arith.addi %add3A_766, %mul3A_765 : i32
        %add3A_768 = arith.constant 3 : i32
        %add3A_769 = arith.addi %add3A_767, %add3A_768 : i32
        %get3A_770 = arith.index_cast %add3A_769 : i32 to index
        %get3A_771 = arith.constant 0 : index
        %get3A_772 = tpu.vector_load %arg11[%get3A_770, %get3A_771] {strides = array<i32>} : memref<3200x16xf32, #tpu.memory_space<vmem>>, vector<16xf32>,
        %add3A_773 = arith.addf %scan3A_699, %get3A_772 : vector<16xf32>
        %mul3A_774 = arith.constant 8 : i32
        %mul3A_775 = arith.muli %scan3A_695, %mul3A_774 : i32
        %add3A_776 = arith.constant 1800 : i32
        %add3A_777 = arith.addi %add3A_776, %mul3A_775 : i32
        %add3A_778 = arith.constant 3 : i32
        %add3A_779 = arith.addi %add3A_777, %add3A_778 : i32
        %get3A_780 = arith.index_cast %add3A_779 : i32 to index
        %get3A_781 = arith.constant 0 : index
        %get3A_782 = tpu.vector_load %arg11[%get3A_780, %get3A_781] {strides = array<i32>} : memref<3200x16xf32, #tpu.memory_space<vmem>>, vector<16xf32>,
        %add3A_783 = arith.addf %scan3A_703, %get3A_782 : vector<16xf32>
        %mul3A_784 = arith.constant 8 : i32
        %mul3A_785 = arith.muli %scan3A_695, %mul3A_784 : i32
        %add3A_786 = arith.constant 1600 : i32
        %add3A_787 = arith.addi %add3A_786, %mul3A_785 : i32
        %add3A_788 = arith.constant 4 : i32
        %add3A_789 = arith.addi %add3A_787, %add3A_788 : i32
        %get3A_790 = arith.index_cast %add3A_789 : i32 to index
        %get3A_791 = arith.constant 0 : index
        %get3A_792 = tpu.vector_load %arg11[%get3A_790, %get3A_791] {strides = array<i32>} : memref<3200x16xf32, #tpu.memory_space<vmem>>, vector<16xf32>,
        %add3A_793 = arith.addf %add3A_713, %get3A_792 : vector<16xf32>
        %mul3A_794 = arith.constant 8 : i32
        %mul3A_795 = arith.muli %scan3A_695, %mul3A_794 : i32
        %add3A_796 = arith.constant 1800 : i32
        %add3A_797 = arith.addi %add3A_796, %mul3A_795 : i32
        %add3A_798 = arith.constant 4 : i32
        %add3A_799 = arith.addi %add3A_797, %add3A_798 : i32
        %get3A_800 = arith.index_cast %add3A_799 : i32 to index
        %get3A_801 = arith.constant 0 : index
        %get3A_802 = tpu.vector_load %arg11[%get3A_800, %get3A_801] {strides = array<i32>} : memref<3200x16xf32, #tpu.memory_space<vmem>>, vector<16xf32>,
        %add3A_803 = arith.addf %add3A_723, %get3A_802 : vector<16xf32>
        %mul3A_804 = arith.constant 8 : i32
        %mul3A_805 = arith.muli %scan3A_695, %mul3A_804 : i32
        %add3A_806 = arith.constant 1600 : i32
        %add3A_807 = arith.addi %add3A_806, %mul3A_805 : i32
        %add3A_808 = arith.constant 5 : i32
        %add3A_809 = arith.addi %add3A_807, %add3A_808 : i32
        %get3A_810 = arith.index_cast %add3A_809 : i32 to index
        %get3A_811 = arith.constant 0 : index
        %get3A_812 = tpu.vector_load %arg11[%get3A_810, %get3A_811] {strides = array<i32>} : memref<3200x16xf32, #tpu.memory_space<vmem>>, vector<16xf32>,
        %add3A_813 = arith.addf %add3A_733, %get3A_812 : vector<16xf32>
        %mul3A_814 = arith.constant 8 : i32
        %mul3A_815 = arith.muli %scan3A_695, %mul3A_814 : i32
        %add3A_816 = arith.constant 1800 : i32
        %add3A_817 = arith.addi %add3A_816, %mul3A_815 : i32
        %add3A_818 = arith.constant 5 : i32
        %add3A_819 = arith.addi %add3A_817, %add3A_818 : i32
        %get3A_820 = arith.index_cast %add3A_819 : i32 to index
        %get3A_821 = arith.constant 0 : index
        %get3A_822 = tpu.vector_load %arg11[%get3A_820, %get3A_821] {strides = array<i32>} : memref<3200x16xf32, #tpu.memory_space<vmem>>, vector<16xf32>,
        %add3A_823 = arith.addf %add3A_743, %get3A_822 : vector<16xf32>
        %mul3A_824 = arith.constant 8 : i32
        %mul3A_825 = arith.muli %scan3A_695, %mul3A_824 : i32
        %add3A_826 = arith.constant 1600 : i32
        %add3A_827 = arith.addi %add3A_826, %mul3A_825 : i32
        %add3A_828 = arith.constant 6 : i32
        %add3A_829 = arith.addi %add3A_827, %add3A_828 : i32
        %get3A_830 = arith.index_cast %add3A_829 : i32 to index
        %get3A_831 = arith.constant 0 : index
        %get3A_832 = tpu.vector_load %arg11[%get3A_830, %get3A_831] {strides = array<i32>} : memref<3200x16xf32, #tpu.memory_space<vmem>>, vector<16xf32>,
        %add3A_833 = arith.addf %add3A_753, %get3A_832 : vector<16xf32>
        %mul3A_834 = arith.constant 8 : i32
        %mul3A_835 = arith.muli %scan3A_695, %mul3A_834 : i32
        %add3A_836 = arith.constant 1800 : i32
        %add3A_837 = arith.addi %add3A_836, %mul3A_835 : i32
        %add3A_838 = arith.constant 6 : i32
        %add3A_839 = arith.addi %add3A_837, %add3A_838 : i32
        %get3A_840 = arith.index_cast %add3A_839 : i32 to index
        %get3A_841 = arith.constant 0 : index
        %get3A_842 = tpu.vector_load %arg11[%get3A_840, %get3A_841] {strides = array<i32>} : memref<3200x16xf32, #tpu.memory_space<vmem>>, vector<16xf32>,
        %add3A_843 = arith.addf %add3A_763, %get3A_842 : vector<16xf32>
        %mul3A_844 = arith.constant 8 : i32
        %mul3A_845 = arith.muli %scan3A_695, %mul3A_844 : i32
        %add3A_846 = arith.constant 1600 : i32
        %add3A_847 = arith.addi %add3A_846, %mul3A_845 : i32
        %add3A_848 = arith.constant 7 : i32
        %add3A_849 = arith.addi %add3A_847, %add3A_848 : i32
        %get3A_850 = arith.index_cast %add3A_849 : i32 to index
        %get3A_851 = arith.constant 0 : index
        %get3A_852 = tpu.vector_load %arg11[%get3A_850, %get3A_851] {strides = array<i32>} : memref<3200x16xf32, #tpu.memory_space<vmem>>, vector<16xf32>,
        %add3A_853 = arith.addf %add3A_773, %get3A_852 : vector<16xf32>
        %mul3A_854 = arith.constant 8 : i32
        %mul3A_855 = arith.muli %scan3A_695, %mul3A_854 : i32
        %add3A_856 = arith.constant 1800 : i32
        %add3A_857 = arith.addi %add3A_856, %mul3A_855 : i32
        %add3A_858 = arith.constant 7 : i32
        %add3A_859 = arith.addi %add3A_857, %add3A_858 : i32
        %get3A_860 = arith.index_cast %add3A_859 : i32 to index
        %get3A_861 = arith.constant 0 : index
        %get3A_862 = tpu.vector_load %arg11[%get3A_860, %get3A_861] {strides = array<i32>} : memref<3200x16xf32, #tpu.memory_space<vmem>>, vector<16xf32>,
        %add3A_863 = arith.addf %add3A_783, %get3A_862 : vector<16xf32>
        scf.yield %add3A_793, %add3A_813, %add3A_833, %add3A_853, %add3A_803, %add3A_823, %add3A_843, %add3A_863 : vector<16xf32>, vector<16xf32>, vector<16xf32>, vector<16xf32>, vector<16xf32>, vector<16xf32>, vector<16xf32>, vector<16xf32>
      }
      %scan3A_596 = arith.constant 25 : i32
      %add3A_597 = arith.addf %scan3A_595#0, %scan3A_595#1 : vector<16xf32>
      %add3A_598 = arith.addf %add3A_597, %scan3A_595#2 : vector<16xf32>
      %add3A_599 = arith.addf %add3A_598, %scan3A_595#3 : vector<16xf32>
      %add3A_600 = arith.addf %add3A_599, %get3A_221 : vector<16xf32>
      %add3A_601 = arith.addf %scan3A_595#4, %scan3A_595#5 : vector<16xf32>
      %add3A_602 = arith.addf %add3A_601, %scan3A_595#6 : vector<16xf32>
      %add3A_603 = arith.addf %add3A_602, %scan3A_595#7 : vector<16xf32>
      %add3A_604 = arith.addf %add3A_603, %get3A_221 : vector<16xf32>
      %mul3A_605 = arith.constant 16 : i32
      %mul3A_606 = arith.muli %add3A_466, %mul3A_605 : i32
      %add3A_607 = arith.constant 8 : i32
      %add3A_608 = arith.addi %mul3A_606, %add3A_607 : i32
      %broadcast_in_dim3A_609 = arith.constant 0 : i32
      %broadcast_in_dim3A_610 = vector.broadcast %broadcast_in_dim3A_609 : i32 to vector<16xi32>
      %add3A_611 = vector.broadcast %add3A_608 : i32 to vector<16xi32>
      %add3A_612 = arith.addi %broadcast_in_dim3A_610, %add3A_611 : vector<16xi32>
      tpu.vector_store_idx %arg12[%iota3A_222, %add3A_612], %add3A_600 masked %lt3A_224 : memref<2x512xf32, #tpu.memory_space<vmem>>[vector<16xi32>, vector<16xi32>], vector<16xf32>, vector<16xi1>
      %broadcast_in_dim3A_613 = arith.constant 1 : i32
      %broadcast_in_dim3A_614 = vector.broadcast %broadcast_in_dim3A_613 : i32 to vector<16xi32>
      %add3A_615 = vector.broadcast %add3A_608 : i32 to vector<16xi32>
      %add3A_616 = arith.addi %broadcast_in_dim3A_614, %add3A_615 : vector<16xi32>
      tpu.vector_store_idx %arg12[%iota3A_222, %add3A_616], %add3A_604 masked %lt3A_224 : memref<2x512xf32, #tpu.memory_space<vmem>>[vector<16xi32>, vector<16xi32>], vector<16xf32>, vector<16xi1>
      %scan3A_617 = arith.constant 0 : i32
      %scan3A_618 = arith.constant 25 : i32
      %scan3A_619 = arith.addi %scan3A_617, %scan3A_618 : i32
      %scan3A_620 = arith.constant 1 : i32
      %scan3A_621:8 = scf.for %scan3A_695 = %scan3A_617 to %scan3A_619 step %scan3A_620 iter_args(%scan3A_696 = %broadcast_in_dim3A_220, %scan3A_697 = %broadcast_in_dim3A_220, %scan3A_698 = %broadcast_in_dim3A_220, %scan3A_699 = %broadcast_in_dim3A_220, %scan3A_700 = %broadcast_in_dim3A_220, %scan3A_701 = %broadcast_in_dim3A_220, %scan3A_702 = %broadcast_in_dim3A_220, %scan3A_703 = %broadcast_in_dim3A_220) -> (vector<16xf32>, vector<16xf32>, vector<16xf32>, vector<16xf32>, vector<16xf32>, vector<16xf32>, vector<16xf32>, vector<16xf32>)  : i32 {
        %mul3A_704 = arith.constant 8 : i32
        %mul3A_705 = arith.muli %scan3A_695, %mul3A_704 : i32
        %add3A_706 = arith.constant 2000 : i32
        %add3A_707 = arith.addi %add3A_706, %mul3A_705 : i32
        %add3A_708 = arith.constant 0 : i32
        %add3A_709 = arith.addi %add3A_707, %add3A_708 : i32
        %get3A_710 = arith.index_cast %add3A_709 : i32 to index
        %get3A_711 = arith.constant 0 : index
        %get3A_712 = tpu.vector_load %arg11[%get3A_710, %get3A_711] {strides = array<i32>} : memref<3200x16xf32, #tpu.memory_space<vmem>>, vector<16xf32>,
        %add3A_713 = arith.addf %scan3A_696, %get3A_712 : vector<16xf32>
        %mul3A_714 = arith.constant 8 : i32
        %mul3A_715 = arith.muli %scan3A_695, %mul3A_714 : i32
        %add3A_716 = arith.constant 2200 : i32
        %add3A_717 = arith.addi %add3A_716, %mul3A_715 : i32
        %add3A_718 = arith.constant 0 : i32
        %add3A_719 = arith.addi %add3A_717, %add3A_718 : i32
        %get3A_720 = arith.index_cast %add3A_719 : i32 to index
        %get3A_721 = arith.constant 0 : index
        %get3A_722 = tpu.vector_load %arg11[%get3A_720, %get3A_721] {strides = array<i32>} : memref<3200x16xf32, #tpu.memory_space<vmem>>, vector<16xf32>,
        %add3A_723 = arith.addf %scan3A_700, %get3A_722 : vector<16xf32>
        %mul3A_724 = arith.constant 8 : i32
        %mul3A_725 = arith.muli %scan3A_695, %mul3A_724 : i32
        %add3A_726 = arith.constant 2000 : i32
        %add3A_727 = arith.addi %add3A_726, %mul3A_725 : i32
        %add3A_728 = arith.constant 1 : i32
        %add3A_729 = arith.addi %add3A_727, %add3A_728 : i32
        %get3A_730 = arith.index_cast %add3A_729 : i32 to index
        %get3A_731 = arith.constant 0 : index
        %get3A_732 = tpu.vector_load %arg11[%get3A_730, %get3A_731] {strides = array<i32>} : memref<3200x16xf32, #tpu.memory_space<vmem>>, vector<16xf32>,
        %add3A_733 = arith.addf %scan3A_697, %get3A_732 : vector<16xf32>
        %mul3A_734 = arith.constant 8 : i32
        %mul3A_735 = arith.muli %scan3A_695, %mul3A_734 : i32
        %add3A_736 = arith.constant 2200 : i32
        %add3A_737 = arith.addi %add3A_736, %mul3A_735 : i32
        %add3A_738 = arith.constant 1 : i32
        %add3A_739 = arith.addi %add3A_737, %add3A_738 : i32
        %get3A_740 = arith.index_cast %add3A_739 : i32 to index
        %get3A_741 = arith.constant 0 : index
        %get3A_742 = tpu.vector_load %arg11[%get3A_740, %get3A_741] {strides = array<i32>} : memref<3200x16xf32, #tpu.memory_space<vmem>>, vector<16xf32>,
        %add3A_743 = arith.addf %scan3A_701, %get3A_742 : vector<16xf32>
        %mul3A_744 = arith.constant 8 : i32
        %mul3A_745 = arith.muli %scan3A_695, %mul3A_744 : i32
        %add3A_746 = arith.constant 2000 : i32
        %add3A_747 = arith.addi %add3A_746, %mul3A_745 : i32
        %add3A_748 = arith.constant 2 : i32
        %add3A_749 = arith.addi %add3A_747, %add3A_748 : i32
        %get3A_750 = arith.index_cast %add3A_749 : i32 to index
        %get3A_751 = arith.constant 0 : index
        %get3A_752 = tpu.vector_load %arg11[%get3A_750, %get3A_751] {strides = array<i32>} : memref<3200x16xf32, #tpu.memory_space<vmem>>, vector<16xf32>,
        %add3A_753 = arith.addf %scan3A_698, %get3A_752 : vector<16xf32>
        %mul3A_754 = arith.constant 8 : i32
        %mul3A_755 = arith.muli %scan3A_695, %mul3A_754 : i32
        %add3A_756 = arith.constant 2200 : i32
        %add3A_757 = arith.addi %add3A_756, %mul3A_755 : i32
        %add3A_758 = arith.constant 2 : i32
        %add3A_759 = arith.addi %add3A_757, %add3A_758 : i32
        %get3A_760 = arith.index_cast %add3A_759 : i32 to index
        %get3A_761 = arith.constant 0 : index
        %get3A_762 = tpu.vector_load %arg11[%get3A_760, %get3A_761] {strides = array<i32>} : memref<3200x16xf32, #tpu.memory_space<vmem>>, vector<16xf32>,
        %add3A_763 = arith.addf %scan3A_702, %get3A_762 : vector<16xf32>
        %mul3A_764 = arith.constant 8 : i32
        %mul3A_765 = arith.muli %scan3A_695, %mul3A_764 : i32
        %add3A_766 = arith.constant 2000 : i32
        %add3A_767 = arith.addi %add3A_766, %mul3A_765 : i32
        %add3A_768 = arith.constant 3 : i32
        %add3A_769 = arith.addi %add3A_767, %add3A_768 : i32
        %get3A_770 = arith.index_cast %add3A_769 : i32 to index
        %get3A_771 = arith.constant 0 : index
        %get3A_772 = tpu.vector_load %arg11[%get3A_770, %get3A_771] {strides = array<i32>} : memref<3200x16xf32, #tpu.memory_space<vmem>>, vector<16xf32>,
        %add3A_773 = arith.addf %scan3A_699, %get3A_772 : vector<16xf32>
        %mul3A_774 = arith.constant 8 : i32
        %mul3A_775 = arith.muli %scan3A_695, %mul3A_774 : i32
        %add3A_776 = arith.constant 2200 : i32
        %add3A_777 = arith.addi %add3A_776, %mul3A_775 : i32
        %add3A_778 = arith.constant 3 : i32
        %add3A_779 = arith.addi %add3A_777, %add3A_778 : i32
        %get3A_780 = arith.index_cast %add3A_779 : i32 to index
        %get3A_781 = arith.constant 0 : index
        %get3A_782 = tpu.vector_load %arg11[%get3A_780, %get3A_781] {strides = array<i32>} : memref<3200x16xf32, #tpu.memory_space<vmem>>, vector<16xf32>,
        %add3A_783 = arith.addf %scan3A_703, %get3A_782 : vector<16xf32>
        %mul3A_784 = arith.constant 8 : i32
        %mul3A_785 = arith.muli %scan3A_695, %mul3A_784 : i32
        %add3A_786 = arith.constant 2000 : i32
        %add3A_787 = arith.addi %add3A_786, %mul3A_785 : i32
        %add3A_788 = arith.constant 4 : i32
        %add3A_789 = arith.addi %add3A_787, %add3A_788 : i32
        %get3A_790 = arith.index_cast %add3A_789 : i32 to index
        %get3A_791 = arith.constant 0 : index
        %get3A_792 = tpu.vector_load %arg11[%get3A_790, %get3A_791] {strides = array<i32>} : memref<3200x16xf32, #tpu.memory_space<vmem>>, vector<16xf32>,
        %add3A_793 = arith.addf %add3A_713, %get3A_792 : vector<16xf32>
        %mul3A_794 = arith.constant 8 : i32
        %mul3A_795 = arith.muli %scan3A_695, %mul3A_794 : i32
        %add3A_796 = arith.constant 2200 : i32
        %add3A_797 = arith.addi %add3A_796, %mul3A_795 : i32
        %add3A_798 = arith.constant 4 : i32
        %add3A_799 = arith.addi %add3A_797, %add3A_798 : i32
        %get3A_800 = arith.index_cast %add3A_799 : i32 to index
        %get3A_801 = arith.constant 0 : index
        %get3A_802 = tpu.vector_load %arg11[%get3A_800, %get3A_801] {strides = array<i32>} : memref<3200x16xf32, #tpu.memory_space<vmem>>, vector<16xf32>,
        %add3A_803 = arith.addf %add3A_723, %get3A_802 : vector<16xf32>
        %mul3A_804 = arith.constant 8 : i32
        %mul3A_805 = arith.muli %scan3A_695, %mul3A_804 : i32
        %add3A_806 = arith.constant 2000 : i32
        %add3A_807 = arith.addi %add3A_806, %mul3A_805 : i32
        %add3A_808 = arith.constant 5 : i32
        %add3A_809 = arith.addi %add3A_807, %add3A_808 : i32
        %get3A_810 = arith.index_cast %add3A_809 : i32 to index
        %get3A_811 = arith.constant 0 : index
        %get3A_812 = tpu.vector_load %arg11[%get3A_810, %get3A_811] {strides = array<i32>} : memref<3200x16xf32, #tpu.memory_space<vmem>>, vector<16xf32>,
        %add3A_813 = arith.addf %add3A_733, %get3A_812 : vector<16xf32>
        %mul3A_814 = arith.constant 8 : i32
        %mul3A_815 = arith.muli %scan3A_695, %mul3A_814 : i32
        %add3A_816 = arith.constant 2200 : i32
        %add3A_817 = arith.addi %add3A_816, %mul3A_815 : i32
        %add3A_818 = arith.constant 5 : i32
        %add3A_819 = arith.addi %add3A_817, %add3A_818 : i32
        %get3A_820 = arith.index_cast %add3A_819 : i32 to index
        %get3A_821 = arith.constant 0 : index
        %get3A_822 = tpu.vector_load %arg11[%get3A_820, %get3A_821] {strides = array<i32>} : memref<3200x16xf32, #tpu.memory_space<vmem>>, vector<16xf32>,
        %add3A_823 = arith.addf %add3A_743, %get3A_822 : vector<16xf32>
        %mul3A_824 = arith.constant 8 : i32
        %mul3A_825 = arith.muli %scan3A_695, %mul3A_824 : i32
        %add3A_826 = arith.constant 2000 : i32
        %add3A_827 = arith.addi %add3A_826, %mul3A_825 : i32
        %add3A_828 = arith.constant 6 : i32
        %add3A_829 = arith.addi %add3A_827, %add3A_828 : i32
        %get3A_830 = arith.index_cast %add3A_829 : i32 to index
        %get3A_831 = arith.constant 0 : index
        %get3A_832 = tpu.vector_load %arg11[%get3A_830, %get3A_831] {strides = array<i32>} : memref<3200x16xf32, #tpu.memory_space<vmem>>, vector<16xf32>,
        %add3A_833 = arith.addf %add3A_753, %get3A_832 : vector<16xf32>
        %mul3A_834 = arith.constant 8 : i32
        %mul3A_835 = arith.muli %scan3A_695, %mul3A_834 : i32
        %add3A_836 = arith.constant 2200 : i32
        %add3A_837 = arith.addi %add3A_836, %mul3A_835 : i32
        %add3A_838 = arith.constant 6 : i32
        %add3A_839 = arith.addi %add3A_837, %add3A_838 : i32
        %get3A_840 = arith.index_cast %add3A_839 : i32 to index
        %get3A_841 = arith.constant 0 : index
        %get3A_842 = tpu.vector_load %arg11[%get3A_840, %get3A_841] {strides = array<i32>} : memref<3200x16xf32, #tpu.memory_space<vmem>>, vector<16xf32>,
        %add3A_843 = arith.addf %add3A_763, %get3A_842 : vector<16xf32>
        %mul3A_844 = arith.constant 8 : i32
        %mul3A_845 = arith.muli %scan3A_695, %mul3A_844 : i32
        %add3A_846 = arith.constant 2000 : i32
        %add3A_847 = arith.addi %add3A_846, %mul3A_845 : i32
        %add3A_848 = arith.constant 7 : i32
        %add3A_849 = arith.addi %add3A_847, %add3A_848 : i32
        %get3A_850 = arith.index_cast %add3A_849 : i32 to index
        %get3A_851 = arith.constant 0 : index
        %get3A_852 = tpu.vector_load %arg11[%get3A_850, %get3A_851] {strides = array<i32>} : memref<3200x16xf32, #tpu.memory_space<vmem>>, vector<16xf32>,
        %add3A_853 = arith.addf %add3A_773, %get3A_852 : vector<16xf32>
        %mul3A_854 = arith.constant 8 : i32
        %mul3A_855 = arith.muli %scan3A_695, %mul3A_854 : i32
        %add3A_856 = arith.constant 2200 : i32
        %add3A_857 = arith.addi %add3A_856, %mul3A_855 : i32
        %add3A_858 = arith.constant 7 : i32
        %add3A_859 = arith.addi %add3A_857, %add3A_858 : i32
        %get3A_860 = arith.index_cast %add3A_859 : i32 to index
        %get3A_861 = arith.constant 0 : index
        %get3A_862 = tpu.vector_load %arg11[%get3A_860, %get3A_861] {strides = array<i32>} : memref<3200x16xf32, #tpu.memory_space<vmem>>, vector<16xf32>,
        %add3A_863 = arith.addf %add3A_783, %get3A_862 : vector<16xf32>
        scf.yield %add3A_793, %add3A_813, %add3A_833, %add3A_853, %add3A_803, %add3A_823, %add3A_843, %add3A_863 : vector<16xf32>, vector<16xf32>, vector<16xf32>, vector<16xf32>, vector<16xf32>, vector<16xf32>, vector<16xf32>, vector<16xf32>
      }
      %scan3A_622 = arith.constant 25 : i32
      %add3A_623 = arith.addf %scan3A_621#0, %scan3A_621#1 : vector<16xf32>
      %add3A_624 = arith.addf %add3A_623, %scan3A_621#2 : vector<16xf32>
      %add3A_625 = arith.addf %add3A_624, %scan3A_621#3 : vector<16xf32>
      %add3A_626 = arith.addf %add3A_625, %get3A_221 : vector<16xf32>
      %add3A_627 = arith.addf %scan3A_621#4, %scan3A_621#5 : vector<16xf32>
      %add3A_628 = arith.addf %add3A_627, %scan3A_621#6 : vector<16xf32>
      %add3A_629 = arith.addf %add3A_628, %scan3A_621#7 : vector<16xf32>
      %add3A_630 = arith.addf %add3A_629, %get3A_221 : vector<16xf32>
      %mul3A_631 = arith.constant 16 : i32
      %mul3A_632 = arith.muli %add3A_466, %mul3A_631 : i32
      %add3A_633 = arith.constant 10 : i32
      %add3A_634 = arith.addi %mul3A_632, %add3A_633 : i32
      %broadcast_in_dim3A_635 = arith.constant 0 : i32
      %broadcast_in_dim3A_636 = vector.broadcast %broadcast_in_dim3A_635 : i32 to vector<16xi32>
      %add3A_637 = vector.broadcast %add3A_634 : i32 to vector<16xi32>
      %add3A_638 = arith.addi %broadcast_in_dim3A_636, %add3A_637 : vector<16xi32>
      tpu.vector_store_idx %arg12[%iota3A_222, %add3A_638], %add3A_626 masked %lt3A_224 : memref<2x512xf32, #tpu.memory_space<vmem>>[vector<16xi32>, vector<16xi32>], vector<16xf32>, vector<16xi1>
      %broadcast_in_dim3A_639 = arith.constant 1 : i32
      %broadcast_in_dim3A_640 = vector.broadcast %broadcast_in_dim3A_639 : i32 to vector<16xi32>
      %add3A_641 = vector.broadcast %add3A_634 : i32 to vector<16xi32>
      %add3A_642 = arith.addi %broadcast_in_dim3A_640, %add3A_641 : vector<16xi32>
      tpu.vector_store_idx %arg12[%iota3A_222, %add3A_642], %add3A_630 masked %lt3A_224 : memref<2x512xf32, #tpu.memory_space<vmem>>[vector<16xi32>, vector<16xi32>], vector<16xf32>, vector<16xi1>
      %scan3A_643 = arith.constant 0 : i32
      %scan3A_644 = arith.constant 25 : i32
      %scan3A_645 = arith.addi %scan3A_643, %scan3A_644 : i32
      %scan3A_646 = arith.constant 1 : i32
      %scan3A_647:8 = scf.for %scan3A_695 = %scan3A_643 to %scan3A_645 step %scan3A_646 iter_args(%scan3A_696 = %broadcast_in_dim3A_220, %scan3A_697 = %broadcast_in_dim3A_220, %scan3A_698 = %broadcast_in_dim3A_220, %scan3A_699 = %broadcast_in_dim3A_220, %scan3A_700 = %broadcast_in_dim3A_220, %scan3A_701 = %broadcast_in_dim3A_220, %scan3A_702 = %broadcast_in_dim3A_220, %scan3A_703 = %broadcast_in_dim3A_220) -> (vector<16xf32>, vector<16xf32>, vector<16xf32>, vector<16xf32>, vector<16xf32>, vector<16xf32>, vector<16xf32>, vector<16xf32>)  : i32 {
        %mul3A_704 = arith.constant 8 : i32
        %mul3A_705 = arith.muli %scan3A_695, %mul3A_704 : i32
        %add3A_706 = arith.constant 2400 : i32
        %add3A_707 = arith.addi %add3A_706, %mul3A_705 : i32
        %add3A_708 = arith.constant 0 : i32
        %add3A_709 = arith.addi %add3A_707, %add3A_708 : i32
        %get3A_710 = arith.index_cast %add3A_709 : i32 to index
        %get3A_711 = arith.constant 0 : index
        %get3A_712 = tpu.vector_load %arg11[%get3A_710, %get3A_711] {strides = array<i32>} : memref<3200x16xf32, #tpu.memory_space<vmem>>, vector<16xf32>,
        %add3A_713 = arith.addf %scan3A_696, %get3A_712 : vector<16xf32>
        %mul3A_714 = arith.constant 8 : i32
        %mul3A_715 = arith.muli %scan3A_695, %mul3A_714 : i32
        %add3A_716 = arith.constant 2600 : i32
        %add3A_717 = arith.addi %add3A_716, %mul3A_715 : i32
        %add3A_718 = arith.constant 0 : i32
        %add3A_719 = arith.addi %add3A_717, %add3A_718 : i32
        %get3A_720 = arith.index_cast %add3A_719 : i32 to index
        %get3A_721 = arith.constant 0 : index
        %get3A_722 = tpu.vector_load %arg11[%get3A_720, %get3A_721] {strides = array<i32>} : memref<3200x16xf32, #tpu.memory_space<vmem>>, vector<16xf32>,
        %add3A_723 = arith.addf %scan3A_700, %get3A_722 : vector<16xf32>
        %mul3A_724 = arith.constant 8 : i32
        %mul3A_725 = arith.muli %scan3A_695, %mul3A_724 : i32
        %add3A_726 = arith.constant 2400 : i32
        %add3A_727 = arith.addi %add3A_726, %mul3A_725 : i32
        %add3A_728 = arith.constant 1 : i32
        %add3A_729 = arith.addi %add3A_727, %add3A_728 : i32
        %get3A_730 = arith.index_cast %add3A_729 : i32 to index
        %get3A_731 = arith.constant 0 : index
        %get3A_732 = tpu.vector_load %arg11[%get3A_730, %get3A_731] {strides = array<i32>} : memref<3200x16xf32, #tpu.memory_space<vmem>>, vector<16xf32>,
        %add3A_733 = arith.addf %scan3A_697, %get3A_732 : vector<16xf32>
        %mul3A_734 = arith.constant 8 : i32
        %mul3A_735 = arith.muli %scan3A_695, %mul3A_734 : i32
        %add3A_736 = arith.constant 2600 : i32
        %add3A_737 = arith.addi %add3A_736, %mul3A_735 : i32
        %add3A_738 = arith.constant 1 : i32
        %add3A_739 = arith.addi %add3A_737, %add3A_738 : i32
        %get3A_740 = arith.index_cast %add3A_739 : i32 to index
        %get3A_741 = arith.constant 0 : index
        %get3A_742 = tpu.vector_load %arg11[%get3A_740, %get3A_741] {strides = array<i32>} : memref<3200x16xf32, #tpu.memory_space<vmem>>, vector<16xf32>,
        %add3A_743 = arith.addf %scan3A_701, %get3A_742 : vector<16xf32>
        %mul3A_744 = arith.constant 8 : i32
        %mul3A_745 = arith.muli %scan3A_695, %mul3A_744 : i32
        %add3A_746 = arith.constant 2400 : i32
        %add3A_747 = arith.addi %add3A_746, %mul3A_745 : i32
        %add3A_748 = arith.constant 2 : i32
        %add3A_749 = arith.addi %add3A_747, %add3A_748 : i32
        %get3A_750 = arith.index_cast %add3A_749 : i32 to index
        %get3A_751 = arith.constant 0 : index
        %get3A_752 = tpu.vector_load %arg11[%get3A_750, %get3A_751] {strides = array<i32>} : memref<3200x16xf32, #tpu.memory_space<vmem>>, vector<16xf32>,
        %add3A_753 = arith.addf %scan3A_698, %get3A_752 : vector<16xf32>
        %mul3A_754 = arith.constant 8 : i32
        %mul3A_755 = arith.muli %scan3A_695, %mul3A_754 : i32
        %add3A_756 = arith.constant 2600 : i32
        %add3A_757 = arith.addi %add3A_756, %mul3A_755 : i32
        %add3A_758 = arith.constant 2 : i32
        %add3A_759 = arith.addi %add3A_757, %add3A_758 : i32
        %get3A_760 = arith.index_cast %add3A_759 : i32 to index
        %get3A_761 = arith.constant 0 : index
        %get3A_762 = tpu.vector_load %arg11[%get3A_760, %get3A_761] {strides = array<i32>} : memref<3200x16xf32, #tpu.memory_space<vmem>>, vector<16xf32>,
        %add3A_763 = arith.addf %scan3A_702, %get3A_762 : vector<16xf32>
        %mul3A_764 = arith.constant 8 : i32
        %mul3A_765 = arith.muli %scan3A_695, %mul3A_764 : i32
        %add3A_766 = arith.constant 2400 : i32
        %add3A_767 = arith.addi %add3A_766, %mul3A_765 : i32
        %add3A_768 = arith.constant 3 : i32
        %add3A_769 = arith.addi %add3A_767, %add3A_768 : i32
        %get3A_770 = arith.index_cast %add3A_769 : i32 to index
        %get3A_771 = arith.constant 0 : index
        %get3A_772 = tpu.vector_load %arg11[%get3A_770, %get3A_771] {strides = array<i32>} : memref<3200x16xf32, #tpu.memory_space<vmem>>, vector<16xf32>,
        %add3A_773 = arith.addf %scan3A_699, %get3A_772 : vector<16xf32>
        %mul3A_774 = arith.constant 8 : i32
        %mul3A_775 = arith.muli %scan3A_695, %mul3A_774 : i32
        %add3A_776 = arith.constant 2600 : i32
        %add3A_777 = arith.addi %add3A_776, %mul3A_775 : i32
        %add3A_778 = arith.constant 3 : i32
        %add3A_779 = arith.addi %add3A_777, %add3A_778 : i32
        %get3A_780 = arith.index_cast %add3A_779 : i32 to index
        %get3A_781 = arith.constant 0 : index
        %get3A_782 = tpu.vector_load %arg11[%get3A_780, %get3A_781] {strides = array<i32>} : memref<3200x16xf32, #tpu.memory_space<vmem>>, vector<16xf32>,
        %add3A_783 = arith.addf %scan3A_703, %get3A_782 : vector<16xf32>
        %mul3A_784 = arith.constant 8 : i32
        %mul3A_785 = arith.muli %scan3A_695, %mul3A_784 : i32
        %add3A_786 = arith.constant 2400 : i32
        %add3A_787 = arith.addi %add3A_786, %mul3A_785 : i32
        %add3A_788 = arith.constant 4 : i32
        %add3A_789 = arith.addi %add3A_787, %add3A_788 : i32
        %get3A_790 = arith.index_cast %add3A_789 : i32 to index
        %get3A_791 = arith.constant 0 : index
        %get3A_792 = tpu.vector_load %arg11[%get3A_790, %get3A_791] {strides = array<i32>} : memref<3200x16xf32, #tpu.memory_space<vmem>>, vector<16xf32>,
        %add3A_793 = arith.addf %add3A_713, %get3A_792 : vector<16xf32>
        %mul3A_794 = arith.constant 8 : i32
        %mul3A_795 = arith.muli %scan3A_695, %mul3A_794 : i32
        %add3A_796 = arith.constant 2600 : i32
        %add3A_797 = arith.addi %add3A_796, %mul3A_795 : i32
        %add3A_798 = arith.constant 4 : i32
        %add3A_799 = arith.addi %add3A_797, %add3A_798 : i32
        %get3A_800 = arith.index_cast %add3A_799 : i32 to index
        %get3A_801 = arith.constant 0 : index
        %get3A_802 = tpu.vector_load %arg11[%get3A_800, %get3A_801] {strides = array<i32>} : memref<3200x16xf32, #tpu.memory_space<vmem>>, vector<16xf32>,
        %add3A_803 = arith.addf %add3A_723, %get3A_802 : vector<16xf32>
        %mul3A_804 = arith.constant 8 : i32
        %mul3A_805 = arith.muli %scan3A_695, %mul3A_804 : i32
        %add3A_806 = arith.constant 2400 : i32
        %add3A_807 = arith.addi %add3A_806, %mul3A_805 : i32
        %add3A_808 = arith.constant 5 : i32
        %add3A_809 = arith.addi %add3A_807, %add3A_808 : i32
        %get3A_810 = arith.index_cast %add3A_809 : i32 to index
        %get3A_811 = arith.constant 0 : index
        %get3A_812 = tpu.vector_load %arg11[%get3A_810, %get3A_811] {strides = array<i32>} : memref<3200x16xf32, #tpu.memory_space<vmem>>, vector<16xf32>,
        %add3A_813 = arith.addf %add3A_733, %get3A_812 : vector<16xf32>
        %mul3A_814 = arith.constant 8 : i32
        %mul3A_815 = arith.muli %scan3A_695, %mul3A_814 : i32
        %add3A_816 = arith.constant 2600 : i32
        %add3A_817 = arith.addi %add3A_816, %mul3A_815 : i32
        %add3A_818 = arith.constant 5 : i32
        %add3A_819 = arith.addi %add3A_817, %add3A_818 : i32
        %get3A_820 = arith.index_cast %add3A_819 : i32 to index
        %get3A_821 = arith.constant 0 : index
        %get3A_822 = tpu.vector_load %arg11[%get3A_820, %get3A_821] {strides = array<i32>} : memref<3200x16xf32, #tpu.memory_space<vmem>>, vector<16xf32>,
        %add3A_823 = arith.addf %add3A_743, %get3A_822 : vector<16xf32>
        %mul3A_824 = arith.constant 8 : i32
        %mul3A_825 = arith.muli %scan3A_695, %mul3A_824 : i32
        %add3A_826 = arith.constant 2400 : i32
        %add3A_827 = arith.addi %add3A_826, %mul3A_825 : i32
        %add3A_828 = arith.constant 6 : i32
        %add3A_829 = arith.addi %add3A_827, %add3A_828 : i32
        %get3A_830 = arith.index_cast %add3A_829 : i32 to index
        %get3A_831 = arith.constant 0 : index
        %get3A_832 = tpu.vector_load %arg11[%get3A_830, %get3A_831] {strides = array<i32>} : memref<3200x16xf32, #tpu.memory_space<vmem>>, vector<16xf32>,
        %add3A_833 = arith.addf %add3A_753, %get3A_832 : vector<16xf32>
        %mul3A_834 = arith.constant 8 : i32
        %mul3A_835 = arith.muli %scan3A_695, %mul3A_834 : i32
        %add3A_836 = arith.constant 2600 : i32
        %add3A_837 = arith.addi %add3A_836, %mul3A_835 : i32
        %add3A_838 = arith.constant 6 : i32
        %add3A_839 = arith.addi %add3A_837, %add3A_838 : i32
        %get3A_840 = arith.index_cast %add3A_839 : i32 to index
        %get3A_841 = arith.constant 0 : index
        %get3A_842 = tpu.vector_load %arg11[%get3A_840, %get3A_841] {strides = array<i32>} : memref<3200x16xf32, #tpu.memory_space<vmem>>, vector<16xf32>,
        %add3A_843 = arith.addf %add3A_763, %get3A_842 : vector<16xf32>
        %mul3A_844 = arith.constant 8 : i32
        %mul3A_845 = arith.muli %scan3A_695, %mul3A_844 : i32
        %add3A_846 = arith.constant 2400 : i32
        %add3A_847 = arith.addi %add3A_846, %mul3A_845 : i32
        %add3A_848 = arith.constant 7 : i32
        %add3A_849 = arith.addi %add3A_847, %add3A_848 : i32
        %get3A_850 = arith.index_cast %add3A_849 : i32 to index
        %get3A_851 = arith.constant 0 : index
        %get3A_852 = tpu.vector_load %arg11[%get3A_850, %get3A_851] {strides = array<i32>} : memref<3200x16xf32, #tpu.memory_space<vmem>>, vector<16xf32>,
        %add3A_853 = arith.addf %add3A_773, %get3A_852 : vector<16xf32>
        %mul3A_854 = arith.constant 8 : i32
        %mul3A_855 = arith.muli %scan3A_695, %mul3A_854 : i32
        %add3A_856 = arith.constant 2600 : i32
        %add3A_857 = arith.addi %add3A_856, %mul3A_855 : i32
        %add3A_858 = arith.constant 7 : i32
        %add3A_859 = arith.addi %add3A_857, %add3A_858 : i32
        %get3A_860 = arith.index_cast %add3A_859 : i32 to index
        %get3A_861 = arith.constant 0 : index
        %get3A_862 = tpu.vector_load %arg11[%get3A_860, %get3A_861] {strides = array<i32>} : memref<3200x16xf32, #tpu.memory_space<vmem>>, vector<16xf32>,
        %add3A_863 = arith.addf %add3A_783, %get3A_862 : vector<16xf32>
        scf.yield %add3A_793, %add3A_813, %add3A_833, %add3A_853, %add3A_803, %add3A_823, %add3A_843, %add3A_863 : vector<16xf32>, vector<16xf32>, vector<16xf32>, vector<16xf32>, vector<16xf32>, vector<16xf32>, vector<16xf32>, vector<16xf32>
      }
      %scan3A_648 = arith.constant 25 : i32
      %add3A_649 = arith.addf %scan3A_647#0, %scan3A_647#1 : vector<16xf32>
      %add3A_650 = arith.addf %add3A_649, %scan3A_647#2 : vector<16xf32>
      %add3A_651 = arith.addf %add3A_650, %scan3A_647#3 : vector<16xf32>
      %add3A_652 = arith.addf %add3A_651, %get3A_221 : vector<16xf32>
      %add3A_653 = arith.addf %scan3A_647#4, %scan3A_647#5 : vector<16xf32>
      %add3A_654 = arith.addf %add3A_653, %scan3A_647#6 : vector<16xf32>
      %add3A_655 = arith.addf %add3A_654, %scan3A_647#7 : vector<16xf32>
      %add3A_656 = arith.addf %add3A_655, %get3A_221 : vector<16xf32>
      %mul3A_657 = arith.constant 16 : i32
      %mul3A_658 = arith.muli %add3A_466, %mul3A_657 : i32
      %add3A_659 = arith.constant 12 : i32
      %add3A_660 = arith.addi %mul3A_658, %add3A_659 : i32
      %broadcast_in_dim3A_661 = arith.constant 0 : i32
      %broadcast_in_dim3A_662 = vector.broadcast %broadcast_in_dim3A_661 : i32 to vector<16xi32>
      %add3A_663 = vector.broadcast %add3A_660 : i32 to vector<16xi32>
      %add3A_664 = arith.addi %broadcast_in_dim3A_662, %add3A_663 : vector<16xi32>
      tpu.vector_store_idx %arg12[%iota3A_222, %add3A_664], %add3A_652 masked %lt3A_224 : memref<2x512xf32, #tpu.memory_space<vmem>>[vector<16xi32>, vector<16xi32>], vector<16xf32>, vector<16xi1>
      %broadcast_in_dim3A_665 = arith.constant 1 : i32
      %broadcast_in_dim3A_666 = vector.broadcast %broadcast_in_dim3A_665 : i32 to vector<16xi32>
      %add3A_667 = vector.broadcast %add3A_660 : i32 to vector<16xi32>
      %add3A_668 = arith.addi %broadcast_in_dim3A_666, %add3A_667 : vector<16xi32>
      tpu.vector_store_idx %arg12[%iota3A_222, %add3A_668], %add3A_656 masked %lt3A_224 : memref<2x512xf32, #tpu.memory_space<vmem>>[vector<16xi32>, vector<16xi32>], vector<16xf32>, vector<16xi1>
      %scan3A_669 = arith.constant 0 : i32
      %scan3A_670 = arith.constant 25 : i32
      %scan3A_671 = arith.addi %scan3A_669, %scan3A_670 : i32
      %scan3A_672 = arith.constant 1 : i32
      %scan3A_673:8 = scf.for %scan3A_695 = %scan3A_669 to %scan3A_671 step %scan3A_672 iter_args(%scan3A_696 = %broadcast_in_dim3A_220, %scan3A_697 = %broadcast_in_dim3A_220, %scan3A_698 = %broadcast_in_dim3A_220, %scan3A_699 = %broadcast_in_dim3A_220, %scan3A_700 = %broadcast_in_dim3A_220, %scan3A_701 = %broadcast_in_dim3A_220, %scan3A_702 = %broadcast_in_dim3A_220, %scan3A_703 = %broadcast_in_dim3A_220) -> (vector<16xf32>, vector<16xf32>, vector<16xf32>, vector<16xf32>, vector<16xf32>, vector<16xf32>, vector<16xf32>, vector<16xf32>)  : i32 {
        %mul3A_704 = arith.constant 8 : i32
        %mul3A_705 = arith.muli %scan3A_695, %mul3A_704 : i32
        %add3A_706 = arith.constant 2800 : i32
        %add3A_707 = arith.addi %add3A_706, %mul3A_705 : i32
        %add3A_708 = arith.constant 0 : i32
        %add3A_709 = arith.addi %add3A_707, %add3A_708 : i32
        %get3A_710 = arith.index_cast %add3A_709 : i32 to index
        %get3A_711 = arith.constant 0 : index
        %get3A_712 = tpu.vector_load %arg11[%get3A_710, %get3A_711] {strides = array<i32>} : memref<3200x16xf32, #tpu.memory_space<vmem>>, vector<16xf32>,
        %add3A_713 = arith.addf %scan3A_696, %get3A_712 : vector<16xf32>
        %mul3A_714 = arith.constant 8 : i32
        %mul3A_715 = arith.muli %scan3A_695, %mul3A_714 : i32
        %add3A_716 = arith.constant 3000 : i32
        %add3A_717 = arith.addi %add3A_716, %mul3A_715 : i32
        %add3A_718 = arith.constant 0 : i32
        %add3A_719 = arith.addi %add3A_717, %add3A_718 : i32
        %get3A_720 = arith.index_cast %add3A_719 : i32 to index
        %get3A_721 = arith.constant 0 : index
        %get3A_722 = tpu.vector_load %arg11[%get3A_720, %get3A_721] {strides = array<i32>} : memref<3200x16xf32, #tpu.memory_space<vmem>>, vector<16xf32>,
        %add3A_723 = arith.addf %scan3A_700, %get3A_722 : vector<16xf32>
        %mul3A_724 = arith.constant 8 : i32
        %mul3A_725 = arith.muli %scan3A_695, %mul3A_724 : i32
        %add3A_726 = arith.constant 2800 : i32
        %add3A_727 = arith.addi %add3A_726, %mul3A_725 : i32
        %add3A_728 = arith.constant 1 : i32
        %add3A_729 = arith.addi %add3A_727, %add3A_728 : i32
        %get3A_730 = arith.index_cast %add3A_729 : i32 to index
        %get3A_731 = arith.constant 0 : index
        %get3A_732 = tpu.vector_load %arg11[%get3A_730, %get3A_731] {strides = array<i32>} : memref<3200x16xf32, #tpu.memory_space<vmem>>, vector<16xf32>,
        %add3A_733 = arith.addf %scan3A_697, %get3A_732 : vector<16xf32>
        %mul3A_734 = arith.constant 8 : i32
        %mul3A_735 = arith.muli %scan3A_695, %mul3A_734 : i32
        %add3A_736 = arith.constant 3000 : i32
        %add3A_737 = arith.addi %add3A_736, %mul3A_735 : i32
        %add3A_738 = arith.constant 1 : i32
        %add3A_739 = arith.addi %add3A_737, %add3A_738 : i32
        %get3A_740 = arith.index_cast %add3A_739 : i32 to index
        %get3A_741 = arith.constant 0 : index
        %get3A_742 = tpu.vector_load %arg11[%get3A_740, %get3A_741] {strides = array<i32>} : memref<3200x16xf32, #tpu.memory_space<vmem>>, vector<16xf32>,
        %add3A_743 = arith.addf %scan3A_701, %get3A_742 : vector<16xf32>
        %mul3A_744 = arith.constant 8 : i32
        %mul3A_745 = arith.muli %scan3A_695, %mul3A_744 : i32
        %add3A_746 = arith.constant 2800 : i32
        %add3A_747 = arith.addi %add3A_746, %mul3A_745 : i32
        %add3A_748 = arith.constant 2 : i32
        %add3A_749 = arith.addi %add3A_747, %add3A_748 : i32
        %get3A_750 = arith.index_cast %add3A_749 : i32 to index
        %get3A_751 = arith.constant 0 : index
        %get3A_752 = tpu.vector_load %arg11[%get3A_750, %get3A_751] {strides = array<i32>} : memref<3200x16xf32, #tpu.memory_space<vmem>>, vector<16xf32>,
        %add3A_753 = arith.addf %scan3A_698, %get3A_752 : vector<16xf32>
        %mul3A_754 = arith.constant 8 : i32
        %mul3A_755 = arith.muli %scan3A_695, %mul3A_754 : i32
        %add3A_756 = arith.constant 3000 : i32
        %add3A_757 = arith.addi %add3A_756, %mul3A_755 : i32
        %add3A_758 = arith.constant 2 : i32
        %add3A_759 = arith.addi %add3A_757, %add3A_758 : i32
        %get3A_760 = arith.index_cast %add3A_759 : i32 to index
        %get3A_761 = arith.constant 0 : index
        %get3A_762 = tpu.vector_load %arg11[%get3A_760, %get3A_761] {strides = array<i32>} : memref<3200x16xf32, #tpu.memory_space<vmem>>, vector<16xf32>,
        %add3A_763 = arith.addf %scan3A_702, %get3A_762 : vector<16xf32>
        %mul3A_764 = arith.constant 8 : i32
        %mul3A_765 = arith.muli %scan3A_695, %mul3A_764 : i32
        %add3A_766 = arith.constant 2800 : i32
        %add3A_767 = arith.addi %add3A_766, %mul3A_765 : i32
        %add3A_768 = arith.constant 3 : i32
        %add3A_769 = arith.addi %add3A_767, %add3A_768 : i32
        %get3A_770 = arith.index_cast %add3A_769 : i32 to index
        %get3A_771 = arith.constant 0 : index
        %get3A_772 = tpu.vector_load %arg11[%get3A_770, %get3A_771] {strides = array<i32>} : memref<3200x16xf32, #tpu.memory_space<vmem>>, vector<16xf32>,
        %add3A_773 = arith.addf %scan3A_699, %get3A_772 : vector<16xf32>
        %mul3A_774 = arith.constant 8 : i32
        %mul3A_775 = arith.muli %scan3A_695, %mul3A_774 : i32
        %add3A_776 = arith.constant 3000 : i32
        %add3A_777 = arith.addi %add3A_776, %mul3A_775 : i32
        %add3A_778 = arith.constant 3 : i32
        %add3A_779 = arith.addi %add3A_777, %add3A_778 : i32
        %get3A_780 = arith.index_cast %add3A_779 : i32 to index
        %get3A_781 = arith.constant 0 : index
        %get3A_782 = tpu.vector_load %arg11[%get3A_780, %get3A_781] {strides = array<i32>} : memref<3200x16xf32, #tpu.memory_space<vmem>>, vector<16xf32>,
        %add3A_783 = arith.addf %scan3A_703, %get3A_782 : vector<16xf32>
        %mul3A_784 = arith.constant 8 : i32
        %mul3A_785 = arith.muli %scan3A_695, %mul3A_784 : i32
        %add3A_786 = arith.constant 2800 : i32
        %add3A_787 = arith.addi %add3A_786, %mul3A_785 : i32
        %add3A_788 = arith.constant 4 : i32
        %add3A_789 = arith.addi %add3A_787, %add3A_788 : i32
        %get3A_790 = arith.index_cast %add3A_789 : i32 to index
        %get3A_791 = arith.constant 0 : index
        %get3A_792 = tpu.vector_load %arg11[%get3A_790, %get3A_791] {strides = array<i32>} : memref<3200x16xf32, #tpu.memory_space<vmem>>, vector<16xf32>,
        %add3A_793 = arith.addf %add3A_713, %get3A_792 : vector<16xf32>
        %mul3A_794 = arith.constant 8 : i32
        %mul3A_795 = arith.muli %scan3A_695, %mul3A_794 : i32
        %add3A_796 = arith.constant 3000 : i32
        %add3A_797 = arith.addi %add3A_796, %mul3A_795 : i32
        %add3A_798 = arith.constant 4 : i32
        %add3A_799 = arith.addi %add3A_797, %add3A_798 : i32
        %get3A_800 = arith.index_cast %add3A_799 : i32 to index
        %get3A_801 = arith.constant 0 : index
        %get3A_802 = tpu.vector_load %arg11[%get3A_800, %get3A_801] {strides = array<i32>} : memref<3200x16xf32, #tpu.memory_space<vmem>>, vector<16xf32>,
        %add3A_803 = arith.addf %add3A_723, %get3A_802 : vector<16xf32>
        %mul3A_804 = arith.constant 8 : i32
        %mul3A_805 = arith.muli %scan3A_695, %mul3A_804 : i32
        %add3A_806 = arith.constant 2800 : i32
        %add3A_807 = arith.addi %add3A_806, %mul3A_805 : i32
        %add3A_808 = arith.constant 5 : i32
        %add3A_809 = arith.addi %add3A_807, %add3A_808 : i32
        %get3A_810 = arith.index_cast %add3A_809 : i32 to index
        %get3A_811 = arith.constant 0 : index
        %get3A_812 = tpu.vector_load %arg11[%get3A_810, %get3A_811] {strides = array<i32>} : memref<3200x16xf32, #tpu.memory_space<vmem>>, vector<16xf32>,
        %add3A_813 = arith.addf %add3A_733, %get3A_812 : vector<16xf32>
        %mul3A_814 = arith.constant 8 : i32
        %mul3A_815 = arith.muli %scan3A_695, %mul3A_814 : i32
        %add3A_816 = arith.constant 3000 : i32
        %add3A_817 = arith.addi %add3A_816, %mul3A_815 : i32
        %add3A_818 = arith.constant 5 : i32
        %add3A_819 = arith.addi %add3A_817, %add3A_818 : i32
        %get3A_820 = arith.index_cast %add3A_819 : i32 to index
        %get3A_821 = arith.constant 0 : index
        %get3A_822 = tpu.vector_load %arg11[%get3A_820, %get3A_821] {strides = array<i32>} : memref<3200x16xf32, #tpu.memory_space<vmem>>, vector<16xf32>,
        %add3A_823 = arith.addf %add3A_743, %get3A_822 : vector<16xf32>
        %mul3A_824 = arith.constant 8 : i32
        %mul3A_825 = arith.muli %scan3A_695, %mul3A_824 : i32
        %add3A_826 = arith.constant 2800 : i32
        %add3A_827 = arith.addi %add3A_826, %mul3A_825 : i32
        %add3A_828 = arith.constant 6 : i32
        %add3A_829 = arith.addi %add3A_827, %add3A_828 : i32
        %get3A_830 = arith.index_cast %add3A_829 : i32 to index
        %get3A_831 = arith.constant 0 : index
        %get3A_832 = tpu.vector_load %arg11[%get3A_830, %get3A_831] {strides = array<i32>} : memref<3200x16xf32, #tpu.memory_space<vmem>>, vector<16xf32>,
        %add3A_833 = arith.addf %add3A_753, %get3A_832 : vector<16xf32>
        %mul3A_834 = arith.constant 8 : i32
        %mul3A_835 = arith.muli %scan3A_695, %mul3A_834 : i32
        %add3A_836 = arith.constant 3000 : i32
        %add3A_837 = arith.addi %add3A_836, %mul3A_835 : i32
        %add3A_838 = arith.constant 6 : i32
        %add3A_839 = arith.addi %add3A_837, %add3A_838 : i32
        %get3A_840 = arith.index_cast %add3A_839 : i32 to index
        %get3A_841 = arith.constant 0 : index
        %get3A_842 = tpu.vector_load %arg11[%get3A_840, %get3A_841] {strides = array<i32>} : memref<3200x16xf32, #tpu.memory_space<vmem>>, vector<16xf32>,
        %add3A_843 = arith.addf %add3A_763, %get3A_842 : vector<16xf32>
        %mul3A_844 = arith.constant 8 : i32
        %mul3A_845 = arith.muli %scan3A_695, %mul3A_844 : i32
        %add3A_846 = arith.constant 2800 : i32
        %add3A_847 = arith.addi %add3A_846, %mul3A_845 : i32
        %add3A_848 = arith.constant 7 : i32
        %add3A_849 = arith.addi %add3A_847, %add3A_848 : i32
        %get3A_850 = arith.index_cast %add3A_849 : i32 to index
        %get3A_851 = arith.constant 0 : index
        %get3A_852 = tpu.vector_load %arg11[%get3A_850, %get3A_851] {strides = array<i32>} : memref<3200x16xf32, #tpu.memory_space<vmem>>, vector<16xf32>,
        %add3A_853 = arith.addf %add3A_773, %get3A_852 : vector<16xf32>
        %mul3A_854 = arith.constant 8 : i32
        %mul3A_855 = arith.muli %scan3A_695, %mul3A_854 : i32
        %add3A_856 = arith.constant 3000 : i32
        %add3A_857 = arith.addi %add3A_856, %mul3A_855 : i32
        %add3A_858 = arith.constant 7 : i32
        %add3A_859 = arith.addi %add3A_857, %add3A_858 : i32
        %get3A_860 = arith.index_cast %add3A_859 : i32 to index
        %get3A_861 = arith.constant 0 : index
        %get3A_862 = tpu.vector_load %arg11[%get3A_860, %get3A_861] {strides = array<i32>} : memref<3200x16xf32, #tpu.memory_space<vmem>>, vector<16xf32>,
        %add3A_863 = arith.addf %add3A_783, %get3A_862 : vector<16xf32>
        scf.yield %add3A_793, %add3A_813, %add3A_833, %add3A_853, %add3A_803, %add3A_823, %add3A_843, %add3A_863 : vector<16xf32>, vector<16xf32>, vector<16xf32>, vector<16xf32>, vector<16xf32>, vector<16xf32>, vector<16xf32>, vector<16xf32>
      }
      %scan3A_674 = arith.constant 25 : i32
      %add3A_675 = arith.addf %scan3A_673#0, %scan3A_673#1 : vector<16xf32>
      %add3A_676 = arith.addf %add3A_675, %scan3A_673#2 : vector<16xf32>
      %add3A_677 = arith.addf %add3A_676, %scan3A_673#3 : vector<16xf32>
      %add3A_678 = arith.addf %add3A_677, %get3A_221 : vector<16xf32>
      %add3A_679 = arith.addf %scan3A_673#4, %scan3A_673#5 : vector<16xf32>
      %add3A_680 = arith.addf %add3A_679, %scan3A_673#6 : vector<16xf32>
      %add3A_681 = arith.addf %add3A_680, %scan3A_673#7 : vector<16xf32>
      %add3A_682 = arith.addf %add3A_681, %get3A_221 : vector<16xf32>
      %mul3A_683 = arith.constant 16 : i32
      %mul3A_684 = arith.muli %add3A_466, %mul3A_683 : i32
      %add3A_685 = arith.constant 14 : i32
      %add3A_686 = arith.addi %mul3A_684, %add3A_685 : i32
      %broadcast_in_dim3A_687 = arith.constant 0 : i32
      %broadcast_in_dim3A_688 = vector.broadcast %broadcast_in_dim3A_687 : i32 to vector<16xi32>
      %add3A_689 = vector.broadcast %add3A_686 : i32 to vector<16xi32>
      %add3A_690 = arith.addi %broadcast_in_dim3A_688, %add3A_689 : vector<16xi32>
      tpu.vector_store_idx %arg12[%iota3A_222, %add3A_690], %add3A_678 masked %lt3A_224 : memref<2x512xf32, #tpu.memory_space<vmem>>[vector<16xi32>, vector<16xi32>], vector<16xf32>, vector<16xi1>
      %broadcast_in_dim3A_691 = arith.constant 1 : i32
      %broadcast_in_dim3A_692 = vector.broadcast %broadcast_in_dim3A_691 : i32 to vector<16xi32>
      %add3A_693 = vector.broadcast %add3A_686 : i32 to vector<16xi32>
      %add3A_694 = arith.addi %broadcast_in_dim3A_692, %add3A_693 : vector<16xi32>
      tpu.vector_store_idx %arg12[%iota3A_222, %add3A_694], %add3A_682 masked %lt3A_224 : memref<2x512xf32, #tpu.memory_space<vmem>>[vector<16xi32>, vector<16xi32>], vector<16xf32>, vector<16xi1>
    }
    %scan3A_230 = arith.constant 16 : i32
    %mul3A_231 = arith.constant 512 : i32
    %mul3A_232 = arith.muli %add3A, %mul3A_231 : i32
    "tpu.region"() ({
      %run_scoped3A = tpu.sem_alloc : memref<!tpu.dma_semaphore, #tpu.memory_space<semaphore_mem>>
      %dma_start3A_233 = arith.constant 0 : i32
      %dma_start3A_234 = tpu.memref_slice %arg5[%dma_start3A_233, %mul3A_232] : memref<2x16384xf32, #tpu.memory_space<hbm>> -> memref<2x512xf32, #tpu.memory_space<hbm>>
      %dma_start3A_235 = arith.constant 0 : i32
      %dma_start3A_236 = tpu.memref_slice %arg5[%dma_start3A_235, %mul3A_232] : memref<2x16384xf32, #tpu.memory_space<hbm>> -> memref<2x512xf32, #tpu.memory_space<hbm>>
      tpu.enqueue_dma source(%arg12 : memref<2x512xf32, #tpu.memory_space<vmem>>) target(%dma_start3A_236 : memref<2x512xf32, #tpu.memory_space<hbm>>) target_semaphore(%run_scoped3A : memref<!tpu.dma_semaphore, #tpu.memory_space<semaphore_mem>>)
      %dma_wait3A = arith.constant 0 : i32
      %dma_wait3A_237 = tpu.memref_slice %arg5[%dma_wait3A, %mul3A_232] : memref<2x16384xf32, #tpu.memory_space<hbm>> -> memref<2x512xf32, #tpu.memory_space<hbm>>
      %dma_wait3A_238 = arith.constant 0 : i32
      %dma_wait3A_239 = tpu.memref_slice %arg5[%dma_wait3A_238, %mul3A_232] : memref<2x16384xf32, #tpu.memory_space<hbm>> -> memref<2x512xf32, #tpu.memory_space<hbm>>
      tpu.wait_dma2 semaphore(%run_scoped3A : memref<!tpu.dma_semaphore, #tpu.memory_space<semaphore_mem>>) src(%arg12 : memref<2x512xf32, #tpu.memory_space<vmem>>) dst(%dma_wait3A_239 : memref<2x512xf32, #tpu.memory_space<hbm>>)
      tpu.yield
    }) : () -> ()
    return
  }
}

module attributes {stable_mosaic.version = 14 : i64} {
  func.func @_proj_body(%arg0: i32, %arg1: memref<64x32768xf32, #tpu.memory_space<vmem>>, %arg2: memref<64x128xf32, #tpu.memory_space<vmem>>, %arg3: memref<8x128xf32, #tpu.memory_space<vmem>>, %arg4: memref<4096x128xf32, #tpu.memory_space<vmem>>) attributes {dimension_semantics = [#tpu.dimension_semantics<arbitrary>], iteration_bounds = array<i64: 31>, scalar_prefetch = 0 : i64, scratch_operands = 0 : i64, tpu.core_type = #tpu.core_type<tc>, window_params = [{transform_indices = @transform_0, window_bounds = array<i64: 64, 32768>}, {pipeline_mode = #tpu.pipeline_mode<synchronous>, transform_indices = @transform_1, window_bounds = array<i64: 64, 128>}, {pipeline_mode = #tpu.pipeline_mode<synchronous>, transform_indices = @transform_2, window_bounds = array<i64: 8, 128>}, {transform_indices = @transform_3, window_bounds = array<i64: 4096, 128>}]} {
    %get3A = arith.constant 0 : index
    %get3A_0 = arith.constant 0 : index
    %get3A_1 = vector.load %arg1[%get3A, %get3A_0] : memref<64x32768xf32, #tpu.memory_space<vmem>>, vector<64x32768xf32>
    %get3A_2 = arith.constant 0 : index
    %get3A_3 = arith.constant 0 : index
    %get3A_4 = vector.load %arg2[%get3A_2, %get3A_3] : memref<64x128xf32, #tpu.memory_space<vmem>>, vector<64x128xf32>
    %dot_general3A = arith.constant dense<0.000000e+00> : vector<32768x128xf32>
    %dot_general3A_5 = tpu.matmul %get3A_1, %get3A_4, %dot_general3A {dimension_numbers = #tpu.dot_dimension_numbers<[0], [0], [1], [1], [0, 1, 1, 1], [], []>, transpose_lhs_hint = false} : vector<64x32768xf32>, vector<64x128xf32>, vector<32768x128xf32> -> vector<32768x128xf32>
    %reshape3A = vector.shape_cast %dot_general3A_5 : vector<32768x128xf32> to vector<4096x8x128xf32>
    %get3A_6 = arith.constant 0 : index
    %get3A_7 = arith.constant 0 : index
    %get3A_8 = vector.load %arg3[%get3A_6, %get3A_7] : memref<8x128xf32, #tpu.memory_space<vmem>>, vector<8x128xf32>
    %broadcast_in_dim3A = vector.shape_cast %get3A_8 : vector<8x128xf32> to vector<1x8x128xf32>
    %mul3A = vector.broadcast %broadcast_in_dim3A : vector<1x8x128xf32> to vector<4096x8x128xf32>
    %mul3A_9 = arith.mulf %reshape3A, %mul3A : vector<4096x8x128xf32>
    %reduce_sum3A = arith.constant dense<0.000000e+00> : vector<4096x128xf32>
    %reduce_sum3A_10 = vector.multi_reduction <add>, %mul3A_9, %reduce_sum3A [1] : vector<4096x8x128xf32> to vector<4096x128xf32>
    %swap3A = arith.constant 0 : index
    %swap3A_11 = arith.constant 0 : index
    %swap3A_12 = vector.load %arg4[%swap3A, %swap3A_11] : memref<4096x128xf32, #tpu.memory_space<vmem>>, vector<4096x128xf32>
    tpu.vector_store %arg4[%swap3A, %swap3A_11], %reduce_sum3A_10 {strides = array<i32>} : memref<4096x128xf32, #tpu.memory_space<vmem>>, vector<4096x128xf32>,
    return
  }
  func.func @transform_0(%arg0: i32) -> (i32, i32) {
    %c0_i32 = arith.constant 0 : i32
    %c0_i32_0 = arith.constant 0 : i32
    return %c0_i32, %arg0 : i32, i32
  }
  func.func @transform_1(%arg0: i32) -> (i32, i32) {
    %c0_i32 = arith.constant 0 : i32
    %c0_i32_0 = arith.constant 0 : i32
    %c0_i32_1 = arith.constant 0 : i32
    return %c0_i32, %c0_i32_0 : i32, i32
  }
  func.func @transform_2(%arg0: i32) -> (i32, i32) {
    %c0_i32 = arith.constant 0 : i32
    %c0_i32_0 = arith.constant 0 : i32
    %c0_i32_1 = arith.constant 0 : i32
    return %c0_i32, %c0_i32_0 : i32, i32
  }
  func.func @transform_3(%arg0: i32) -> (i32, i32) {
    %c0_i32 = arith.constant 0 : i32
    %c0_i32_0 = arith.constant 0 : i32
    return %arg0, %c0_i32 : i32, i32
  }
}

</mosaic_0001>

<sc_bundles>
// kernel: kernel.4.cloned.1.call-start
scs
__scs_entry_jumppad:
0x0: {  	(pc) =	sbr.rel $0x88, $3  }
0x1: {  	(tag) =	ssettag $0x0;
	lr =	simm.s32 $0x1  }
0x2: {  	[smem:$0x3F9D] =	sst lr;
	_ =	strace $0xD0000000  }
0x3: {  	_ = 	snop  }
0x4: {  	_ = 	snop  }
0x5: {  	_ = 	snop  }
0x6: {  	_ = 	snop  }
0x7: {  	_ = 	snop  }
__scs_overlays_trampoline_lowered:
0x8: {  	[smem:$0x3FAC] =	sst s0  }
0x9: {  	[smem:$0x3FAD] =	sst s1  }
0xa: {  	[smem:$0x3FAE] =	sst s2  }
0xb: {  	[smem:$0x3FAF] =	sst s3  }
0xc: {  	[smem:$0x3FB0] =	sst s4  }
0xd: {  	[smem:$0x3FB1] =	sst s5  }
0xe: {  	[smem:$0x3FB2] =	sst s6  }
0xf: {  	[smem:$0x3FB3] =	sst s7  }
0x10: {  	[smem:$0x3FB4] =	sst s8  }
0x11: {  	[smem:$0x3FB5] =	sst s9;
	s0 =	simm.s32 @!p0 $0x0  }
0x12: {  	s1 =	sld [smem:$0x3F9B];
	s0 =	simm.s32 @p0 $0x1  }
0x13: {  	[smem:$0x3FB6] =	sst s0;
	s0 =	simm.s32 @!p1 $0x0  }
0x14: {  	s2 =	sld [smem:$0x3F9A];
	s0 =	simm.s32 @p1 $0x1  }
0x15: {  	[smem:$0x3FB7] =	sst s0;
	s0 =	simm.s32 @!p2 $0x0  }
0x16: {  	s3 =	sld [smem:$0x3FDB];
	s0 =	simm.s32 @p2 $0x1  }
0x17: {  	s4 =	simm.s32 $0x1BF5;
	[smem:$0x3FB9] =	sst s0  }
0x18: {  	s0 =	sld [smem:$0x3F9C];
	_ =	swait.ge [sflag:s4], $0x0  }
0x19: {  	s7 =	sld [smem:$0x3F9D]  }
0x1a: {  	s8 =	sadd.s32 $0xFFFFE003, lr  }
0x1b: {  	s9 =	sadd.s32 $0xFFFFFEF7, lr;
	s5 =	simm.s32 $0xFFFFFFFF;
	p2 =	slt.u32 s8, $0xFFFFF086  }
0x1c: {  	p1 =	slt.u32 s9, $0xF7A;
	s5 =	simm.s32 @!p2 $0x0  }
0x1d: {  	s5 =	simm.s32 @p1 $0x1;
	p0 =	seq.s32 s7, s2  }
0x1e: {  	s7 =	smul.u32 @!p0 $0xF7A, s2;
	p2 =	seq.s32 @!p0 s5, $0x0  }
0x1f: {  	s9 =	smul.u32 $0xF7A, s1;
	s8 =	simm.s32 @!p0 $0x1BF5;
	p2 =	por !p2, p0  }
0x20: {  	[sflag:s8] =	ssyncset.s32 @!p0 $0xFFFFF086;
	s6 =	sadd.s32 @!p0 s3, s7;
	s7 =	simm.s32 @!p0 $0x108  }
0x21: {  	s3 =	sadd.s32 s3, s9;
	s6 =	sadd.s32 @!p0 $0x88, s6;
	s7 =	simm.s32 @p2 $0x1082  }
0x22: {  	[simem:s7], [sflag:s8] =	dma.local @!p0 [hbm:s6], $0xF7A  }
0x23: {  	s9 =	sor.u32 $0xD0000000, s2;
	s6 =	simm.s32 $0x108;
	_ =	swait.ge @!p0 [sflag:s8], $0x0  }
0x24: {  	s3 =	sadd.s32 $0x88, s3;
	s6 =	simm.s32 @!p1 $0x1082;
	[sflag:s4] =	ssyncset.s32 $0xFFFFF086  }
0x25: {  	[simem:s6], [sflag:s4] =	dma.local [hbm:s3], $0xF7A  }
0x26: {  	[smem:$0x3F9D] =	sst s1;
	(tag) =	ssettag s2;
	_ =	strace s9  }
0x27: {  	s1 =	sld [smem:$0x3FAD]  }
0x28: {  	s2 =	sld [smem:$0x3FAE]  }
0x29: {  	s4 =	sld [smem:$0x3FB0]  }
0x2a: {  	p0 =	seq.s32 s5, $0x0;
	s5 =	sld [smem:$0x3FB1]  }
0x2b: {  	s6 =	sld [smem:$0x3FB2]  }
0x2c: {  	s7 =	sld [smem:$0x3FB3]  }
0x2d: {  	s3 =	simm.s32 $0x108;
	s8 =	sld [smem:$0x3FB4]  }
0x2e: {  	s3 =	simm.s32 @!p0 $0x1082;
	s9 =	sld [smem:$0x3FB5]  }
0x2f: {  	lr =	sadd.s32 s0, s3;
	s0 =	sld [smem:$0x3FAC]  }
0x30: {  	s3 =	sld [smem:$0x3FAF]  }
0x31: {  	[smem:$0x3FB8] =	sst s10  }
0x32: {  	s10 =	sld [smem:$0x3FB6];
	_ =	sdelay $0x3  }
0x33: {  	p0 =	seq.s32 s10, $0x1;
	s10 =	sld [smem:$0x3FB8];
	_ =	sdelay $0x3  }
0x34: {  	[smem:$0x3FB8] =	sst s10  }
0x35: {  	s10 =	sld [smem:$0x3FB7];
	_ =	sdelay $0x3  }
0x36: {  	p1 =	seq.s32 s10, $0x1;
	s10 =	sld [smem:$0x3FB8];
	_ =	sdelay $0x3  }
0x37: {  	[smem:$0x3FB8] =	sst s10  }
0x38: {  	s10 =	sld [smem:$0x3FB9]  }
0x39: {  	_ = 	snop;
	(pc) =	sbr.ind lr, $3  }
0x3a: {  	_ = 	snop  }
0x3b: {  	_ = 	snop  }
0x3c: {  	p2 =	seq.s32 s10, $0x1;
	s10 =	sld [smem:$0x3FB8]  }
0x3d: {  	_ =	shalt  }
0x3e: {  	_ =	shalt  }
0x3f: {  	_ =	shalt  }
0x40: {  	_ =	shalt  }
0x41: {  	_ =	shalt  }
0x42: {  	_ =	shalt  }
0x43: {  	_ =	shalt  }
0x44: {  	_ =	shalt  }
0x45: {  	_ =	shalt  }
0x46: {  	_ =	shalt  }
0x47: {  	_ =	shalt  }
0x48: {  	_ =	shalt  }
0x49: {  	_ =	shalt  }
0x4a: {  	_ =	shalt  }
0x4b: {  	_ =	shalt  }
0x4c: {  	_ =	shalt  }
0x4d: {  	_ =	shalt  }
0x4e: {  	_ =	shalt  }
0x4f: {  	_ =	shalt  }
0x50: {  	_ =	shalt  }
0x51: {  	_ =	shalt  }
0x52: {  	_ =	shalt  }
0x53: {  	_ =	shalt  }
0x54: {  	_ =	shalt  }
0x55: {  	_ =	shalt  }
0x56: {  	_ =	shalt  }
0x57: {  	_ =	shalt  }
0x58: {  	_ =	shalt  }
0x59: {  	_ =	shalt  }
0x5a: {  	_ =	shalt  }
0x5b: {  	_ =	shalt  }
0x5c: {  	_ =	shalt  }
0x5d: {  	_ =	shalt  }
0x5e: {  	_ =	shalt  }
0x5f: {  	_ =	shalt  }
0x60: {  	_ =	shalt  }
0x61: {  	_ =	shalt  }
0x62: {  	_ =	shalt  }
0x63: {  	_ =	shalt  }
0x64: {  	_ =	shalt  }
0x65: {  	_ =	shalt  }
0x66: {  	_ =	shalt  }
0x67: {  	_ =	shalt  }
0x68: {  	_ =	shalt  }
0x69: {  	_ =	shalt  }
0x6a: {  	_ =	shalt  }
0x6b: {  	_ =	shalt  }
0x6c: {  	_ =	shalt  }
0x6d: {  	_ =	shalt  }
0x6e: {  	_ =	shalt  }
0x6f: {  	_ =	shalt  }
0x70: {  	_ =	shalt  }
0x71: {  	_ =	shalt  }
0x72: {  	_ =	shalt  }
0x73: {  	_ =	shalt  }
0x74: {  	_ =	shalt  }
0x75: {  	_ =	shalt  }
0x76: {  	_ =	shalt  }
0x77: {  	_ =	shalt  }
0x78: {  	_ =	shalt  }
0x79: {  	_ =	shalt  }
0x7a: {  	_ =	shalt  }
0x7b: {  	_ =	shalt  }
0x7c: {  	_ =	shalt  }
0x7d: {  	_ =	shalt  }
0x7e: {  	_ =	shalt  }
0x7f: {  	_ =	shalt  }
0x80: {  	_ =	shalt  }
0x81: {  	_ =	shalt  }
0x82: {  	_ =	shalt  }
0x83: {  	_ =	shalt  }
0x84: {  	_ =	shalt  }
0x85: {  	_ =	shalt  }
0x86: {  	_ =	shalt  }
0x87: {  	_ =	shalt  }
.Lfunc_end0:
.L_simem_size_0:
called_computation_lowered:
.L_overlay_start_0:
0x88: {  	s2 =	sld [smem:$0x3FD9]  }
0x89: {  	s3 =	sld [smem:$0x3FFE];
	_ =	sdelay $0x1  }
0x8a: {  	s1 =	srdreg.scid  }
0x8b: {  	s0 =	sand.u32 $0x1, s1  }
0x8c: {  	s17 =	sshll.u32 s0, $0xA;
	s2 =	sadd.s32 s3, s2  }
0x8d: {  	s2 =	sadd.s32 s2, s17  }
0x8e: {  	[smem:$0x3FC4] =	sst s2  }
0x8f: {  	_ = 	snop  }
0x90: {  	s2 =	sld [smem:$0x3FD0];
	(tm) =	ssettm $0x1  }
0x91: {  	s18 =	sld [smem:$0x3FFB];
	_ =	sdelay $0x3  }
0x92: {  	_ =	strace s18  }
0x93: {  	s3 =	sld [smem:$0x3FFC];
	_ =	sdelay $0x3  }
0x94: {  	_ =	strace s3  }
0x95: {  	s3 =	sld [smem:$0x3FFD];
	_ =	sdelay $0x3  }
0x96: {  	_ =	strace s3  }
0x97: {  	_ =	strace $0x8FFFFFFF  }
0x98: {  	s19 =	sld [smem:$0x3FDB];
	_ =	sdelay $0x1  }
0x99: {  	s4 =	simm.s32 $_scs_section_size  }
0x9a: {  	s5 =	simm.s32 $_size__tile_overlayer_lowered;
	s6 =	simm.s32 $_tile_overlayer_lowered  }
0x9b: {  	s22 =	simm.s32 $0x1BFF;
	s21 =	sshll.u32 s6, $0x1;
	s3 =	sadd.s32 s4, s19  }
0x9c: {  	s7 =	simm.s32 $0x0;
	s20 =	sshll.u32 s5, $0x1;
	s5 =	sadd.s32 s21, s3  }
0x9d: {  	[timem:s7], [sflag:s22] =	dma.local [hbm:s5], s20  }
0x9e: {  	_ =	swait.ge [sflag:s22], s20  }
0x9f: {  	s4 =	ssub.s32 $0x0, s20;
	[sflag:s22] =	ssyncset.done $0x0  }
0xa0: {  	[sflag:s22] =	ssyncadd.s32 s4;
	_ =	sdelay $0x1  }
0xa1: {  	s23 =	simm.s32 $0x1B8B  }
0xa2: {  	_ =	swait.ge [sflag:s23], $0x1  }
0xa3: {  	[sflag:s23] =	ssyncset.done $0x0  }
0xa4: {  	s25 =	simm.s32 $0x1B8E;
	s24 =	sld [smem:$0x3FFE];
	[sflag:s23] =	ssyncadd.s32 $0xFFFFFFFF  }
0xa5: {  	s26 =	simm.s32 $execute0_lowered;
	[smem:$0x3FD2] =	sst s25  }
0xa6: {  	s5 =	sshll.u32 s26, $0x1;
	_ =	strace $0x80000046;
	[dreg:$0x1] =	wrdreg $0xFFFFFFFF  }
0xa7: {  	s28 =	simm.s32 $_size_execute0_lowered;
	s3 =	sadd.s32 s3, s5;
	[dreg:$0x0] =	wrdreg $0x0  }
0xa8: {  	s5 =	sshll.u32 s28, $0x1;
	[dreg:$0x2] =	wrdreg s3  }
0xa9: {  	[dreg:$0x3] =	wrdreg s5  }
0xaa: {  	[dreg:$0x4] =	wrdreg $0xC0  }
0xab: {  	_ =	task [dreg:s7], $0x5FFFF  }
0xac: {  	[dreg:$0x1] =	wrdreg $0xFFFFFFFF  }
0xad: {  	[dreg:$0x0] =	wrdreg $0x60  }
0xae: {  	[dreg:$0x2] =	wrdreg s24  }
0xaf: {  	[dreg:$0x3] =	wrdreg s2  }
0xb0: {  	[dreg:$0x4] =	wrdreg $0x9  }
0xb1: {  	_ =	task.clear_ibuf [dreg:s7], $0x5FFFF;
	_ =	strace $0x90000046  }
0xb2: {  	s29 =	simm.s32 $0x9;
	_ =	strace $0x80000048  }
0xb3: {  	_ =	swait.ge [sflag:s29], $0x1  }
0xb4: {  	[sflag:s29] =	ssyncadd.s32 $0xFFFFFFFF  }
0xb5: {  	_ =	strace $0x90000048  }
0xb6: {  	_ =	sfence  }
0xb7: {  	s30 =	sld [smem:$0x0];
	_ =	sdelay $0x2  }
0xb8: {  	s31 =	sshll.u32 s1, $0xD;
	s1 =	sshrl.u32 s1, $0x2  }
0xb9: {  	s3 =	sand.u32 $0x4000, s31;
	s1 =	sadd.s32 s1, s30  }
0xba: {  	s0 =	sor.u32 s3, s0;
	s1 =	sshll.u32 s1, $0x11  }
0xbb: {  	s0 =	sor.u32 s1, s0  }
0xbc: {  	s0 =	sadd.s32 $0x8F2B, s0  }
0xbd: {  	[sflag:s0] =	ssyncadd.remote.s32 $0x1  }
0xbe: {  	_ =	sfence.sel $0xFFFF  }
0xbf: {  	[dreg:$0x0] =	wrdreg $0xFFFFFFFF;
	(pc) =	sbr.abs _section_cstart, $3  }
0xc0: {  	[dreg:$0x1] =	wrdreg $0xFFFFFFFF  }
0xc1: {  	_ =	task.clear_ibuf [dreg:s7], $0x2FFFF;
	_ =	strace $0x9FFFFFFF  }
0xc2: {  	(tm) =	ssettm $0x7FFFFFFF  }
0xc3: {  	_ =	shalt  }
tec
execute0_lowered:
.L_overlay_start_1:
0x0: {  	(tag) =	ssettag $0x1  }
0x1: {  	s0 =	rddreg [dreg:$0x0];
	s3 =	simm.s32 $0x0  }
0x2: {  	s1 =	srdreg.scid;
	s2 =	stileid.u32;
	s7 =	simm.s32 $0x5  }
0x3: {  	s12 =	simm.s32 $0x4000;
	s16 =	simm.s32 $0x1900;
	s17 =	simm.s32 $0x80  }
0x4: {  	s22 =	simm.s32 $0x4;
	s23 =	simm.s32 $0x2580;
	s10 =	simm.s32 $0x18A00  }
0x5: {  	s11 =	simm.s32 $0x2F00;
	s13 =	simm.s32 $0x19A00;
	s18 =	simm.s32 $0x3000  }
0x6: {  	s19 =	simm.s32 $0x1A200;
	s20 =	simm.s32 $0x3080;
	s21 =	simm.s32 $0x1AA00  }
0x7: {  	s14 =	simm.s32 $0x3100;
	s15 =	simm.s32 $0x1B200;
	s9 =	simm.s32 $0x3180  }
0x8: {  	s24 =	simm.s32 $0x1BA00;
	s25 =	simm.s32 $0x1;
	s28 =	simm.s32 $0x2  }
0x9: {  	s29 =	simm.s32 $0x3;
	s30 =	simm.s32 $0x0;
	[smem:$0x7FF] =	sst s3  }
0xa: {  	s1 =	sand.u32 $0x1, s1;
	s2 =	sshll.u32 s2, $0x1;
	s4 =	sadd.s32 $0x400, s0  }
0xb: {  	s5 =	sadd.s32 $0x64400, s0;
	s2 =	sor.u32 s1, s2;
	s1 =	ssub.s32 $0x2, s1  }
0xc: {  	_ =	strace $0x80000047;
	s26 =	sshll.u32 s2, $0x6;
	s6 =	sshrl.u32 s1, $0x1  }
0xd: {  	v1 =	vlaneseq.u32;
	s2 =	sshll.u32 s2, $0x5;
	s0 =	sadd.s32 s26, s0;
	s3 =	sadd.s32 s4, s26  }
0xe: {  	v0 =	vmul.u32 $0x200, v1;
	s8 =	sor.u32 $0x2, s2;
	s2 =	sor.u32 $0x3, s2;
	[dreg:$0x3] =	wrdreg s3  }
0xf: {  	s1 =	ssub.s32 s1, s6;
	s3 =	sadd.s32 $0x2, s3;
	[dreg:$0x5] =	wrdreg s2  }
0x10: {  	v1 =	vmul.u32 $0xC8, v1;
	v2 =	vor.u32 $0x1, v0;
	s6 =	simm.s32 $0x19200;
	s0 =	sadd.s32 $0x24CA00, s0;
	[dreg:$0x4] =	wrdreg s3  }
0x11: {  	v3 =	vor.u32 $0x2, v0;
	v4 =	vor.u32 $0x3, v0;
	v5 =	vor.u32 $0x4, v0;
	s26 =	simm.s32 $0x1C200;
	s31 =	smax.u32 s1, $0x1;
	[dreg:$0x6] =	wrdreg s0  }
0x12: {  	v6 =	vor.u32 $0x5, v0;
	v7 =	vor.u32 $0x6, v0;
	v8 =	vor.u32 $0x7, v0;
	s1 =	simm.s32 $0x0;
	[dreg:$0x7] =	wrdreg s31;
	s3 =	simm.s32 $0x2F80  }
.LBB2_1:
0x13: {  	[dreg:$0x8] =	wrdreg s1  }
0x14: {  	s0 =	rddreg [dreg:$0x1];
	s1 =	simm.s32 $0x0;
	s2 =	simm.s32 $0x1C600  }
0x15: {  	[tilespmem:s2], [sflag:$0x5] =	stream.linear.gather [hbm4b:s0+s1], $0x10, $0x38;
	[tilespmem:$0x1C610] =	vst v63  }
0x16: {  	_ =	swait.ge [sflag:s7], $0x10  }
0x17: {  	[sflag:s7] =	ssyncset.done $0x0  }
0x18: {  	s31 =	simm.s32 $0x10;
	s2 =	rddreg [dreg:$0x3];
	[sflag:s7] =	ssyncadd.s32 $0xFFFFFFF0  }
0x19: {  	[tilespmem:s1], [sflag:$0x5] =	stream.strided.gather [hbm4b:s2+s31], $0xC80, s12, s31, $0x38;
	[tilespmem:$0x1C610] =	vst v63  }
0x1a: {  	_ =	swait.ge [sflag:s7], $0xC80  }
0x1b: {  	[sflag:s7] =	ssyncset.done $0x0  }
0x1c: {  	[sflag:s7] =	ssyncadd.s32 $0xFFFFF380  }
0x1d: {  	s0 =	simm.s32 $0x1;
	v9 =	vadd.s32 s1, v1;
	v10 =	vld [tilespmem:s1+$0x0];
	s1 =	simm.s32 $0x0  }
.LBB2_2:
0x1e: {  	p0 =	sne.s32 s0, $0xC7  }
.Ltmp0:
0x1f: {  	_ = 	snop;
	(pc) =	sbr.rel @p0 .LBB2_2-.Ltmp0, $3  }
0x20: {  	_ =	sdelay $0x1  }
0x21: {  	s1 =	sadd.s32 $0x10, s1;
	s2 =	smov.u32 s0;
	s0 =	sadd.s32 $0x1, s0;
	[tilespmem:v9+s16+$0x0] =	vst.idx.msk $0xffff, v10  }
0x22: {  	v9 =	vadd.s32 s2, v1;
	v10 =	vld [tilespmem:s1+$0x0]  }
0x23: {  	_ =	sdelay $0x3  }
0x24: {  	s0 =	simm.s32 $0x3200;
	[tilespmem:v9+s16+$0x0] =	vst.idx.msk $0xffff, v10  }
0x25: {  	[tilespmem:s0], [sflag:$0x1] =	stream.indirect.gather [hbm4b:s5+s17], $0x10, s16, s17, $0xb8;
	[tilespmem:$0x1C610] =	vst v63  }
0x26: {  	s7 =	simm.s32 $0x1980;
	s1 =	simm.s32 $0x3A00  }
0x27: {  	[tilespmem:s1], [sflag:$0x1] =	stream.indirect.gather [hbm4b:s5+s17], $0x10, s7, s17, $0xb8;
	[tilespmem:$0x1C610] =	vst v63  }
0x28: {  	s2 =	simm.s32 $0x1A00;
	s7 =	simm.s32 $0x4200  }
0x29: {  	[tilespmem:s7], [sflag:$0x1] =	stream.indirect.gather [hbm4b:s5+s17], $0x10, s2, s17, $0xb8;
	[tilespmem:$0x1C610] =	vst v63  }
0x2a: {  	s2 =	simm.s32 $0x1A80;
	s7 =	simm.s32 $0x4A00  }
0x2b: {  	[tilespmem:s7], [sflag:$0x1] =	stream.indirect.gather [hbm4b:s5+s17], $0x10, s2, s17, $0xb8;
	[tilespmem:$0x1C610] =	vst v63  }
0x2c: {  	s2 =	simm.s32 $0x1B00;
	s7 =	simm.s32 $0x5200  }
0x2d: {  	[tilespmem:s7], [sflag:$0x1] =	stream.indirect.gather [hbm4b:s5+s17], $0x10, s2, s17, $0xb8;
	[tilespmem:$0x1C610] =	vst v63  }
0x2e: {  	s2 =	simm.s32 $0x1B80;
	s7 =	simm.s32 $0x5A00  }
0x2f: {  	[tilespmem:s7], [sflag:$0x1] =	stream.indirect.gather [hbm4b:s5+s17], $0x10, s2, s17, $0xb8;
	[tilespmem:$0x1C610] =	vst v63  }
0x30: {  	s2 =	simm.s32 $0x1C00;
	s7 =	simm.s32 $0x6200  }
0x31: {  	[tilespmem:s7], [sflag:$0x1] =	stream.indirect.gather [hbm4b:s5+s17], $0x10, s2, s17, $0xb8;
	[tilespmem:$0x1C610] =	vst v63  }
0x32: {  	s2 =	simm.s32 $0x1C80;
	s7 =	simm.s32 $0x6A00  }
0x33: {  	[tilespmem:s7], [sflag:$0x1] =	stream.indirect.gather [hbm4b:s5+s17], $0x10, s2, s17, $0xb8;
	[tilespmem:$0x1C610] =	vst v63  }
0x34: {  	s2 =	simm.s32 $0x1D00;
	s7 =	simm.s32 $0x7200  }
0x35: {  	[tilespmem:s7], [sflag:$0x1] =	stream.indirect.gather [hbm4b:s5+s17], $0x10, s2, s17, $0xb8;
	[tilespmem:$0x1C610] =	vst v63  }
0x36: {  	s2 =	simm.s32 $0x1D80;
	s7 =	simm.s32 $0x7A00  }
0x37: {  	[tilespmem:s7], [sflag:$0x1] =	stream.indirect.gather [hbm4b:s5+s17], $0x10, s2, s17, $0xb8;
	[tilespmem:$0x1C610] =	vst v63  }
0x38: {  	s2 =	simm.s32 $0x1E00;
	s7 =	simm.s32 $0x8200  }
0x39: {  	[tilespmem:s7], [sflag:$0x1] =	stream.indirect.gather [hbm4b:s5+s17], $0x10, s2, s17, $0xb8;
	[tilespmem:$0x1C610] =	vst v63  }
0x3a: {  	s2 =	simm.s32 $0x1E80;
	s7 =	simm.s32 $0x8A00  }
0x3b: {  	[tilespmem:s7], [sflag:$0x1] =	stream.indirect.gather [hbm4b:s5+s17], $0x10, s2, s17, $0xb8;
	[tilespmem:$0x1C610] =	vst v63  }
0x3c: {  	s2 =	simm.s32 $0x1F00;
	s7 =	simm.s32 $0x9200  }
0x3d: {  	[tilespmem:s7], [sflag:$0x1] =	stream.indirect.gather [hbm4b:s5+s17], $0x10, s2, s17, $0xb8;
	[tilespmem:$0x1C610] =	vst v63  }
0x3e: {  	s2 =	simm.s32 $0x1F80;
	s7 =	simm.s32 $0x9A00  }
0x3f: {  	[tilespmem:s7], [sflag:$0x1] =	stream.indirect.gather [hbm4b:s5+s17], $0x10, s2, s17, $0xb8;
	[tilespmem:$0x1C610] =	vst v63  }
0x40: {  	s2 =	simm.s32 $0x2000;
	s7 =	simm.s32 $0xA200  }
0x41: {  	[tilespmem:s7], [sflag:$0x1] =	stream.indirect.gather [hbm4b:s5+s17], $0x10, s2, s17, $0xb8;
	[tilespmem:$0x1C610] =	vst v63  }
0x42: {  	s2 =	simm.s32 $0x2080;
	s7 =	simm.s32 $0xAA00  }
0x43: {  	[tilespmem:s7], [sflag:$0x1] =	stream.indirect.gather [hbm4b:s5+s17], $0x10, s2, s17, $0xb8;
	[tilespmem:$0x1C610] =	vst v63  }
0x44: {  	s2 =	simm.s32 $0x2100;
	s7 =	simm.s32 $0xB200  }
0x45: {  	[tilespmem:s7], [sflag:$0x1] =	stream.indirect.gather [hbm4b:s5+s17], $0x10, s2, s17, $0xb8;
	[tilespmem:$0x1C610] =	vst v63  }
0x46: {  	s2 =	simm.s32 $0x2180;
	s7 =	simm.s32 $0xBA00  }
0x47: {  	[tilespmem:s7], [sflag:$0x1] =	stream.indirect.gather [hbm4b:s5+s17], $0x10, s2, s17, $0xb8;
	[tilespmem:$0x1C610] =	vst v63  }
0x48: {  	s2 =	simm.s32 $0x2200;
	s7 =	simm.s32 $0xC200  }
0x49: {  	[tilespmem:s7], [sflag:$0x1] =	stream.indirect.gather [hbm4b:s5+s17], $0x10, s2, s17, $0xb8;
	[tilespmem:$0x1C610] =	vst v63  }
0x4a: {  	s2 =	simm.s32 $0x2280;
	s7 =	simm.s32 $0xCA00  }
0x4b: {  	[tilespmem:s7], [sflag:$0x1] =	stream.indirect.gather [hbm4b:s5+s17], $0x10, s2, s17, $0xb8;
	[tilespmem:$0x1C610] =	vst v63  }
0x4c: {  	s2 =	simm.s32 $0x2300;
	s7 =	simm.s32 $0xD200  }
0x4d: {  	[tilespmem:s7], [sflag:$0x1] =	stream.indirect.gather [hbm4b:s5+s17], $0x10, s2, s17, $0xb8;
	[tilespmem:$0x1C610] =	vst v63  }
0x4e: {  	s2 =	simm.s32 $0x2380;
	s7 =	simm.s32 $0xDA00  }
0x4f: {  	[tilespmem:s7], [sflag:$0x1] =	stream.indirect.gather [hbm4b:s5+s17], $0x10, s2, s17, $0xb8;
	[tilespmem:$0x1C610] =	vst v63  }
0x50: {  	s2 =	simm.s32 $0x2400;
	s7 =	simm.s32 $0xE200  }
0x51: {  	[tilespmem:s7], [sflag:$0x1] =	stream.indirect.gather [hbm4b:s5+s17], $0x10, s2, s17, $0xb8;
	[tilespmem:$0x1C610] =	vst v63  }
0x52: {  	s2 =	simm.s32 $0x2480;
	s7 =	simm.s32 $0xEA00  }
0x53: {  	[tilespmem:s7], [sflag:$0x1] =	stream.indirect.gather [hbm4b:s5+s17], $0x10, s2, s17, $0xb8;
	[tilespmem:$0x1C610] =	vst v63  }
0x54: {  	s2 =	simm.s32 $0x2500;
	s7 =	simm.s32 $0xF200  }
0x55: {  	[tilespmem:s7], [sflag:$0x1] =	stream.indirect.gather [hbm4b:s5+s17], $0x10, s2, s17, $0xb8;
	[tilespmem:$0x1C610] =	vst v63  }
0x56: {  	s1 =	rddreg [dreg:$0x4];
	s7 =	simm.s32 $0x10;
	s2 =	simm.s32 $0xC80  }
0x57: {  	[tilespmem:s2], [sflag:$0x4] =	stream.strided.gather [hbm4b:s1+s7], $0xC80, s12, s7, $0x38;
	[tilespmem:$0x1C610] =	vst v63  }
0x58: {  	s31 =	simm.s32 $0x0;
	v9 =	vld [tilespmem:$0x1C600]  }
.LBB2_4:
0x59: {  	_ =	swait.ge [sflag:s22], $0xC80  }
0x5a: {  	[sflag:s22] =	ssyncset.done $0x0  }
0x5b: {  	s0 =	simm.s32 $0xC80;
	[sflag:s22] =	ssyncadd.s32 $0xFFFFF380  }
0x5c: {  	s1 =	simm.s32 $0x1;
	v10 =	vadd.s32 s30, v1;
	v11 =	vld [tilespmem:s0+$0x0]  }
.LBB2_5:
0x5d: {  	p0 =	sne.s32 s1, $0xC7  }
.Ltmp1:
0x5e: {  	_ = 	snop;
	(pc) =	sbr.rel @p0 .LBB2_5-.Ltmp1, $3  }
0x5f: {  	_ =	sdelay $0x1  }
0x60: {  	s0 =	sadd.s32 $0x10, s0;
	s2 =	smov.u32 s1;
	s1 =	sadd.s32 $0x1, s1;
	[tilespmem:v10+s23+$0x0] =	vst.idx.msk $0xffff, v11  }
0x61: {  	v10 =	vadd.s32 s2, v1;
	v11 =	vld [tilespmem:s0+$0x0]  }
0x62: {  	_ =	sdelay $0x3  }
0x63: {  	s0 =	simm.s32 $0xFA00;
	[tilespmem:v10+s23+$0x0] =	vst.idx.msk $0xffff, v11  }
0x64: {  	[tilespmem:s0], [sflag:$0x2] =	stream.indirect.gather [hbm4b:s5+s17], $0x10, s23, s17, $0xb8;
	[tilespmem:$0x1C610] =	vst v63  }
0x65: {  	s2 =	simm.s32 $0x2600;
	s1 =	simm.s32 $0x10200  }
0x66: {  	[tilespmem:s1], [sflag:$0x2] =	stream.indirect.gather [hbm4b:s5+s17], $0x10, s2, s17, $0xb8;
	[tilespmem:$0x1C610] =	vst v63  }
0x67: {  	s7 =	simm.s32 $0x2680;
	s12 =	simm.s32 $0x10A00  }
0x68: {  	[tilespmem:s12], [sflag:$0x2] =	stream.indirect.gather [hbm4b:s5+s17], $0x10, s7, s17, $0xb8;
	[tilespmem:$0x1C610] =	vst v63  }
0x69: {  	s1 =	simm.s32 $0x2700;
	s2 =	simm.s32 $0x11200  }
0x6a: {  	[tilespmem:s2], [sflag:$0x2] =	stream.indirect.gather [hbm4b:s5+s17], $0x10, s1, s17, $0xb8;
	[tilespmem:$0x1C610] =	vst v63  }
0x6b: {  	s7 =	simm.s32 $0x2780;
	s12 =	simm.s32 $0x11A00  }
0x6c: {  	[tilespmem:s12], [sflag:$0x2] =	stream.indirect.gather [hbm4b:s5+s17], $0x10, s7, s17, $0xb8;
	[tilespmem:$0x1C610] =	vst v63  }
0x6d: {  	s1 =	simm.s32 $0x2800;
	s2 =	simm.s32 $0x12200  }
0x6e: {  	[tilespmem:s2], [sflag:$0x2] =	stream.indirect.gather [hbm4b:s5+s17], $0x10, s1, s17, $0xb8;
	[tilespmem:$0x1C610] =	vst v63  }
0x6f: {  	s7 =	simm.s32 $0x2880;
	s12 =	simm.s32 $0x12A00  }
0x70: {  	[tilespmem:s12], [sflag:$0x2] =	stream.indirect.gather [hbm4b:s5+s17], $0x10, s7, s17, $0xb8;
	[tilespmem:$0x1C610] =	vst v63  }
0x71: {  	s1 =	simm.s32 $0x2900;
	s2 =	simm.s32 $0x13200  }
0x72: {  	[tilespmem:s2], [sflag:$0x2] =	stream.indirect.gather [hbm4b:s5+s17], $0x10, s1, s17, $0xb8;
	[tilespmem:$0x1C610] =	vst v63  }
0x73: {  	s7 =	simm.s32 $0x2980;
	s12 =	simm.s32 $0x13A00  }
0x74: {  	[tilespmem:s12], [sflag:$0x2] =	stream.indirect.gather [hbm4b:s5+s17], $0x10, s7, s17, $0xb8;
	[tilespmem:$0x1C610] =	vst v63  }
0x75: {  	s1 =	simm.s32 $0x2A00;
	s2 =	simm.s32 $0x14200  }
0x76: {  	[tilespmem:s2], [sflag:$0x2] =	stream.indirect.gather [hbm4b:s5+s17], $0x10, s1, s17, $0xb8;
	[tilespmem:$0x1C610] =	vst v63  }
0x77: {  	s7 =	simm.s32 $0x2A80;
	s12 =	simm.s32 $0x14A00  }
0x78: {  	[tilespmem:s12], [sflag:$0x2] =	stream.indirect.gather [hbm4b:s5+s17], $0x10, s7, s17, $0xb8;
	[tilespmem:$0x1C610] =	vst v63  }
0x79: {  	s1 =	simm.s32 $0x2B00;
	s2 =	simm.s32 $0x15200  }
0x7a: {  	[tilespmem:s2], [sflag:$0x2] =	stream.indirect.gather [hbm4b:s5+s17], $0x10, s1, s17, $0xb8;
	[tilespmem:$0x1C610] =	vst v63  }
0x7b: {  	s7 =	simm.s32 $0x2B80;
	s12 =	simm.s32 $0x15A00  }
0x7c: {  	[tilespmem:s12], [sflag:$0x2] =	stream.indirect.gather [hbm4b:s5+s17], $0x10, s7, s17, $0xb8;
	[tilespmem:$0x1C610] =	vst v63  }
0x7d: {  	s1 =	simm.s32 $0x2C00;
	s2 =	simm.s32 $0x16200  }
0x7e: {  	[tilespmem:s2], [sflag:$0x2] =	stream.indirect.gather [hbm4b:s5+s17], $0x10, s1, s17, $0xb8;
	[tilespmem:$0x1C610] =	vst v63  }
0x7f: {  	s7 =	simm.s32 $0x2C80;
	s12 =	simm.s32 $0x16A00  }
0x80: {  	[tilespmem:s12], [sflag:$0x2] =	stream.indirect.gather [hbm4b:s5+s17], $0x10, s7, s17, $0xb8;
	[tilespmem:$0x1C610] =	vst v63  }
0x81: {  	s1 =	simm.s32 $0x2D00;
	s2 =	simm.s32 $0x17200  }
0x82: {  	[tilespmem:s2], [sflag:$0x2] =	stream.indirect.gather [hbm4b:s5+s17], $0x10, s1, s17, $0xb8;
	[tilespmem:$0x1C610] =	vst v63  }
0x83: {  	s7 =	simm.s32 $0x2D80;
	s12 =	simm.s32 $0x17A00  }
0x84: {  	[tilespmem:s12], [sflag:$0x2] =	stream.indirect.gather [hbm4b:s5+s17], $0x10, s7, s17, $0xb8;
	[tilespmem:$0x1C610] =	vst v63  }
0x85: {  	s2 =	simm.s32 $0x2E00;
	s7 =	simm.s32 $0x18200  }
0x86: {  	[tilespmem:s7], [sflag:$0x2] =	stream.indirect.gather [hbm4b:s5+s17], $0x10, s2, s17, $0xb8;
	[tilespmem:$0x1C610] =	vst v63  }
0x87: {  	s12 =	simm.s32 $0x2E80  }
0x88: {  	[tilespmem:s10], [sflag:$0x2] =	stream.indirect.gather [hbm4b:s5+s17], $0x10, s12, s17, $0xb8;
	[tilespmem:$0x1C610] =	vst v63  }
0x89: {  	_ = 	snop  }
0x8a: {  	[tilespmem:s6], [sflag:$0x2] =	stream.indirect.gather [hbm4b:s5+s17], $0x10, s11, s17, $0xb8;
	[tilespmem:$0x1C610] =	vst v63  }
0x8b: {  	_ = 	snop  }
0x8c: {  	[tilespmem:s13], [sflag:$0x2] =	stream.indirect.gather [hbm4b:s5+s17], $0x10, s3, s17, $0xb8;
	[tilespmem:$0x1C610] =	vst v63  }
0x8d: {  	_ = 	snop  }
0x8e: {  	[tilespmem:s19], [sflag:$0x2] =	stream.indirect.gather [hbm4b:s5+s17], $0x10, s18, s17, $0xb8;
	[tilespmem:$0x1C610] =	vst v63  }
0x8f: {  	p0 =	seq.s32 s31, $0xF;
	s1 =	sshll.u32 s31, $0x1  }
0x90: {  	[tilespmem:s21], [sflag:$0x2] =	stream.indirect.gather [hbm4b:s5+s17], $0x10, s20, s17, $0xb8;
	[tilespmem:$0x1C610] =	vst v63  }
0x91: {  	s0 =	sadd.s32 @!p0 s1, s8  }
0x92: {  	[tilespmem:s15], [sflag:$0x2] =	stream.indirect.gather [hbm4b:s5+s17], $0x10, s14, s17, $0xb8;
	[tilespmem:$0x1C610] =	vst v63  }
0x93: {  	s0 =	sshll.u32 @!p0 s0, $0x1  }
0x94: {  	[tilespmem:s24], [sflag:$0x2] =	stream.indirect.gather [hbm4b:s5+s17], $0x10, s9, s17, $0xb8;
	[tilespmem:$0x1C610] =	vst v63  }
0x95: {  	s0 =	sand.u32 @!p0 $0x1FFFFFFC, s0;
	_ =	swait.ge [sflag:s25], $0xC800  }
0x96: {  	s0 =	sadd.s32 @!p0 s4, s0;
	s2 =	simm.s32 @!p0 $0x10;
	[sflag:s25] =	ssyncset.done $0x0  }
0x97: {  	s7 =	simm.s32 @!p0 $0x0;
	s12 =	simm.s32 @!p0 $0x4000;
	[sflag:s25] =	ssyncadd.s32 $0xFFFF3800  }
0x98: {  	[tilespmem:s7], [sflag:$0x3] =	stream.strided.gather @!p0 [hbm4b:s0+s2], $0xC80, s12, s2, $0x38;
	[tilespmem:$0x1C610] =	vst v63  }
0x99: {  	s0 =	simm.s32 $0x40  }
0x9a: {  	v12 =	vld [tilespmem:s0+$0x3200]  }
0x9b: {  	v14 =	vld [tilespmem:s0+$0x3E80]  }
0x9c: {  	v13 =	vld [tilespmem:s0+$0x3210]  }
0x9d: {  	v15 =	vld [tilespmem:s0+$0x3E90]  }
0x9e: {  	v10 =	vld [tilespmem:s0+$0x3220]  }
0x9f: {  	v11 =	vld [tilespmem:s0+$0x3EA0]  }
0xa0: {  	v28 =	vld [tilespmem:s0+$0x31C0]  }
0xa1: {  	v30 =	vld [tilespmem:s0+$0x3E40]  }
0xa2: {  	v27 =	vld [tilespmem:s0+$0x31D0]  }
0xa3: {  	v29 =	vld [tilespmem:s0+$0x3E50]  }
0xa4: {  	v20 =	vimm.f32 $0.0e+00;
	v21 =	vimm.f32 $0.0e+00;
	v24 =	vld [tilespmem:s0+$0x31E0]  }
0xa5: {  	v22 =	vimm.f32 $0.0e+00;
	v23 =	vimm.f32 $0.0e+00;
	v16 =	vimm.f32 $0.0e+00;
	v25 =	vld [tilespmem:s0+$0x3E60]  }
0xa6: {  	v17 =	vimm.f32 $0.0e+00;
	v18 =	vimm.f32 $0.0e+00;
	v19 =	vimm.f32 $0.0e+00;
	s2 =	simm.s32 $0x300;
	v26 =	vld [tilespmem:s0+$0x31F0]  }
.LBB2_7:
0xa7: {  	p0 =	sne.s32 s2, $0x3100;
	v20 =	vadd.f32 v28, v20;
	v21 =	vadd.f32 v30, v21;
	v28 =	vld [tilespmem:s0+$0x3E70]  }
0xa8: {  	v22 =	vadd.f32 v27, v22;
	v23 =	vadd.f32 v29, v23;
	v27 =	vld [tilespmem:s0+$0x3230]  }
0xa9: {  	v20 =	vadd.f32 v12, v20;
	v21 =	vadd.f32 v14, v21;
	v29 =	vld [tilespmem:s0+$0x3EB0];
	s0 =	sshra.s32 s2, $0x2  }
0xaa: {  	v22 =	vadd.f32 v13, v22;
	v12 =	vld [tilespmem:s0+$0x3200];
	v23 =	vadd.f32 v15, v23  }
0xab: {  	v16 =	vadd.f32 v24, v16;
	v17 =	vadd.f32 v25, v17;
	v14 =	vld [tilespmem:s0+$0x3E80]  }
0xac: {  	v18 =	vadd.f32 v26, v18;
	v13 =	vld [tilespmem:s0+$0x3210];
	v19 =	vadd.f32 v28, v19  }
0xad: {  	v16 =	vadd.f32 v10, v16;
	v17 =	vadd.f32 v11, v17;
	v15 =	vld [tilespmem:s0+$0x3E90]  }
0xae: {  	v18 =	vadd.f32 v27, v18;
	v10 =	vld [tilespmem:s0+$0x3220];
	v19 =	vadd.f32 v29, v19  }
0xaf: {  	v11 =	vld [tilespmem:s0+$0x3EA0]  }
0xb0: {  	v28 =	vld [tilespmem:s0+$0x31C0]  }
0xb1: {  	v30 =	vld [tilespmem:s0+$0x3E40]  }
.Ltmp2:
0xb2: {  	v27 =	vld [tilespmem:s0+$0x31D0];
	(pc) =	sbr.rel @p0 .LBB2_7-.Ltmp2, $4  }
0xb3: {  	v29 =	vld [tilespmem:s0+$0x3E50]  }
0xb4: {  	v24 =	vld [tilespmem:s0+$0x31E0]  }
0xb5: {  	v25 =	vld [tilespmem:s0+$0x3E60]  }
0xb6: {  	s2 =	sadd.s32 $0x200, s2;
	v26 =	vld [tilespmem:s0+$0x31F0]  }
0xb7: {  	v20 =	vadd.f32 v28, v20;
	v21 =	vadd.f32 v30, v21  }
0xb8: {  	v28 =	vld [tilespmem:s0+$0x3E70];
	v22 =	vadd.f32 v27, v22;
	v23 =	vadd.f32 v29, v23  }
0xb9: {  	v12 =	vadd.f32 v12, v20;
	v14 =	vadd.f32 v14, v21  }
0xba: {  	v20 =	vld [tilespmem:s0+$0x3230];
	v13 =	vadd.f32 v13, v22;
	v16 =	vadd.f32 v24, v16  }
0xbb: {  	v21 =	vld [tilespmem:s0+$0x3EB0];
	v15 =	vadd.f32 v15, v23;
	v17 =	vadd.f32 v25, v17  }
0xbc: {  	v18 =	vadd.f32 v26, v18;
	v10 =	vadd.f32 v10, v16  }
0xbd: {  	v12 =	vadd.f32 v13, v12;
	v19 =	vadd.f32 v28, v19  }
0xbe: {  	v11 =	vadd.f32 v11, v17;
	v13 =	vadd.f32 v15, v14  }
0xbf: {  	s0 =	sshll.u32 s31, $0x5;
	v10 =	vadd.f32 v10, v12;
	v14 =	vadd.f32 v20, v18  }
0xc0: {  	v12 =	vadd.f32 v21, v19;
	v11 =	vadd.f32 v11, v13;
	v13 =	vor.u32 s0, v0  }
0xc1: {  	v10 =	vadd.f32 v14, v10;
	v14 =	vor.u32 s0, v2  }
0xc2: {  	v11 =	vadd.f32 v12, v11  }
0xc3: {  	v10 =	vadd.f32 v10, v9  }
0xc4: {  	v11 =	vadd.f32 v11, v9  }
0xc5: {  	[tilespmem:v13+s26+$0x0] =	vst.idx.msk $0x3, v10  }
0xc6: {  	s2 =	simm.s32 $0x0;
	[tilespmem:v14+s26+$0x0] =	vst.idx.msk $0x3, v11  }
0xc7: {  	v13 =	vld [tilespmem:s2+$0x4B40]  }
0xc8: {  	v15 =	vld [tilespmem:s2+$0x57C0]  }
0xc9: {  	v14 =	vld [tilespmem:s2+$0x4B50]  }
0xca: {  	v16 =	vld [tilespmem:s2+$0x57D0]  }
0xcb: {  	v11 =	vld [tilespmem:s2+$0x4B60]  }
0xcc: {  	v12 =	vld [tilespmem:s2+$0x57E0]  }
0xcd: {  	v29 =	vld [tilespmem:s2+$0x4B00]  }
0xce: {  	v31 =	vld [tilespmem:s2+$0x5780]  }
0xcf: {  	v28 =	vld [tilespmem:s2+$0x4B10]  }
0xd0: {  	v30 =	vld [tilespmem:s2+$0x5790]  }
0xd1: {  	v22 =	vimm.f32 $0.0e+00;
	v24 =	vimm.f32 $0.0e+00;
	v23 =	vimm.f32 $0.0e+00;
	v25 =	vld [tilespmem:s2+$0x4B20]  }
0xd2: {  	v17 =	vimm.f32 $0.0e+00;
	v21 =	vimm.f32 $0.0e+00;
	v18 =	vimm.f32 $0.0e+00;
	v26 =	vld [tilespmem:s2+$0x57A0]  }
0xd3: {  	s12 =	simm.s32 $0x200;
	v19 =	vimm.f32 $0.0e+00;
	v20 =	vimm.f32 $0.0e+00;
	v10 =	vmov s0;
	v27 =	vld [tilespmem:s2+$0x4B30]  }
.LBB2_9:
0xd4: {  	p0 =	sne.s32 s12, $0x3000;
	v21 =	vadd.f32 v29, v21;
	v22 =	vadd.f32 v31, v22;
	v29 =	vld [tilespmem:s2+$0x57B0]  }
0xd5: {  	v23 =	vadd.f32 v28, v23;
	v24 =	vadd.f32 v30, v24;
	v28 =	vld [tilespmem:s2+$0x4B70]  }
0xd6: {  	v21 =	vadd.f32 v13, v21;
	v22 =	vadd.f32 v15, v22;
	v30 =	vld [tilespmem:s2+$0x57F0];
	s2 =	sshra.s32 s12, $0x2  }
0xd7: {  	v23 =	vadd.f32 v14, v23;
	v13 =	vld [tilespmem:s2+$0x4B40];
	v24 =	vadd.f32 v16, v24  }
0xd8: {  	v17 =	vadd.f32 v25, v17;
	v18 =	vadd.f32 v26, v18;
	v15 =	vld [tilespmem:s2+$0x57C0]  }
0xd9: {  	v19 =	vadd.f32 v27, v19;
	v14 =	vld [tilespmem:s2+$0x4B50];
	v20 =	vadd.f32 v29, v20  }
0xda: {  	v17 =	vadd.f32 v11, v17;
	v18 =	vadd.f32 v12, v18;
	v16 =	vld [tilespmem:s2+$0x57D0]  }
0xdb: {  	v19 =	vadd.f32 v28, v19;
	v11 =	vld [tilespmem:s2+$0x4B60];
	v20 =	vadd.f32 v30, v20  }
0xdc: {  	v12 =	vld [tilespmem:s2+$0x57E0]  }
0xdd: {  	v29 =	vld [tilespmem:s2+$0x4B00]  }
0xde: {  	v31 =	vld [tilespmem:s2+$0x5780]  }
.Ltmp3:
0xdf: {  	v28 =	vld [tilespmem:s2+$0x4B10];
	(pc) =	sbr.rel @p0 .LBB2_9-.Ltmp3, $4  }
0xe0: {  	v30 =	vld [tilespmem:s2+$0x5790]  }
0xe1: {  	v25 =	vld [tilespmem:s2+$0x4B20]  }
0xe2: {  	v26 =	vld [tilespmem:s2+$0x57A0]  }
0xe3: {  	s12 =	sadd.s32 $0x200, s12;
	v27 =	vld [tilespmem:s2+$0x4B30]  }
0xe4: {  	v21 =	vadd.f32 v29, v21;
	v22 =	vadd.f32 v31, v22  }
0xe5: {  	v29 =	vld [tilespmem:s2+$0x57B0];
	v23 =	vadd.f32 v28, v23;
	v24 =	vadd.f32 v30, v24  }
0xe6: {  	v13 =	vadd.f32 v13, v21;
	v15 =	vadd.f32 v15, v22  }
0xe7: {  	v21 =	vld [tilespmem:s2+$0x4B70];
	v14 =	vadd.f32 v14, v23;
	v17 =	vadd.f32 v25, v17  }
0xe8: {  	v22 =	vld [tilespmem:s2+$0x57F0];
	v16 =	vadd.f32 v16, v24;
	v18 =	vadd.f32 v26, v18  }
0xe9: {  	v19 =	vadd.f32 v27, v19;
	v11 =	vadd.f32 v11, v17  }
0xea: {  	v13 =	vadd.f32 v14, v13;
	v20 =	vadd.f32 v29, v20  }
0xeb: {  	v12 =	vadd.f32 v12, v18;
	v14 =	vadd.f32 v16, v15  }
0xec: {  	v11 =	vadd.f32 v11, v13;
	v15 =	vadd.f32 v21, v19  }
0xed: {  	v13 =	vadd.f32 v22, v20;
	v12 =	vadd.f32 v12, v14;
	v14 =	vor.u32 v3, v10  }
0xee: {  	v11 =	vadd.f32 v15, v11;
	v15 =	vor.u32 v4, v10  }
0xef: {  	v12 =	vadd.f32 v13, v12  }
0xf0: {  	v11 =	vadd.f32 v11, v9  }
0xf1: {  	v12 =	vadd.f32 v12, v9  }
0xf2: {  	[tilespmem:v14+s26+$0x0] =	vst.idx.msk $0x3, v11  }
0xf3: {  	s2 =	simm.s32 $0x0;
	[tilespmem:v15+s26+$0x0] =	vst.idx.msk $0x3, v12  }
0xf4: {  	v13 =	vld [tilespmem:s2+$0x6440]  }
0xf5: {  	v15 =	vld [tilespmem:s2+$0x70C0]  }
0xf6: {  	v14 =	vld [tilespmem:s2+$0x6450]  }
0xf7: {  	v16 =	vld [tilespmem:s2+$0x70D0]  }
0xf8: {  	v11 =	vld [tilespmem:s2+$0x6460]  }
0xf9: {  	v12 =	vld [tilespmem:s2+$0x70E0]  }
0xfa: {  	v29 =	vld [tilespmem:s2+$0x6400]  }
0xfb: {  	v31 =	vld [tilespmem:s2+$0x7080]  }
0xfc: {  	v28 =	vld [tilespmem:s2+$0x6410]  }
0xfd: {  	v30 =	vld [tilespmem:s2+$0x7090]  }
0xfe: {  	v23 =	vimm.f32 $0.0e+00;
	v24 =	vimm.f32 $0.0e+00;
	v25 =	vld [tilespmem:s2+$0x6420]  }
0xff: {  	v17 =	vimm.f32 $0.0e+00;
	v18 =	vimm.f32 $0.0e+00;
	v21 =	vimm.f32 $0.0e+00;
	v26 =	vld [tilespmem:s2+$0x70A0]  }
0x100: {  	s12 =	simm.s32 $0x200;
	v22 =	vimm.f32 $0.0e+00;
	v19 =	vimm.f32 $0.0e+00;
	v20 =	vimm.f32 $0.0e+00;
	v27 =	vld [tilespmem:s2+$0x6430]  }
.LBB2_11:
0x101: {  	p0 =	sne.s32 s12, $0x3000;
	v21 =	vadd.f32 v29, v21;
	v22 =	vadd.f32 v31, v22;
	v29 =	vld [tilespmem:s2+$0x70B0]  }
0x102: {  	v23 =	vadd.f32 v28, v23;
	v24 =	vadd.f32 v30, v24;
	v28 =	vld [tilespmem:s2+$0x6470]  }
0x103: {  	v21 =	vadd.f32 v13, v21;
	v22 =	vadd.f32 v15, v22;
	v30 =	vld [tilespmem:s2+$0x70F0];
	s2 =	sshra.s32 s12, $0x2  }
0x104: {  	v23 =	vadd.f32 v14, v23;
	v13 =	vld [tilespmem:s2+$0x6440];
	v24 =	vadd.f32 v16, v24  }
0x105: {  	v17 =	vadd.f32 v25, v17;
	v18 =	vadd.f32 v26, v18;
	v15 =	vld [tilespmem:s2+$0x70C0]  }
0x106: {  	v19 =	vadd.f32 v27, v19;
	v14 =	vld [tilespmem:s2+$0x6450];
	v20 =	vadd.f32 v29, v20  }
0x107: {  	v17 =	vadd.f32 v11, v17;
	v18 =	vadd.f32 v12, v18;
	v16 =	vld [tilespmem:s2+$0x70D0]  }
0x108: {  	v19 =	vadd.f32 v28, v19;
	v11 =	vld [tilespmem:s2+$0x6460];
	v20 =	vadd.f32 v30, v20  }
0x109: {  	v12 =	vld [tilespmem:s2+$0x70E0]  }
0x10a: {  	v29 =	vld [tilespmem:s2+$0x6400]  }
0x10b: {  	v31 =	vld [tilespmem:s2+$0x7080]  }
.Ltmp4:
0x10c: {  	v28 =	vld [tilespmem:s2+$0x6410];
	(pc) =	sbr.rel @p0 .LBB2_11-.Ltmp4, $4  }
0x10d: {  	v30 =	vld [tilespmem:s2+$0x7090]  }
0x10e: {  	v25 =	vld [tilespmem:s2+$0x6420]  }
0x10f: {  	v26 =	vld [tilespmem:s2+$0x70A0]  }
0x110: {  	s12 =	sadd.s32 $0x200, s12;
	v27 =	vld [tilespmem:s2+$0x6430]  }
0x111: {  	v21 =	vadd.f32 v29, v21;
	v22 =	vadd.f32 v31, v22  }
0x112: {  	v29 =	vld [tilespmem:s2+$0x70B0];
	v23 =	vadd.f32 v28, v23;
	v24 =	vadd.f32 v30, v24  }
0x113: {  	v13 =	vadd.f32 v13, v21;
	v15 =	vadd.f32 v15, v22  }
0x114: {  	v21 =	vld [tilespmem:s2+$0x6470];
	v14 =	vadd.f32 v14, v23;
	v17 =	vadd.f32 v25, v17  }
0x115: {  	v22 =	vld [tilespmem:s2+$0x70F0];
	v16 =	vadd.f32 v16, v24;
	v18 =	vadd.f32 v26, v18  }
0x116: {  	v19 =	vadd.f32 v27, v19;
	v11 =	vadd.f32 v11, v17  }
0x117: {  	v13 =	vadd.f32 v14, v13;
	v20 =	vadd.f32 v29, v20  }
0x118: {  	v12 =	vadd.f32 v12, v18;
	v14 =	vadd.f32 v16, v15  }
0x119: {  	v11 =	vadd.f32 v11, v13;
	v15 =	vadd.f32 v21, v19  }
0x11a: {  	v13 =	vadd.f32 v22, v20;
	v12 =	vadd.f32 v12, v14;
	v14 =	vor.u32 v5, v10  }
0x11b: {  	v11 =	vadd.f32 v15, v11;
	v15 =	vor.u32 v6, v10  }
0x11c: {  	v12 =	vadd.f32 v13, v12  }
0x11d: {  	v11 =	vadd.f32 v11, v9  }
0x11e: {  	v12 =	vadd.f32 v12, v9  }
0x11f: {  	[tilespmem:v14+s26+$0x0] =	vst.idx.msk $0x3, v11  }
0x120: {  	s2 =	simm.s32 $0x0;
	[tilespmem:v15+s26+$0x0] =	vst.idx.msk $0x3, v12  }
0x121: {  	v13 =	vld [tilespmem:s2+$0x7D40]  }
0x122: {  	v15 =	vld [tilespmem:s2+$0x89C0]  }
0x123: {  	v14 =	vld [tilespmem:s2+$0x7D50]  }
0x124: {  	v16 =	vld [tilespmem:s2+$0x89D0]  }
0x125: {  	v11 =	vld [tilespmem:s2+$0x7D60]  }
0x126: {  	v12 =	vld [tilespmem:s2+$0x89E0]  }
0x127: {  	v29 =	vld [tilespmem:s2+$0x7D00]  }
0x128: {  	v31 =	vld [tilespmem:s2+$0x8980]  }
0x129: {  	v28 =	vld [tilespmem:s2+$0x7D10]  }
0x12a: {  	v30 =	vld [tilespmem:s2+$0x8990]  }
0x12b: {  	v23 =	vimm.f32 $0.0e+00;
	v24 =	vimm.f32 $0.0e+00;
	v25 =	vld [tilespmem:s2+$0x7D20]  }
0x12c: {  	v17 =	vimm.f32 $0.0e+00;
	v18 =	vimm.f32 $0.0e+00;
	v21 =	vimm.f32 $0.0e+00;
	v26 =	vld [tilespmem:s2+$0x89A0]  }
0x12d: {  	s12 =	simm.s32 $0x200;
	v22 =	vimm.f32 $0.0e+00;
	v19 =	vimm.f32 $0.0e+00;
	v20 =	vimm.f32 $0.0e+00;
	v27 =	vld [tilespmem:s2+$0x7D30]  }
.LBB2_13:
0x12e: {  	p0 =	sne.s32 s12, $0x3000;
	v21 =	vadd.f32 v29, v21;
	v22 =	vadd.f32 v31, v22;
	v29 =	vld [tilespmem:s2+$0x89B0]  }
0x12f: {  	v23 =	vadd.f32 v28, v23;
	v24 =	vadd.f32 v30, v24;
	v28 =	vld [tilespmem:s2+$0x7D70]  }
0x130: {  	v21 =	vadd.f32 v13, v21;
	v22 =	vadd.f32 v15, v22;
	v30 =	vld [tilespmem:s2+$0x89F0];
	s2 =	sshra.s32 s12, $0x2  }
0x131: {  	v23 =	vadd.f32 v14, v23;
	v13 =	vld [tilespmem:s2+$0x7D40];
	v24 =	vadd.f32 v16, v24  }
0x132: {  	v17 =	vadd.f32 v25, v17;
	v18 =	vadd.f32 v26, v18;
	v15 =	vld [tilespmem:s2+$0x89C0]  }
0x133: {  	v19 =	vadd.f32 v27, v19;
	v14 =	vld [tilespmem:s2+$0x7D50];
	v20 =	vadd.f32 v29, v20  }
0x134: {  	v17 =	vadd.f32 v11, v17;
	v18 =	vadd.f32 v12, v18;
	v16 =	vld [tilespmem:s2+$0x89D0]  }
0x135: {  	v19 =	vadd.f32 v28, v19;
	v11 =	vld [tilespmem:s2+$0x7D60];
	v20 =	vadd.f32 v30, v20  }
0x136: {  	v12 =	vld [tilespmem:s2+$0x89E0]  }
0x137: {  	v29 =	vld [tilespmem:s2+$0x7D00]  }
0x138: {  	v31 =	vld [tilespmem:s2+$0x8980]  }
.Ltmp5:
0x139: {  	v28 =	vld [tilespmem:s2+$0x7D10];
	(pc) =	sbr.rel @p0 .LBB2_13-.Ltmp5, $4  }
0x13a: {  	v30 =	vld [tilespmem:s2+$0x8990]  }
0x13b: {  	v25 =	vld [tilespmem:s2+$0x7D20]  }
0x13c: {  	v26 =	vld [tilespmem:s2+$0x89A0]  }
0x13d: {  	s12 =	sadd.s32 $0x200, s12;
	v27 =	vld [tilespmem:s2+$0x7D30]  }
0x13e: {  	v21 =	vadd.f32 v29, v21;
	v22 =	vadd.f32 v31, v22  }
0x13f: {  	v29 =	vld [tilespmem:s2+$0x89B0];
	v23 =	vadd.f32 v28, v23;
	v24 =	vadd.f32 v30, v24  }
0x140: {  	v13 =	vadd.f32 v13, v21;
	v15 =	vadd.f32 v15, v22  }
0x141: {  	v21 =	vld [tilespmem:s2+$0x7D70];
	v14 =	vadd.f32 v14, v23;
	v17 =	vadd.f32 v25, v17  }
0x142: {  	v22 =	vld [tilespmem:s2+$0x89F0];
	v16 =	vadd.f32 v16, v24;
	v18 =	vadd.f32 v26, v18  }
0x143: {  	v19 =	vadd.f32 v27, v19;
	v11 =	vadd.f32 v11, v17  }
0x144: {  	v13 =	vadd.f32 v14, v13;
	v20 =	vadd.f32 v29, v20  }
0x145: {  	v12 =	vadd.f32 v12, v18;
	v14 =	vadd.f32 v16, v15  }
0x146: {  	v11 =	vadd.f32 v11, v13;
	v15 =	vadd.f32 v21, v19  }
0x147: {  	v13 =	vadd.f32 v22, v20;
	v12 =	vadd.f32 v12, v14;
	v14 =	vor.u32 v7, v10  }
0x148: {  	v10 =	vor.u32 v8, v10;
	v11 =	vadd.f32 v15, v11  }
0x149: {  	v12 =	vadd.f32 v13, v12  }
0x14a: {  	v11 =	vadd.f32 v11, v9  }
0x14b: {  	v12 =	vadd.f32 v12, v9  }
0x14c: {  	[tilespmem:v14+s26+$0x0] =	vst.idx.msk $0x3, v11  }
0x14d: {  	s2 =	simm.s32 $0x0;
	[tilespmem:v10+s26+$0x0] =	vst.idx.msk $0x3, v12  }
0x14e: {  	v12 =	vld [tilespmem:s2+$0x9640]  }
0x14f: {  	v14 =	vld [tilespmem:s2+$0xA2C0]  }
0x150: {  	v13 =	vld [tilespmem:s2+$0x9650]  }
0x151: {  	v15 =	vld [tilespmem:s2+$0xA2D0]  }
0x152: {  	v10 =	vld [tilespmem:s2+$0x9660]  }
0x153: {  	v11 =	vld [tilespmem:s2+$0xA2E0]  }
0x154: {  	v28 =	vld [tilespmem:s2+$0x9600]  }
0x155: {  	v30 =	vld [tilespmem:s2+$0xA280]  }
0x156: {  	v27 =	vld [tilespmem:s2+$0x9610]  }
0x157: {  	v29 =	vld [tilespmem:s2+$0xA290]  }
0x158: {  	v23 =	vimm.f32 $0.0e+00;
	v17 =	vimm.f32 $0.0e+00;
	v24 =	vld [tilespmem:s2+$0x9620]  }
0x159: {  	v16 =	vimm.f32 $0.0e+00;
	v18 =	vimm.f32 $0.0e+00;
	v20 =	vimm.f32 $0.0e+00;
	v25 =	vld [tilespmem:s2+$0xA2A0]  }
0x15a: {  	s12 =	simm.s32 $0x200;
	v21 =	vimm.f32 $0.0e+00;
	v22 =	vimm.f32 $0.0e+00;
	v19 =	vimm.f32 $0.0e+00;
	v26 =	vld [tilespmem:s2+$0x9630]  }
.LBB2_15:
0x15b: {  	p0 =	sne.s32 s12, $0x3000;
	v20 =	vadd.f32 v28, v20;
	v21 =	vadd.f32 v30, v21;
	v28 =	vld [tilespmem:s2+$0xA2B0]  }
0x15c: {  	v22 =	vadd.f32 v27, v22;
	v23 =	vadd.f32 v29, v23;
	v27 =	vld [tilespmem:s2+$0x9670]  }
0x15d: {  	v20 =	vadd.f32 v12, v20;
	v21 =	vadd.f32 v14, v21;
	v29 =	vld [tilespmem:s2+$0xA2F0];
	s2 =	sshra.s32 s12, $0x2  }
0x15e: {  	v22 =	vadd.f32 v13, v22;
	v12 =	vld [tilespmem:s2+$0x9640];
	v23 =	vadd.f32 v15, v23  }
0x15f: {  	v16 =	vadd.f32 v24, v16;
	v17 =	vadd.f32 v25, v17;
	v14 =	vld [tilespmem:s2+$0xA2C0]  }
0x160: {  	v18 =	vadd.f32 v26, v18;
	v13 =	vld [tilespmem:s2+$0x9650];
	v19 =	vadd.f32 v28, v19  }
0x161: {  	v16 =	vadd.f32 v10, v16;
	v17 =	vadd.f32 v11, v17;
	v15 =	vld [tilespmem:s2+$0xA2D0]  }
0x162: {  	v18 =	vadd.f32 v27, v18;
	v10 =	vld [tilespmem:s2+$0x9660];
	v19 =	vadd.f32 v29, v19  }
0x163: {  	v11 =	vld [tilespmem:s2+$0xA2E0]  }
0x164: {  	v28 =	vld [tilespmem:s2+$0x9600]  }
0x165: {  	v30 =	vld [tilespmem:s2+$0xA280]  }
.Ltmp6:
0x166: {  	v27 =	vld [tilespmem:s2+$0x9610];
	(pc) =	sbr.rel @p0 .LBB2_15-.Ltmp6, $4  }
0x167: {  	v29 =	vld [tilespmem:s2+$0xA290]  }
0x168: {  	v24 =	vld [tilespmem:s2+$0x9620]  }
0x169: {  	v25 =	vld [tilespmem:s2+$0xA2A0]  }
0x16a: {  	s12 =	sadd.s32 $0x200, s12;
	v26 =	vld [tilespmem:s2+$0x9630]  }
0x16b: {  	v20 =	vadd.f32 v28, v20;
	v21 =	vadd.f32 v30, v21  }
0x16c: {  	v28 =	vld [tilespmem:s2+$0xA2B0];
	v22 =	vadd.f32 v27, v22;
	v23 =	vadd.f32 v29, v23  }
0x16d: {  	v12 =	vadd.f32 v12, v20;
	v14 =	vadd.f32 v14, v21  }
0x16e: {  	v20 =	vld [tilespmem:s2+$0x9670];
	v13 =	vadd.f32 v13, v22;
	v16 =	vadd.f32 v24, v16  }
0x16f: {  	v21 =	vld [tilespmem:s2+$0xA2F0];
	v15 =	vadd.f32 v15, v23;
	v17 =	vadd.f32 v25, v17  }
0x170: {  	v18 =	vadd.f32 v26, v18;
	v10 =	vadd.f32 v10, v16  }
0x171: {  	v12 =	vadd.f32 v13, v12;
	v19 =	vadd.f32 v28, v19  }
0x172: {  	v11 =	vadd.f32 v11, v17;
	v13 =	vadd.f32 v15, v14  }
0x173: {  	s12 =	sor.u32 $0x8, s0;
	v10 =	vadd.f32 v10, v12;
	v14 =	vadd.f32 v20, v18  }
0x174: {  	v12 =	vadd.f32 v21, v19;
	v11 =	vadd.f32 v11, v13;
	v13 =	vor.u32 s12, v0  }
0x175: {  	v10 =	vadd.f32 v14, v10;
	v14 =	vor.u32 s12, v2  }
0x176: {  	v11 =	vadd.f32 v12, v11  }
0x177: {  	v10 =	vadd.f32 v10, v9  }
0x178: {  	v11 =	vadd.f32 v11, v9  }
0x179: {  	[tilespmem:v13+s26+$0x0] =	vst.idx.msk $0x3, v10  }
0x17a: {  	s2 =	simm.s32 $0x0;
	[tilespmem:v14+s26+$0x0] =	vst.idx.msk $0x3, v11  }
0x17b: {  	v12 =	vld [tilespmem:s2+$0xAF40]  }
0x17c: {  	v14 =	vld [tilespmem:s2+$0xBBC0]  }
0x17d: {  	v13 =	vld [tilespmem:s2+$0xAF50]  }
0x17e: {  	v15 =	vld [tilespmem:s2+$0xBBD0]  }
0x17f: {  	v10 =	vld [tilespmem:s2+$0xAF60]  }
0x180: {  	v11 =	vld [tilespmem:s2+$0xBBE0]  }
0x181: {  	v28 =	vld [tilespmem:s2+$0xAF00]  }
0x182: {  	v30 =	vld [tilespmem:s2+$0xBB80]  }
0x183: {  	v27 =	vld [tilespmem:s2+$0xAF10]  }
0x184: {  	v29 =	vld [tilespmem:s2+$0xBB90]  }
0x185: {  	v22 =	vimm.f32 $0.0e+00;
	v23 =	vimm.f32 $0.0e+00;
	v24 =	vld [tilespmem:s2+$0xAF20]  }
0x186: {  	v16 =	vimm.f32 $0.0e+00;
	v17 =	vimm.f32 $0.0e+00;
	v20 =	vimm.f32 $0.0e+00;
	v25 =	vld [tilespmem:s2+$0xBBA0]  }
0x187: {  	v21 =	vimm.f32 $0.0e+00;
	v18 =	vimm.f32 $0.0e+00;
	v19 =	vimm.f32 $0.0e+00;
	s12 =	simm.s32 $0x200;
	v26 =	vld [tilespmem:s2+$0xAF30]  }
.LBB2_17:
0x188: {  	p0 =	sne.s32 s12, $0x3000;
	v20 =	vadd.f32 v28, v20;
	v21 =	vadd.f32 v30, v21;
	v28 =	vld [tilespmem:s2+$0xBBB0]  }
0x189: {  	v22 =	vadd.f32 v27, v22;
	v23 =	vadd.f32 v29, v23;
	v27 =	vld [tilespmem:s2+$0xAF70]  }
0x18a: {  	v20 =	vadd.f32 v12, v20;
	v21 =	vadd.f32 v14, v21;
	v29 =	vld [tilespmem:s2+$0xBBF0];
	s2 =	sshra.s32 s12, $0x2  }
0x18b: {  	v22 =	vadd.f32 v13, v22;
	v12 =	vld [tilespmem:s2+$0xAF40];
	v23 =	vadd.f32 v15, v23  }
0x18c: {  	v16 =	vadd.f32 v24, v16;
	v17 =	vadd.f32 v25, v17;
	v14 =	vld [tilespmem:s2+$0xBBC0]  }
0x18d: {  	v18 =	vadd.f32 v26, v18;
	v13 =	vld [tilespmem:s2+$0xAF50];
	v19 =	vadd.f32 v28, v19  }
0x18e: {  	v16 =	vadd.f32 v10, v16;
	v17 =	vadd.f32 v11, v17;
	v15 =	vld [tilespmem:s2+$0xBBD0]  }
0x18f: {  	v18 =	vadd.f32 v27, v18;
	v10 =	vld [tilespmem:s2+$0xAF60];
	v19 =	vadd.f32 v29, v19  }
0x190: {  	v11 =	vld [tilespmem:s2+$0xBBE0]  }
0x191: {  	v28 =	vld [tilespmem:s2+$0xAF00]  }
0x192: {  	v30 =	vld [tilespmem:s2+$0xBB80]  }
.Ltmp7:
0x193: {  	v27 =	vld [tilespmem:s2+$0xAF10];
	(pc) =	sbr.rel @p0 .LBB2_17-.Ltmp7, $4  }
0x194: {  	v29 =	vld [tilespmem:s2+$0xBB90]  }
0x195: {  	v24 =	vld [tilespmem:s2+$0xAF20]  }
0x196: {  	v25 =	vld [tilespmem:s2+$0xBBA0]  }
0x197: {  	s12 =	sadd.s32 $0x200, s12;
	v26 =	vld [tilespmem:s2+$0xAF30]  }
0x198: {  	v20 =	vadd.f32 v28, v20;
	v21 =	vadd.f32 v30, v21  }
0x199: {  	v28 =	vld [tilespmem:s2+$0xBBB0];
	v22 =	vadd.f32 v27, v22;
	v23 =	vadd.f32 v29, v23  }
0x19a: {  	v12 =	vadd.f32 v12, v20;
	v14 =	vadd.f32 v14, v21  }
0x19b: {  	v20 =	vld [tilespmem:s2+$0xAF70];
	v13 =	vadd.f32 v13, v22;
	v16 =	vadd.f32 v24, v16  }
0x19c: {  	v21 =	vld [tilespmem:s2+$0xBBF0];
	v15 =	vadd.f32 v15, v23;
	v17 =	vadd.f32 v25, v17  }
0x19d: {  	v18 =	vadd.f32 v26, v18;
	v10 =	vadd.f32 v10, v16  }
0x19e: {  	v12 =	vadd.f32 v13, v12;
	v19 =	vadd.f32 v28, v19  }
0x19f: {  	v11 =	vadd.f32 v11, v17;
	v13 =	vadd.f32 v15, v14  }
0x1a0: {  	s12 =	sor.u32 $0xA, s0;
	v10 =	vadd.f32 v10, v12;
	v14 =	vadd.f32 v20, v18  }
0x1a1: {  	v12 =	vadd.f32 v21, v19;
	v11 =	vadd.f32 v11, v13;
	v13 =	vor.u32 s12, v3  }
0x1a2: {  	v10 =	vadd.f32 v14, v10;
	v14 =	vor.u32 s12, v4  }
0x1a3: {  	v11 =	vadd.f32 v12, v11  }
0x1a4: {  	v10 =	vadd.f32 v10, v9  }
0x1a5: {  	v11 =	vadd.f32 v11, v9  }
0x1a6: {  	[tilespmem:v13+s26+$0x0] =	vst.idx.msk $0x3, v10  }
0x1a7: {  	s2 =	simm.s32 $0x0;
	[tilespmem:v14+s26+$0x0] =	vst.idx.msk $0x3, v11  }
0x1a8: {  	v12 =	vld [tilespmem:s2+$0xC840]  }
0x1a9: {  	v14 =	vld [tilespmem:s2+$0xD4C0]  }
0x1aa: {  	v13 =	vld [tilespmem:s2+$0xC850]  }
0x1ab: {  	v15 =	vld [tilespmem:s2+$0xD4D0]  }
0x1ac: {  	v10 =	vld [tilespmem:s2+$0xC860]  }
0x1ad: {  	v11 =	vld [tilespmem:s2+$0xD4E0]  }
0x1ae: {  	v28 =	vld [tilespmem:s2+$0xC800]  }
0x1af: {  	v30 =	vld [tilespmem:s2+$0xD480]  }
0x1b0: {  	v27 =	vld [tilespmem:s2+$0xC810]  }
0x1b1: {  	v29 =	vld [tilespmem:s2+$0xD490]  }
0x1b2: {  	v22 =	vimm.f32 $0.0e+00;
	v23 =	vimm.f32 $0.0e+00;
	v24 =	vld [tilespmem:s2+$0xC820]  }
0x1b3: {  	v16 =	vimm.f32 $0.0e+00;
	v17 =	vimm.f32 $0.0e+00;
	v20 =	vimm.f32 $0.0e+00;
	v25 =	vld [tilespmem:s2+$0xD4A0]  }
0x1b4: {  	v21 =	vimm.f32 $0.0e+00;
	v18 =	vimm.f32 $0.0e+00;
	v19 =	vimm.f32 $0.0e+00;
	s12 =	simm.s32 $0x200;
	v26 =	vld [tilespmem:s2+$0xC830]  }
.LBB2_19:
0x1b5: {  	p0 =	sne.s32 s12, $0x3000;
	v20 =	vadd.f32 v28, v20;
	v21 =	vadd.f32 v30, v21;
	v28 =	vld [tilespmem:s2+$0xD4B0]  }
0x1b6: {  	v22 =	vadd.f32 v27, v22;
	v23 =	vadd.f32 v29, v23;
	v27 =	vld [tilespmem:s2+$0xC870]  }
0x1b7: {  	v20 =	vadd.f32 v12, v20;
	v21 =	vadd.f32 v14, v21;
	v29 =	vld [tilespmem:s2+$0xD4F0];
	s2 =	sshra.s32 s12, $0x2  }
0x1b8: {  	v22 =	vadd.f32 v13, v22;
	v12 =	vld [tilespmem:s2+$0xC840];
	v23 =	vadd.f32 v15, v23  }
0x1b9: {  	v16 =	vadd.f32 v24, v16;
	v17 =	vadd.f32 v25, v17;
	v14 =	vld [tilespmem:s2+$0xD4C0]  }
0x1ba: {  	v18 =	vadd.f32 v26, v18;
	v13 =	vld [tilespmem:s2+$0xC850];
	v19 =	vadd.f32 v28, v19  }
0x1bb: {  	v16 =	vadd.f32 v10, v16;
	v17 =	vadd.f32 v11, v17;
	v15 =	vld [tilespmem:s2+$0xD4D0]  }
0x1bc: {  	v18 =	vadd.f32 v27, v18;
	v10 =	vld [tilespmem:s2+$0xC860];
	v19 =	vadd.f32 v29, v19  }
0x1bd: {  	v11 =	vld [tilespmem:s2+$0xD4E0]  }
0x1be: {  	v28 =	vld [tilespmem:s2+$0xC800]  }
0x1bf: {  	v30 =	vld [tilespmem:s2+$0xD480]  }
.Ltmp8:
0x1c0: {  	v27 =	vld [tilespmem:s2+$0xC810];
	(pc) =	sbr.rel @p0 .LBB2_19-.Ltmp8, $4  }
0x1c1: {  	v29 =	vld [tilespmem:s2+$0xD490]  }
0x1c2: {  	v24 =	vld [tilespmem:s2+$0xC820]  }
0x1c3: {  	v25 =	vld [tilespmem:s2+$0xD4A0]  }
0x1c4: {  	s12 =	sadd.s32 $0x200, s12;
	v26 =	vld [tilespmem:s2+$0xC830]  }
0x1c5: {  	v20 =	vadd.f32 v28, v20;
	v21 =	vadd.f32 v30, v21  }
0x1c6: {  	v28 =	vld [tilespmem:s2+$0xD4B0];
	v22 =	vadd.f32 v27, v22;
	v23 =	vadd.f32 v29, v23  }
0x1c7: {  	v12 =	vadd.f32 v12, v20;
	v14 =	vadd.f32 v14, v21  }
0x1c8: {  	v20 =	vld [tilespmem:s2+$0xC870];
	v13 =	vadd.f32 v13, v22;
	v16 =	vadd.f32 v24, v16  }
0x1c9: {  	v21 =	vld [tilespmem:s2+$0xD4F0];
	v15 =	vadd.f32 v15, v23;
	v17 =	vadd.f32 v25, v17  }
0x1ca: {  	v18 =	vadd.f32 v26, v18;
	v10 =	vadd.f32 v10, v16  }
0x1cb: {  	v12 =	vadd.f32 v13, v12;
	v19 =	vadd.f32 v28, v19  }
0x1cc: {  	v11 =	vadd.f32 v11, v17;
	v13 =	vadd.f32 v15, v14  }
0x1cd: {  	s12 =	sor.u32 $0xC, s0;
	v10 =	vadd.f32 v10, v12;
	v14 =	vadd.f32 v20, v18  }
0x1ce: {  	v12 =	vadd.f32 v21, v19;
	v11 =	vadd.f32 v11, v13;
	v13 =	vor.u32 s12, v5  }
0x1cf: {  	v10 =	vadd.f32 v14, v10;
	v14 =	vor.u32 s12, v6  }
0x1d0: {  	v11 =	vadd.f32 v12, v11  }
0x1d1: {  	v10 =	vadd.f32 v10, v9  }
0x1d2: {  	v11 =	vadd.f32 v11, v9  }
0x1d3: {  	[tilespmem:v13+s26+$0x0] =	vst.idx.msk $0x3, v10  }
0x1d4: {  	s2 =	simm.s32 $0x0;
	[tilespmem:v14+s26+$0x0] =	vst.idx.msk $0x3, v11  }
0x1d5: {  	v12 =	vld [tilespmem:s2+$0xE140]  }
0x1d6: {  	v14 =	vld [tilespmem:s2+$0xEDC0]  }
0x1d7: {  	v13 =	vld [tilespmem:s2+$0xE150]  }
0x1d8: {  	v15 =	vld [tilespmem:s2+$0xEDD0]  }
0x1d9: {  	v10 =	vld [tilespmem:s2+$0xE160]  }
0x1da: {  	v11 =	vld [tilespmem:s2+$0xEDE0]  }
0x1db: {  	v28 =	vld [tilespmem:s2+$0xE100]  }
0x1dc: {  	v30 =	vld [tilespmem:s2+$0xED80]  }
0x1dd: {  	v27 =	vld [tilespmem:s2+$0xE110]  }
0x1de: {  	v29 =	vld [tilespmem:s2+$0xED90]  }
0x1df: {  	v22 =	vimm.f32 $0.0e+00;
	v23 =	vimm.f32 $0.0e+00;
	v24 =	vld [tilespmem:s2+$0xE120]  }
0x1e0: {  	v16 =	vimm.f32 $0.0e+00;
	v17 =	vimm.f32 $0.0e+00;
	v20 =	vimm.f32 $0.0e+00;
	v25 =	vld [tilespmem:s2+$0xEDA0]  }
0x1e1: {  	v21 =	vimm.f32 $0.0e+00;
	v18 =	vimm.f32 $0.0e+00;
	v19 =	vimm.f32 $0.0e+00;
	s12 =	simm.s32 $0x200;
	v26 =	vld [tilespmem:s2+$0xE130]  }
.LBB2_21:
0x1e2: {  	p0 =	sne.s32 s12, $0x3000;
	v20 =	vadd.f32 v28, v20;
	v21 =	vadd.f32 v30, v21;
	v28 =	vld [tilespmem:s2+$0xEDB0]  }
0x1e3: {  	v22 =	vadd.f32 v27, v22;
	v23 =	vadd.f32 v29, v23;
	v27 =	vld [tilespmem:s2+$0xE170]  }
0x1e4: {  	v20 =	vadd.f32 v12, v20;
	v21 =	vadd.f32 v14, v21;
	v29 =	vld [tilespmem:s2+$0xEDF0];
	s2 =	sshra.s32 s12, $0x2  }
0x1e5: {  	v22 =	vadd.f32 v13, v22;
	v12 =	vld [tilespmem:s2+$0xE140];
	v23 =	vadd.f32 v15, v23  }
0x1e6: {  	v16 =	vadd.f32 v24, v16;
	v17 =	vadd.f32 v25, v17;
	v14 =	vld [tilespmem:s2+$0xEDC0]  }
0x1e7: {  	v18 =	vadd.f32 v26, v18;
	v13 =	vld [tilespmem:s2+$0xE150];
	v19 =	vadd.f32 v28, v19  }
0x1e8: {  	v16 =	vadd.f32 v10, v16;
	v17 =	vadd.f32 v11, v17;
	v15 =	vld [tilespmem:s2+$0xEDD0]  }
0x1e9: {  	v18 =	vadd.f32 v27, v18;
	v10 =	vld [tilespmem:s2+$0xE160];
	v19 =	vadd.f32 v29, v19  }
0x1ea: {  	v11 =	vld [tilespmem:s2+$0xEDE0]  }
0x1eb: {  	v28 =	vld [tilespmem:s2+$0xE100]  }
0x1ec: {  	v30 =	vld [tilespmem:s2+$0xED80]  }
.Ltmp9:
0x1ed: {  	v27 =	vld [tilespmem:s2+$0xE110];
	(pc) =	sbr.rel @p0 .LBB2_21-.Ltmp9, $4  }
0x1ee: {  	v29 =	vld [tilespmem:s2+$0xED90]  }
0x1ef: {  	v24 =	vld [tilespmem:s2+$0xE120]  }
0x1f0: {  	v25 =	vld [tilespmem:s2+$0xEDA0]  }
0x1f1: {  	s12 =	sadd.s32 $0x200, s12;
	v26 =	vld [tilespmem:s2+$0xE130]  }
0x1f2: {  	v20 =	vadd.f32 v28, v20;
	v21 =	vadd.f32 v30, v21  }
0x1f3: {  	v56 =	vld [tilespmem:s2+$0xEDB0];
	v22 =	vadd.f32 v27, v22;
	v23 =	vadd.f32 v29, v23  }
0x1f4: {  	v12 =	vadd.f32 v12, v20;
	v14 =	vadd.f32 v14, v21  }
0x1f5: {  	v57 =	vld [tilespmem:s2+$0xE170];
	v13 =	vadd.f32 v13, v22;
	v16 =	vadd.f32 v24, v16  }
0x1f6: {  	v58 =	vld [tilespmem:s2+$0xEDF0];
	v15 =	vadd.f32 v15, v23;
	v17 =	vadd.f32 v25, v17  }
0x1f7: {  	v18 =	vadd.f32 v26, v18;
	v10 =	vadd.f32 v10, v16  }
0x1f8: {  	v12 =	vadd.f32 v13, v12;
	v19 =	vadd.f32 v56, v19  }
0x1f9: {  	v11 =	vadd.f32 v11, v17;
	v59 =	vadd.f32 v15, v14  }
0x1fa: {  	s12 =	sor.u32 $0xE, s0;
	v60 =	vadd.f32 v57, v18;
	v10 =	vadd.f32 v10, v12  }
0x1fb: {  	v62 =	vor.u32 s12, v7;
	v61 =	vadd.f32 v58, v19;
	v11 =	vadd.f32 v11, v59  }
0x1fc: {  	p0 =	sne.s32 s31, $0xF;
	v63 =	vor.u32 s12, v8;
	v10 =	vadd.f32 v60, v10  }
.Ltmp10:
0x1fd: {  	v11 =	vadd.f32 v61, v11;
	(pc) =	sbr.rel @p0 .LBB2_24-.Ltmp10, $4  }
0x1fe: {  	v10 =	vadd.f32 v10, v9  }
0x1ff: {  	v11 =	vadd.f32 v11, v9  }
0x200: {  	[tilespmem:v62+s26+$0x0] =	vst.idx.msk $0x3, v10  }
0x201: {  	[tilespmem:v63+s26+$0x0] =	vst.idx.msk $0x3, v11  }
.Ltmp11:
0x202: {  	(pc) =	sbr.rel .LBB2_27-.Ltmp11, $4  }
0x203: {  	_ = 	snop  }
0x204: {  	_ =	swait.ge [sflag:s28], $0xC800  }
0x205: {  	[sflag:s28] =	ssyncset.done $0x0  }
0x206: {  	[sflag:s28] =	ssyncadd.s32 $0xFFFF3800  }
.LBB2_24:
0x207: {  	_ =	swait.ge [sflag:s29], $0xC80  }
0x208: {  	[sflag:s29] =	ssyncset.done $0x0  }
0x209: {  	s2 =	simm.s32 $0x0;
	[sflag:s29] =	ssyncadd.s32 $0xFFFFF380  }
0x20a: {  	s12 =	simm.s32 $0x1;
	v10 =	vadd.s32 s2, v1;
	v11 =	vld [tilespmem:s2+$0x0]  }
.LBB2_25:
0x20b: {  	p0 =	sne.s32 s12, $0xC7  }
.Ltmp12:
0x20c: {  	_ = 	snop;
	(pc) =	sbr.rel @p0 .LBB2_25-.Ltmp12, $3  }
0x20d: {  	_ =	sdelay $0x1  }
0x20e: {  	s2 =	sadd.s32 $0x10, s2;
	s7 =	smov.u32 s12;
	s12 =	sadd.s32 $0x1, s12;
	[tilespmem:v10+s16+$0x0] =	vst.idx.msk $0xffff, v11  }
0x20f: {  	v10 =	vadd.s32 s7, v1;
	v11 =	vld [tilespmem:s2+$0x0]  }
0x210: {  	_ =	sdelay $0x3  }
0x211: {  	s2 =	simm.s32 $0x3200;
	[tilespmem:v10+s16+$0x0] =	vst.idx.msk $0xffff, v11  }
0x212: {  	[tilespmem:s2], [sflag:$0x1] =	stream.indirect.gather [hbm4b:s5+s17], $0x10, s16, s17, $0xb8;
	[tilespmem:$0x1C610] =	vst v63  }
0x213: {  	s12 =	simm.s32 $0x1980;
	s7 =	simm.s32 $0x3A00  }
0x214: {  	[tilespmem:s7], [sflag:$0x1] =	stream.indirect.gather [hbm4b:s5+s17], $0x10, s12, s17, $0xb8;
	[tilespmem:$0x1C610] =	vst v63  }
0x215: {  	s7 =	simm.s32 $0x1A00;
	s12 =	simm.s32 $0x4200  }
0x216: {  	[tilespmem:s12], [sflag:$0x1] =	stream.indirect.gather [hbm4b:s5+s17], $0x10, s7, s17, $0xb8;
	[tilespmem:$0x1C610] =	vst v63  }
0x217: {  	s7 =	simm.s32 $0x1A80;
	s12 =	simm.s32 $0x4A00  }
0x218: {  	[tilespmem:s12], [sflag:$0x1] =	stream.indirect.gather [hbm4b:s5+s17], $0x10, s7, s17, $0xb8;
	[tilespmem:$0x1C610] =	vst v63  }
0x219: {  	s7 =	simm.s32 $0x1B00;
	s12 =	simm.s32 $0x5200  }
0x21a: {  	[tilespmem:s12], [sflag:$0x1] =	stream.indirect.gather [hbm4b:s5+s17], $0x10, s7, s17, $0xb8;
	[tilespmem:$0x1C610] =	vst v63  }
0x21b: {  	s7 =	simm.s32 $0x1B80;
	s12 =	simm.s32 $0x5A00  }
0x21c: {  	[tilespmem:s12], [sflag:$0x1] =	stream.indirect.gather [hbm4b:s5+s17], $0x10, s7, s17, $0xb8;
	[tilespmem:$0x1C610] =	vst v63  }
0x21d: {  	s7 =	simm.s32 $0x1C00;
	s12 =	simm.s32 $0x6200  }
0x21e: {  	[tilespmem:s12], [sflag:$0x1] =	stream.indirect.gather [hbm4b:s5+s17], $0x10, s7, s17, $0xb8;
	[tilespmem:$0x1C610] =	vst v63  }
0x21f: {  	s7 =	simm.s32 $0x1C80;
	s12 =	simm.s32 $0x6A00  }
0x220: {  	[tilespmem:s12], [sflag:$0x1] =	stream.indirect.gather [hbm4b:s5+s17], $0x10, s7, s17, $0xb8;
	[tilespmem:$0x1C610] =	vst v63  }
0x221: {  	s7 =	simm.s32 $0x1D00;
	s12 =	simm.s32 $0x7200  }
0x222: {  	[tilespmem:s12], [sflag:$0x1] =	stream.indirect.gather [hbm4b:s5+s17], $0x10, s7, s17, $0xb8;
	[tilespmem:$0x1C610] =	vst v63  }
0x223: {  	s7 =	simm.s32 $0x1D80;
	s12 =	simm.s32 $0x7A00  }
0x224: {  	[tilespmem:s12], [sflag:$0x1] =	stream.indirect.gather [hbm4b:s5+s17], $0x10, s7, s17, $0xb8;
	[tilespmem:$0x1C610] =	vst v63  }
0x225: {  	s7 =	simm.s32 $0x1E00;
	s12 =	simm.s32 $0x8200  }
0x226: {  	[tilespmem:s12], [sflag:$0x1] =	stream.indirect.gather [hbm4b:s5+s17], $0x10, s7, s17, $0xb8;
	[tilespmem:$0x1C610] =	vst v63  }
0x227: {  	s7 =	simm.s32 $0x1E80;
	s12 =	simm.s32 $0x8A00  }
0x228: {  	[tilespmem:s12], [sflag:$0x1] =	stream.indirect.gather [hbm4b:s5+s17], $0x10, s7, s17, $0xb8;
	[tilespmem:$0x1C610] =	vst v63  }
0x229: {  	s7 =	simm.s32 $0x1F00;
	s12 =	simm.s32 $0x9200  }
0x22a: {  	[tilespmem:s12], [sflag:$0x1] =	stream.indirect.gather [hbm4b:s5+s17], $0x10, s7, s17, $0xb8;
	[tilespmem:$0x1C610] =	vst v63  }
0x22b: {  	s7 =	simm.s32 $0x1F80;
	s12 =	simm.s32 $0x9A00  }
0x22c: {  	[tilespmem:s12], [sflag:$0x1] =	stream.indirect.gather [hbm4b:s5+s17], $0x10, s7, s17, $0xb8;
	[tilespmem:$0x1C610] =	vst v63  }
0x22d: {  	s7 =	simm.s32 $0x2000;
	s12 =	simm.s32 $0xA200  }
0x22e: {  	[tilespmem:s12], [sflag:$0x1] =	stream.indirect.gather [hbm4b:s5+s17], $0x10, s7, s17, $0xb8;
	[tilespmem:$0x1C610] =	vst v63  }
0x22f: {  	s7 =	simm.s32 $0x2080;
	s12 =	simm.s32 $0xAA00  }
0x230: {  	[tilespmem:s12], [sflag:$0x1] =	stream.indirect.gather [hbm4b:s5+s17], $0x10, s7, s17, $0xb8;
	[tilespmem:$0x1C610] =	vst v63  }
0x231: {  	s7 =	simm.s32 $0x2100;
	s12 =	simm.s32 $0xB200  }
0x232: {  	[tilespmem:s12], [sflag:$0x1] =	stream.indirect.gather [hbm4b:s5+s17], $0x10, s7, s17, $0xb8;
	[tilespmem:$0x1C610] =	vst v63  }
0x233: {  	s7 =	simm.s32 $0x2180;
	s12 =	simm.s32 $0xBA00  }
0x234: {  	[tilespmem:s12], [sflag:$0x1] =	stream.indirect.gather [hbm4b:s5+s17], $0x10, s7, s17, $0xb8;
	[tilespmem:$0x1C610] =	vst v63  }
0x235: {  	s7 =	simm.s32 $0x2200;
	s12 =	simm.s32 $0xC200  }
0x236: {  	[tilespmem:s12], [sflag:$0x1] =	stream.indirect.gather [hbm4b:s5+s17], $0x10, s7, s17, $0xb8;
	[tilespmem:$0x1C610] =	vst v63  }
0x237: {  	s7 =	simm.s32 $0x2280;
	s12 =	simm.s32 $0xCA00  }
0x238: {  	[tilespmem:s12], [sflag:$0x1] =	stream.indirect.gather [hbm4b:s5+s17], $0x10, s7, s17, $0xb8;
	[tilespmem:$0x1C610] =	vst v63  }
0x239: {  	s7 =	simm.s32 $0x2300;
	s12 =	simm.s32 $0xD200  }
0x23a: {  	[tilespmem:s12], [sflag:$0x1] =	stream.indirect.gather [hbm4b:s5+s17], $0x10, s7, s17, $0xb8;
	[tilespmem:$0x1C610] =	vst v63  }
0x23b: {  	s7 =	simm.s32 $0x2380;
	s12 =	simm.s32 $0xDA00  }
0x23c: {  	[tilespmem:s12], [sflag:$0x1] =	stream.indirect.gather [hbm4b:s5+s17], $0x10, s7, s17, $0xb8;
	[tilespmem:$0x1C610] =	vst v63  }
0x23d: {  	s7 =	simm.s32 $0x2400;
	s12 =	simm.s32 $0xE200  }
0x23e: {  	[tilespmem:s12], [sflag:$0x1] =	stream.indirect.gather [hbm4b:s5+s17], $0x10, s7, s17, $0xb8;
	[tilespmem:$0x1C610] =	vst v63  }
0x23f: {  	s7 =	simm.s32 $0x2480;
	s12 =	simm.s32 $0xEA00  }
0x240: {  	[tilespmem:s12], [sflag:$0x1] =	stream.indirect.gather [hbm4b:s5+s17], $0x10, s7, s17, $0xb8;
	[tilespmem:$0x1C610] =	vst v63  }
0x241: {  	s7 =	simm.s32 $0x2500;
	s12 =	simm.s32 $0xF200  }
0x242: {  	[tilespmem:s12], [sflag:$0x1] =	stream.indirect.gather [hbm4b:s5+s17], $0x10, s7, s17, $0xb8;
	[tilespmem:$0x1C610] =	vst v63  }
0x243: {  	s12 =	rddreg [dreg:$0x5]  }
0x244: {  	s1 =	sadd.s32 s1, s12  }
0x245: {  	s2 =	simm.s32 $0x10;
	_ =	swait.ge [sflag:s28], $0xC800;
	s1 =	sshll.u32 s1, $0x1  }
0x246: {  	s7 =	simm.s32 $0x4000;
	[sflag:s28] =	ssyncset.done $0x0;
	s1 =	sand.u32 $0x1FFFFFFE, s1  }
0x247: {  	s12 =	simm.s32 $0xC80;
	[sflag:s28] =	ssyncadd.s32 $0xFFFF3800;
	s1 =	sadd.s32 s4, s1  }
0x248: {  	[tilespmem:s12], [sflag:$0x4] =	stream.strided.gather [hbm4b:s1+s2], $0xC80, s7, s2, $0x38;
	[tilespmem:$0x1C610] =	vst v63  }
.LBB2_27:
0x249: {  	s1 =	simm.s32 $0x40  }
0x24a: {  	v12 =	vld [tilespmem:s1+$0xFA00]  }
0x24b: {  	v14 =	vld [tilespmem:s1+$0x10680]  }
0x24c: {  	v13 =	vld [tilespmem:s1+$0xFA10]  }
0x24d: {  	v15 =	vld [tilespmem:s1+$0x10690]  }
0x24e: {  	v10 =	vld [tilespmem:s1+$0xFA20]  }
0x24f: {  	v11 =	vld [tilespmem:s1+$0x106A0]  }
0x250: {  	v28 =	vld [tilespmem:s1+$0xF9C0]  }
0x251: {  	v30 =	vld [tilespmem:s1+$0x10640]  }
0x252: {  	v27 =	vld [tilespmem:s1+$0xF9D0]  }
0x253: {  	v29 =	vld [tilespmem:s1+$0x10650]  }
0x254: {  	v20 =	vimm.f32 $0.0e+00;
	v21 =	vimm.f32 $0.0e+00;
	v24 =	vld [tilespmem:s1+$0xF9E0]  }
0x255: {  	v22 =	vimm.f32 $0.0e+00;
	v23 =	vimm.f32 $0.0e+00;
	v16 =	vimm.f32 $0.0e+00;
	v25 =	vld [tilespmem:s1+$0x10660]  }
0x256: {  	s2 =	simm.s32 $0x300;
	v17 =	vimm.f32 $0.0e+00;
	v18 =	vimm.f32 $0.0e+00;
	v19 =	vimm.f32 $0.0e+00;
	v26 =	vld [tilespmem:s1+$0xF9F0]  }
.LBB2_28:
0x257: {  	p0 =	sne.s32 s2, $0x3100;
	v20 =	vadd.f32 v28, v20;
	v21 =	vadd.f32 v30, v21;
	v28 =	vld [tilespmem:s1+$0x10670]  }
0x258: {  	v22 =	vadd.f32 v27, v22;
	v23 =	vadd.f32 v29, v23;
	v27 =	vld [tilespmem:s1+$0xFA30]  }
0x259: {  	v20 =	vadd.f32 v12, v20;
	v21 =	vadd.f32 v14, v21;
	v29 =	vld [tilespmem:s1+$0x106B0];
	s1 =	sshra.s32 s2, $0x2  }
0x25a: {  	v22 =	vadd.f32 v13, v22;
	v12 =	vld [tilespmem:s1+$0xFA00];
	v23 =	vadd.f32 v15, v23  }
0x25b: {  	v16 =	vadd.f32 v24, v16;
	v17 =	vadd.f32 v25, v17;
	v14 =	vld [tilespmem:s1+$0x10680]  }
0x25c: {  	v18 =	vadd.f32 v26, v18;
	v13 =	vld [tilespmem:s1+$0xFA10];
	v19 =	vadd.f32 v28, v19  }
0x25d: {  	v16 =	vadd.f32 v10, v16;
	v17 =	vadd.f32 v11, v17;
	v15 =	vld [tilespmem:s1+$0x10690]  }
0x25e: {  	v18 =	vadd.f32 v27, v18;
	v10 =	vld [tilespmem:s1+$0xFA20];
	v19 =	vadd.f32 v29, v19  }
0x25f: {  	v11 =	vld [tilespmem:s1+$0x106A0]  }
0x260: {  	v28 =	vld [tilespmem:s1+$0xF9C0]  }
0x261: {  	v30 =	vld [tilespmem:s1+$0x10640]  }
.Ltmp13:
0x262: {  	v27 =	vld [tilespmem:s1+$0xF9D0];
	(pc) =	sbr.rel @p0 .LBB2_28-.Ltmp13, $4  }
0x263: {  	v29 =	vld [tilespmem:s1+$0x10650]  }
0x264: {  	v24 =	vld [tilespmem:s1+$0xF9E0]  }
0x265: {  	v25 =	vld [tilespmem:s1+$0x10660]  }
0x266: {  	s2 =	sadd.s32 $0x200, s2;
	v26 =	vld [tilespmem:s1+$0xF9F0]  }
0x267: {  	v20 =	vadd.f32 v28, v20;
	v21 =	vadd.f32 v30, v21  }
0x268: {  	v28 =	vld [tilespmem:s1+$0x10670];
	v22 =	vadd.f32 v27, v22;
	v23 =	vadd.f32 v29, v23  }
0x269: {  	v12 =	vadd.f32 v12, v20;
	v14 =	vadd.f32 v14, v21  }
0x26a: {  	v20 =	vld [tilespmem:s1+$0xFA30];
	v13 =	vadd.f32 v13, v22;
	v16 =	vadd.f32 v24, v16  }
0x26b: {  	v21 =	vld [tilespmem:s1+$0x106B0];
	v15 =	vadd.f32 v15, v23;
	v17 =	vadd.f32 v25, v17  }
0x26c: {  	v18 =	vadd.f32 v26, v18;
	v10 =	vadd.f32 v10, v16  }
0x26d: {  	v12 =	vadd.f32 v13, v12;
	v19 =	vadd.f32 v28, v19  }
0x26e: {  	v11 =	vadd.f32 v11, v17;
	v13 =	vadd.f32 v15, v14  }
0x26f: {  	s12 =	sor.u32 $0x10, s0;
	v10 =	vadd.f32 v10, v12;
	v14 =	vadd.f32 v20, v18  }
0x270: {  	v12 =	vadd.f32 v21, v19;
	v11 =	vadd.f32 v11, v13;
	v13 =	vor.u32 s12, v0  }
0x271: {  	v10 =	vadd.f32 v14, v10;
	v14 =	vor.u32 s12, v2  }
0x272: {  	v11 =	vadd.f32 v12, v11  }
0x273: {  	v10 =	vadd.f32 v10, v9  }
0x274: {  	v11 =	vadd.f32 v11, v9  }
0x275: {  	[tilespmem:v13+s26+$0x0] =	vst.idx.msk $0x3, v10  }
0x276: {  	s1 =	simm.s32 $0x0;
	[tilespmem:v14+s26+$0x0] =	vst.idx.msk $0x3, v11  }
0x277: {  	v12 =	vld [tilespmem:s1+$0x11340]  }
0x278: {  	v14 =	vld [tilespmem:s1+$0x11FC0]  }
0x279: {  	v13 =	vld [tilespmem:s1+$0x11350]  }
0x27a: {  	v15 =	vld [tilespmem:s1+$0x11FD0]  }
0x27b: {  	v10 =	vld [tilespmem:s1+$0x11360]  }
0x27c: {  	v11 =	vld [tilespmem:s1+$0x11FE0]  }
0x27d: {  	v28 =	vld [tilespmem:s1+$0x11300]  }
0x27e: {  	v30 =	vld [tilespmem:s1+$0x11F80]  }
0x27f: {  	v27 =	vld [tilespmem:s1+$0x11310]  }
0x280: {  	v29 =	vld [tilespmem:s1+$0x11F90]  }
0x281: {  	v22 =	vimm.f32 $0.0e+00;
	v23 =	vimm.f32 $0.0e+00;
	v24 =	vld [tilespmem:s1+$0x11320]  }
0x282: {  	v16 =	vimm.f32 $0.0e+00;
	v17 =	vimm.f32 $0.0e+00;
	v20 =	vimm.f32 $0.0e+00;
	v25 =	vld [tilespmem:s1+$0x11FA0]  }
0x283: {  	s2 =	simm.s32 $0x200;
	v21 =	vimm.f32 $0.0e+00;
	v18 =	vimm.f32 $0.0e+00;
	v19 =	vimm.f32 $0.0e+00;
	v26 =	vld [tilespmem:s1+$0x11330]  }
.LBB2_30:
0x284: {  	p0 =	sne.s32 s2, $0x3000;
	v20 =	vadd.f32 v28, v20;
	v21 =	vadd.f32 v30, v21;
	v28 =	vld [tilespmem:s1+$0x11FB0]  }
0x285: {  	v22 =	vadd.f32 v27, v22;
	v23 =	vadd.f32 v29, v23;
	v27 =	vld [tilespmem:s1+$0x11370]  }
0x286: {  	v20 =	vadd.f32 v12, v20;
	v21 =	vadd.f32 v14, v21;
	v29 =	vld [tilespmem:s1+$0x11FF0];
	s1 =	sshra.s32 s2, $0x2  }
0x287: {  	v22 =	vadd.f32 v13, v22;
	v12 =	vld [tilespmem:s1+$0x11340];
	v23 =	vadd.f32 v15, v23  }
0x288: {  	v16 =	vadd.f32 v24, v16;
	v17 =	vadd.f32 v25, v17;
	v14 =	vld [tilespmem:s1+$0x11FC0]  }
0x289: {  	v18 =	vadd.f32 v26, v18;
	v13 =	vld [tilespmem:s1+$0x11350];
	v19 =	vadd.f32 v28, v19  }
0x28a: {  	v16 =	vadd.f32 v10, v16;
	v17 =	vadd.f32 v11, v17;
	v15 =	vld [tilespmem:s1+$0x11FD0]  }
0x28b: {  	v18 =	vadd.f32 v27, v18;
	v10 =	vld [tilespmem:s1+$0x11360];
	v19 =	vadd.f32 v29, v19  }
0x28c: {  	v11 =	vld [tilespmem:s1+$0x11FE0]  }
0x28d: {  	v28 =	vld [tilespmem:s1+$0x11300]  }
0x28e: {  	v30 =	vld [tilespmem:s1+$0x11F80]  }
.Ltmp14:
0x28f: {  	v27 =	vld [tilespmem:s1+$0x11310];
	(pc) =	sbr.rel @p0 .LBB2_30-.Ltmp14, $4  }
0x290: {  	v29 =	vld [tilespmem:s1+$0x11F90]  }
0x291: {  	v24 =	vld [tilespmem:s1+$0x11320]  }
0x292: {  	v25 =	vld [tilespmem:s1+$0x11FA0]  }
0x293: {  	s2 =	sadd.s32 $0x200, s2;
	v26 =	vld [tilespmem:s1+$0x11330]  }
0x294: {  	v20 =	vadd.f32 v28, v20;
	v21 =	vadd.f32 v30, v21  }
0x295: {  	v28 =	vld [tilespmem:s1+$0x11FB0];
	v22 =	vadd.f32 v27, v22;
	v23 =	vadd.f32 v29, v23  }
0x296: {  	v12 =	vadd.f32 v12, v20;
	v14 =	vadd.f32 v14, v21  }
0x297: {  	v20 =	vld [tilespmem:s1+$0x11370];
	v13 =	vadd.f32 v13, v22;
	v16 =	vadd.f32 v24, v16  }
0x298: {  	v21 =	vld [tilespmem:s1+$0x11FF0];
	v15 =	vadd.f32 v15, v23;
	v17 =	vadd.f32 v25, v17  }
0x299: {  	v18 =	vadd.f32 v26, v18;
	v10 =	vadd.f32 v10, v16  }
0x29a: {  	v12 =	vadd.f32 v13, v12;
	v19 =	vadd.f32 v28, v19  }
0x29b: {  	v11 =	vadd.f32 v11, v17;
	v13 =	vadd.f32 v15, v14  }
0x29c: {  	s12 =	sor.u32 $0x12, s0;
	v10 =	vadd.f32 v10, v12;
	v14 =	vadd.f32 v20, v18  }
0x29d: {  	v12 =	vadd.f32 v21, v19;
	v11 =	vadd.f32 v11, v13;
	v13 =	vor.u32 s12, v3  }
0x29e: {  	v10 =	vadd.f32 v14, v10;
	v14 =	vor.u32 s12, v4  }
0x29f: {  	v11 =	vadd.f32 v12, v11  }
0x2a0: {  	v10 =	vadd.f32 v10, v9  }
0x2a1: {  	v11 =	vadd.f32 v11, v9  }
0x2a2: {  	[tilespmem:v13+s26+$0x0] =	vst.idx.msk $0x3, v10  }
0x2a3: {  	s1 =	simm.s32 $0x0;
	[tilespmem:v14+s26+$0x0] =	vst.idx.msk $0x3, v11  }
0x2a4: {  	v12 =	vld [tilespmem:s1+$0x12C40]  }
0x2a5: {  	v14 =	vld [tilespmem:s1+$0x138C0]  }
0x2a6: {  	v13 =	vld [tilespmem:s1+$0x12C50]  }
0x2a7: {  	v15 =	vld [tilespmem:s1+$0x138D0]  }
0x2a8: {  	v10 =	vld [tilespmem:s1+$0x12C60]  }
0x2a9: {  	v11 =	vld [tilespmem:s1+$0x138E0]  }
0x2aa: {  	v28 =	vld [tilespmem:s1+$0x12C00]  }
0x2ab: {  	v30 =	vld [tilespmem:s1+$0x13880]  }
0x2ac: {  	v27 =	vld [tilespmem:s1+$0x12C10]  }
0x2ad: {  	v29 =	vld [tilespmem:s1+$0x13890]  }
0x2ae: {  	v22 =	vimm.f32 $0.0e+00;
	v23 =	vimm.f32 $0.0e+00;
	v24 =	vld [tilespmem:s1+$0x12C20]  }
0x2af: {  	v16 =	vimm.f32 $0.0e+00;
	v17 =	vimm.f32 $0.0e+00;
	v20 =	vimm.f32 $0.0e+00;
	v25 =	vld [tilespmem:s1+$0x138A0]  }
0x2b0: {  	s2 =	simm.s32 $0x200;
	v21 =	vimm.f32 $0.0e+00;
	v18 =	vimm.f32 $0.0e+00;
	v19 =	vimm.f32 $0.0e+00;
	v26 =	vld [tilespmem:s1+$0x12C30]  }
.LBB2_32:
0x2b1: {  	p0 =	sne.s32 s2, $0x3000;
	v20 =	vadd.f32 v28, v20;
	v21 =	vadd.f32 v30, v21;
	v28 =	vld [tilespmem:s1+$0x138B0]  }
0x2b2: {  	v22 =	vadd.f32 v27, v22;
	v23 =	vadd.f32 v29, v23;
	v27 =	vld [tilespmem:s1+$0x12C70]  }
0x2b3: {  	v20 =	vadd.f32 v12, v20;
	v21 =	vadd.f32 v14, v21;
	v29 =	vld [tilespmem:s1+$0x138F0];
	s1 =	sshra.s32 s2, $0x2  }
0x2b4: {  	v22 =	vadd.f32 v13, v22;
	v12 =	vld [tilespmem:s1+$0x12C40];
	v23 =	vadd.f32 v15, v23  }
0x2b5: {  	v16 =	vadd.f32 v24, v16;
	v17 =	vadd.f32 v25, v17;
	v14 =	vld [tilespmem:s1+$0x138C0]  }
0x2b6: {  	v18 =	vadd.f32 v26, v18;
	v13 =	vld [tilespmem:s1+$0x12C50];
	v19 =	vadd.f32 v28, v19  }
0x2b7: {  	v16 =	vadd.f32 v10, v16;
	v17 =	vadd.f32 v11, v17;
	v15 =	vld [tilespmem:s1+$0x138D0]  }
0x2b8: {  	v18 =	vadd.f32 v27, v18;
	v10 =	vld [tilespmem:s1+$0x12C60];
	v19 =	vadd.f32 v29, v19  }
0x2b9: {  	v11 =	vld [tilespmem:s1+$0x138E0]  }
0x2ba: {  	v28 =	vld [tilespmem:s1+$0x12C00]  }
0x2bb: {  	v30 =	vld [tilespmem:s1+$0x13880]  }
.Ltmp15:
0x2bc: {  	v27 =	vld [tilespmem:s1+$0x12C10];
	(pc) =	sbr.rel @p0 .LBB2_32-.Ltmp15, $4  }
0x2bd: {  	v29 =	vld [tilespmem:s1+$0x13890]  }
0x2be: {  	v24 =	vld [tilespmem:s1+$0x12C20]  }
0x2bf: {  	v25 =	vld [tilespmem:s1+$0x138A0]  }
0x2c0: {  	s2 =	sadd.s32 $0x200, s2;
	v26 =	vld [tilespmem:s1+$0x12C30]  }
0x2c1: {  	v20 =	vadd.f32 v28, v20;
	v21 =	vadd.f32 v30, v21  }
0x2c2: {  	v28 =	vld [tilespmem:s1+$0x138B0];
	v22 =	vadd.f32 v27, v22;
	v23 =	vadd.f32 v29, v23  }
0x2c3: {  	v12 =	vadd.f32 v12, v20;
	v14 =	vadd.f32 v14, v21  }
0x2c4: {  	v20 =	vld [tilespmem:s1+$0x12C70];
	v13 =	vadd.f32 v13, v22;
	v16 =	vadd.f32 v24, v16  }
0x2c5: {  	v21 =	vld [tilespmem:s1+$0x138F0];
	v15 =	vadd.f32 v15, v23;
	v17 =	vadd.f32 v25, v17  }
0x2c6: {  	v18 =	vadd.f32 v26, v18;
	v10 =	vadd.f32 v10, v16  }
0x2c7: {  	v12 =	vadd.f32 v13, v12;
	v19 =	vadd.f32 v28, v19  }
0x2c8: {  	v11 =	vadd.f32 v11, v17;
	v13 =	vadd.f32 v15, v14  }
0x2c9: {  	s12 =	sor.u32 $0x14, s0;
	v10 =	vadd.f32 v10, v12;
	v14 =	vadd.f32 v20, v18  }
0x2ca: {  	v12 =	vadd.f32 v21, v19;
	v11 =	vadd.f32 v11, v13;
	v13 =	vor.u32 s12, v5  }
0x2cb: {  	v10 =	vadd.f32 v14, v10;
	v14 =	vor.u32 s12, v6  }
0x2cc: {  	v11 =	vadd.f32 v12, v11  }
0x2cd: {  	v10 =	vadd.f32 v10, v9  }
0x2ce: {  	v11 =	vadd.f32 v11, v9  }
0x2cf: {  	[tilespmem:v13+s26+$0x0] =	vst.idx.msk $0x3, v10  }
0x2d0: {  	s1 =	simm.s32 $0x0;
	[tilespmem:v14+s26+$0x0] =	vst.idx.msk $0x3, v11  }
0x2d1: {  	v12 =	vld [tilespmem:s1+$0x14540]  }
0x2d2: {  	v14 =	vld [tilespmem:s1+$0x151C0]  }
0x2d3: {  	v13 =	vld [tilespmem:s1+$0x14550]  }
0x2d4: {  	v15 =	vld [tilespmem:s1+$0x151D0]  }
0x2d5: {  	v10 =	vld [tilespmem:s1+$0x14560]  }
0x2d6: {  	v11 =	vld [tilespmem:s1+$0x151E0]  }
0x2d7: {  	v28 =	vld [tilespmem:s1+$0x14500]  }
0x2d8: {  	v30 =	vld [tilespmem:s1+$0x15180]  }
0x2d9: {  	v27 =	vld [tilespmem:s1+$0x14510]  }
0x2da: {  	v29 =	vld [tilespmem:s1+$0x15190]  }
0x2db: {  	v22 =	vimm.f32 $0.0e+00;
	v23 =	vimm.f32 $0.0e+00;
	v24 =	vld [tilespmem:s1+$0x14520]  }
0x2dc: {  	v16 =	vimm.f32 $0.0e+00;
	v17 =	vimm.f32 $0.0e+00;
	v20 =	vimm.f32 $0.0e+00;
	v25 =	vld [tilespmem:s1+$0x151A0]  }
0x2dd: {  	s2 =	simm.s32 $0x200;
	v21 =	vimm.f32 $0.0e+00;
	v18 =	vimm.f32 $0.0e+00;
	v19 =	vimm.f32 $0.0e+00;
	v26 =	vld [tilespmem:s1+$0x14530]  }
.LBB2_34:
0x2de: {  	p0 =	sne.s32 s2, $0x3000;
	v20 =	vadd.f32 v28, v20;
	v21 =	vadd.f32 v30, v21;
	v28 =	vld [tilespmem:s1+$0x151B0]  }
0x2df: {  	v22 =	vadd.f32 v27, v22;
	v23 =	vadd.f32 v29, v23;
	v27 =	vld [tilespmem:s1+$0x14570]  }
0x2e0: {  	v20 =	vadd.f32 v12, v20;
	v21 =	vadd.f32 v14, v21;
	v29 =	vld [tilespmem:s1+$0x151F0];
	s1 =	sshra.s32 s2, $0x2  }
0x2e1: {  	v22 =	vadd.f32 v13, v22;
	v12 =	vld [tilespmem:s1+$0x14540];
	v23 =	vadd.f32 v15, v23  }
0x2e2: {  	v16 =	vadd.f32 v24, v16;
	v17 =	vadd.f32 v25, v17;
	v14 =	vld [tilespmem:s1+$0x151C0]  }
0x2e3: {  	v18 =	vadd.f32 v26, v18;
	v13 =	vld [tilespmem:s1+$0x14550];
	v19 =	vadd.f32 v28, v19  }
0x2e4: {  	v16 =	vadd.f32 v10, v16;
	v17 =	vadd.f32 v11, v17;
	v15 =	vld [tilespmem:s1+$0x151D0]  }
0x2e5: {  	v18 =	vadd.f32 v27, v18;
	v10 =	vld [tilespmem:s1+$0x14560];
	v19 =	vadd.f32 v29, v19  }
0x2e6: {  	v11 =	vld [tilespmem:s1+$0x151E0]  }
0x2e7: {  	v28 =	vld [tilespmem:s1+$0x14500]  }
0x2e8: {  	v30 =	vld [tilespmem:s1+$0x15180]  }
.Ltmp16:
0x2e9: {  	v27 =	vld [tilespmem:s1+$0x14510];
	(pc) =	sbr.rel @p0 .LBB2_34-.Ltmp16, $4  }
0x2ea: {  	v29 =	vld [tilespmem:s1+$0x15190]  }
0x2eb: {  	v24 =	vld [tilespmem:s1+$0x14520]  }
0x2ec: {  	v25 =	vld [tilespmem:s1+$0x151A0]  }
0x2ed: {  	s2 =	sadd.s32 $0x200, s2;
	v26 =	vld [tilespmem:s1+$0x14530]  }
0x2ee: {  	v20 =	vadd.f32 v28, v20;
	v21 =	vadd.f32 v30, v21  }
0x2ef: {  	v28 =	vld [tilespmem:s1+$0x151B0];
	v22 =	vadd.f32 v27, v22;
	v23 =	vadd.f32 v29, v23  }
0x2f0: {  	v12 =	vadd.f32 v12, v20;
	v14 =	vadd.f32 v14, v21  }
0x2f1: {  	v20 =	vld [tilespmem:s1+$0x14570];
	v13 =	vadd.f32 v13, v22;
	v16 =	vadd.f32 v24, v16  }
0x2f2: {  	v21 =	vld [tilespmem:s1+$0x151F0];
	v15 =	vadd.f32 v15, v23;
	v17 =	vadd.f32 v25, v17  }
0x2f3: {  	v18 =	vadd.f32 v26, v18;
	v10 =	vadd.f32 v10, v16  }
0x2f4: {  	v12 =	vadd.f32 v13, v12;
	v19 =	vadd.f32 v28, v19  }
0x2f5: {  	v11 =	vadd.f32 v11, v17;
	v13 =	vadd.f32 v15, v14  }
0x2f6: {  	s12 =	sor.u32 $0x16, s0;
	v10 =	vadd.f32 v10, v12;
	v14 =	vadd.f32 v20, v18  }
0x2f7: {  	v12 =	vadd.f32 v21, v19;
	v11 =	vadd.f32 v11, v13;
	v13 =	vor.u32 s12, v7  }
0x2f8: {  	v10 =	vadd.f32 v14, v10;
	v14 =	vor.u32 s12, v8  }
0x2f9: {  	v11 =	vadd.f32 v12, v11  }
0x2fa: {  	v10 =	vadd.f32 v10, v9  }
0x2fb: {  	v11 =	vadd.f32 v11, v9  }
0x2fc: {  	[tilespmem:v13+s26+$0x0] =	vst.idx.msk $0x3, v10  }
0x2fd: {  	s1 =	simm.s32 $0x0;
	[tilespmem:v14+s26+$0x0] =	vst.idx.msk $0x3, v11  }
0x2fe: {  	v12 =	vld [tilespmem:s1+$0x15E40]  }
0x2ff: {  	v14 =	vld [tilespmem:s1+$0x16AC0]  }
0x300: {  	v13 =	vld [tilespmem:s1+$0x15E50]  }
0x301: {  	v15 =	vld [tilespmem:s1+$0x16AD0]  }
0x302: {  	v10 =	vld [tilespmem:s1+$0x15E60]  }
0x303: {  	v11 =	vld [tilespmem:s1+$0x16AE0]  }
0x304: {  	v28 =	vld [tilespmem:s1+$0x15E00]  }
0x305: {  	v30 =	vld [tilespmem:s1+$0x16A80]  }
0x306: {  	v27 =	vld [tilespmem:s1+$0x15E10]  }
0x307: {  	v29 =	vld [tilespmem:s1+$0x16A90]  }
0x308: {  	v22 =	vimm.f32 $0.0e+00;
	v23 =	vimm.f32 $0.0e+00;
	v24 =	vld [tilespmem:s1+$0x15E20]  }
0x309: {  	v16 =	vimm.f32 $0.0e+00;
	v17 =	vimm.f32 $0.0e+00;
	v20 =	vimm.f32 $0.0e+00;
	v25 =	vld [tilespmem:s1+$0x16AA0]  }
0x30a: {  	s2 =	simm.s32 $0x200;
	v21 =	vimm.f32 $0.0e+00;
	v18 =	vimm.f32 $0.0e+00;
	v19 =	vimm.f32 $0.0e+00;
	v26 =	vld [tilespmem:s1+$0x15E30]  }
.LBB2_36:
0x30b: {  	p0 =	sne.s32 s2, $0x3000;
	v20 =	vadd.f32 v28, v20;
	v21 =	vadd.f32 v30, v21;
	v28 =	vld [tilespmem:s1+$0x16AB0]  }
0x30c: {  	v22 =	vadd.f32 v27, v22;
	v23 =	vadd.f32 v29, v23;
	v27 =	vld [tilespmem:s1+$0x15E70]  }
0x30d: {  	v20 =	vadd.f32 v12, v20;
	v21 =	vadd.f32 v14, v21;
	v29 =	vld [tilespmem:s1+$0x16AF0];
	s1 =	sshra.s32 s2, $0x2  }
0x30e: {  	v22 =	vadd.f32 v13, v22;
	v12 =	vld [tilespmem:s1+$0x15E40];
	v23 =	vadd.f32 v15, v23  }
0x30f: {  	v16 =	vadd.f32 v24, v16;
	v17 =	vadd.f32 v25, v17;
	v14 =	vld [tilespmem:s1+$0x16AC0]  }
0x310: {  	v18 =	vadd.f32 v26, v18;
	v13 =	vld [tilespmem:s1+$0x15E50];
	v19 =	vadd.f32 v28, v19  }
0x311: {  	v16 =	vadd.f32 v10, v16;
	v17 =	vadd.f32 v11, v17;
	v15 =	vld [tilespmem:s1+$0x16AD0]  }
0x312: {  	v18 =	vadd.f32 v27, v18;
	v10 =	vld [tilespmem:s1+$0x15E60];
	v19 =	vadd.f32 v29, v19  }
0x313: {  	v11 =	vld [tilespmem:s1+$0x16AE0]  }
0x314: {  	v28 =	vld [tilespmem:s1+$0x15E00]  }
0x315: {  	v30 =	vld [tilespmem:s1+$0x16A80]  }
.Ltmp17:
0x316: {  	v27 =	vld [tilespmem:s1+$0x15E10];
	(pc) =	sbr.rel @p0 .LBB2_36-.Ltmp17, $4  }
0x317: {  	v29 =	vld [tilespmem:s1+$0x16A90]  }
0x318: {  	v24 =	vld [tilespmem:s1+$0x15E20]  }
0x319: {  	v25 =	vld [tilespmem:s1+$0x16AA0]  }
0x31a: {  	s2 =	sadd.s32 $0x200, s2;
	v26 =	vld [tilespmem:s1+$0x15E30]  }
0x31b: {  	v20 =	vadd.f32 v28, v20;
	v21 =	vadd.f32 v30, v21  }
0x31c: {  	v28 =	vld [tilespmem:s1+$0x16AB0];
	v22 =	vadd.f32 v27, v22;
	v23 =	vadd.f32 v29, v23  }
0x31d: {  	v12 =	vadd.f32 v12, v20;
	v14 =	vadd.f32 v14, v21  }
0x31e: {  	v20 =	vld [tilespmem:s1+$0x15E70];
	v13 =	vadd.f32 v13, v22;
	v16 =	vadd.f32 v24, v16  }
0x31f: {  	v21 =	vld [tilespmem:s1+$0x16AF0];
	v15 =	vadd.f32 v15, v23;
	v17 =	vadd.f32 v25, v17  }
0x320: {  	v18 =	vadd.f32 v26, v18;
	v10 =	vadd.f32 v10, v16  }
0x321: {  	v12 =	vadd.f32 v13, v12;
	v19 =	vadd.f32 v28, v19  }
0x322: {  	v11 =	vadd.f32 v11, v17;
	v13 =	vadd.f32 v15, v14  }
0x323: {  	s12 =	sor.u32 $0x18, s0;
	v10 =	vadd.f32 v10, v12;
	v14 =	vadd.f32 v20, v18  }
0x324: {  	v12 =	vadd.f32 v21, v19;
	v11 =	vadd.f32 v11, v13;
	v13 =	vor.u32 s12, v0  }
0x325: {  	v10 =	vadd.f32 v14, v10;
	v14 =	vor.u32 s12, v2  }
0x326: {  	v11 =	vadd.f32 v12, v11  }
0x327: {  	v10 =	vadd.f32 v10, v9  }
0x328: {  	v11 =	vadd.f32 v11, v9  }
0x329: {  	[tilespmem:v13+s26+$0x0] =	vst.idx.msk $0x3, v10  }
0x32a: {  	s1 =	simm.s32 $0x0;
	[tilespmem:v14+s26+$0x0] =	vst.idx.msk $0x3, v11  }
0x32b: {  	v12 =	vld [tilespmem:s1+$0x17740]  }
0x32c: {  	v14 =	vld [tilespmem:s1+$0x183C0]  }
0x32d: {  	v13 =	vld [tilespmem:s1+$0x17750]  }
0x32e: {  	v15 =	vld [tilespmem:s1+$0x183D0]  }
0x32f: {  	v10 =	vld [tilespmem:s1+$0x17760]  }
0x330: {  	v11 =	vld [tilespmem:s1+$0x183E0]  }
0x331: {  	v28 =	vld [tilespmem:s1+$0x17700]  }
0x332: {  	v30 =	vld [tilespmem:s1+$0x18380]  }
0x333: {  	v27 =	vld [tilespmem:s1+$0x17710]  }
0x334: {  	v29 =	vld [tilespmem:s1+$0x18390]  }
0x335: {  	v22 =	vimm.f32 $0.0e+00;
	v23 =	vimm.f32 $0.0e+00;
	v24 =	vld [tilespmem:s1+$0x17720]  }
0x336: {  	v16 =	vimm.f32 $0.0e+00;
	v17 =	vimm.f32 $0.0e+00;
	v20 =	vimm.f32 $0.0e+00;
	v25 =	vld [tilespmem:s1+$0x183A0]  }
0x337: {  	s2 =	simm.s32 $0x200;
	v21 =	vimm.f32 $0.0e+00;
	v18 =	vimm.f32 $0.0e+00;
	v19 =	vimm.f32 $0.0e+00;
	v26 =	vld [tilespmem:s1+$0x17730]  }
.LBB2_38:
0x338: {  	p0 =	sne.s32 s2, $0x3000;
	v20 =	vadd.f32 v28, v20;
	v21 =	vadd.f32 v30, v21;
	v28 =	vld [tilespmem:s1+$0x183B0]  }
0x339: {  	v22 =	vadd.f32 v27, v22;
	v23 =	vadd.f32 v29, v23;
	v27 =	vld [tilespmem:s1+$0x17770]  }
0x33a: {  	v20 =	vadd.f32 v12, v20;
	v21 =	vadd.f32 v14, v21;
	v29 =	vld [tilespmem:s1+$0x183F0];
	s1 =	sshra.s32 s2, $0x2  }
0x33b: {  	v22 =	vadd.f32 v13, v22;
	v12 =	vld [tilespmem:s1+$0x17740];
	v23 =	vadd.f32 v15, v23  }
0x33c: {  	v16 =	vadd.f32 v24, v16;
	v17 =	vadd.f32 v25, v17;
	v14 =	vld [tilespmem:s1+$0x183C0]  }
0x33d: {  	v18 =	vadd.f32 v26, v18;
	v13 =	vld [tilespmem:s1+$0x17750];
	v19 =	vadd.f32 v28, v19  }
0x33e: {  	v16 =	vadd.f32 v10, v16;
	v17 =	vadd.f32 v11, v17;
	v15 =	vld [tilespmem:s1+$0x183D0]  }
0x33f: {  	v18 =	vadd.f32 v27, v18;
	v10 =	vld [tilespmem:s1+$0x17760];
	v19 =	vadd.f32 v29, v19  }
0x340: {  	v11 =	vld [tilespmem:s1+$0x183E0]  }
0x341: {  	v28 =	vld [tilespmem:s1+$0x17700]  }
0x342: {  	v30 =	vld [tilespmem:s1+$0x18380]  }
.Ltmp18:
0x343: {  	v27 =	vld [tilespmem:s1+$0x17710];
	(pc) =	sbr.rel @p0 .LBB2_38-.Ltmp18, $4  }
0x344: {  	v29 =	vld [tilespmem:s1+$0x18390]  }
0x345: {  	v24 =	vld [tilespmem:s1+$0x17720]  }
0x346: {  	v25 =	vld [tilespmem:s1+$0x183A0]  }
0x347: {  	s2 =	sadd.s32 $0x200, s2;
	v26 =	vld [tilespmem:s1+$0x17730]  }
0x348: {  	v20 =	vadd.f32 v28, v20;
	v21 =	vadd.f32 v30, v21  }
0x349: {  	v28 =	vld [tilespmem:s1+$0x183B0];
	v22 =	vadd.f32 v27, v22;
	v23 =	vadd.f32 v29, v23  }
0x34a: {  	v12 =	vadd.f32 v12, v20;
	v14 =	vadd.f32 v14, v21  }
0x34b: {  	v20 =	vld [tilespmem:s1+$0x17770];
	v13 =	vadd.f32 v13, v22;
	v16 =	vadd.f32 v24, v16  }
0x34c: {  	v21 =	vld [tilespmem:s1+$0x183F0];
	v15 =	vadd.f32 v15, v23;
	v17 =	vadd.f32 v25, v17  }
0x34d: {  	v18 =	vadd.f32 v26, v18;
	v10 =	vadd.f32 v10, v16  }
0x34e: {  	v12 =	vadd.f32 v13, v12;
	v19 =	vadd.f32 v28, v19  }
0x34f: {  	v11 =	vadd.f32 v11, v17;
	v13 =	vadd.f32 v15, v14  }
0x350: {  	s12 =	sor.u32 $0x1A, s0;
	v10 =	vadd.f32 v10, v12;
	v14 =	vadd.f32 v20, v18  }
0x351: {  	v12 =	vadd.f32 v21, v19;
	v11 =	vadd.f32 v11, v13;
	v13 =	vor.u32 s12, v3  }
0x352: {  	v10 =	vadd.f32 v14, v10;
	v14 =	vor.u32 s12, v4  }
0x353: {  	v11 =	vadd.f32 v12, v11  }
0x354: {  	v10 =	vadd.f32 v10, v9  }
0x355: {  	v11 =	vadd.f32 v11, v9  }
0x356: {  	[tilespmem:v13+s26+$0x0] =	vst.idx.msk $0x3, v10  }
0x357: {  	s1 =	simm.s32 $0x0;
	[tilespmem:v14+s26+$0x0] =	vst.idx.msk $0x3, v11  }
0x358: {  	v12 =	vld [tilespmem:s1+$0x19040]  }
0x359: {  	v14 =	vld [tilespmem:s1+$0x19CC0]  }
0x35a: {  	v13 =	vld [tilespmem:s1+$0x19050]  }
0x35b: {  	v15 =	vld [tilespmem:s1+$0x19CD0]  }
0x35c: {  	v10 =	vld [tilespmem:s1+$0x19060]  }
0x35d: {  	v11 =	vld [tilespmem:s1+$0x19CE0]  }
0x35e: {  	v28 =	vld [tilespmem:s1+$0x19000]  }
0x35f: {  	v30 =	vld [tilespmem:s1+$0x19C80]  }
0x360: {  	v27 =	vld [tilespmem:s1+$0x19010]  }
0x361: {  	v29 =	vld [tilespmem:s1+$0x19C90]  }
0x362: {  	v22 =	vimm.f32 $0.0e+00;
	v23 =	vimm.f32 $0.0e+00;
	v24 =	vld [tilespmem:s1+$0x19020]  }
0x363: {  	v16 =	vimm.f32 $0.0e+00;
	v17 =	vimm.f32 $0.0e+00;
	v20 =	vimm.f32 $0.0e+00;
	v25 =	vld [tilespmem:s1+$0x19CA0]  }
0x364: {  	s2 =	simm.s32 $0x200;
	v21 =	vimm.f32 $0.0e+00;
	v18 =	vimm.f32 $0.0e+00;
	v19 =	vimm.f32 $0.0e+00;
	v26 =	vld [tilespmem:s1+$0x19030]  }
.LBB2_40:
0x365: {  	p0 =	sne.s32 s2, $0x3000;
	v20 =	vadd.f32 v28, v20;
	v21 =	vadd.f32 v30, v21;
	v28 =	vld [tilespmem:s1+$0x19CB0]  }
0x366: {  	v22 =	vadd.f32 v27, v22;
	v23 =	vadd.f32 v29, v23;
	v27 =	vld [tilespmem:s1+$0x19070]  }
0x367: {  	v20 =	vadd.f32 v12, v20;
	v21 =	vadd.f32 v14, v21;
	v29 =	vld [tilespmem:s1+$0x19CF0];
	s1 =	sshra.s32 s2, $0x2  }
0x368: {  	v22 =	vadd.f32 v13, v22;
	v12 =	vld [tilespmem:s1+$0x19040];
	v23 =	vadd.f32 v15, v23  }
0x369: {  	v16 =	vadd.f32 v24, v16;
	v17 =	vadd.f32 v25, v17;
	v14 =	vld [tilespmem:s1+$0x19CC0]  }
0x36a: {  	v18 =	vadd.f32 v26, v18;
	v13 =	vld [tilespmem:s1+$0x19050];
	v19 =	vadd.f32 v28, v19  }
0x36b: {  	v16 =	vadd.f32 v10, v16;
	v17 =	vadd.f32 v11, v17;
	v15 =	vld [tilespmem:s1+$0x19CD0]  }
0x36c: {  	v18 =	vadd.f32 v27, v18;
	v10 =	vld [tilespmem:s1+$0x19060];
	v19 =	vadd.f32 v29, v19  }
0x36d: {  	v11 =	vld [tilespmem:s1+$0x19CE0]  }
0x36e: {  	v28 =	vld [tilespmem:s1+$0x19000]  }
0x36f: {  	v30 =	vld [tilespmem:s1+$0x19C80]  }
.Ltmp19:
0x370: {  	v27 =	vld [tilespmem:s1+$0x19010];
	(pc) =	sbr.rel @p0 .LBB2_40-.Ltmp19, $4  }
0x371: {  	v29 =	vld [tilespmem:s1+$0x19C90]  }
0x372: {  	v24 =	vld [tilespmem:s1+$0x19020]  }
0x373: {  	v25 =	vld [tilespmem:s1+$0x19CA0]  }
0x374: {  	s2 =	sadd.s32 $0x200, s2;
	v26 =	vld [tilespmem:s1+$0x19030]  }
0x375: {  	v20 =	vadd.f32 v28, v20;
	v21 =	vadd.f32 v30, v21  }
0x376: {  	v28 =	vld [tilespmem:s1+$0x19CB0];
	v22 =	vadd.f32 v27, v22;
	v23 =	vadd.f32 v29, v23  }
0x377: {  	v12 =	vadd.f32 v12, v20;
	v14 =	vadd.f32 v14, v21  }
0x378: {  	v20 =	vld [tilespmem:s1+$0x19070];
	v13 =	vadd.f32 v13, v22;
	v16 =	vadd.f32 v24, v16  }
0x379: {  	v21 =	vld [tilespmem:s1+$0x19CF0];
	v15 =	vadd.f32 v15, v23;
	v17 =	vadd.f32 v25, v17  }
0x37a: {  	v18 =	vadd.f32 v26, v18;
	v10 =	vadd.f32 v10, v16  }
0x37b: {  	v12 =	vadd.f32 v13, v12;
	v19 =	vadd.f32 v28, v19  }
0x37c: {  	v11 =	vadd.f32 v11, v17;
	v13 =	vadd.f32 v15, v14  }
0x37d: {  	s12 =	sor.u32 $0x1C, s0;
	v10 =	vadd.f32 v10, v12;
	v14 =	vadd.f32 v20, v18  }
0x37e: {  	v12 =	vadd.f32 v21, v19;
	v11 =	vadd.f32 v11, v13;
	v13 =	vor.u32 s12, v5  }
0x37f: {  	v10 =	vadd.f32 v14, v10;
	v14 =	vor.u32 s12, v6  }
0x380: {  	v11 =	vadd.f32 v12, v11  }
0x381: {  	v10 =	vadd.f32 v10, v9  }
0x382: {  	v11 =	vadd.f32 v11, v9  }
0x383: {  	[tilespmem:v13+s26+$0x0] =	vst.idx.msk $0x3, v10  }
0x384: {  	s1 =	simm.s32 $0x0;
	[tilespmem:v14+s26+$0x0] =	vst.idx.msk $0x3, v11  }
0x385: {  	v12 =	vld [tilespmem:s1+$0x1A940]  }
0x386: {  	v14 =	vld [tilespmem:s1+$0x1B5C0]  }
0x387: {  	v13 =	vld [tilespmem:s1+$0x1A950]  }
0x388: {  	v15 =	vld [tilespmem:s1+$0x1B5D0]  }
0x389: {  	v10 =	vld [tilespmem:s1+$0x1A960]  }
0x38a: {  	v11 =	vld [tilespmem:s1+$0x1B5E0]  }
0x38b: {  	v28 =	vld [tilespmem:s1+$0x1A900]  }
0x38c: {  	v30 =	vld [tilespmem:s1+$0x1B580]  }
0x38d: {  	v27 =	vld [tilespmem:s1+$0x1A910]  }
0x38e: {  	v29 =	vld [tilespmem:s1+$0x1B590]  }
0x38f: {  	v22 =	vimm.f32 $0.0e+00;
	v23 =	vimm.f32 $0.0e+00;
	v24 =	vld [tilespmem:s1+$0x1A920]  }
0x390: {  	v16 =	vimm.f32 $0.0e+00;
	v17 =	vimm.f32 $0.0e+00;
	v20 =	vimm.f32 $0.0e+00;
	v25 =	vld [tilespmem:s1+$0x1B5A0]  }
0x391: {  	s2 =	simm.s32 $0x200;
	v21 =	vimm.f32 $0.0e+00;
	v18 =	vimm.f32 $0.0e+00;
	v19 =	vimm.f32 $0.0e+00;
	v26 =	vld [tilespmem:s1+$0x1A930]  }
.LBB2_42:
0x392: {  	p0 =	sne.s32 s2, $0x3000;
	v20 =	vadd.f32 v28, v20;
	v21 =	vadd.f32 v30, v21;
	v28 =	vld [tilespmem:s1+$0x1B5B0]  }
0x393: {  	v22 =	vadd.f32 v27, v22;
	v23 =	vadd.f32 v29, v23;
	v27 =	vld [tilespmem:s1+$0x1A970]  }
0x394: {  	v20 =	vadd.f32 v12, v20;
	v21 =	vadd.f32 v14, v21;
	v29 =	vld [tilespmem:s1+$0x1B5F0];
	s1 =	sshra.s32 s2, $0x2  }
0x395: {  	v22 =	vadd.f32 v13, v22;
	v12 =	vld [tilespmem:s1+$0x1A940];
	v23 =	vadd.f32 v15, v23  }
0x396: {  	v16 =	vadd.f32 v24, v16;
	v17 =	vadd.f32 v25, v17;
	v14 =	vld [tilespmem:s1+$0x1B5C0]  }
0x397: {  	v18 =	vadd.f32 v26, v18;
	v13 =	vld [tilespmem:s1+$0x1A950];
	v19 =	vadd.f32 v28, v19  }
0x398: {  	v16 =	vadd.f32 v10, v16;
	v17 =	vadd.f32 v11, v17;
	v15 =	vld [tilespmem:s1+$0x1B5D0]  }
0x399: {  	v18 =	vadd.f32 v27, v18;
	v10 =	vld [tilespmem:s1+$0x1A960];
	v19 =	vadd.f32 v29, v19  }
0x39a: {  	v11 =	vld [tilespmem:s1+$0x1B5E0]  }
0x39b: {  	v28 =	vld [tilespmem:s1+$0x1A900]  }
0x39c: {  	v30 =	vld [tilespmem:s1+$0x1B580]  }
.Ltmp20:
0x39d: {  	v27 =	vld [tilespmem:s1+$0x1A910];
	(pc) =	sbr.rel @p0 .LBB2_42-.Ltmp20, $4  }
0x39e: {  	v29 =	vld [tilespmem:s1+$0x1B590]  }
0x39f: {  	v24 =	vld [tilespmem:s1+$0x1A920]  }
0x3a0: {  	v25 =	vld [tilespmem:s1+$0x1B5A0]  }
0x3a1: {  	s2 =	sadd.s32 $0x200, s2;
	v26 =	vld [tilespmem:s1+$0x1A930]  }
0x3a2: {  	v20 =	vadd.f32 v28, v20;
	v21 =	vadd.f32 v30, v21  }
0x3a3: {  	v56 =	vld [tilespmem:s1+$0x1B5B0];
	v22 =	vadd.f32 v27, v22;
	v23 =	vadd.f32 v29, v23  }
0x3a4: {  	v12 =	vadd.f32 v12, v20;
	v14 =	vadd.f32 v14, v21  }
0x3a5: {  	v57 =	vld [tilespmem:s1+$0x1A970];
	v13 =	vadd.f32 v13, v22;
	v16 =	vadd.f32 v24, v16  }
0x3a6: {  	v58 =	vld [tilespmem:s1+$0x1B5F0];
	v15 =	vadd.f32 v15, v23;
	v17 =	vadd.f32 v25, v17  }
0x3a7: {  	v18 =	vadd.f32 v26, v18;
	v10 =	vadd.f32 v10, v16  }
0x3a8: {  	v12 =	vadd.f32 v13, v12;
	v19 =	vadd.f32 v56, v19  }
0x3a9: {  	v11 =	vadd.f32 v11, v17;
	v59 =	vadd.f32 v15, v14  }
0x3aa: {  	s0 =	sor.u32 $0x1E, s0;
	v60 =	vadd.f32 v57, v18;
	v10 =	vadd.f32 v10, v12  }
0x3ab: {  	s31 =	sadd.s32 $0x1, s31;
	v62 =	vor.u32 s0, v7;
	v61 =	vadd.f32 v58, v19;
	v11 =	vadd.f32 v11, v59  }
0x3ac: {  	v63 =	vor.u32 s0, v8;
	p0 =	sne.s32 s31, $0x10;
	v10 =	vadd.f32 v60, v10  }
.Ltmp21:
0x3ad: {  	v11 =	vadd.f32 v61, v11;
	(pc) =	sbr.rel @p0 .LBB2_4-.Ltmp21, $4  }
0x3ae: {  	v10 =	vadd.f32 v10, v9  }
0x3af: {  	v11 =	vadd.f32 v11, v9  }
0x3b0: {  	[tilespmem:v62+s26+$0x0] =	vst.idx.msk $0x3, v10  }
0x3b1: {  	[tilespmem:v63+s26+$0x0] =	vst.idx.msk $0x3, v11  }
0x3b2: {  	s0 =	rddreg [dreg:$0x6]  }
0x3b3: {  	s12 =	simm.s32 $0x4000;
	s1 =	simm.s32 $0x200;
	s7 =	simm.s32 $0x5  }
0x3b4: {  	[hbm4b:s0+s1] =	stream.strided.scatter [tilespmem:s26], [sflag:$0x5], $0x400, s12, s1, $0x38;
	[tilespmem:$0x1C610] =	vst v63  }
0x3b5: {  	_ =	swait.ge [sflag:s7], $0x400  }
0x3b6: {  	s2 =	rddreg [dreg:$0x8]  }
0x3b7: {  	s31 =	rddreg [dreg:$0x7];
	s1 =	sadd.s32 $0x1, s2  }
0x3b8: {  	p0 =	sne.s32 s1, s31  }
.Ltmp22:
0x3b9: {  	_ = 	snop;
	(pc) =	sbr.rel @p0 .LBB2_1-.Ltmp22, $3  }
0x3ba: {  	_ =	sdelay $0x1  }
0x3bb: {  	[sflag:s7] =	ssyncset.done $0x0  }
0x3bc: {  	[sflag:s7] =	ssyncadd.s32 $0xFFFFFC00  }
0x3bd: {  	_ =	sfence.sel $0x180000  }
0x3be: {  	[bflag:$0x0] =	sbarrier.arrive $0xFFFF  }
0x3bf: {  	_ =	strace $0x90000047  }
0x3c0: {  	s0 =	stileid.u32;
	[bflag:$0x2] =	sbarrier.arrive $0xFFFF  }
0x3c1: {  	p0 =	sne.s32 s0, $0x0;
	s0 =	rddreg [dreg:$0x2]  }
0x3c2: {  	s0 =	sadd.s32 @!p0 $0x100000, s0  }
0x3c3: {  	[sflag:s0] =	ssyncadd.tile.s32 @!p0 $0x1;
	_ =	shalt  }
.Lfunc_end2:
_tile_overlayer_lowered:
.L_overlay_start_2:
0x3c4: {  	(tag) =	ssettag $0x2  }
0x3c5: {  	s0 =	rddreg [dreg:$0x0];
	s2 =	stileid.u32  }
0x3c6: {  	s1 =	rddreg [dreg:$0x1];
	p0 =	sne.s32 s2, $0x0  }
0x3c7: {  	s3 =	rddreg [dreg:$0x2];
	[bflag:$0x3] =	sbarrier.arrive $0xFFFF;
	s2 =	simm.s32 @!p0 $0x1C05  }
0x3c8: {  	[timem:s3], [sflag:s2] =	dma.local @!p0 [hbm:s0], s1  }
0x3c9: {  	s0 =	simm.s32 @!p0 $0x5  }
0x3ca: {  	_ =	swait.ge @!p0 [sflag:s0], s1  }
0x3cb: {  	s1 =	ssub.s32 @!p0 $0x0, s1;
	[sflag:s0] =	ssyncset.done @!p0 $0x0  }
0x3cc: {  	[sflag:s0] =	ssyncadd.s32 @!p0 s1  }
0x3cd: {  	[bflag:$0x3] =	sbarrier.arrive $0xFFFF  }
0x3ce: {  	_ =	shalt  }

</sc_bundles>
